<compile_context>
chip_gen: v7x
topology: tpu7x:2x2x1
jax: 0.10.2.dev20260603
libtpu: 0.0.44.dev20260713+nightly
codegen_flags: <defaults>
</compile_context>

<pallas_src>
import functools

import jax
import jax.numpy as jnp
from jax import lax
from jax.experimental import pallas as pl
from jax.experimental.pallas import tpu as pltpu
from jax.experimental.pallas import tpu_sc as plsc

B, S, D = 4, 8192, 1024
HID = 512
NUM_OUT = 8

SC_ROWS = 1024
SUB_PER_B = 8
T_SUB = SC_ROWS // SUB_PER_B
RC = 16
NCH = T_SUB // RC
NV = D // 16

TC_ROWS = S - SC_ROWS
CS = 1792
NC = TC_ROWS // CS


def _red16(v, op):
    lane = lax.iota(jnp.int32, 16)
    for k in (8, 4, 2, 1):
        v = op(v, v.at[lane ^ k].get(mode="promise_in_bounds"))
    return v


def _sc_pool_body(x_hbm, wp_hbm, acc_hbm, stats_hbm,
                  xbuf0, xbuf1, wp_buf, acc_ref, st_ref, sem0, sem1):
    wid = lax.axis_index("s") * 2 + lax.axis_index("c")
    b = wid // SUB_PER_B
    row0 = (wid % SUB_PER_B) * T_SUB

    pltpu.sync_copy(wp_hbm, wp_buf)
    for j in range(NV):
        acc_ref[pl.ds(16 * j, 16)] = jnp.zeros((16,), jnp.float32)

    def copy_in(k, buf, sem):
        return pltpu.make_async_copy(
            x_hbm.at[b, pl.ds(row0 + k * RC, RC), :], buf, sem)

    def process(xbuf, carry):
        m_run, l_run = carry
        lane = lax.iota(jnp.int32, 16)

        def score_row(r, sco_c):
            s0 = jnp.zeros((16,), jnp.float32)
            s1 = jnp.zeros((16,), jnp.float32)
            s2 = jnp.zeros((16,), jnp.float32)
            s3 = jnp.zeros((16,), jnp.float32)
            for j in range(0, NV, 4):
                s0 = s0 + xbuf[r, pl.ds(16 * j, 16)] * wp_buf[pl.ds(16 * j, 16)]
                s1 = s1 + xbuf[r, pl.ds(16 * (j + 1), 16)] * wp_buf[pl.ds(16 * (j + 1), 16)]
                s2 = s2 + xbuf[r, pl.ds(16 * (j + 2), 16)] * wp_buf[pl.ds(16 * (j + 2), 16)]
                s3 = s3 + xbuf[r, pl.ds(16 * (j + 3), 16)] * wp_buf[pl.ds(16 * (j + 3), 16)]
            s = _red16((s0 + s1) + (s2 + s3), jnp.add)
            return jnp.where(lane == r, s, sco_c)

        sco = lax.fori_loop(0, RC, score_row, jnp.zeros((16,), jnp.float32))
        m_c = _red16(sco, jnp.maximum)
        m_new = jnp.maximum(m_run, m_c)
        alpha_v = jnp.exp(m_run - m_new)
        p_v = jnp.exp(sco - m_new)
        l_new = l_run * alpha_v + _red16(p_v, jnp.add)

        ps = [p_v[r] for r in range(RC)]

        def acc_col(jj, _):
            for u in range(4):
                j = jj * 4 + u
                t0 = ps[0] * xbuf[0, pl.ds(16 * j, 16)]
                t1 = ps[1] * xbuf[1, pl.ds(16 * j, 16)]
                t2 = ps[2] * xbuf[2, pl.ds(16 * j, 16)]
                t3 = ps[3] * xbuf[3, pl.ds(16 * j, 16)]
                for r in range(4, RC, 4):
                    t0 = t0 + ps[r] * xbuf[r, pl.ds(16 * j, 16)]
                    t1 = t1 + ps[r + 1] * xbuf[r + 1, pl.ds(16 * j, 16)]
                    t2 = t2 + ps[r + 2] * xbuf[r + 2, pl.ds(16 * j, 16)]
                    t3 = t3 + ps[r + 3] * xbuf[r + 3, pl.ds(16 * j, 16)]
                acc_ref[pl.ds(16 * j, 16)] = (acc_ref[pl.ds(16 * j, 16)] * alpha_v
                                              + ((t0 + t1) + (t2 + t3)))
            return 0

        lax.fori_loop(0, NV // 4, acc_col, 0)
        return (m_new, l_new)

    copy_in(0, xbuf0, sem0).start()

    def pair_body(kk, carry):
        k0 = 2 * kk
        copy_in(k0, xbuf0, sem0).wait()
        copy_in(k0 + 1, xbuf1, sem1).start()
        carry = process(xbuf0, carry)
        copy_in(k0 + 1, xbuf1, sem1).wait()

        @pl.when(k0 + 2 < NCH)
        def _prefetch():
            copy_in(k0 + 2, xbuf0, sem0).start()

        return process(xbuf1, carry)

    m_fin, l_fin = lax.fori_loop(
        0, NCH // 2, pair_body,
        (jnp.full((16,), -jnp.inf, jnp.float32), jnp.zeros((16,), jnp.float32)))

    lane = lax.iota(jnp.int32, 16)
    st_ref[...] = jnp.where(lane == 0, m_fin,
                            jnp.where(lane == 1, l_fin,
                                      jnp.zeros((16,), jnp.float32)))
    pltpu.sync_copy(acc_ref, acc_hbm.at[wid])
    pltpu.sync_copy(st_ref, stats_hbm.at[wid])


def _sc_pool(x, wp_flat):
    return pl.kernel(
        _sc_pool_body,
        out_type=(jax.ShapeDtypeStruct((B * SUB_PER_B, D), jnp.float32),
                  jax.ShapeDtypeStruct((B * SUB_PER_B, 16), jnp.float32)),
        mesh=plsc.VectorSubcoreMesh(core_axis_name="c", subcore_axis_name="s"),
        scratch_types=[
            pltpu.VMEM((RC, D), jnp.float32),
            pltpu.VMEM((RC, D), jnp.float32),
            pltpu.VMEM((D,), jnp.float32),
            pltpu.VMEM((D,), jnp.float32),
            pltpu.VMEM((16,), jnp.float32),
            pltpu.SemaphoreType.DMA,
            pltpu.SemaphoreType.DMA,
        ],
    )(x, wp_flat)


def _tc_pool_kernel(x_ref, w_pool_ref, acc_out, m_out, l_out, m_ref, l_ref):
    b = pl.program_id(0)
    c = pl.program_id(1)

    @pl.when(c == 0)
    def _init():
        m_ref[0] = -jnp.inf
        l_ref[0] = 0.0

    x_blk = x_ref[0]
    wp_row = w_pool_ref[...].reshape(1, D)
    s = jnp.sum(x_blk * wp_row, axis=1, keepdims=True)
    m_c = jnp.max(s)
    m_prev = m_ref[0]
    m_new = jnp.maximum(m_prev, m_c)
    m_ref[0] = m_new
    alpha = jnp.exp(m_prev - m_new)
    p = jnp.exp(s - m_new)
    l_ref[0] = l_ref[0] * alpha + jnp.sum(p)
    acc_c = jnp.dot(p.T, x_blk, preferred_element_type=jnp.float32)

    @pl.when(c == 0)
    def _first():
        acc_out[pl.ds(b, 1), :] = acc_c

    @pl.when(c > 0)
    def _rest():
        acc_out[pl.ds(b, 1), :] = acc_out[pl.ds(b, 1), :] * alpha + acc_c

    @pl.when(c == NC - 1)
    def _fin():
        m_out[pl.ds(b, 1), :] = jnp.full((1, 128), m_ref[0], jnp.float32)
        l_out[pl.ds(b, 1), :] = jnp.full((1, 128), l_ref[0], jnp.float32)


def _tc_pool(x, w_pool):
    return pl.pallas_call(
        _tc_pool_kernel,
        grid=(B, NC),
        in_specs=[
            pl.BlockSpec((1, CS, D), lambda b, c: (b, c + SC_ROWS // CS, 0)),
            pl.BlockSpec((D, 1), lambda b, c: (0, 0)),
        ],
        out_specs=[
            pl.BlockSpec((B, D), lambda b, c: (0, 0)),
            pl.BlockSpec((B, 128), lambda b, c: (0, 0)),
            pl.BlockSpec((B, 128), lambda b, c: (0, 0)),
        ],
        out_shape=[
            jax.ShapeDtypeStruct((B, D), jnp.float32),
            jax.ShapeDtypeStruct((B, 128), jnp.float32),
            jax.ShapeDtypeStruct((B, 128), jnp.float32),
        ],
        scratch_shapes=[
            pltpu.SMEM((1,), jnp.float32),
            pltpu.SMEM((1,), jnp.float32),
        ],
    )(x, w_pool)


def _combine_kernel(acc_tc_ref, mtc_ref, ltc_ref, acc_sc_ref, st_sc_ref,
                    w1_ref, b1_ref, w2_ref, b2_ref, out_ref):
    msc = st_sc_ref[...][:, :, 0]
    lsc = st_sc_ref[...][:, :, 1]
    mtc = mtc_ref[...][:, 0:1]
    ltc = ltc_ref[...][:, 0:1]
    m_all = jnp.maximum(jnp.max(msc, axis=1, keepdims=True), mtc)
    sc_scale = jnp.exp(msc - m_all)
    tc_scale = jnp.exp(mtc - m_all)
    l_tot = ltc * tc_scale + jnp.sum(lsc * sc_scale, axis=1, keepdims=True)
    acc_tot = (acc_tc_ref[...] * tc_scale
               + jnp.sum(acc_sc_ref[...] * sc_scale[:, :, None], axis=1))
    pooled = acc_tot / l_tot

    h = jnp.dot(pooled, w1_ref[...], preferred_element_type=jnp.float32)
    h = jnp.maximum(h + b1_ref[...], 0.0)
    logits = jnp.dot(h, w2_ref[...], preferred_element_type=jnp.float32)
    logits = logits + b2_ref[...]

    col = jax.lax.broadcasted_iota(jnp.int32, (B, NUM_OUT), 1)
    m1 = jnp.max(logits, axis=1, keepdims=True)
    i1 = jnp.min(jnp.where(logits == m1, col, NUM_OUT), axis=1, keepdims=True)
    l2 = jnp.where(col == i1, -jnp.inf, logits)
    m2 = jnp.max(l2, axis=1, keepdims=True)
    i2 = jnp.min(jnp.where(l2 == m2, col, NUM_OUT), axis=1, keepdims=True)
    keep = (col == i1) | (col == i2)
    e = jnp.where(keep, jnp.exp(logits - m1), 0.0)
    out_ref[...] = e / jnp.sum(e, axis=1, keepdims=True)


def _combine(acc_tc, m_tc, l_tc, acc_sc, st_sc, w1, b1, w2, b2):
    return pl.pallas_call(
        _combine_kernel,
        out_shape=jax.ShapeDtypeStruct((B, NUM_OUT), jnp.float32),
    )(acc_tc, m_tc, l_tc, acc_sc, st_sc, w1, b1, w2, b2)


@jax.jit
def kernel(x, w_pool, b_pool, w1, b1, w2, b2):
    del b_pool
    wp_flat = w_pool.reshape(D)
    acc_sc, st_sc = _sc_pool(x, wp_flat)
    acc_tc, m_tc, l_tc = _tc_pool(x, w_pool)
    return _combine(acc_tc, m_tc, l_tc,
                    acc_sc.reshape(B, SUB_PER_B, D),
                    st_sc.reshape(B, SUB_PER_B, 16),
                    w1, b1.reshape(1, HID), w2, b2.reshape(1, NUM_OUT))

# --- scband reference (transcript-rebuilt; emitter-appended) ---
"""Pipeline reference for scband-router-52570399703680 (READ-ONLY COPY).

The authoritative reference and input builder live on the scoring server;
editing this copy changes nothing except your own understanding.
"""

import jax, jax.numpy as jnp
import numpy as np

B, S, D = 4, 8192, 1024
HID = 512
NUM_OUT = 8
TOP_K = 2
TEMP = 1.0


def setup_inputs(seed: int = 0) -> dict:
    key = jax.random.key(seed)
    ks = jax.random.split(key, 5)
    x = jax.random.normal(ks[0], (B, S, D), dtype=jnp.float32)
    w_pool = jax.random.normal(ks[1], (D, 1), dtype=jnp.float32) * 0.02
    b_pool = jnp.zeros((1,), dtype=jnp.float32)
    w1 = jax.random.normal(ks[2], (D, HID), dtype=jnp.float32) * 0.02
    b1 = jnp.zeros((HID,), dtype=jnp.float32)
    w2 = jax.random.normal(ks[3], (HID, NUM_OUT), dtype=jnp.float32) * 0.02
    b2 = jnp.zeros((NUM_OUT,), dtype=jnp.float32)  # matches init_weights zeros_ on mlp[2].bias
    return {"x": x, "w_pool": w_pool, "b_pool": b_pool, "w1": w1, "b1": b1, "w2": w2, "b2": b2}


def reference(x, w_pool, b_pool, w1, b1, w2, b2):
    # attention pooling: pool(x).squeeze(-1)
    attn_scores = (x @ w_pool + b_pool)[..., 0]          # [B, S]
    attn_weights = jax.nn.softmax(attn_scores, axis=-1)  # softmax over sequence
    pooled = jnp.sum(attn_weights[..., None] * x, axis=-2)  # [B, D]
    # mlp: Linear -> ReLU -> Linear
    h = jax.nn.relu(pooled @ w1 + b1)
    logits = h @ w2 + b2                                  # [B, NUM_OUT]
    logits = logits / max(TEMP, 1e-6)
    # top-k sparsification: keep top-k logits, rest -> -inf
    k = min(TOP_K, logits.shape[-1])
    topk_vals, topk_idx = jax.lax.top_k(logits, k)
    mask = jnp.full_like(logits, -jnp.inf)
    rows = jnp.arange(logits.shape[0])[:, None]
    logits = mask.at[rows, topk_idx].set(topk_vals)
    return jax.nn.softmax(logits, axis=-1)

if __name__ == "__main__":
    import jax
    _d = setup_inputs()
    print(jax.jit(kernel)(*tuple(_d.values())))

</pallas_src>

<mosaic_0001>
#map = affine_map<(d0, d1) -> (0, 0, 0)>
#map1 = affine_map<(d0, d1) -> (0)>
#map2 = affine_map<(d0, d1) -> (0, 0)>
module attributes {stable_mosaic.version = 14 : i64} {
  func.func @_sc_pool_body(%arg0: i32, %arg1: i32, %arg2: memref<4x8192x1024xf32, #tpu.memory_space<hbm>>, %arg3: memref<1024xf32, #tpu.memory_space<hbm>>, %arg4: memref<32x1024xf32, #tpu.memory_space<hbm>>, %arg5: memref<32x16xf32, #tpu.memory_space<hbm>>, %arg6: memref<16x1024xf32, #tpu.memory_space<vmem>>, %arg7: memref<16x1024xf32, #tpu.memory_space<vmem>>, %arg8: memref<1024xf32, #tpu.memory_space<vmem>>, %arg9: memref<1024xf32, #tpu.memory_space<vmem>>, %arg10: memref<16xf32, #tpu.memory_space<vmem>>, %arg11: memref<!tpu.dma_semaphore, #tpu.memory_space<semaphore_mem>>, %arg12: memref<!tpu.dma_semaphore, #tpu.memory_space<semaphore_mem>>) attributes {dimension_semantics = [#tpu.dimension_semantics<core_parallel>, #tpu.dimension_semantics<subcore_parallel>], iteration_bounds = array<i64: 2, 16>, scalar_prefetch = 0 : i64, scratch_operands = 7 : i64, tpu.core_type = #tpu.core_type<sc_vector_subcore>, window_params = [{transform_indices = #map}, {transform_indices = #map1}, {transform_indices = #map2}, {transform_indices = #map2}]} {
    %mul3A = arith.constant 2 : i32
    %mul3A_0 = arith.muli %arg1, %mul3A : i32
    %add3A = arith.addi %mul3A_0, %arg0 : i32
    %jit3A = arith.constant 8 : i32
    %div3A = arith.divsi %add3A, %jit3A : i32
    %sign3A = arith.constant 0 : i32
    %sign3A_1 = arith.cmpi sgt, %add3A, %sign3A : i32
    %sign3A_2 = arith.extui %sign3A_1 : i1 to i32
    %sign3A_3 = arith.constant 0 : i32
    %sign3A_4 = arith.cmpi slt, %add3A, %sign3A_3 : i32
    %sign3A_5 = arith.extui %sign3A_4 : i1 to i32
    %sign3A_6 = arith.subi %sign3A_2, %sign3A_5 : i32
    %sign3A_7 = arith.constant 0 : i32
    %sign3A_8 = arith.cmpi sgt, %jit3A, %sign3A_7 : i32
    %sign3A_9 = arith.extui %sign3A_8 : i1 to i32
    %sign3A_10 = arith.constant 0 : i32
    %sign3A_11 = arith.cmpi slt, %jit3A, %sign3A_10 : i32
    %sign3A_12 = arith.extui %sign3A_11 : i1 to i32
    %sign3A_13 = arith.subi %sign3A_9, %sign3A_12 : i32
    %ne3A = arith.cmpi ne, %sign3A_6, %sign3A_13 : i32
    %rem3A = arith.remsi %add3A, %jit3A : i32
    %ne3A_14 = arith.constant 0 : i32
    %ne3A_15 = arith.cmpi ne, %rem3A, %ne3A_14 : i32
    %and3A = arith.andi %ne3A, %ne3A_15 : i1
    %sub3A = arith.constant 1 : i32
    %sub3A_16 = arith.subi %div3A, %sub3A : i32
    %select_n3A = arith.select %and3A, %sub3A_16, %div3A : i32
    %jit3A_17 = arith.constant 8 : i32
    %eq3A = arith.constant 0 : i32
    %eq3A_18 = arith.cmpi eq, %jit3A_17, %eq3A : i32
    %jit3A_19 = arith.constant 1 : i32
    %select_n3A_20 = arith.select %eq3A_18, %jit3A_19, %jit3A_17 : i32
    %rem3A_21 = arith.remsi %add3A, %select_n3A_20 : i32
    %ne3A_22 = arith.constant 0 : i32
    %ne3A_23 = arith.cmpi ne, %rem3A_21, %ne3A_22 : i32
    %lt3A = arith.constant 0 : i32
    %lt3A_24 = arith.cmpi slt, %rem3A_21, %lt3A : i32
    %lt3A_25 = arith.constant 0 : i32
    %lt3A_26 = arith.cmpi slt, %select_n3A_20, %lt3A_25 : i32
    %ne3A_27 = arith.xori %lt3A_24, %lt3A_26 : i1
    %and3A_28 = arith.andi %ne3A_27, %ne3A_23 : i1
    %add3A_29 = arith.addi %rem3A_21, %select_n3A_20 : i32
    %select_n3A_30 = arith.select %and3A_28, %add3A_29, %rem3A_21 : i32
    %mul3A_31 = arith.constant 128 : i32
    %mul3A_32 = arith.muli %select_n3A_30, %mul3A_31 : i32
    "tpu.region"() ({
      %run_scoped3A = tpu.sem_alloc : memref<!tpu.dma_semaphore, #tpu.memory_space<semaphore_mem>>
      tpu.enqueue_dma source(%arg3 : memref<1024xf32, #tpu.memory_space<hbm>>) target(%arg8 : memref<1024xf32, #tpu.memory_space<vmem>>) target_semaphore(%run_scoped3A : memref<!tpu.dma_semaphore, #tpu.memory_space<semaphore_mem>>)
      tpu.wait_dma2 semaphore(%run_scoped3A : memref<!tpu.dma_semaphore, #tpu.memory_space<semaphore_mem>>) src(%arg3 : memref<1024xf32, #tpu.memory_space<hbm>>) dst(%arg8 : memref<1024xf32, #tpu.memory_space<vmem>>)
      tpu.yield
    }) : () -> ()
    %broadcast_in_dim3A = arith.constant 0.000000e+00 : f32
    %broadcast_in_dim3A_33 = vector.broadcast %broadcast_in_dim3A : f32 to vector<16xf32>
    %swap3A = arith.constant 0 : index
    %swap3A_34 = tpu.vector_load %arg9[%swap3A] {strides = array<i32>} : memref<1024xf32, #tpu.memory_space<vmem>>, vector<16xf32>,
    %swap3A_35 = vector.shape_cast %swap3A_34 : vector<16xf32> to vector<16xf32>
    %swap3A_36 = vector.shape_cast %broadcast_in_dim3A_33 : vector<16xf32> to vector<16xf32>
    tpu.vector_store %arg9[%swap3A], %swap3A_36 {strides = array<i32>} : memref<1024xf32, #tpu.memory_space<vmem>>, vector<16xf32>,
    %broadcast_in_dim3A_37 = arith.constant 0.000000e+00 : f32
    %broadcast_in_dim3A_38 = vector.broadcast %broadcast_in_dim3A_37 : f32 to vector<16xf32>
    %swap3A_39 = arith.constant 16 : index
    %swap3A_40 = tpu.vector_load %arg9[%swap3A_39] {strides = array<i32>} : memref<1024xf32, #tpu.memory_space<vmem>>, vector<16xf32>,
    %swap3A_41 = vector.shape_cast %swap3A_40 : vector<16xf32> to vector<16xf32>
    %swap3A_42 = vector.shape_cast %broadcast_in_dim3A_38 : vector<16xf32> to vector<16xf32>
    tpu.vector_store %arg9[%swap3A_39], %swap3A_42 {strides = array<i32>} : memref<1024xf32, #tpu.memory_space<vmem>>, vector<16xf32>,
    %broadcast_in_dim3A_43 = arith.constant 0.000000e+00 : f32
    %broadcast_in_dim3A_44 = vector.broadcast %broadcast_in_dim3A_43 : f32 to vector<16xf32>
    %swap3A_45 = arith.constant 32 : index
    %swap3A_46 = tpu.vector_load %arg9[%swap3A_45] {strides = array<i32>} : memref<1024xf32, #tpu.memory_space<vmem>>, vector<16xf32>,
    %swap3A_47 = vector.shape_cast %swap3A_46 : vector<16xf32> to vector<16xf32>
    %swap3A_48 = vector.shape_cast %broadcast_in_dim3A_44 : vector<16xf32> to vector<16xf32>
    tpu.vector_store %arg9[%swap3A_45], %swap3A_48 {strides = array<i32>} : memref<1024xf32, #tpu.memory_space<vmem>>, vector<16xf32>,
    %broadcast_in_dim3A_49 = arith.constant 0.000000e+00 : f32
    %broadcast_in_dim3A_50 = vector.broadcast %broadcast_in_dim3A_49 : f32 to vector<16xf32>
    %swap3A_51 = arith.constant 48 : index
    %swap3A_52 = tpu.vector_load %arg9[%swap3A_51] {strides = array<i32>} : memref<1024xf32, #tpu.memory_space<vmem>>, vector<16xf32>,
    %swap3A_53 = vector.shape_cast %swap3A_52 : vector<16xf32> to vector<16xf32>
    %swap3A_54 = vector.shape_cast %broadcast_in_dim3A_50 : vector<16xf32> to vector<16xf32>
    tpu.vector_store %arg9[%swap3A_51], %swap3A_54 {strides = array<i32>} : memref<1024xf32, #tpu.memory_space<vmem>>, vector<16xf32>,
    %broadcast_in_dim3A_55 = arith.constant 0.000000e+00 : f32
    %broadcast_in_dim3A_56 = vector.broadcast %broadcast_in_dim3A_55 : f32 to vector<16xf32>
    %swap3A_57 = arith.constant 64 : index
    %swap3A_58 = tpu.vector_load %arg9[%swap3A_57] {strides = array<i32>} : memref<1024xf32, #tpu.memory_space<vmem>>, vector<16xf32>,
    %swap3A_59 = vector.shape_cast %swap3A_58 : vector<16xf32> to vector<16xf32>
    %swap3A_60 = vector.shape_cast %broadcast_in_dim3A_56 : vector<16xf32> to vector<16xf32>
    tpu.vector_store %arg9[%swap3A_57], %swap3A_60 {strides = array<i32>} : memref<1024xf32, #tpu.memory_space<vmem>>, vector<16xf32>,
    %broadcast_in_dim3A_61 = arith.constant 0.000000e+00 : f32
    %broadcast_in_dim3A_62 = vector.broadcast %broadcast_in_dim3A_61 : f32 to vector<16xf32>
    %swap3A_63 = arith.constant 80 : index
    %swap3A_64 = tpu.vector_load %arg9[%swap3A_63] {strides = array<i32>} : memref<1024xf32, #tpu.memory_space<vmem>>, vector<16xf32>,
    %swap3A_65 = vector.shape_cast %swap3A_64 : vector<16xf32> to vector<16xf32>
    %swap3A_66 = vector.shape_cast %broadcast_in_dim3A_62 : vector<16xf32> to vector<16xf32>
    tpu.vector_store %arg9[%swap3A_63], %swap3A_66 {strides = array<i32>} : memref<1024xf32, #tpu.memory_space<vmem>>, vector<16xf32>,
    %broadcast_in_dim3A_67 = arith.constant 0.000000e+00 : f32
    %broadcast_in_dim3A_68 = vector.broadcast %broadcast_in_dim3A_67 : f32 to vector<16xf32>
    %swap3A_69 = arith.constant 96 : index
    %swap3A_70 = tpu.vector_load %arg9[%swap3A_69] {strides = array<i32>} : memref<1024xf32, #tpu.memory_space<vmem>>, vector<16xf32>,
    %swap3A_71 = vector.shape_cast %swap3A_70 : vector<16xf32> to vector<16xf32>
    %swap3A_72 = vector.shape_cast %broadcast_in_dim3A_68 : vector<16xf32> to vector<16xf32>
    tpu.vector_store %arg9[%swap3A_69], %swap3A_72 {strides = array<i32>} : memref<1024xf32, #tpu.memory_space<vmem>>, vector<16xf32>,
    %broadcast_in_dim3A_73 = arith.constant 0.000000e+00 : f32
    %broadcast_in_dim3A_74 = vector.broadcast %broadcast_in_dim3A_73 : f32 to vector<16xf32>
    %swap3A_75 = arith.constant 112 : index
    %swap3A_76 = tpu.vector_load %arg9[%swap3A_75] {strides = array<i32>} : memref<1024xf32, #tpu.memory_space<vmem>>, vector<16xf32>,
    %swap3A_77 = vector.shape_cast %swap3A_76 : vector<16xf32> to vector<16xf32>
    %swap3A_78 = vector.shape_cast %broadcast_in_dim3A_74 : vector<16xf32> to vector<16xf32>
    tpu.vector_store %arg9[%swap3A_75], %swap3A_78 {strides = array<i32>} : memref<1024xf32, #tpu.memory_space<vmem>>, vector<16xf32>,
    %broadcast_in_dim3A_79 = arith.constant 0.000000e+00 : f32
    %broadcast_in_dim3A_80 = vector.broadcast %broadcast_in_dim3A_79 : f32 to vector<16xf32>
    %swap3A_81 = arith.constant 128 : index
    %swap3A_82 = tpu.vector_load %arg9[%swap3A_81] {strides = array<i32>} : memref<1024xf32, #tpu.memory_space<vmem>>, vector<16xf32>,
    %swap3A_83 = vector.shape_cast %swap3A_82 : vector<16xf32> to vector<16xf32>
    %swap3A_84 = vector.shape_cast %broadcast_in_dim3A_80 : vector<16xf32> to vector<16xf32>
    tpu.vector_store %arg9[%swap3A_81], %swap3A_84 {strides = array<i32>} : memref<1024xf32, #tpu.memory_space<vmem>>, vector<16xf32>,
    %broadcast_in_dim3A_85 = arith.constant 0.000000e+00 : f32
    %broadcast_in_dim3A_86 = vector.broadcast %broadcast_in_dim3A_85 : f32 to vector<16xf32>
    %swap3A_87 = arith.constant 144 : index
    %swap3A_88 = tpu.vector_load %arg9[%swap3A_87] {strides = array<i32>} : memref<1024xf32, #tpu.memory_space<vmem>>, vector<16xf32>,
    %swap3A_89 = vector.shape_cast %swap3A_88 : vector<16xf32> to vector<16xf32>
    %swap3A_90 = vector.shape_cast %broadcast_in_dim3A_86 : vector<16xf32> to vector<16xf32>
    tpu.vector_store %arg9[%swap3A_87], %swap3A_90 {strides = array<i32>} : memref<1024xf32, #tpu.memory_space<vmem>>, vector<16xf32>,
    %broadcast_in_dim3A_91 = arith.constant 0.000000e+00 : f32
    %broadcast_in_dim3A_92 = vector.broadcast %broadcast_in_dim3A_91 : f32 to vector<16xf32>
    %swap3A_93 = arith.constant 160 : index
    %swap3A_94 = tpu.vector_load %arg9[%swap3A_93] {strides = array<i32>} : memref<1024xf32, #tpu.memory_space<vmem>>, vector<16xf32>,
    %swap3A_95 = vector.shape_cast %swap3A_94 : vector<16xf32> to vector<16xf32>
    %swap3A_96 = vector.shape_cast %broadcast_in_dim3A_92 : vector<16xf32> to vector<16xf32>
    tpu.vector_store %arg9[%swap3A_93], %swap3A_96 {strides = array<i32>} : memref<1024xf32, #tpu.memory_space<vmem>>, vector<16xf32>,
    %broadcast_in_dim3A_97 = arith.constant 0.000000e+00 : f32
    %broadcast_in_dim3A_98 = vector.broadcast %broadcast_in_dim3A_97 : f32 to vector<16xf32>
    %swap3A_99 = arith.constant 176 : index
    %swap3A_100 = tpu.vector_load %arg9[%swap3A_99] {strides = array<i32>} : memref<1024xf32, #tpu.memory_space<vmem>>, vector<16xf32>,
    %swap3A_101 = vector.shape_cast %swap3A_100 : vector<16xf32> to vector<16xf32>
    %swap3A_102 = vector.shape_cast %broadcast_in_dim3A_98 : vector<16xf32> to vector<16xf32>
    tpu.vector_store %arg9[%swap3A_99], %swap3A_102 {strides = array<i32>} : memref<1024xf32, #tpu.memory_space<vmem>>, vector<16xf32>,
    %broadcast_in_dim3A_103 = arith.constant 0.000000e+00 : f32
    %broadcast_in_dim3A_104 = vector.broadcast %broadcast_in_dim3A_103 : f32 to vector<16xf32>
    %swap3A_105 = arith.constant 192 : index
    %swap3A_106 = tpu.vector_load %arg9[%swap3A_105] {strides = array<i32>} : memref<1024xf32, #tpu.memory_space<vmem>>, vector<16xf32>,
    %swap3A_107 = vector.shape_cast %swap3A_106 : vector<16xf32> to vector<16xf32>
    %swap3A_108 = vector.shape_cast %broadcast_in_dim3A_104 : vector<16xf32> to vector<16xf32>
    tpu.vector_store %arg9[%swap3A_105], %swap3A_108 {strides = array<i32>} : memref<1024xf32, #tpu.memory_space<vmem>>, vector<16xf32>,
    %broadcast_in_dim3A_109 = arith.constant 0.000000e+00 : f32
    %broadcast_in_dim3A_110 = vector.broadcast %broadcast_in_dim3A_109 : f32 to vector<16xf32>
    %swap3A_111 = arith.constant 208 : index
    %swap3A_112 = tpu.vector_load %arg9[%swap3A_111] {strides = array<i32>} : memref<1024xf32, #tpu.memory_space<vmem>>, vector<16xf32>,
    %swap3A_113 = vector.shape_cast %swap3A_112 : vector<16xf32> to vector<16xf32>
    %swap3A_114 = vector.shape_cast %broadcast_in_dim3A_110 : vector<16xf32> to vector<16xf32>
    tpu.vector_store %arg9[%swap3A_111], %swap3A_114 {strides = array<i32>} : memref<1024xf32, #tpu.memory_space<vmem>>, vector<16xf32>,
    %broadcast_in_dim3A_115 = arith.constant 0.000000e+00 : f32
    %broadcast_in_dim3A_116 = vector.broadcast %broadcast_in_dim3A_115 : f32 to vector<16xf32>
    %swap3A_117 = arith.constant 224 : index
    %swap3A_118 = tpu.vector_load %arg9[%swap3A_117] {strides = array<i32>} : memref<1024xf32, #tpu.memory_space<vmem>>, vector<16xf32>,
    %swap3A_119 = vector.shape_cast %swap3A_118 : vector<16xf32> to vector<16xf32>
    %swap3A_120 = vector.shape_cast %broadcast_in_dim3A_116 : vector<16xf32> to vector<16xf32>
    tpu.vector_store %arg9[%swap3A_117], %swap3A_120 {strides = array<i32>} : memref<1024xf32, #tpu.memory_space<vmem>>, vector<16xf32>,
    %broadcast_in_dim3A_121 = arith.constant 0.000000e+00 : f32
    %broadcast_in_dim3A_122 = vector.broadcast %broadcast_in_dim3A_121 : f32 to vector<16xf32>
    %swap3A_123 = arith.constant 240 : index
    %swap3A_124 = tpu.vector_load %arg9[%swap3A_123] {strides = array<i32>} : memref<1024xf32, #tpu.memory_space<vmem>>, vector<16xf32>,
    %swap3A_125 = vector.shape_cast %swap3A_124 : vector<16xf32> to vector<16xf32>
    %swap3A_126 = vector.shape_cast %broadcast_in_dim3A_122 : vector<16xf32> to vector<16xf32>
    tpu.vector_store %arg9[%swap3A_123], %swap3A_126 {strides = array<i32>} : memref<1024xf32, #tpu.memory_space<vmem>>, vector<16xf32>,
    %broadcast_in_dim3A_127 = arith.constant 0.000000e+00 : f32
    %broadcast_in_dim3A_128 = vector.broadcast %broadcast_in_dim3A_127 : f32 to vector<16xf32>
    %swap3A_129 = arith.constant 256 : index
    %swap3A_130 = tpu.vector_load %arg9[%swap3A_129] {strides = array<i32>} : memref<1024xf32, #tpu.memory_space<vmem>>, vector<16xf32>,
    %swap3A_131 = vector.shape_cast %swap3A_130 : vector<16xf32> to vector<16xf32>
    %swap3A_132 = vector.shape_cast %broadcast_in_dim3A_128 : vector<16xf32> to vector<16xf32>
    tpu.vector_store %arg9[%swap3A_129], %swap3A_132 {strides = array<i32>} : memref<1024xf32, #tpu.memory_space<vmem>>, vector<16xf32>,
    %broadcast_in_dim3A_133 = arith.constant 0.000000e+00 : f32
    %broadcast_in_dim3A_134 = vector.broadcast %broadcast_in_dim3A_133 : f32 to vector<16xf32>
    %swap3A_135 = arith.constant 272 : index
    %swap3A_136 = tpu.vector_load %arg9[%swap3A_135] {strides = array<i32>} : memref<1024xf32, #tpu.memory_space<vmem>>, vector<16xf32>,
    %swap3A_137 = vector.shape_cast %swap3A_136 : vector<16xf32> to vector<16xf32>
    %swap3A_138 = vector.shape_cast %broadcast_in_dim3A_134 : vector<16xf32> to vector<16xf32>
    tpu.vector_store %arg9[%swap3A_135], %swap3A_138 {strides = array<i32>} : memref<1024xf32, #tpu.memory_space<vmem>>, vector<16xf32>,
    %broadcast_in_dim3A_139 = arith.constant 0.000000e+00 : f32
    %broadcast_in_dim3A_140 = vector.broadcast %broadcast_in_dim3A_139 : f32 to vector<16xf32>
    %swap3A_141 = arith.constant 288 : index
    %swap3A_142 = tpu.vector_load %arg9[%swap3A_141] {strides = array<i32>} : memref<1024xf32, #tpu.memory_space<vmem>>, vector<16xf32>,
    %swap3A_143 = vector.shape_cast %swap3A_142 : vector<16xf32> to vector<16xf32>
    %swap3A_144 = vector.shape_cast %broadcast_in_dim3A_140 : vector<16xf32> to vector<16xf32>
    tpu.vector_store %arg9[%swap3A_141], %swap3A_144 {strides = array<i32>} : memref<1024xf32, #tpu.memory_space<vmem>>, vector<16xf32>,
    %broadcast_in_dim3A_145 = arith.constant 0.000000e+00 : f32
    %broadcast_in_dim3A_146 = vector.broadcast %broadcast_in_dim3A_145 : f32 to vector<16xf32>
    %swap3A_147 = arith.constant 304 : index
    %swap3A_148 = tpu.vector_load %arg9[%swap3A_147] {strides = array<i32>} : memref<1024xf32, #tpu.memory_space<vmem>>, vector<16xf32>,
    %swap3A_149 = vector.shape_cast %swap3A_148 : vector<16xf32> to vector<16xf32>
    %swap3A_150 = vector.shape_cast %broadcast_in_dim3A_146 : vector<16xf32> to vector<16xf32>
    tpu.vector_store %arg9[%swap3A_147], %swap3A_150 {strides = array<i32>} : memref<1024xf32, #tpu.memory_space<vmem>>, vector<16xf32>,
    %broadcast_in_dim3A_151 = arith.constant 0.000000e+00 : f32
    %broadcast_in_dim3A_152 = vector.broadcast %broadcast_in_dim3A_151 : f32 to vector<16xf32>
    %swap3A_153 = arith.constant 320 : index
    %swap3A_154 = tpu.vector_load %arg9[%swap3A_153] {strides = array<i32>} : memref<1024xf32, #tpu.memory_space<vmem>>, vector<16xf32>,
    %swap3A_155 = vector.shape_cast %swap3A_154 : vector<16xf32> to vector<16xf32>
    %swap3A_156 = vector.shape_cast %broadcast_in_dim3A_152 : vector<16xf32> to vector<16xf32>
    tpu.vector_store %arg9[%swap3A_153], %swap3A_156 {strides = array<i32>} : memref<1024xf32, #tpu.memory_space<vmem>>, vector<16xf32>,
    %broadcast_in_dim3A_157 = arith.constant 0.000000e+00 : f32
    %broadcast_in_dim3A_158 = vector.broadcast %broadcast_in_dim3A_157 : f32 to vector<16xf32>
    %swap3A_159 = arith.constant 336 : index
    %swap3A_160 = tpu.vector_load %arg9[%swap3A_159] {strides = array<i32>} : memref<1024xf32, #tpu.memory_space<vmem>>, vector<16xf32>,
    %swap3A_161 = vector.shape_cast %swap3A_160 : vector<16xf32> to vector<16xf32>
    %swap3A_162 = vector.shape_cast %broadcast_in_dim3A_158 : vector<16xf32> to vector<16xf32>
    tpu.vector_store %arg9[%swap3A_159], %swap3A_162 {strides = array<i32>} : memref<1024xf32, #tpu.memory_space<vmem>>, vector<16xf32>,
    %broadcast_in_dim3A_163 = arith.constant 0.000000e+00 : f32
    %broadcast_in_dim3A_164 = vector.broadcast %broadcast_in_dim3A_163 : f32 to vector<16xf32>
    %swap3A_165 = arith.constant 352 : index
    %swap3A_166 = tpu.vector_load %arg9[%swap3A_165] {strides = array<i32>} : memref<1024xf32, #tpu.memory_space<vmem>>, vector<16xf32>,
    %swap3A_167 = vector.shape_cast %swap3A_166 : vector<16xf32> to vector<16xf32>
    %swap3A_168 = vector.shape_cast %broadcast_in_dim3A_164 : vector<16xf32> to vector<16xf32>
    tpu.vector_store %arg9[%swap3A_165], %swap3A_168 {strides = array<i32>} : memref<1024xf32, #tpu.memory_space<vmem>>, vector<16xf32>,
    %broadcast_in_dim3A_169 = arith.constant 0.000000e+00 : f32
    %broadcast_in_dim3A_170 = vector.broadcast %broadcast_in_dim3A_169 : f32 to vector<16xf32>
    %swap3A_171 = arith.constant 368 : index
    %swap3A_172 = tpu.vector_load %arg9[%swap3A_171] {strides = array<i32>} : memref<1024xf32, #tpu.memory_space<vmem>>, vector<16xf32>,
    %swap3A_173 = vector.shape_cast %swap3A_172 : vector<16xf32> to vector<16xf32>
    %swap3A_174 = vector.shape_cast %broadcast_in_dim3A_170 : vector<16xf32> to vector<16xf32>
    tpu.vector_store %arg9[%swap3A_171], %swap3A_174 {strides = array<i32>} : memref<1024xf32, #tpu.memory_space<vmem>>, vector<16xf32>,
    %broadcast_in_dim3A_175 = arith.constant 0.000000e+00 : f32
    %broadcast_in_dim3A_176 = vector.broadcast %broadcast_in_dim3A_175 : f32 to vector<16xf32>
    %swap3A_177 = arith.constant 384 : index
    %swap3A_178 = tpu.vector_load %arg9[%swap3A_177] {strides = array<i32>} : memref<1024xf32, #tpu.memory_space<vmem>>, vector<16xf32>,
    %swap3A_179 = vector.shape_cast %swap3A_178 : vector<16xf32> to vector<16xf32>
    %swap3A_180 = vector.shape_cast %broadcast_in_dim3A_176 : vector<16xf32> to vector<16xf32>
    tpu.vector_store %arg9[%swap3A_177], %swap3A_180 {strides = array<i32>} : memref<1024xf32, #tpu.memory_space<vmem>>, vector<16xf32>,
    %broadcast_in_dim3A_181 = arith.constant 0.000000e+00 : f32
    %broadcast_in_dim3A_182 = vector.broadcast %broadcast_in_dim3A_181 : f32 to vector<16xf32>
    %swap3A_183 = arith.constant 400 : index
    %swap3A_184 = tpu.vector_load %arg9[%swap3A_183] {strides = array<i32>} : memref<1024xf32, #tpu.memory_space<vmem>>, vector<16xf32>,
    %swap3A_185 = vector.shape_cast %swap3A_184 : vector<16xf32> to vector<16xf32>
    %swap3A_186 = vector.shape_cast %broadcast_in_dim3A_182 : vector<16xf32> to vector<16xf32>
    tpu.vector_store %arg9[%swap3A_183], %swap3A_186 {strides = array<i32>} : memref<1024xf32, #tpu.memory_space<vmem>>, vector<16xf32>,
    %broadcast_in_dim3A_187 = arith.constant 0.000000e+00 : f32
    %broadcast_in_dim3A_188 = vector.broadcast %broadcast_in_dim3A_187 : f32 to vector<16xf32>
    %swap3A_189 = arith.constant 416 : index
    %swap3A_190 = tpu.vector_load %arg9[%swap3A_189] {strides = array<i32>} : memref<1024xf32, #tpu.memory_space<vmem>>, vector<16xf32>,
    %swap3A_191 = vector.shape_cast %swap3A_190 : vector<16xf32> to vector<16xf32>
    %swap3A_192 = vector.shape_cast %broadcast_in_dim3A_188 : vector<16xf32> to vector<16xf32>
    tpu.vector_store %arg9[%swap3A_189], %swap3A_192 {strides = array<i32>} : memref<1024xf32, #tpu.memory_space<vmem>>, vector<16xf32>,
    %broadcast_in_dim3A_193 = arith.constant 0.000000e+00 : f32
    %broadcast_in_dim3A_194 = vector.broadcast %broadcast_in_dim3A_193 : f32 to vector<16xf32>
    %swap3A_195 = arith.constant 432 : index
    %swap3A_196 = tpu.vector_load %arg9[%swap3A_195] {strides = array<i32>} : memref<1024xf32, #tpu.memory_space<vmem>>, vector<16xf32>,
    %swap3A_197 = vector.shape_cast %swap3A_196 : vector<16xf32> to vector<16xf32>
    %swap3A_198 = vector.shape_cast %broadcast_in_dim3A_194 : vector<16xf32> to vector<16xf32>
    tpu.vector_store %arg9[%swap3A_195], %swap3A_198 {strides = array<i32>} : memref<1024xf32, #tpu.memory_space<vmem>>, vector<16xf32>,
    %broadcast_in_dim3A_199 = arith.constant 0.000000e+00 : f32
    %broadcast_in_dim3A_200 = vector.broadcast %broadcast_in_dim3A_199 : f32 to vector<16xf32>
    %swap3A_201 = arith.constant 448 : index
    %swap3A_202 = tpu.vector_load %arg9[%swap3A_201] {strides = array<i32>} : memref<1024xf32, #tpu.memory_space<vmem>>, vector<16xf32>,
    %swap3A_203 = vector.shape_cast %swap3A_202 : vector<16xf32> to vector<16xf32>
    %swap3A_204 = vector.shape_cast %broadcast_in_dim3A_200 : vector<16xf32> to vector<16xf32>
    tpu.vector_store %arg9[%swap3A_201], %swap3A_204 {strides = array<i32>} : memref<1024xf32, #tpu.memory_space<vmem>>, vector<16xf32>,
    %broadcast_in_dim3A_205 = arith.constant 0.000000e+00 : f32
    %broadcast_in_dim3A_206 = vector.broadcast %broadcast_in_dim3A_205 : f32 to vector<16xf32>
    %swap3A_207 = arith.constant 464 : index
    %swap3A_208 = tpu.vector_load %arg9[%swap3A_207] {strides = array<i32>} : memref<1024xf32, #tpu.memory_space<vmem>>, vector<16xf32>,
    %swap3A_209 = vector.shape_cast %swap3A_208 : vector<16xf32> to vector<16xf32>
    %swap3A_210 = vector.shape_cast %broadcast_in_dim3A_206 : vector<16xf32> to vector<16xf32>
    tpu.vector_store %arg9[%swap3A_207], %swap3A_210 {strides = array<i32>} : memref<1024xf32, #tpu.memory_space<vmem>>, vector<16xf32>,
    %broadcast_in_dim3A_211 = arith.constant 0.000000e+00 : f32
    %broadcast_in_dim3A_212 = vector.broadcast %broadcast_in_dim3A_211 : f32 to vector<16xf32>
    %swap3A_213 = arith.constant 480 : index
    %swap3A_214 = tpu.vector_load %arg9[%swap3A_213] {strides = array<i32>} : memref<1024xf32, #tpu.memory_space<vmem>>, vector<16xf32>,
    %swap3A_215 = vector.shape_cast %swap3A_214 : vector<16xf32> to vector<16xf32>
    %swap3A_216 = vector.shape_cast %broadcast_in_dim3A_212 : vector<16xf32> to vector<16xf32>
    tpu.vector_store %arg9[%swap3A_213], %swap3A_216 {strides = array<i32>} : memref<1024xf32, #tpu.memory_space<vmem>>, vector<16xf32>,
    %broadcast_in_dim3A_217 = arith.constant 0.000000e+00 : f32
    %broadcast_in_dim3A_218 = vector.broadcast %broadcast_in_dim3A_217 : f32 to vector<16xf32>
    %swap3A_219 = arith.constant 496 : index
    %swap3A_220 = tpu.vector_load %arg9[%swap3A_219] {strides = array<i32>} : memref<1024xf32, #tpu.memory_space<vmem>>, vector<16xf32>,
    %swap3A_221 = vector.shape_cast %swap3A_220 : vector<16xf32> to vector<16xf32>
    %swap3A_222 = vector.shape_cast %broadcast_in_dim3A_218 : vector<16xf32> to vector<16xf32>
    tpu.vector_store %arg9[%swap3A_219], %swap3A_222 {strides = array<i32>} : memref<1024xf32, #tpu.memory_space<vmem>>, vector<16xf32>,
    %broadcast_in_dim3A_223 = arith.constant 0.000000e+00 : f32
    %broadcast_in_dim3A_224 = vector.broadcast %broadcast_in_dim3A_223 : f32 to vector<16xf32>
    %swap3A_225 = arith.constant 512 : index
    %swap3A_226 = tpu.vector_load %arg9[%swap3A_225] {strides = array<i32>} : memref<1024xf32, #tpu.memory_space<vmem>>, vector<16xf32>,
    %swap3A_227 = vector.shape_cast %swap3A_226 : vector<16xf32> to vector<16xf32>
    %swap3A_228 = vector.shape_cast %broadcast_in_dim3A_224 : vector<16xf32> to vector<16xf32>
    tpu.vector_store %arg9[%swap3A_225], %swap3A_228 {strides = array<i32>} : memref<1024xf32, #tpu.memory_space<vmem>>, vector<16xf32>,
    %broadcast_in_dim3A_229 = arith.constant 0.000000e+00 : f32
    %broadcast_in_dim3A_230 = vector.broadcast %broadcast_in_dim3A_229 : f32 to vector<16xf32>
    %swap3A_231 = arith.constant 528 : index
    %swap3A_232 = tpu.vector_load %arg9[%swap3A_231] {strides = array<i32>} : memref<1024xf32, #tpu.memory_space<vmem>>, vector<16xf32>,
    %swap3A_233 = vector.shape_cast %swap3A_232 : vector<16xf32> to vector<16xf32>
    %swap3A_234 = vector.shape_cast %broadcast_in_dim3A_230 : vector<16xf32> to vector<16xf32>
    tpu.vector_store %arg9[%swap3A_231], %swap3A_234 {strides = array<i32>} : memref<1024xf32, #tpu.memory_space<vmem>>, vector<16xf32>,
    %broadcast_in_dim3A_235 = arith.constant 0.000000e+00 : f32
    %broadcast_in_dim3A_236 = vector.broadcast %broadcast_in_dim3A_235 : f32 to vector<16xf32>
    %swap3A_237 = arith.constant 544 : index
    %swap3A_238 = tpu.vector_load %arg9[%swap3A_237] {strides = array<i32>} : memref<1024xf32, #tpu.memory_space<vmem>>, vector<16xf32>,
    %swap3A_239 = vector.shape_cast %swap3A_238 : vector<16xf32> to vector<16xf32>
    %swap3A_240 = vector.shape_cast %broadcast_in_dim3A_236 : vector<16xf32> to vector<16xf32>
    tpu.vector_store %arg9[%swap3A_237], %swap3A_240 {strides = array<i32>} : memref<1024xf32, #tpu.memory_space<vmem>>, vector<16xf32>,
    %broadcast_in_dim3A_241 = arith.constant 0.000000e+00 : f32
    %broadcast_in_dim3A_242 = vector.broadcast %broadcast_in_dim3A_241 : f32 to vector<16xf32>
    %swap3A_243 = arith.constant 560 : index
    %swap3A_244 = tpu.vector_load %arg9[%swap3A_243] {strides = array<i32>} : memref<1024xf32, #tpu.memory_space<vmem>>, vector<16xf32>,
    %swap3A_245 = vector.shape_cast %swap3A_244 : vector<16xf32> to vector<16xf32>
    %swap3A_246 = vector.shape_cast %broadcast_in_dim3A_242 : vector<16xf32> to vector<16xf32>
    tpu.vector_store %arg9[%swap3A_243], %swap3A_246 {strides = array<i32>} : memref<1024xf32, #tpu.memory_space<vmem>>, vector<16xf32>,
    %broadcast_in_dim3A_247 = arith.constant 0.000000e+00 : f32
    %broadcast_in_dim3A_248 = vector.broadcast %broadcast_in_dim3A_247 : f32 to vector<16xf32>
    %swap3A_249 = arith.constant 576 : index
    %swap3A_250 = tpu.vector_load %arg9[%swap3A_249] {strides = array<i32>} : memref<1024xf32, #tpu.memory_space<vmem>>, vector<16xf32>,
    %swap3A_251 = vector.shape_cast %swap3A_250 : vector<16xf32> to vector<16xf32>
    %swap3A_252 = vector.shape_cast %broadcast_in_dim3A_248 : vector<16xf32> to vector<16xf32>
    tpu.vector_store %arg9[%swap3A_249], %swap3A_252 {strides = array<i32>} : memref<1024xf32, #tpu.memory_space<vmem>>, vector<16xf32>,
    %broadcast_in_dim3A_253 = arith.constant 0.000000e+00 : f32
    %broadcast_in_dim3A_254 = vector.broadcast %broadcast_in_dim3A_253 : f32 to vector<16xf32>
    %swap3A_255 = arith.constant 592 : index
    %swap3A_256 = tpu.vector_load %arg9[%swap3A_255] {strides = array<i32>} : memref<1024xf32, #tpu.memory_space<vmem>>, vector<16xf32>,
    %swap3A_257 = vector.shape_cast %swap3A_256 : vector<16xf32> to vector<16xf32>
    %swap3A_258 = vector.shape_cast %broadcast_in_dim3A_254 : vector<16xf32> to vector<16xf32>
    tpu.vector_store %arg9[%swap3A_255], %swap3A_258 {strides = array<i32>} : memref<1024xf32, #tpu.memory_space<vmem>>, vector<16xf32>,
    %broadcast_in_dim3A_259 = arith.constant 0.000000e+00 : f32
    %broadcast_in_dim3A_260 = vector.broadcast %broadcast_in_dim3A_259 : f32 to vector<16xf32>
    %swap3A_261 = arith.constant 608 : index
    %swap3A_262 = tpu.vector_load %arg9[%swap3A_261] {strides = array<i32>} : memref<1024xf32, #tpu.memory_space<vmem>>, vector<16xf32>,
    %swap3A_263 = vector.shape_cast %swap3A_262 : vector<16xf32> to vector<16xf32>
    %swap3A_264 = vector.shape_cast %broadcast_in_dim3A_260 : vector<16xf32> to vector<16xf32>
    tpu.vector_store %arg9[%swap3A_261], %swap3A_264 {strides = array<i32>} : memref<1024xf32, #tpu.memory_space<vmem>>, vector<16xf32>,
    %broadcast_in_dim3A_265 = arith.constant 0.000000e+00 : f32
    %broadcast_in_dim3A_266 = vector.broadcast %broadcast_in_dim3A_265 : f32 to vector<16xf32>
    %swap3A_267 = arith.constant 624 : index
    %swap3A_268 = tpu.vector_load %arg9[%swap3A_267] {strides = array<i32>} : memref<1024xf32, #tpu.memory_space<vmem>>, vector<16xf32>,
    %swap3A_269 = vector.shape_cast %swap3A_268 : vector<16xf32> to vector<16xf32>
    %swap3A_270 = vector.shape_cast %broadcast_in_dim3A_266 : vector<16xf32> to vector<16xf32>
    tpu.vector_store %arg9[%swap3A_267], %swap3A_270 {strides = array<i32>} : memref<1024xf32, #tpu.memory_space<vmem>>, vector<16xf32>,
    %broadcast_in_dim3A_271 = arith.constant 0.000000e+00 : f32
    %broadcast_in_dim3A_272 = vector.broadcast %broadcast_in_dim3A_271 : f32 to vector<16xf32>
    %swap3A_273 = arith.constant 640 : index
    %swap3A_274 = tpu.vector_load %arg9[%swap3A_273] {strides = array<i32>} : memref<1024xf32, #tpu.memory_space<vmem>>, vector<16xf32>,
    %swap3A_275 = vector.shape_cast %swap3A_274 : vector<16xf32> to vector<16xf32>
    %swap3A_276 = vector.shape_cast %broadcast_in_dim3A_272 : vector<16xf32> to vector<16xf32>
    tpu.vector_store %arg9[%swap3A_273], %swap3A_276 {strides = array<i32>} : memref<1024xf32, #tpu.memory_space<vmem>>, vector<16xf32>,
    %broadcast_in_dim3A_277 = arith.constant 0.000000e+00 : f32
    %broadcast_in_dim3A_278 = vector.broadcast %broadcast_in_dim3A_277 : f32 to vector<16xf32>
    %swap3A_279 = arith.constant 656 : index
    %swap3A_280 = tpu.vector_load %arg9[%swap3A_279] {strides = array<i32>} : memref<1024xf32, #tpu.memory_space<vmem>>, vector<16xf32>,
    %swap3A_281 = vector.shape_cast %swap3A_280 : vector<16xf32> to vector<16xf32>
    %swap3A_282 = vector.shape_cast %broadcast_in_dim3A_278 : vector<16xf32> to vector<16xf32>
    tpu.vector_store %arg9[%swap3A_279], %swap3A_282 {strides = array<i32>} : memref<1024xf32, #tpu.memory_space<vmem>>, vector<16xf32>,
    %broadcast_in_dim3A_283 = arith.constant 0.000000e+00 : f32
    %broadcast_in_dim3A_284 = vector.broadcast %broadcast_in_dim3A_283 : f32 to vector<16xf32>
    %swap3A_285 = arith.constant 672 : index
    %swap3A_286 = tpu.vector_load %arg9[%swap3A_285] {strides = array<i32>} : memref<1024xf32, #tpu.memory_space<vmem>>, vector<16xf32>,
    %swap3A_287 = vector.shape_cast %swap3A_286 : vector<16xf32> to vector<16xf32>
    %swap3A_288 = vector.shape_cast %broadcast_in_dim3A_284 : vector<16xf32> to vector<16xf32>
    tpu.vector_store %arg9[%swap3A_285], %swap3A_288 {strides = array<i32>} : memref<1024xf32, #tpu.memory_space<vmem>>, vector<16xf32>,
    %broadcast_in_dim3A_289 = arith.constant 0.000000e+00 : f32
    %broadcast_in_dim3A_290 = vector.broadcast %broadcast_in_dim3A_289 : f32 to vector<16xf32>
    %swap3A_291 = arith.constant 688 : index
    %swap3A_292 = tpu.vector_load %arg9[%swap3A_291] {strides = array<i32>} : memref<1024xf32, #tpu.memory_space<vmem>>, vector<16xf32>,
    %swap3A_293 = vector.shape_cast %swap3A_292 : vector<16xf32> to vector<16xf32>
    %swap3A_294 = vector.shape_cast %broadcast_in_dim3A_290 : vector<16xf32> to vector<16xf32>
    tpu.vector_store %arg9[%swap3A_291], %swap3A_294 {strides = array<i32>} : memref<1024xf32, #tpu.memory_space<vmem>>, vector<16xf32>,
    %broadcast_in_dim3A_295 = arith.constant 0.000000e+00 : f32
    %broadcast_in_dim3A_296 = vector.broadcast %broadcast_in_dim3A_295 : f32 to vector<16xf32>
    %swap3A_297 = arith.constant 704 : index
    %swap3A_298 = tpu.vector_load %arg9[%swap3A_297] {strides = array<i32>} : memref<1024xf32, #tpu.memory_space<vmem>>, vector<16xf32>,
    %swap3A_299 = vector.shape_cast %swap3A_298 : vector<16xf32> to vector<16xf32>
    %swap3A_300 = vector.shape_cast %broadcast_in_dim3A_296 : vector<16xf32> to vector<16xf32>
    tpu.vector_store %arg9[%swap3A_297], %swap3A_300 {strides = array<i32>} : memref<1024xf32, #tpu.memory_space<vmem>>, vector<16xf32>,
    %broadcast_in_dim3A_301 = arith.constant 0.000000e+00 : f32
    %broadcast_in_dim3A_302 = vector.broadcast %broadcast_in_dim3A_301 : f32 to vector<16xf32>
    %swap3A_303 = arith.constant 720 : index
    %swap3A_304 = tpu.vector_load %arg9[%swap3A_303] {strides = array<i32>} : memref<1024xf32, #tpu.memory_space<vmem>>, vector<16xf32>,
    %swap3A_305 = vector.shape_cast %swap3A_304 : vector<16xf32> to vector<16xf32>
    %swap3A_306 = vector.shape_cast %broadcast_in_dim3A_302 : vector<16xf32> to vector<16xf32>
    tpu.vector_store %arg9[%swap3A_303], %swap3A_306 {strides = array<i32>} : memref<1024xf32, #tpu.memory_space<vmem>>, vector<16xf32>,
    %broadcast_in_dim3A_307 = arith.constant 0.000000e+00 : f32
    %broadcast_in_dim3A_308 = vector.broadcast %broadcast_in_dim3A_307 : f32 to vector<16xf32>
    %swap3A_309 = arith.constant 736 : index
    %swap3A_310 = tpu.vector_load %arg9[%swap3A_309] {strides = array<i32>} : memref<1024xf32, #tpu.memory_space<vmem>>, vector<16xf32>,
    %swap3A_311 = vector.shape_cast %swap3A_310 : vector<16xf32> to vector<16xf32>
    %swap3A_312 = vector.shape_cast %broadcast_in_dim3A_308 : vector<16xf32> to vector<16xf32>
    tpu.vector_store %arg9[%swap3A_309], %swap3A_312 {strides = array<i32>} : memref<1024xf32, #tpu.memory_space<vmem>>, vector<16xf32>,
    %broadcast_in_dim3A_313 = arith.constant 0.000000e+00 : f32
    %broadcast_in_dim3A_314 = vector.broadcast %broadcast_in_dim3A_313 : f32 to vector<16xf32>
    %swap3A_315 = arith.constant 752 : index
    %swap3A_316 = tpu.vector_load %arg9[%swap3A_315] {strides = array<i32>} : memref<1024xf32, #tpu.memory_space<vmem>>, vector<16xf32>,
    %swap3A_317 = vector.shape_cast %swap3A_316 : vector<16xf32> to vector<16xf32>
    %swap3A_318 = vector.shape_cast %broadcast_in_dim3A_314 : vector<16xf32> to vector<16xf32>
    tpu.vector_store %arg9[%swap3A_315], %swap3A_318 {strides = array<i32>} : memref<1024xf32, #tpu.memory_space<vmem>>, vector<16xf32>,
    %broadcast_in_dim3A_319 = arith.constant 0.000000e+00 : f32
    %broadcast_in_dim3A_320 = vector.broadcast %broadcast_in_dim3A_319 : f32 to vector<16xf32>
    %swap3A_321 = arith.constant 768 : index
    %swap3A_322 = tpu.vector_load %arg9[%swap3A_321] {strides = array<i32>} : memref<1024xf32, #tpu.memory_space<vmem>>, vector<16xf32>,
    %swap3A_323 = vector.shape_cast %swap3A_322 : vector<16xf32> to vector<16xf32>
    %swap3A_324 = vector.shape_cast %broadcast_in_dim3A_320 : vector<16xf32> to vector<16xf32>
    tpu.vector_store %arg9[%swap3A_321], %swap3A_324 {strides = array<i32>} : memref<1024xf32, #tpu.memory_space<vmem>>, vector<16xf32>,
    %broadcast_in_dim3A_325 = arith.constant 0.000000e+00 : f32
    %broadcast_in_dim3A_326 = vector.broadcast %broadcast_in_dim3A_325 : f32 to vector<16xf32>
    %swap3A_327 = arith.constant 784 : index
    %swap3A_328 = tpu.vector_load %arg9[%swap3A_327] {strides = array<i32>} : memref<1024xf32, #tpu.memory_space<vmem>>, vector<16xf32>,
    %swap3A_329 = vector.shape_cast %swap3A_328 : vector<16xf32> to vector<16xf32>
    %swap3A_330 = vector.shape_cast %broadcast_in_dim3A_326 : vector<16xf32> to vector<16xf32>
    tpu.vector_store %arg9[%swap3A_327], %swap3A_330 {strides = array<i32>} : memref<1024xf32, #tpu.memory_space<vmem>>, vector<16xf32>,
    %broadcast_in_dim3A_331 = arith.constant 0.000000e+00 : f32
    %broadcast_in_dim3A_332 = vector.broadcast %broadcast_in_dim3A_331 : f32 to vector<16xf32>
    %swap3A_333 = arith.constant 800 : index
    %swap3A_334 = tpu.vector_load %arg9[%swap3A_333] {strides = array<i32>} : memref<1024xf32, #tpu.memory_space<vmem>>, vector<16xf32>,
    %swap3A_335 = vector.shape_cast %swap3A_334 : vector<16xf32> to vector<16xf32>
    %swap3A_336 = vector.shape_cast %broadcast_in_dim3A_332 : vector<16xf32> to vector<16xf32>
    tpu.vector_store %arg9[%swap3A_333], %swap3A_336 {strides = array<i32>} : memref<1024xf32, #tpu.memory_space<vmem>>, vector<16xf32>,
    %broadcast_in_dim3A_337 = arith.constant 0.000000e+00 : f32
    %broadcast_in_dim3A_338 = vector.broadcast %broadcast_in_dim3A_337 : f32 to vector<16xf32>
    %swap3A_339 = arith.constant 816 : index
    %swap3A_340 = tpu.vector_load %arg9[%swap3A_339] {strides = array<i32>} : memref<1024xf32, #tpu.memory_space<vmem>>, vector<16xf32>,
    %swap3A_341 = vector.shape_cast %swap3A_340 : vector<16xf32> to vector<16xf32>
    %swap3A_342 = vector.shape_cast %broadcast_in_dim3A_338 : vector<16xf32> to vector<16xf32>
    tpu.vector_store %arg9[%swap3A_339], %swap3A_342 {strides = array<i32>} : memref<1024xf32, #tpu.memory_space<vmem>>, vector<16xf32>,
    %broadcast_in_dim3A_343 = arith.constant 0.000000e+00 : f32
    %broadcast_in_dim3A_344 = vector.broadcast %broadcast_in_dim3A_343 : f32 to vector<16xf32>
    %swap3A_345 = arith.constant 832 : index
    %swap3A_346 = tpu.vector_load %arg9[%swap3A_345] {strides = array<i32>} : memref<1024xf32, #tpu.memory_space<vmem>>, vector<16xf32>,
    %swap3A_347 = vector.shape_cast %swap3A_346 : vector<16xf32> to vector<16xf32>
    %swap3A_348 = vector.shape_cast %broadcast_in_dim3A_344 : vector<16xf32> to vector<16xf32>
    tpu.vector_store %arg9[%swap3A_345], %swap3A_348 {strides = array<i32>} : memref<1024xf32, #tpu.memory_space<vmem>>, vector<16xf32>,
    %broadcast_in_dim3A_349 = arith.constant 0.000000e+00 : f32
    %broadcast_in_dim3A_350 = vector.broadcast %broadcast_in_dim3A_349 : f32 to vector<16xf32>
    %swap3A_351 = arith.constant 848 : index
    %swap3A_352 = tpu.vector_load %arg9[%swap3A_351] {strides = array<i32>} : memref<1024xf32, #tpu.memory_space<vmem>>, vector<16xf32>,
    %swap3A_353 = vector.shape_cast %swap3A_352 : vector<16xf32> to vector<16xf32>
    %swap3A_354 = vector.shape_cast %broadcast_in_dim3A_350 : vector<16xf32> to vector<16xf32>
    tpu.vector_store %arg9[%swap3A_351], %swap3A_354 {strides = array<i32>} : memref<1024xf32, #tpu.memory_space<vmem>>, vector<16xf32>,
    %broadcast_in_dim3A_355 = arith.constant 0.000000e+00 : f32
    %broadcast_in_dim3A_356 = vector.broadcast %broadcast_in_dim3A_355 : f32 to vector<16xf32>
    %swap3A_357 = arith.constant 864 : index
    %swap3A_358 = tpu.vector_load %arg9[%swap3A_357] {strides = array<i32>} : memref<1024xf32, #tpu.memory_space<vmem>>, vector<16xf32>,
    %swap3A_359 = vector.shape_cast %swap3A_358 : vector<16xf32> to vector<16xf32>
    %swap3A_360 = vector.shape_cast %broadcast_in_dim3A_356 : vector<16xf32> to vector<16xf32>
    tpu.vector_store %arg9[%swap3A_357], %swap3A_360 {strides = array<i32>} : memref<1024xf32, #tpu.memory_space<vmem>>, vector<16xf32>,
    %broadcast_in_dim3A_361 = arith.constant 0.000000e+00 : f32
    %broadcast_in_dim3A_362 = vector.broadcast %broadcast_in_dim3A_361 : f32 to vector<16xf32>
    %swap3A_363 = arith.constant 880 : index
    %swap3A_364 = tpu.vector_load %arg9[%swap3A_363] {strides = array<i32>} : memref<1024xf32, #tpu.memory_space<vmem>>, vector<16xf32>,
    %swap3A_365 = vector.shape_cast %swap3A_364 : vector<16xf32> to vector<16xf32>
    %swap3A_366 = vector.shape_cast %broadcast_in_dim3A_362 : vector<16xf32> to vector<16xf32>
    tpu.vector_store %arg9[%swap3A_363], %swap3A_366 {strides = array<i32>} : memref<1024xf32, #tpu.memory_space<vmem>>, vector<16xf32>,
    %broadcast_in_dim3A_367 = arith.constant 0.000000e+00 : f32
    %broadcast_in_dim3A_368 = vector.broadcast %broadcast_in_dim3A_367 : f32 to vector<16xf32>
    %swap3A_369 = arith.constant 896 : index
    %swap3A_370 = tpu.vector_load %arg9[%swap3A_369] {strides = array<i32>} : memref<1024xf32, #tpu.memory_space<vmem>>, vector<16xf32>,
    %swap3A_371 = vector.shape_cast %swap3A_370 : vector<16xf32> to vector<16xf32>
    %swap3A_372 = vector.shape_cast %broadcast_in_dim3A_368 : vector<16xf32> to vector<16xf32>
    tpu.vector_store %arg9[%swap3A_369], %swap3A_372 {strides = array<i32>} : memref<1024xf32, #tpu.memory_space<vmem>>, vector<16xf32>,
    %broadcast_in_dim3A_373 = arith.constant 0.000000e+00 : f32
    %broadcast_in_dim3A_374 = vector.broadcast %broadcast_in_dim3A_373 : f32 to vector<16xf32>
    %swap3A_375 = arith.constant 912 : index
    %swap3A_376 = tpu.vector_load %arg9[%swap3A_375] {strides = array<i32>} : memref<1024xf32, #tpu.memory_space<vmem>>, vector<16xf32>,
    %swap3A_377 = vector.shape_cast %swap3A_376 : vector<16xf32> to vector<16xf32>
    %swap3A_378 = vector.shape_cast %broadcast_in_dim3A_374 : vector<16xf32> to vector<16xf32>
    tpu.vector_store %arg9[%swap3A_375], %swap3A_378 {strides = array<i32>} : memref<1024xf32, #tpu.memory_space<vmem>>, vector<16xf32>,
    %broadcast_in_dim3A_379 = arith.constant 0.000000e+00 : f32
    %broadcast_in_dim3A_380 = vector.broadcast %broadcast_in_dim3A_379 : f32 to vector<16xf32>
    %swap3A_381 = arith.constant 928 : index
    %swap3A_382 = tpu.vector_load %arg9[%swap3A_381] {strides = array<i32>} : memref<1024xf32, #tpu.memory_space<vmem>>, vector<16xf32>,
    %swap3A_383 = vector.shape_cast %swap3A_382 : vector<16xf32> to vector<16xf32>
    %swap3A_384 = vector.shape_cast %broadcast_in_dim3A_380 : vector<16xf32> to vector<16xf32>
    tpu.vector_store %arg9[%swap3A_381], %swap3A_384 {strides = array<i32>} : memref<1024xf32, #tpu.memory_space<vmem>>, vector<16xf32>,
    %broadcast_in_dim3A_385 = arith.constant 0.000000e+00 : f32
    %broadcast_in_dim3A_386 = vector.broadcast %broadcast_in_dim3A_385 : f32 to vector<16xf32>
    %swap3A_387 = arith.constant 944 : index
    %swap3A_388 = tpu.vector_load %arg9[%swap3A_387] {strides = array<i32>} : memref<1024xf32, #tpu.memory_space<vmem>>, vector<16xf32>,
    %swap3A_389 = vector.shape_cast %swap3A_388 : vector<16xf32> to vector<16xf32>
    %swap3A_390 = vector.shape_cast %broadcast_in_dim3A_386 : vector<16xf32> to vector<16xf32>
    tpu.vector_store %arg9[%swap3A_387], %swap3A_390 {strides = array<i32>} : memref<1024xf32, #tpu.memory_space<vmem>>, vector<16xf32>,
    %broadcast_in_dim3A_391 = arith.constant 0.000000e+00 : f32
    %broadcast_in_dim3A_392 = vector.broadcast %broadcast_in_dim3A_391 : f32 to vector<16xf32>
    %swap3A_393 = arith.constant 960 : index
    %swap3A_394 = tpu.vector_load %arg9[%swap3A_393] {strides = array<i32>} : memref<1024xf32, #tpu.memory_space<vmem>>, vector<16xf32>,
    %swap3A_395 = vector.shape_cast %swap3A_394 : vector<16xf32> to vector<16xf32>
    %swap3A_396 = vector.shape_cast %broadcast_in_dim3A_392 : vector<16xf32> to vector<16xf32>
    tpu.vector_store %arg9[%swap3A_393], %swap3A_396 {strides = array<i32>} : memref<1024xf32, #tpu.memory_space<vmem>>, vector<16xf32>,
    %broadcast_in_dim3A_397 = arith.constant 0.000000e+00 : f32
    %broadcast_in_dim3A_398 = vector.broadcast %broadcast_in_dim3A_397 : f32 to vector<16xf32>
    %swap3A_399 = arith.constant 976 : index
    %swap3A_400 = tpu.vector_load %arg9[%swap3A_399] {strides = array<i32>} : memref<1024xf32, #tpu.memory_space<vmem>>, vector<16xf32>,
    %swap3A_401 = vector.shape_cast %swap3A_400 : vector<16xf32> to vector<16xf32>
    %swap3A_402 = vector.shape_cast %broadcast_in_dim3A_398 : vector<16xf32> to vector<16xf32>
    tpu.vector_store %arg9[%swap3A_399], %swap3A_402 {strides = array<i32>} : memref<1024xf32, #tpu.memory_space<vmem>>, vector<16xf32>,
    %broadcast_in_dim3A_403 = arith.constant 0.000000e+00 : f32
    %broadcast_in_dim3A_404 = vector.broadcast %broadcast_in_dim3A_403 : f32 to vector<16xf32>
    %swap3A_405 = arith.constant 992 : index
    %swap3A_406 = tpu.vector_load %arg9[%swap3A_405] {strides = array<i32>} : memref<1024xf32, #tpu.memory_space<vmem>>, vector<16xf32>,
    %swap3A_407 = vector.shape_cast %swap3A_406 : vector<16xf32> to vector<16xf32>
    %swap3A_408 = vector.shape_cast %broadcast_in_dim3A_404 : vector<16xf32> to vector<16xf32>
    tpu.vector_store %arg9[%swap3A_405], %swap3A_408 {strides = array<i32>} : memref<1024xf32, #tpu.memory_space<vmem>>, vector<16xf32>,
    %broadcast_in_dim3A_409 = arith.constant 0.000000e+00 : f32
    %broadcast_in_dim3A_410 = vector.broadcast %broadcast_in_dim3A_409 : f32 to vector<16xf32>
    %swap3A_411 = arith.constant 1008 : index
    %swap3A_412 = tpu.vector_load %arg9[%swap3A_411] {strides = array<i32>} : memref<1024xf32, #tpu.memory_space<vmem>>, vector<16xf32>,
    %swap3A_413 = vector.shape_cast %swap3A_412 : vector<16xf32> to vector<16xf32>
    %swap3A_414 = vector.shape_cast %broadcast_in_dim3A_410 : vector<16xf32> to vector<16xf32>
    tpu.vector_store %arg9[%swap3A_411], %swap3A_414 {strides = array<i32>} : memref<1024xf32, #tpu.memory_space<vmem>>, vector<16xf32>,
    %add3A_415 = arith.constant 0 : i32
    %add3A_416 = arith.addi %mul3A_32, %add3A_415 : i32
    %dma_start3A = arith.constant 0 : i32
    %dma_start3A_417 = tpu.memref_slice %arg2[%select_n3A, %add3A_416, %dma_start3A] : memref<4x8192x1024xf32, #tpu.memory_space<hbm>> -> memref<1x16x1024xf32, #tpu.memory_space<hbm>>
    %dma_start3A_418 = tpu.memref_squeeze %dma_start3A_417 : memref<1x16x1024xf32, #tpu.memory_space<hbm>> -> memref<16x1024xf32, #tpu.memory_space<hbm>>
    %dma_start3A_419 = arith.constant 0 : i32
    %dma_start3A_420 = tpu.memref_slice %arg2[%select_n3A, %add3A_416, %dma_start3A_419] : memref<4x8192x1024xf32, #tpu.memory_space<hbm>> -> memref<1x16x1024xf32, #tpu.memory_space<hbm>>
    %dma_start3A_421 = tpu.memref_squeeze %dma_start3A_420 : memref<1x16x1024xf32, #tpu.memory_space<hbm>> -> memref<16x1024xf32, #tpu.memory_space<hbm>>
    tpu.enqueue_dma source(%dma_start3A_421 : memref<16x1024xf32, #tpu.memory_space<hbm>>) target(%arg6 : memref<16x1024xf32, #tpu.memory_space<vmem>>) target_semaphore(%arg11 : memref<!tpu.dma_semaphore, #tpu.memory_space<semaphore_mem>>)
    %broadcast_in_dim3A_422 = arith.constant 0xFF800000 : f32
    %broadcast_in_dim3A_423 = vector.broadcast %broadcast_in_dim3A_422 : f32 to vector<16xf32>
    %broadcast_in_dim3A_424 = arith.constant 0.000000e+00 : f32
    %broadcast_in_dim3A_425 = vector.broadcast %broadcast_in_dim3A_424 : f32 to vector<16xf32>
    %scan3A = arith.constant 0 : i32
    %scan3A_426 = arith.constant 4 : i32
    %scan3A_427 = arith.addi %scan3A, %scan3A_426 : i32
    %scan3A_428 = arith.constant 1 : i32
    %scan3A_429:2 = scf.for %scan3A_445 = %scan3A to %scan3A_427 step %scan3A_428 iter_args(%scan3A_446 = %broadcast_in_dim3A_423, %scan3A_447 = %broadcast_in_dim3A_425) -> (vector<16xf32>, vector<16xf32>)  : i32 {
      %mul3A_448 = arith.constant 2 : i32
      %mul3A_449 = arith.muli %mul3A_448, %scan3A_445 : i32
      %mul3A_450 = arith.constant 16 : i32
      %mul3A_451 = arith.muli %mul3A_449, %mul3A_450 : i32
      %add3A_452 = arith.addi %mul3A_32, %mul3A_451 : i32
      %dma_wait3A = arith.constant 0 : i32
      %dma_wait3A_453 = tpu.memref_slice %arg2[%select_n3A, %add3A_452, %dma_wait3A] : memref<4x8192x1024xf32, #tpu.memory_space<hbm>> -> memref<1x16x1024xf32, #tpu.memory_space<hbm>>
      %dma_wait3A_454 = tpu.memref_squeeze %dma_wait3A_453 : memref<1x16x1024xf32, #tpu.memory_space<hbm>> -> memref<16x1024xf32, #tpu.memory_space<hbm>>
      %dma_wait3A_455 = arith.constant 0 : i32
      %dma_wait3A_456 = tpu.memref_slice %arg2[%select_n3A, %add3A_452, %dma_wait3A_455] : memref<4x8192x1024xf32, #tpu.memory_space<hbm>> -> memref<1x16x1024xf32, #tpu.memory_space<hbm>>
      %dma_wait3A_457 = tpu.memref_squeeze %dma_wait3A_456 : memref<1x16x1024xf32, #tpu.memory_space<hbm>> -> memref<16x1024xf32, #tpu.memory_space<hbm>>
      tpu.wait_dma2 semaphore(%arg11 : memref<!tpu.dma_semaphore, #tpu.memory_space<semaphore_mem>>) src(%dma_wait3A_457 : memref<16x1024xf32, #tpu.memory_space<hbm>>) dst(%arg6 : memref<16x1024xf32, #tpu.memory_space<vmem>>)
      %add3A_458 = arith.constant 1 : i32
      %add3A_459 = arith.addi %mul3A_449, %add3A_458 : i32
      %mul3A_460 = arith.constant 16 : i32
      %mul3A_461 = arith.muli %add3A_459, %mul3A_460 : i32
      %add3A_462 = arith.addi %mul3A_32, %mul3A_461 : i32
      %dma_start3A_463 = arith.constant 0 : i32
      %dma_start3A_464 = tpu.memref_slice %arg2[%select_n3A, %add3A_462, %dma_start3A_463] : memref<4x8192x1024xf32, #tpu.memory_space<hbm>> -> memref<1x16x1024xf32, #tpu.memory_space<hbm>>
      %dma_start3A_465 = tpu.memref_squeeze %dma_start3A_464 : memref<1x16x1024xf32, #tpu.memory_space<hbm>> -> memref<16x1024xf32, #tpu.memory_space<hbm>>
      %dma_start3A_466 = arith.constant 0 : i32
      %dma_start3A_467 = tpu.memref_slice %arg2[%select_n3A, %add3A_462, %dma_start3A_466] : memref<4x8192x1024xf32, #tpu.memory_space<hbm>> -> memref<1x16x1024xf32, #tpu.memory_space<hbm>>
      %dma_start3A_468 = tpu.memref_squeeze %dma_start3A_467 : memref<1x16x1024xf32, #tpu.memory_space<hbm>> -> memref<16x1024xf32, #tpu.memory_space<hbm>>
      tpu.enqueue_dma source(%dma_start3A_468 : memref<16x1024xf32, #tpu.memory_space<hbm>>) target(%arg7 : memref<16x1024xf32, #tpu.memory_space<vmem>>) target_semaphore(%arg12 : memref<!tpu.dma_semaphore, #tpu.memory_space<semaphore_mem>>)
      %iota3A_469 = tpu.iota {dimensions = array<i32: 0>} : vector<16xi32>
      %broadcast_in_dim3A_470 = arith.constant 0.000000e+00 : f32
      %broadcast_in_dim3A_471 = vector.broadcast %broadcast_in_dim3A_470 : f32 to vector<16xf32>
      %scan3A_472 = arith.constant 0 : i32
      %scan3A_473 = arith.constant 16 : i32
      %scan3A_474 = arith.addi %scan3A_472, %scan3A_473 : i32
      %scan3A_475 = arith.constant 1 : i32
      %scan3A_476 = scf.for %scan3A_817 = %scan3A_472 to %scan3A_474 step %scan3A_475 iter_args(%scan3A_818 = %broadcast_in_dim3A_471) -> (vector<16xf32>)  : i32 {
        %broadcast_in_dim3A_819 = arith.constant 0.000000e+00 : f32
        %broadcast_in_dim3A_820 = vector.broadcast %broadcast_in_dim3A_819 : f32 to vector<16xf32>
        %broadcast_in_dim3A_821 = arith.constant 0.000000e+00 : f32
        %broadcast_in_dim3A_822 = vector.broadcast %broadcast_in_dim3A_821 : f32 to vector<16xf32>
        %broadcast_in_dim3A_823 = arith.constant 0.000000e+00 : f32
        %broadcast_in_dim3A_824 = vector.broadcast %broadcast_in_dim3A_823 : f32 to vector<16xf32>
        %broadcast_in_dim3A_825 = arith.constant 0.000000e+00 : f32
        %broadcast_in_dim3A_826 = vector.broadcast %broadcast_in_dim3A_825 : f32 to vector<16xf32>
        %get3A = arith.index_cast %scan3A_817 : i32 to index
        %get3A_827 = arith.constant 0 : index
        %get3A_828 = tpu.vector_load %arg6[%get3A, %get3A_827] {strides = array<i32>} : memref<16x1024xf32, #tpu.memory_space<vmem>>, vector<1x16xf32>,
        %get3A_829 = vector.shape_cast %get3A_828 : vector<1x16xf32> to vector<16xf32>
        %get3A_830 = arith.constant 0 : index
        %get3A_831 = tpu.vector_load %arg8[%get3A_830] {strides = array<i32>} : memref<1024xf32, #tpu.memory_space<vmem>>, vector<16xf32>,
        %get3A_832 = vector.shape_cast %get3A_831 : vector<16xf32> to vector<16xf32>
        %mul3A_833 = arith.mulf %get3A_829, %get3A_832 : vector<16xf32>
        %add3A_834 = arith.addf %broadcast_in_dim3A_820, %mul3A_833 : vector<16xf32>
        %get3A_835 = arith.index_cast %scan3A_817 : i32 to index
        %get3A_836 = arith.constant 16 : index
        %get3A_837 = tpu.vector_load %arg6[%get3A_835, %get3A_836] {strides = array<i32>} : memref<16x1024xf32, #tpu.memory_space<vmem>>, vector<1x16xf32>,
        %get3A_838 = vector.shape_cast %get3A_837 : vector<1x16xf32> to vector<16xf32>
        %get3A_839 = arith.constant 16 : index
        %get3A_840 = tpu.vector_load %arg8[%get3A_839] {strides = array<i32>} : memref<1024xf32, #tpu.memory_space<vmem>>, vector<16xf32>,
        %get3A_841 = vector.shape_cast %get3A_840 : vector<16xf32> to vector<16xf32>
        %mul3A_842 = arith.mulf %get3A_838, %get3A_841 : vector<16xf32>
        %add3A_843 = arith.addf %broadcast_in_dim3A_822, %mul3A_842 : vector<16xf32>
        %get3A_844 = arith.index_cast %scan3A_817 : i32 to index
        %get3A_845 = arith.constant 32 : index
        %get3A_846 = tpu.vector_load %arg6[%get3A_844, %get3A_845] {strides = array<i32>} : memref<16x1024xf32, #tpu.memory_space<vmem>>, vector<1x16xf32>,
        %get3A_847 = vector.shape_cast %get3A_846 : vector<1x16xf32> to vector<16xf32>
        %get3A_848 = arith.constant 32 : index
        %get3A_849 = tpu.vector_load %arg8[%get3A_848] {strides = array<i32>} : memref<1024xf32, #tpu.memory_space<vmem>>, vector<16xf32>,
        %get3A_850 = vector.shape_cast %get3A_849 : vector<16xf32> to vector<16xf32>
        %mul3A_851 = arith.mulf %get3A_847, %get3A_850 : vector<16xf32>
        %add3A_852 = arith.addf %broadcast_in_dim3A_824, %mul3A_851 : vector<16xf32>
        %get3A_853 = arith.index_cast %scan3A_817 : i32 to index
        %get3A_854 = arith.constant 48 : index
        %get3A_855 = tpu.vector_load %arg6[%get3A_853, %get3A_854] {strides = array<i32>} : memref<16x1024xf32, #tpu.memory_space<vmem>>, vector<1x16xf32>,
        %get3A_856 = vector.shape_cast %get3A_855 : vector<1x16xf32> to vector<16xf32>
        %get3A_857 = arith.constant 48 : index
        %get3A_858 = tpu.vector_load %arg8[%get3A_857] {strides = array<i32>} : memref<1024xf32, #tpu.memory_space<vmem>>, vector<16xf32>,
        %get3A_859 = vector.shape_cast %get3A_858 : vector<16xf32> to vector<16xf32>
        %mul3A_860 = arith.mulf %get3A_856, %get3A_859 : vector<16xf32>
        %add3A_861 = arith.addf %broadcast_in_dim3A_826, %mul3A_860 : vector<16xf32>
        %get3A_862 = arith.index_cast %scan3A_817 : i32 to index
        %get3A_863 = arith.constant 64 : index
        %get3A_864 = tpu.vector_load %arg6[%get3A_862, %get3A_863] {strides = array<i32>} : memref<16x1024xf32, #tpu.memory_space<vmem>>, vector<1x16xf32>,
        %get3A_865 = vector.shape_cast %get3A_864 : vector<1x16xf32> to vector<16xf32>
        %get3A_866 = arith.constant 64 : index
        %get3A_867 = tpu.vector_load %arg8[%get3A_866] {strides = array<i32>} : memref<1024xf32, #tpu.memory_space<vmem>>, vector<16xf32>,
        %get3A_868 = vector.shape_cast %get3A_867 : vector<16xf32> to vector<16xf32>
        %mul3A_869 = arith.mulf %get3A_865, %get3A_868 : vector<16xf32>
        %add3A_870 = arith.addf %add3A_834, %mul3A_869 : vector<16xf32>
        %get3A_871 = arith.index_cast %scan3A_817 : i32 to index
        %get3A_872 = arith.constant 80 : index
        %get3A_873 = tpu.vector_load %arg6[%get3A_871, %get3A_872] {strides = array<i32>} : memref<16x1024xf32, #tpu.memory_space<vmem>>, vector<1x16xf32>,
        %get3A_874 = vector.shape_cast %get3A_873 : vector<1x16xf32> to vector<16xf32>
        %get3A_875 = arith.constant 80 : index
        %get3A_876 = tpu.vector_load %arg8[%get3A_875] {strides = array<i32>} : memref<1024xf32, #tpu.memory_space<vmem>>, vector<16xf32>,
        %get3A_877 = vector.shape_cast %get3A_876 : vector<16xf32> to vector<16xf32>
        %mul3A_878 = arith.mulf %get3A_874, %get3A_877 : vector<16xf32>
        %add3A_879 = arith.addf %add3A_843, %mul3A_878 : vector<16xf32>
        %get3A_880 = arith.index_cast %scan3A_817 : i32 to index
        %get3A_881 = arith.constant 96 : index
        %get3A_882 = tpu.vector_load %arg6[%get3A_880, %get3A_881] {strides = array<i32>} : memref<16x1024xf32, #tpu.memory_space<vmem>>, vector<1x16xf32>,
        %get3A_883 = vector.shape_cast %get3A_882 : vector<1x16xf32> to vector<16xf32>
        %get3A_884 = arith.constant 96 : index
        %get3A_885 = tpu.vector_load %arg8[%get3A_884] {strides = array<i32>} : memref<1024xf32, #tpu.memory_space<vmem>>, vector<16xf32>,
        %get3A_886 = vector.shape_cast %get3A_885 : vector<16xf32> to vector<16xf32>
        %mul3A_887 = arith.mulf %get3A_883, %get3A_886 : vector<16xf32>
        %add3A_888 = arith.addf %add3A_852, %mul3A_887 : vector<16xf32>
        %get3A_889 = arith.index_cast %scan3A_817 : i32 to index
        %get3A_890 = arith.constant 112 : index
        %get3A_891 = tpu.vector_load %arg6[%get3A_889, %get3A_890] {strides = array<i32>} : memref<16x1024xf32, #tpu.memory_space<vmem>>, vector<1x16xf32>,
        %get3A_892 = vector.shape_cast %get3A_891 : vector<1x16xf32> to vector<16xf32>
        %get3A_893 = arith.constant 112 : index
        %get3A_894 = tpu.vector_load %arg8[%get3A_893] {strides = array<i32>} : memref<1024xf32, #tpu.memory_space<vmem>>, vector<16xf32>,
        %get3A_895 = vector.shape_cast %get3A_894 : vector<16xf32> to vector<16xf32>
        %mul3A_896 = arith.mulf %get3A_892, %get3A_895 : vector<16xf32>
        %add3A_897 = arith.addf %add3A_861, %mul3A_896 : vector<16xf32>
        %get3A_898 = arith.index_cast %scan3A_817 : i32 to index
        %get3A_899 = arith.constant 128 : index
        %get3A_900 = tpu.vector_load %arg6[%get3A_898, %get3A_899] {strides = array<i32>} : memref<16x1024xf32, #tpu.memory_space<vmem>>, vector<1x16xf32>,
        %get3A_901 = vector.shape_cast %get3A_900 : vector<1x16xf32> to vector<16xf32>
        %get3A_902 = arith.constant 128 : index
        %get3A_903 = tpu.vector_load %arg8[%get3A_902] {strides = array<i32>} : memref<1024xf32, #tpu.memory_space<vmem>>, vector<16xf32>,
        %get3A_904 = vector.shape_cast %get3A_903 : vector<16xf32> to vector<16xf32>
        %mul3A_905 = arith.mulf %get3A_901, %get3A_904 : vector<16xf32>
        %add3A_906 = arith.addf %add3A_870, %mul3A_905 : vector<16xf32>
        %get3A_907 = arith.index_cast %scan3A_817 : i32 to index
        %get3A_908 = arith.constant 144 : index
        %get3A_909 = tpu.vector_load %arg6[%get3A_907, %get3A_908] {strides = array<i32>} : memref<16x1024xf32, #tpu.memory_space<vmem>>, vector<1x16xf32>,
        %get3A_910 = vector.shape_cast %get3A_909 : vector<1x16xf32> to vector<16xf32>
        %get3A_911 = arith.constant 144 : index
        %get3A_912 = tpu.vector_load %arg8[%get3A_911] {strides = array<i32>} : memref<1024xf32, #tpu.memory_space<vmem>>, vector<16xf32>,
        %get3A_913 = vector.shape_cast %get3A_912 : vector<16xf32> to vector<16xf32>
        %mul3A_914 = arith.mulf %get3A_910, %get3A_913 : vector<16xf32>
        %add3A_915 = arith.addf %add3A_879, %mul3A_914 : vector<16xf32>
        %get3A_916 = arith.index_cast %scan3A_817 : i32 to index
        %get3A_917 = arith.constant 160 : index
        %get3A_918 = tpu.vector_load %arg6[%get3A_916, %get3A_917] {strides = array<i32>} : memref<16x1024xf32, #tpu.memory_space<vmem>>, vector<1x16xf32>,
        %get3A_919 = vector.shape_cast %get3A_918 : vector<1x16xf32> to vector<16xf32>
        %get3A_920 = arith.constant 160 : index
        %get3A_921 = tpu.vector_load %arg8[%get3A_920] {strides = array<i32>} : memref<1024xf32, #tpu.memory_space<vmem>>, vector<16xf32>,
        %get3A_922 = vector.shape_cast %get3A_921 : vector<16xf32> to vector<16xf32>
        %mul3A_923 = arith.mulf %get3A_919, %get3A_922 : vector<16xf32>
        %add3A_924 = arith.addf %add3A_888, %mul3A_923 : vector<16xf32>
        %get3A_925 = arith.index_cast %scan3A_817 : i32 to index
        %get3A_926 = arith.constant 176 : index
        %get3A_927 = tpu.vector_load %arg6[%get3A_925, %get3A_926] {strides = array<i32>} : memref<16x1024xf32, #tpu.memory_space<vmem>>, vector<1x16xf32>,
        %get3A_928 = vector.shape_cast %get3A_927 : vector<1x16xf32> to vector<16xf32>
        %get3A_929 = arith.constant 176 : index
        %get3A_930 = tpu.vector_load %arg8[%get3A_929] {strides = array<i32>} : memref<1024xf32, #tpu.memory_space<vmem>>, vector<16xf32>,
        %get3A_931 = vector.shape_cast %get3A_930 : vector<16xf32> to vector<16xf32>
        %mul3A_932 = arith.mulf %get3A_928, %get3A_931 : vector<16xf32>
        %add3A_933 = arith.addf %add3A_897, %mul3A_932 : vector<16xf32>
        %get3A_934 = arith.index_cast %scan3A_817 : i32 to index
        %get3A_935 = arith.constant 192 : index
        %get3A_936 = tpu.vector_load %arg6[%get3A_934, %get3A_935] {strides = array<i32>} : memref<16x1024xf32, #tpu.memory_space<vmem>>, vector<1x16xf32>,
        %get3A_937 = vector.shape_cast %get3A_936 : vector<1x16xf32> to vector<16xf32>
        %get3A_938 = arith.constant 192 : index
        %get3A_939 = tpu.vector_load %arg8[%get3A_938] {strides = array<i32>} : memref<1024xf32, #tpu.memory_space<vmem>>, vector<16xf32>,
        %get3A_940 = vector.shape_cast %get3A_939 : vector<16xf32> to vector<16xf32>
        %mul3A_941 = arith.mulf %get3A_937, %get3A_940 : vector<16xf32>
        %add3A_942 = arith.addf %add3A_906, %mul3A_941 : vector<16xf32>
        %get3A_943 = arith.index_cast %scan3A_817 : i32 to index
        %get3A_944 = arith.constant 208 : index
        %get3A_945 = tpu.vector_load %arg6[%get3A_943, %get3A_944] {strides = array<i32>} : memref<16x1024xf32, #tpu.memory_space<vmem>>, vector<1x16xf32>,
        %get3A_946 = vector.shape_cast %get3A_945 : vector<1x16xf32> to vector<16xf32>
        %get3A_947 = arith.constant 208 : index
        %get3A_948 = tpu.vector_load %arg8[%get3A_947] {strides = array<i32>} : memref<1024xf32, #tpu.memory_space<vmem>>, vector<16xf32>,
        %get3A_949 = vector.shape_cast %get3A_948 : vector<16xf32> to vector<16xf32>
        %mul3A_950 = arith.mulf %get3A_946, %get3A_949 : vector<16xf32>
        %add3A_951 = arith.addf %add3A_915, %mul3A_950 : vector<16xf32>
        %get3A_952 = arith.index_cast %scan3A_817 : i32 to index
        %get3A_953 = arith.constant 224 : index
        %get3A_954 = tpu.vector_load %arg6[%get3A_952, %get3A_953] {strides = array<i32>} : memref<16x1024xf32, #tpu.memory_space<vmem>>, vector<1x16xf32>,
        %get3A_955 = vector.shape_cast %get3A_954 : vector<1x16xf32> to vector<16xf32>
        %get3A_956 = arith.constant 224 : index
        %get3A_957 = tpu.vector_load %arg8[%get3A_956] {strides = array<i32>} : memref<1024xf32, #tpu.memory_space<vmem>>, vector<16xf32>,
        %get3A_958 = vector.shape_cast %get3A_957 : vector<16xf32> to vector<16xf32>
        %mul3A_959 = arith.mulf %get3A_955, %get3A_958 : vector<16xf32>
        %add3A_960 = arith.addf %add3A_924, %mul3A_959 : vector<16xf32>
        %get3A_961 = arith.index_cast %scan3A_817 : i32 to index
        %get3A_962 = arith.constant 240 : index
        %get3A_963 = tpu.vector_load %arg6[%get3A_961, %get3A_962] {strides = array<i32>} : memref<16x1024xf32, #tpu.memory_space<vmem>>, vector<1x16xf32>,
        %get3A_964 = vector.shape_cast %get3A_963 : vector<1x16xf32> to vector<16xf32>
        %get3A_965 = arith.constant 240 : index
        %get3A_966 = tpu.vector_load %arg8[%get3A_965] {strides = array<i32>} : memref<1024xf32, #tpu.memory_space<vmem>>, vector<16xf32>,
        %get3A_967 = vector.shape_cast %get3A_966 : vector<16xf32> to vector<16xf32>
        %mul3A_968 = arith.mulf %get3A_964, %get3A_967 : vector<16xf32>
        %add3A_969 = arith.addf %add3A_933, %mul3A_968 : vector<16xf32>
        %get3A_970 = arith.index_cast %scan3A_817 : i32 to index
        %get3A_971 = arith.constant 256 : index
        %get3A_972 = tpu.vector_load %arg6[%get3A_970, %get3A_971] {strides = array<i32>} : memref<16x1024xf32, #tpu.memory_space<vmem>>, vector<1x16xf32>,
        %get3A_973 = vector.shape_cast %get3A_972 : vector<1x16xf32> to vector<16xf32>
        %get3A_974 = arith.constant 256 : index
        %get3A_975 = tpu.vector_load %arg8[%get3A_974] {strides = array<i32>} : memref<1024xf32, #tpu.memory_space<vmem>>, vector<16xf32>,
        %get3A_976 = vector.shape_cast %get3A_975 : vector<16xf32> to vector<16xf32>
        %mul3A_977 = arith.mulf %get3A_973, %get3A_976 : vector<16xf32>
        %add3A_978 = arith.addf %add3A_942, %mul3A_977 : vector<16xf32>
        %get3A_979 = arith.index_cast %scan3A_817 : i32 to index
        %get3A_980 = arith.constant 272 : index
        %get3A_981 = tpu.vector_load %arg6[%get3A_979, %get3A_980] {strides = array<i32>} : memref<16x1024xf32, #tpu.memory_space<vmem>>, vector<1x16xf32>,
        %get3A_982 = vector.shape_cast %get3A_981 : vector<1x16xf32> to vector<16xf32>
        %get3A_983 = arith.constant 272 : index
        %get3A_984 = tpu.vector_load %arg8[%get3A_983] {strides = array<i32>} : memref<1024xf32, #tpu.memory_space<vmem>>, vector<16xf32>,
        %get3A_985 = vector.shape_cast %get3A_984 : vector<16xf32> to vector<16xf32>
        %mul3A_986 = arith.mulf %get3A_982, %get3A_985 : vector<16xf32>
        %add3A_987 = arith.addf %add3A_951, %mul3A_986 : vector<16xf32>
        %get3A_988 = arith.index_cast %scan3A_817 : i32 to index
        %get3A_989 = arith.constant 288 : index
        %get3A_990 = tpu.vector_load %arg6[%get3A_988, %get3A_989] {strides = array<i32>} : memref<16x1024xf32, #tpu.memory_space<vmem>>, vector<1x16xf32>,
        %get3A_991 = vector.shape_cast %get3A_990 : vector<1x16xf32> to vector<16xf32>
        %get3A_992 = arith.constant 288 : index
        %get3A_993 = tpu.vector_load %arg8[%get3A_992] {strides = array<i32>} : memref<1024xf32, #tpu.memory_space<vmem>>, vector<16xf32>,
        %get3A_994 = vector.shape_cast %get3A_993 : vector<16xf32> to vector<16xf32>
        %mul3A_995 = arith.mulf %get3A_991, %get3A_994 : vector<16xf32>
        %add3A_996 = arith.addf %add3A_960, %mul3A_995 : vector<16xf32>
        %get3A_997 = arith.index_cast %scan3A_817 : i32 to index
        %get3A_998 = arith.constant 304 : index
        %get3A_999 = tpu.vector_load %arg6[%get3A_997, %get3A_998] {strides = array<i32>} : memref<16x1024xf32, #tpu.memory_space<vmem>>, vector<1x16xf32>,
        %get3A_1000 = vector.shape_cast %get3A_999 : vector<1x16xf32> to vector<16xf32>
        %get3A_1001 = arith.constant 304 : index
        %get3A_1002 = tpu.vector_load %arg8[%get3A_1001] {strides = array<i32>} : memref<1024xf32, #tpu.memory_space<vmem>>, vector<16xf32>,
        %get3A_1003 = vector.shape_cast %get3A_1002 : vector<16xf32> to vector<16xf32>
        %mul3A_1004 = arith.mulf %get3A_1000, %get3A_1003 : vector<16xf32>
        %add3A_1005 = arith.addf %add3A_969, %mul3A_1004 : vector<16xf32>
        %get3A_1006 = arith.index_cast %scan3A_817 : i32 to index
        %get3A_1007 = arith.constant 320 : index
        %get3A_1008 = tpu.vector_load %arg6[%get3A_1006, %get3A_1007] {strides = array<i32>} : memref<16x1024xf32, #tpu.memory_space<vmem>>, vector<1x16xf32>,
        %get3A_1009 = vector.shape_cast %get3A_1008 : vector<1x16xf32> to vector<16xf32>
        %get3A_1010 = arith.constant 320 : index
        %get3A_1011 = tpu.vector_load %arg8[%get3A_1010] {strides = array<i32>} : memref<1024xf32, #tpu.memory_space<vmem>>, vector<16xf32>,
        %get3A_1012 = vector.shape_cast %get3A_1011 : vector<16xf32> to vector<16xf32>
        %mul3A_1013 = arith.mulf %get3A_1009, %get3A_1012 : vector<16xf32>
        %add3A_1014 = arith.addf %add3A_978, %mul3A_1013 : vector<16xf32>
        %get3A_1015 = arith.index_cast %scan3A_817 : i32 to index
        %get3A_1016 = arith.constant 336 : index
        %get3A_1017 = tpu.vector_load %arg6[%get3A_1015, %get3A_1016] {strides = array<i32>} : memref<16x1024xf32, #tpu.memory_space<vmem>>, vector<1x16xf32>,
        %get3A_1018 = vector.shape_cast %get3A_1017 : vector<1x16xf32> to vector<16xf32>
        %get3A_1019 = arith.constant 336 : index
        %get3A_1020 = tpu.vector_load %arg8[%get3A_1019] {strides = array<i32>} : memref<1024xf32, #tpu.memory_space<vmem>>, vector<16xf32>,
        %get3A_1021 = vector.shape_cast %get3A_1020 : vector<16xf32> to vector<16xf32>
        %mul3A_1022 = arith.mulf %get3A_1018, %get3A_1021 : vector<16xf32>
        %add3A_1023 = arith.addf %add3A_987, %mul3A_1022 : vector<16xf32>
        %get3A_1024 = arith.index_cast %scan3A_817 : i32 to index
        %get3A_1025 = arith.constant 352 : index
        %get3A_1026 = tpu.vector_load %arg6[%get3A_1024, %get3A_1025] {strides = array<i32>} : memref<16x1024xf32, #tpu.memory_space<vmem>>, vector<1x16xf32>,
        %get3A_1027 = vector.shape_cast %get3A_1026 : vector<1x16xf32> to vector<16xf32>
        %get3A_1028 = arith.constant 352 : index
        %get3A_1029 = tpu.vector_load %arg8[%get3A_1028] {strides = array<i32>} : memref<1024xf32, #tpu.memory_space<vmem>>, vector<16xf32>,
        %get3A_1030 = vector.shape_cast %get3A_1029 : vector<16xf32> to vector<16xf32>
        %mul3A_1031 = arith.mulf %get3A_1027, %get3A_1030 : vector<16xf32>
        %add3A_1032 = arith.addf %add3A_996, %mul3A_1031 : vector<16xf32>
        %get3A_1033 = arith.index_cast %scan3A_817 : i32 to index
        %get3A_1034 = arith.constant 368 : index
        %get3A_1035 = tpu.vector_load %arg6[%get3A_1033, %get3A_1034] {strides = array<i32>} : memref<16x1024xf32, #tpu.memory_space<vmem>>, vector<1x16xf32>,
        %get3A_1036 = vector.shape_cast %get3A_1035 : vector<1x16xf32> to vector<16xf32>
        %get3A_1037 = arith.constant 368 : index
        %get3A_1038 = tpu.vector_load %arg8[%get3A_1037] {strides = array<i32>} : memref<1024xf32, #tpu.memory_space<vmem>>, vector<16xf32>,
        %get3A_1039 = vector.shape_cast %get3A_1038 : vector<16xf32> to vector<16xf32>
        %mul3A_1040 = arith.mulf %get3A_1036, %get3A_1039 : vector<16xf32>
        %add3A_1041 = arith.addf %add3A_1005, %mul3A_1040 : vector<16xf32>
        %get3A_1042 = arith.index_cast %scan3A_817 : i32 to index
        %get3A_1043 = arith.constant 384 : index
        %get3A_1044 = tpu.vector_load %arg6[%get3A_1042, %get3A_1043] {strides = array<i32>} : memref<16x1024xf32, #tpu.memory_space<vmem>>, vector<1x16xf32>,
        %get3A_1045 = vector.shape_cast %get3A_1044 : vector<1x16xf32> to vector<16xf32>
        %get3A_1046 = arith.constant 384 : index
        %get3A_1047 = tpu.vector_load %arg8[%get3A_1046] {strides = array<i32>} : memref<1024xf32, #tpu.memory_space<vmem>>, vector<16xf32>,
        %get3A_1048 = vector.shape_cast %get3A_1047 : vector<16xf32> to vector<16xf32>
        %mul3A_1049 = arith.mulf %get3A_1045, %get3A_1048 : vector<16xf32>
        %add3A_1050 = arith.addf %add3A_1014, %mul3A_1049 : vector<16xf32>
        %get3A_1051 = arith.index_cast %scan3A_817 : i32 to index
        %get3A_1052 = arith.constant 400 : index
        %get3A_1053 = tpu.vector_load %arg6[%get3A_1051, %get3A_1052] {strides = array<i32>} : memref<16x1024xf32, #tpu.memory_space<vmem>>, vector<1x16xf32>,
        %get3A_1054 = vector.shape_cast %get3A_1053 : vector<1x16xf32> to vector<16xf32>
        %get3A_1055 = arith.constant 400 : index
        %get3A_1056 = tpu.vector_load %arg8[%get3A_1055] {strides = array<i32>} : memref<1024xf32, #tpu.memory_space<vmem>>, vector<16xf32>,
        %get3A_1057 = vector.shape_cast %get3A_1056 : vector<16xf32> to vector<16xf32>
        %mul3A_1058 = arith.mulf %get3A_1054, %get3A_1057 : vector<16xf32>
        %add3A_1059 = arith.addf %add3A_1023, %mul3A_1058 : vector<16xf32>
        %get3A_1060 = arith.index_cast %scan3A_817 : i32 to index
        %get3A_1061 = arith.constant 416 : index
        %get3A_1062 = tpu.vector_load %arg6[%get3A_1060, %get3A_1061] {strides = array<i32>} : memref<16x1024xf32, #tpu.memory_space<vmem>>, vector<1x16xf32>,
        %get3A_1063 = vector.shape_cast %get3A_1062 : vector<1x16xf32> to vector<16xf32>
        %get3A_1064 = arith.constant 416 : index
        %get3A_1065 = tpu.vector_load %arg8[%get3A_1064] {strides = array<i32>} : memref<1024xf32, #tpu.memory_space<vmem>>, vector<16xf32>,
        %get3A_1066 = vector.shape_cast %get3A_1065 : vector<16xf32> to vector<16xf32>
        %mul3A_1067 = arith.mulf %get3A_1063, %get3A_1066 : vector<16xf32>
        %add3A_1068 = arith.addf %add3A_1032, %mul3A_1067 : vector<16xf32>
        %get3A_1069 = arith.index_cast %scan3A_817 : i32 to index
        %get3A_1070 = arith.constant 432 : index
        %get3A_1071 = tpu.vector_load %arg6[%get3A_1069, %get3A_1070] {strides = array<i32>} : memref<16x1024xf32, #tpu.memory_space<vmem>>, vector<1x16xf32>,
        %get3A_1072 = vector.shape_cast %get3A_1071 : vector<1x16xf32> to vector<16xf32>
        %get3A_1073 = arith.constant 432 : index
        %get3A_1074 = tpu.vector_load %arg8[%get3A_1073] {strides = array<i32>} : memref<1024xf32, #tpu.memory_space<vmem>>, vector<16xf32>,
        %get3A_1075 = vector.shape_cast %get3A_1074 : vector<16xf32> to vector<16xf32>
        %mul3A_1076 = arith.mulf %get3A_1072, %get3A_1075 : vector<16xf32>
        %add3A_1077 = arith.addf %add3A_1041, %mul3A_1076 : vector<16xf32>
        %get3A_1078 = arith.index_cast %scan3A_817 : i32 to index
        %get3A_1079 = arith.constant 448 : index
        %get3A_1080 = tpu.vector_load %arg6[%get3A_1078, %get3A_1079] {strides = array<i32>} : memref<16x1024xf32, #tpu.memory_space<vmem>>, vector<1x16xf32>,
        %get3A_1081 = vector.shape_cast %get3A_1080 : vector<1x16xf32> to vector<16xf32>
        %get3A_1082 = arith.constant 448 : index
        %get3A_1083 = tpu.vector_load %arg8[%get3A_1082] {strides = array<i32>} : memref<1024xf32, #tpu.memory_space<vmem>>, vector<16xf32>,
        %get3A_1084 = vector.shape_cast %get3A_1083 : vector<16xf32> to vector<16xf32>
        %mul3A_1085 = arith.mulf %get3A_1081, %get3A_1084 : vector<16xf32>
        %add3A_1086 = arith.addf %add3A_1050, %mul3A_1085 : vector<16xf32>
        %get3A_1087 = arith.index_cast %scan3A_817 : i32 to index
        %get3A_1088 = arith.constant 464 : index
        %get3A_1089 = tpu.vector_load %arg6[%get3A_1087, %get3A_1088] {strides = array<i32>} : memref<16x1024xf32, #tpu.memory_space<vmem>>, vector<1x16xf32>,
        %get3A_1090 = vector.shape_cast %get3A_1089 : vector<1x16xf32> to vector<16xf32>
        %get3A_1091 = arith.constant 464 : index
        %get3A_1092 = tpu.vector_load %arg8[%get3A_1091] {strides = array<i32>} : memref<1024xf32, #tpu.memory_space<vmem>>, vector<16xf32>,
        %get3A_1093 = vector.shape_cast %get3A_1092 : vector<16xf32> to vector<16xf32>
        %mul3A_1094 = arith.mulf %get3A_1090, %get3A_1093 : vector<16xf32>
        %add3A_1095 = arith.addf %add3A_1059, %mul3A_1094 : vector<16xf32>
        %get3A_1096 = arith.index_cast %scan3A_817 : i32 to index
        %get3A_1097 = arith.constant 480 : index
        %get3A_1098 = tpu.vector_load %arg6[%get3A_1096, %get3A_1097] {strides = array<i32>} : memref<16x1024xf32, #tpu.memory_space<vmem>>, vector<1x16xf32>,
        %get3A_1099 = vector.shape_cast %get3A_1098 : vector<1x16xf32> to vector<16xf32>
        %get3A_1100 = arith.constant 480 : index
        %get3A_1101 = tpu.vector_load %arg8[%get3A_1100] {strides = array<i32>} : memref<1024xf32, #tpu.memory_space<vmem>>, vector<16xf32>,
        %get3A_1102 = vector.shape_cast %get3A_1101 : vector<16xf32> to vector<16xf32>
        %mul3A_1103 = arith.mulf %get3A_1099, %get3A_1102 : vector<16xf32>
        %add3A_1104 = arith.addf %add3A_1068, %mul3A_1103 : vector<16xf32>
        %get3A_1105 = arith.index_cast %scan3A_817 : i32 to index
        %get3A_1106 = arith.constant 496 : index
        %get3A_1107 = tpu.vector_load %arg6[%get3A_1105, %get3A_1106] {strides = array<i32>} : memref<16x1024xf32, #tpu.memory_space<vmem>>, vector<1x16xf32>,
        %get3A_1108 = vector.shape_cast %get3A_1107 : vector<1x16xf32> to vector<16xf32>
        %get3A_1109 = arith.constant 496 : index
        %get3A_1110 = tpu.vector_load %arg8[%get3A_1109] {strides = array<i32>} : memref<1024xf32, #tpu.memory_space<vmem>>, vector<16xf32>,
        %get3A_1111 = vector.shape_cast %get3A_1110 : vector<16xf32> to vector<16xf32>
        %mul3A_1112 = arith.mulf %get3A_1108, %get3A_1111 : vector<16xf32>
        %add3A_1113 = arith.addf %add3A_1077, %mul3A_1112 : vector<16xf32>
        %get3A_1114 = arith.index_cast %scan3A_817 : i32 to index
        %get3A_1115 = arith.constant 512 : index
        %get3A_1116 = tpu.vector_load %arg6[%get3A_1114, %get3A_1115] {strides = array<i32>} : memref<16x1024xf32, #tpu.memory_space<vmem>>, vector<1x16xf32>,
        %get3A_1117 = vector.shape_cast %get3A_1116 : vector<1x16xf32> to vector<16xf32>
        %get3A_1118 = arith.constant 512 : index
        %get3A_1119 = tpu.vector_load %arg8[%get3A_1118] {strides = array<i32>} : memref<1024xf32, #tpu.memory_space<vmem>>, vector<16xf32>,
        %get3A_1120 = vector.shape_cast %get3A_1119 : vector<16xf32> to vector<16xf32>
        %mul3A_1121 = arith.mulf %get3A_1117, %get3A_1120 : vector<16xf32>
        %add3A_1122 = arith.addf %add3A_1086, %mul3A_1121 : vector<16xf32>
        %get3A_1123 = arith.index_cast %scan3A_817 : i32 to index
        %get3A_1124 = arith.constant 528 : index
        %get3A_1125 = tpu.vector_load %arg6[%get3A_1123, %get3A_1124] {strides = array<i32>} : memref<16x1024xf32, #tpu.memory_space<vmem>>, vector<1x16xf32>,
        %get3A_1126 = vector.shape_cast %get3A_1125 : vector<1x16xf32> to vector<16xf32>
        %get3A_1127 = arith.constant 528 : index
        %get3A_1128 = tpu.vector_load %arg8[%get3A_1127] {strides = array<i32>} : memref<1024xf32, #tpu.memory_space<vmem>>, vector<16xf32>,
        %get3A_1129 = vector.shape_cast %get3A_1128 : vector<16xf32> to vector<16xf32>
        %mul3A_1130 = arith.mulf %get3A_1126, %get3A_1129 : vector<16xf32>
        %add3A_1131 = arith.addf %add3A_1095, %mul3A_1130 : vector<16xf32>
        %get3A_1132 = arith.index_cast %scan3A_817 : i32 to index
        %get3A_1133 = arith.constant 544 : index
        %get3A_1134 = tpu.vector_load %arg6[%get3A_1132, %get3A_1133] {strides = array<i32>} : memref<16x1024xf32, #tpu.memory_space<vmem>>, vector<1x16xf32>,
        %get3A_1135 = vector.shape_cast %get3A_1134 : vector<1x16xf32> to vector<16xf32>
        %get3A_1136 = arith.constant 544 : index
        %get3A_1137 = tpu.vector_load %arg8[%get3A_1136] {strides = array<i32>} : memref<1024xf32, #tpu.memory_space<vmem>>, vector<16xf32>,
        %get3A_1138 = vector.shape_cast %get3A_1137 : vector<16xf32> to vector<16xf32>
        %mul3A_1139 = arith.mulf %get3A_1135, %get3A_1138 : vector<16xf32>
        %add3A_1140 = arith.addf %add3A_1104, %mul3A_1139 : vector<16xf32>
        %get3A_1141 = arith.index_cast %scan3A_817 : i32 to index
        %get3A_1142 = arith.constant 560 : index
        %get3A_1143 = tpu.vector_load %arg6[%get3A_1141, %get3A_1142] {strides = array<i32>} : memref<16x1024xf32, #tpu.memory_space<vmem>>, vector<1x16xf32>,
        %get3A_1144 = vector.shape_cast %get3A_1143 : vector<1x16xf32> to vector<16xf32>
        %get3A_1145 = arith.constant 560 : index
        %get3A_1146 = tpu.vector_load %arg8[%get3A_1145] {strides = array<i32>} : memref<1024xf32, #tpu.memory_space<vmem>>, vector<16xf32>,
        %get3A_1147 = vector.shape_cast %get3A_1146 : vector<16xf32> to vector<16xf32>
        %mul3A_1148 = arith.mulf %get3A_1144, %get3A_1147 : vector<16xf32>
        %add3A_1149 = arith.addf %add3A_1113, %mul3A_1148 : vector<16xf32>
        %get3A_1150 = arith.index_cast %scan3A_817 : i32 to index
        %get3A_1151 = arith.constant 576 : index
        %get3A_1152 = tpu.vector_load %arg6[%get3A_1150, %get3A_1151] {strides = array<i32>} : memref<16x1024xf32, #tpu.memory_space<vmem>>, vector<1x16xf32>,
        %get3A_1153 = vector.shape_cast %get3A_1152 : vector<1x16xf32> to vector<16xf32>
        %get3A_1154 = arith.constant 576 : index
        %get3A_1155 = tpu.vector_load %arg8[%get3A_1154] {strides = array<i32>} : memref<1024xf32, #tpu.memory_space<vmem>>, vector<16xf32>,
        %get3A_1156 = vector.shape_cast %get3A_1155 : vector<16xf32> to vector<16xf32>
        %mul3A_1157 = arith.mulf %get3A_1153, %get3A_1156 : vector<16xf32>
        %add3A_1158 = arith.addf %add3A_1122, %mul3A_1157 : vector<16xf32>
        %get3A_1159 = arith.index_cast %scan3A_817 : i32 to index
        %get3A_1160 = arith.constant 592 : index
        %get3A_1161 = tpu.vector_load %arg6[%get3A_1159, %get3A_1160] {strides = array<i32>} : memref<16x1024xf32, #tpu.memory_space<vmem>>, vector<1x16xf32>,
        %get3A_1162 = vector.shape_cast %get3A_1161 : vector<1x16xf32> to vector<16xf32>
        %get3A_1163 = arith.constant 592 : index
        %get3A_1164 = tpu.vector_load %arg8[%get3A_1163] {strides = array<i32>} : memref<1024xf32, #tpu.memory_space<vmem>>, vector<16xf32>,
        %get3A_1165 = vector.shape_cast %get3A_1164 : vector<16xf32> to vector<16xf32>
        %mul3A_1166 = arith.mulf %get3A_1162, %get3A_1165 : vector<16xf32>
        %add3A_1167 = arith.addf %add3A_1131, %mul3A_1166 : vector<16xf32>
        %get3A_1168 = arith.index_cast %scan3A_817 : i32 to index
        %get3A_1169 = arith.constant 608 : index
        %get3A_1170 = tpu.vector_load %arg6[%get3A_1168, %get3A_1169] {strides = array<i32>} : memref<16x1024xf32, #tpu.memory_space<vmem>>, vector<1x16xf32>,
        %get3A_1171 = vector.shape_cast %get3A_1170 : vector<1x16xf32> to vector<16xf32>
        %get3A_1172 = arith.constant 608 : index
        %get3A_1173 = tpu.vector_load %arg8[%get3A_1172] {strides = array<i32>} : memref<1024xf32, #tpu.memory_space<vmem>>, vector<16xf32>,
        %get3A_1174 = vector.shape_cast %get3A_1173 : vector<16xf32> to vector<16xf32>
        %mul3A_1175 = arith.mulf %get3A_1171, %get3A_1174 : vector<16xf32>
        %add3A_1176 = arith.addf %add3A_1140, %mul3A_1175 : vector<16xf32>
        %get3A_1177 = arith.index_cast %scan3A_817 : i32 to index
        %get3A_1178 = arith.constant 624 : index
        %get3A_1179 = tpu.vector_load %arg6[%get3A_1177, %get3A_1178] {strides = array<i32>} : memref<16x1024xf32, #tpu.memory_space<vmem>>, vector<1x16xf32>,
        %get3A_1180 = vector.shape_cast %get3A_1179 : vector<1x16xf32> to vector<16xf32>
        %get3A_1181 = arith.constant 624 : index
        %get3A_1182 = tpu.vector_load %arg8[%get3A_1181] {strides = array<i32>} : memref<1024xf32, #tpu.memory_space<vmem>>, vector<16xf32>,
        %get3A_1183 = vector.shape_cast %get3A_1182 : vector<16xf32> to vector<16xf32>
        %mul3A_1184 = arith.mulf %get3A_1180, %get3A_1183 : vector<16xf32>
        %add3A_1185 = arith.addf %add3A_1149, %mul3A_1184 : vector<16xf32>
        %get3A_1186 = arith.index_cast %scan3A_817 : i32 to index
        %get3A_1187 = arith.constant 640 : index
        %get3A_1188 = tpu.vector_load %arg6[%get3A_1186, %get3A_1187] {strides = array<i32>} : memref<16x1024xf32, #tpu.memory_space<vmem>>, vector<1x16xf32>,
        %get3A_1189 = vector.shape_cast %get3A_1188 : vector<1x16xf32> to vector<16xf32>
        %get3A_1190 = arith.constant 640 : index
        %get3A_1191 = tpu.vector_load %arg8[%get3A_1190] {strides = array<i32>} : memref<1024xf32, #tpu.memory_space<vmem>>, vector<16xf32>,
        %get3A_1192 = vector.shape_cast %get3A_1191 : vector<16xf32> to vector<16xf32>
        %mul3A_1193 = arith.mulf %get3A_1189, %get3A_1192 : vector<16xf32>
        %add3A_1194 = arith.addf %add3A_1158, %mul3A_1193 : vector<16xf32>
        %get3A_1195 = arith.index_cast %scan3A_817 : i32 to index
        %get3A_1196 = arith.constant 656 : index
        %get3A_1197 = tpu.vector_load %arg6[%get3A_1195, %get3A_1196] {strides = array<i32>} : memref<16x1024xf32, #tpu.memory_space<vmem>>, vector<1x16xf32>,
        %get3A_1198 = vector.shape_cast %get3A_1197 : vector<1x16xf32> to vector<16xf32>
        %get3A_1199 = arith.constant 656 : index
        %get3A_1200 = tpu.vector_load %arg8[%get3A_1199] {strides = array<i32>} : memref<1024xf32, #tpu.memory_space<vmem>>, vector<16xf32>,
        %get3A_1201 = vector.shape_cast %get3A_1200 : vector<16xf32> to vector<16xf32>
        %mul3A_1202 = arith.mulf %get3A_1198, %get3A_1201 : vector<16xf32>
        %add3A_1203 = arith.addf %add3A_1167, %mul3A_1202 : vector<16xf32>
        %get3A_1204 = arith.index_cast %scan3A_817 : i32 to index
        %get3A_1205 = arith.constant 672 : index
        %get3A_1206 = tpu.vector_load %arg6[%get3A_1204, %get3A_1205] {strides = array<i32>} : memref<16x1024xf32, #tpu.memory_space<vmem>>, vector<1x16xf32>,
        %get3A_1207 = vector.shape_cast %get3A_1206 : vector<1x16xf32> to vector<16xf32>
        %get3A_1208 = arith.constant 672 : index
        %get3A_1209 = tpu.vector_load %arg8[%get3A_1208] {strides = array<i32>} : memref<1024xf32, #tpu.memory_space<vmem>>, vector<16xf32>,
        %get3A_1210 = vector.shape_cast %get3A_1209 : vector<16xf32> to vector<16xf32>
        %mul3A_1211 = arith.mulf %get3A_1207, %get3A_1210 : vector<16xf32>
        %add3A_1212 = arith.addf %add3A_1176, %mul3A_1211 : vector<16xf32>
        %get3A_1213 = arith.index_cast %scan3A_817 : i32 to index
        %get3A_1214 = arith.constant 688 : index
        %get3A_1215 = tpu.vector_load %arg6[%get3A_1213, %get3A_1214] {strides = array<i32>} : memref<16x1024xf32, #tpu.memory_space<vmem>>, vector<1x16xf32>,
        %get3A_1216 = vector.shape_cast %get3A_1215 : vector<1x16xf32> to vector<16xf32>
        %get3A_1217 = arith.constant 688 : index
        %get3A_1218 = tpu.vector_load %arg8[%get3A_1217] {strides = array<i32>} : memref<1024xf32, #tpu.memory_space<vmem>>, vector<16xf32>,
        %get3A_1219 = vector.shape_cast %get3A_1218 : vector<16xf32> to vector<16xf32>
        %mul3A_1220 = arith.mulf %get3A_1216, %get3A_1219 : vector<16xf32>
        %add3A_1221 = arith.addf %add3A_1185, %mul3A_1220 : vector<16xf32>
        %get3A_1222 = arith.index_cast %scan3A_817 : i32 to index
        %get3A_1223 = arith.constant 704 : index
        %get3A_1224 = tpu.vector_load %arg6[%get3A_1222, %get3A_1223] {strides = array<i32>} : memref<16x1024xf32, #tpu.memory_space<vmem>>, vector<1x16xf32>,
        %get3A_1225 = vector.shape_cast %get3A_1224 : vector<1x16xf32> to vector<16xf32>
        %get3A_1226 = arith.constant 704 : index
        %get3A_1227 = tpu.vector_load %arg8[%get3A_1226] {strides = array<i32>} : memref<1024xf32, #tpu.memory_space<vmem>>, vector<16xf32>,
        %get3A_1228 = vector.shape_cast %get3A_1227 : vector<16xf32> to vector<16xf32>
        %mul3A_1229 = arith.mulf %get3A_1225, %get3A_1228 : vector<16xf32>
        %add3A_1230 = arith.addf %add3A_1194, %mul3A_1229 : vector<16xf32>
        %get3A_1231 = arith.index_cast %scan3A_817 : i32 to index
        %get3A_1232 = arith.constant 720 : index
        %get3A_1233 = tpu.vector_load %arg6[%get3A_1231, %get3A_1232] {strides = array<i32>} : memref<16x1024xf32, #tpu.memory_space<vmem>>, vector<1x16xf32>,
        %get3A_1234 = vector.shape_cast %get3A_1233 : vector<1x16xf32> to vector<16xf32>
        %get3A_1235 = arith.constant 720 : index
        %get3A_1236 = tpu.vector_load %arg8[%get3A_1235] {strides = array<i32>} : memref<1024xf32, #tpu.memory_space<vmem>>, vector<16xf32>,
        %get3A_1237 = vector.shape_cast %get3A_1236 : vector<16xf32> to vector<16xf32>
        %mul3A_1238 = arith.mulf %get3A_1234, %get3A_1237 : vector<16xf32>
        %add3A_1239 = arith.addf %add3A_1203, %mul3A_1238 : vector<16xf32>
        %get3A_1240 = arith.index_cast %scan3A_817 : i32 to index
        %get3A_1241 = arith.constant 736 : index
        %get3A_1242 = tpu.vector_load %arg6[%get3A_1240, %get3A_1241] {strides = array<i32>} : memref<16x1024xf32, #tpu.memory_space<vmem>>, vector<1x16xf32>,
        %get3A_1243 = vector.shape_cast %get3A_1242 : vector<1x16xf32> to vector<16xf32>
        %get3A_1244 = arith.constant 736 : index
        %get3A_1245 = tpu.vector_load %arg8[%get3A_1244] {strides = array<i32>} : memref<1024xf32, #tpu.memory_space<vmem>>, vector<16xf32>,
        %get3A_1246 = vector.shape_cast %get3A_1245 : vector<16xf32> to vector<16xf32>
        %mul3A_1247 = arith.mulf %get3A_1243, %get3A_1246 : vector<16xf32>
        %add3A_1248 = arith.addf %add3A_1212, %mul3A_1247 : vector<16xf32>
        %get3A_1249 = arith.index_cast %scan3A_817 : i32 to index
        %get3A_1250 = arith.constant 752 : index
        %get3A_1251 = tpu.vector_load %arg6[%get3A_1249, %get3A_1250] {strides = array<i32>} : memref<16x1024xf32, #tpu.memory_space<vmem>>, vector<1x16xf32>,
        %get3A_1252 = vector.shape_cast %get3A_1251 : vector<1x16xf32> to vector<16xf32>
        %get3A_1253 = arith.constant 752 : index
        %get3A_1254 = tpu.vector_load %arg8[%get3A_1253] {strides = array<i32>} : memref<1024xf32, #tpu.memory_space<vmem>>, vector<16xf32>,
        %get3A_1255 = vector.shape_cast %get3A_1254 : vector<16xf32> to vector<16xf32>
        %mul3A_1256 = arith.mulf %get3A_1252, %get3A_1255 : vector<16xf32>
        %add3A_1257 = arith.addf %add3A_1221, %mul3A_1256 : vector<16xf32>
        %get3A_1258 = arith.index_cast %scan3A_817 : i32 to index
        %get3A_1259 = arith.constant 768 : index
        %get3A_1260 = tpu.vector_load %arg6[%get3A_1258, %get3A_1259] {strides = array<i32>} : memref<16x1024xf32, #tpu.memory_space<vmem>>, vector<1x16xf32>,
        %get3A_1261 = vector.shape_cast %get3A_1260 : vector<1x16xf32> to vector<16xf32>
        %get3A_1262 = arith.constant 768 : index
        %get3A_1263 = tpu.vector_load %arg8[%get3A_1262] {strides = array<i32>} : memref<1024xf32, #tpu.memory_space<vmem>>, vector<16xf32>,
        %get3A_1264 = vector.shape_cast %get3A_1263 : vector<16xf32> to vector<16xf32>
        %mul3A_1265 = arith.mulf %get3A_1261, %get3A_1264 : vector<16xf32>
        %add3A_1266 = arith.addf %add3A_1230, %mul3A_1265 : vector<16xf32>
        %get3A_1267 = arith.index_cast %scan3A_817 : i32 to index
        %get3A_1268 = arith.constant 784 : index
        %get3A_1269 = tpu.vector_load %arg6[%get3A_1267, %get3A_1268] {strides = array<i32>} : memref<16x1024xf32, #tpu.memory_space<vmem>>, vector<1x16xf32>,
        %get3A_1270 = vector.shape_cast %get3A_1269 : vector<1x16xf32> to vector<16xf32>
        %get3A_1271 = arith.constant 784 : index
        %get3A_1272 = tpu.vector_load %arg8[%get3A_1271] {strides = array<i32>} : memref<1024xf32, #tpu.memory_space<vmem>>, vector<16xf32>,
        %get3A_1273 = vector.shape_cast %get3A_1272 : vector<16xf32> to vector<16xf32>
        %mul3A_1274 = arith.mulf %get3A_1270, %get3A_1273 : vector<16xf32>
        %add3A_1275 = arith.addf %add3A_1239, %mul3A_1274 : vector<16xf32>
        %get3A_1276 = arith.index_cast %scan3A_817 : i32 to index
        %get3A_1277 = arith.constant 800 : index
        %get3A_1278 = tpu.vector_load %arg6[%get3A_1276, %get3A_1277] {strides = array<i32>} : memref<16x1024xf32, #tpu.memory_space<vmem>>, vector<1x16xf32>,
        %get3A_1279 = vector.shape_cast %get3A_1278 : vector<1x16xf32> to vector<16xf32>
        %get3A_1280 = arith.constant 800 : index
        %get3A_1281 = tpu.vector_load %arg8[%get3A_1280] {strides = array<i32>} : memref<1024xf32, #tpu.memory_space<vmem>>, vector<16xf32>,
        %get3A_1282 = vector.shape_cast %get3A_1281 : vector<16xf32> to vector<16xf32>
        %mul3A_1283 = arith.mulf %get3A_1279, %get3A_1282 : vector<16xf32>
        %add3A_1284 = arith.addf %add3A_1248, %mul3A_1283 : vector<16xf32>
        %get3A_1285 = arith.index_cast %scan3A_817 : i32 to index
        %get3A_1286 = arith.constant 816 : index
        %get3A_1287 = tpu.vector_load %arg6[%get3A_1285, %get3A_1286] {strides = array<i32>} : memref<16x1024xf32, #tpu.memory_space<vmem>>, vector<1x16xf32>,
        %get3A_1288 = vector.shape_cast %get3A_1287 : vector<1x16xf32> to vector<16xf32>
        %get3A_1289 = arith.constant 816 : index
        %get3A_1290 = tpu.vector_load %arg8[%get3A_1289] {strides = array<i32>} : memref<1024xf32, #tpu.memory_space<vmem>>, vector<16xf32>,
        %get3A_1291 = vector.shape_cast %get3A_1290 : vector<16xf32> to vector<16xf32>
        %mul3A_1292 = arith.mulf %get3A_1288, %get3A_1291 : vector<16xf32>
        %add3A_1293 = arith.addf %add3A_1257, %mul3A_1292 : vector<16xf32>
        %get3A_1294 = arith.index_cast %scan3A_817 : i32 to index
        %get3A_1295 = arith.constant 832 : index
        %get3A_1296 = tpu.vector_load %arg6[%get3A_1294, %get3A_1295] {strides = array<i32>} : memref<16x1024xf32, #tpu.memory_space<vmem>>, vector<1x16xf32>,
        %get3A_1297 = vector.shape_cast %get3A_1296 : vector<1x16xf32> to vector<16xf32>
        %get3A_1298 = arith.constant 832 : index
        %get3A_1299 = tpu.vector_load %arg8[%get3A_1298] {strides = array<i32>} : memref<1024xf32, #tpu.memory_space<vmem>>, vector<16xf32>,
        %get3A_1300 = vector.shape_cast %get3A_1299 : vector<16xf32> to vector<16xf32>
        %mul3A_1301 = arith.mulf %get3A_1297, %get3A_1300 : vector<16xf32>
        %add3A_1302 = arith.addf %add3A_1266, %mul3A_1301 : vector<16xf32>
        %get3A_1303 = arith.index_cast %scan3A_817 : i32 to index
        %get3A_1304 = arith.constant 848 : index
        %get3A_1305 = tpu.vector_load %arg6[%get3A_1303, %get3A_1304] {strides = array<i32>} : memref<16x1024xf32, #tpu.memory_space<vmem>>, vector<1x16xf32>,
        %get3A_1306 = vector.shape_cast %get3A_1305 : vector<1x16xf32> to vector<16xf32>
        %get3A_1307 = arith.constant 848 : index
        %get3A_1308 = tpu.vector_load %arg8[%get3A_1307] {strides = array<i32>} : memref<1024xf32, #tpu.memory_space<vmem>>, vector<16xf32>,
        %get3A_1309 = vector.shape_cast %get3A_1308 : vector<16xf32> to vector<16xf32>
        %mul3A_1310 = arith.mulf %get3A_1306, %get3A_1309 : vector<16xf32>
        %add3A_1311 = arith.addf %add3A_1275, %mul3A_1310 : vector<16xf32>
        %get3A_1312 = arith.index_cast %scan3A_817 : i32 to index
        %get3A_1313 = arith.constant 864 : index
        %get3A_1314 = tpu.vector_load %arg6[%get3A_1312, %get3A_1313] {strides = array<i32>} : memref<16x1024xf32, #tpu.memory_space<vmem>>, vector<1x16xf32>,
        %get3A_1315 = vector.shape_cast %get3A_1314 : vector<1x16xf32> to vector<16xf32>
        %get3A_1316 = arith.constant 864 : index
        %get3A_1317 = tpu.vector_load %arg8[%get3A_1316] {strides = array<i32>} : memref<1024xf32, #tpu.memory_space<vmem>>, vector<16xf32>,
        %get3A_1318 = vector.shape_cast %get3A_1317 : vector<16xf32> to vector<16xf32>
        %mul3A_1319 = arith.mulf %get3A_1315, %get3A_1318 : vector<16xf32>
        %add3A_1320 = arith.addf %add3A_1284, %mul3A_1319 : vector<16xf32>
        %get3A_1321 = arith.index_cast %scan3A_817 : i32 to index
        %get3A_1322 = arith.constant 880 : index
        %get3A_1323 = tpu.vector_load %arg6[%get3A_1321, %get3A_1322] {strides = array<i32>} : memref<16x1024xf32, #tpu.memory_space<vmem>>, vector<1x16xf32>,
        %get3A_1324 = vector.shape_cast %get3A_1323 : vector<1x16xf32> to vector<16xf32>
        %get3A_1325 = arith.constant 880 : index
        %get3A_1326 = tpu.vector_load %arg8[%get3A_1325] {strides = array<i32>} : memref<1024xf32, #tpu.memory_space<vmem>>, vector<16xf32>,
        %get3A_1327 = vector.shape_cast %get3A_1326 : vector<16xf32> to vector<16xf32>
        %mul3A_1328 = arith.mulf %get3A_1324, %get3A_1327 : vector<16xf32>
        %add3A_1329 = arith.addf %add3A_1293, %mul3A_1328 : vector<16xf32>
        %get3A_1330 = arith.index_cast %scan3A_817 : i32 to index
        %get3A_1331 = arith.constant 896 : index
        %get3A_1332 = tpu.vector_load %arg6[%get3A_1330, %get3A_1331] {strides = array<i32>} : memref<16x1024xf32, #tpu.memory_space<vmem>>, vector<1x16xf32>,
        %get3A_1333 = vector.shape_cast %get3A_1332 : vector<1x16xf32> to vector<16xf32>
        %get3A_1334 = arith.constant 896 : index
        %get3A_1335 = tpu.vector_load %arg8[%get3A_1334] {strides = array<i32>} : memref<1024xf32, #tpu.memory_space<vmem>>, vector<16xf32>,
        %get3A_1336 = vector.shape_cast %get3A_1335 : vector<16xf32> to vector<16xf32>
        %mul3A_1337 = arith.mulf %get3A_1333, %get3A_1336 : vector<16xf32>
        %add3A_1338 = arith.addf %add3A_1302, %mul3A_1337 : vector<16xf32>
        %get3A_1339 = arith.index_cast %scan3A_817 : i32 to index
        %get3A_1340 = arith.constant 912 : index
        %get3A_1341 = tpu.vector_load %arg6[%get3A_1339, %get3A_1340] {strides = array<i32>} : memref<16x1024xf32, #tpu.memory_space<vmem>>, vector<1x16xf32>,
        %get3A_1342 = vector.shape_cast %get3A_1341 : vector<1x16xf32> to vector<16xf32>
        %get3A_1343 = arith.constant 912 : index
        %get3A_1344 = tpu.vector_load %arg8[%get3A_1343] {strides = array<i32>} : memref<1024xf32, #tpu.memory_space<vmem>>, vector<16xf32>,
        %get3A_1345 = vector.shape_cast %get3A_1344 : vector<16xf32> to vector<16xf32>
        %mul3A_1346 = arith.mulf %get3A_1342, %get3A_1345 : vector<16xf32>
        %add3A_1347 = arith.addf %add3A_1311, %mul3A_1346 : vector<16xf32>
        %get3A_1348 = arith.index_cast %scan3A_817 : i32 to index
        %get3A_1349 = arith.constant 928 : index
        %get3A_1350 = tpu.vector_load %arg6[%get3A_1348, %get3A_1349] {strides = array<i32>} : memref<16x1024xf32, #tpu.memory_space<vmem>>, vector<1x16xf32>,
        %get3A_1351 = vector.shape_cast %get3A_1350 : vector<1x16xf32> to vector<16xf32>
        %get3A_1352 = arith.constant 928 : index
        %get3A_1353 = tpu.vector_load %arg8[%get3A_1352] {strides = array<i32>} : memref<1024xf32, #tpu.memory_space<vmem>>, vector<16xf32>,
        %get3A_1354 = vector.shape_cast %get3A_1353 : vector<16xf32> to vector<16xf32>
        %mul3A_1355 = arith.mulf %get3A_1351, %get3A_1354 : vector<16xf32>
        %add3A_1356 = arith.addf %add3A_1320, %mul3A_1355 : vector<16xf32>
        %get3A_1357 = arith.index_cast %scan3A_817 : i32 to index
        %get3A_1358 = arith.constant 944 : index
        %get3A_1359 = tpu.vector_load %arg6[%get3A_1357, %get3A_1358] {strides = array<i32>} : memref<16x1024xf32, #tpu.memory_space<vmem>>, vector<1x16xf32>,
        %get3A_1360 = vector.shape_cast %get3A_1359 : vector<1x16xf32> to vector<16xf32>
        %get3A_1361 = arith.constant 944 : index
        %get3A_1362 = tpu.vector_load %arg8[%get3A_1361] {strides = array<i32>} : memref<1024xf32, #tpu.memory_space<vmem>>, vector<16xf32>,
        %get3A_1363 = vector.shape_cast %get3A_1362 : vector<16xf32> to vector<16xf32>
        %mul3A_1364 = arith.mulf %get3A_1360, %get3A_1363 : vector<16xf32>
        %add3A_1365 = arith.addf %add3A_1329, %mul3A_1364 : vector<16xf32>
        %get3A_1366 = arith.index_cast %scan3A_817 : i32 to index
        %get3A_1367 = arith.constant 960 : index
        %get3A_1368 = tpu.vector_load %arg6[%get3A_1366, %get3A_1367] {strides = array<i32>} : memref<16x1024xf32, #tpu.memory_space<vmem>>, vector<1x16xf32>,
        %get3A_1369 = vector.shape_cast %get3A_1368 : vector<1x16xf32> to vector<16xf32>
        %get3A_1370 = arith.constant 960 : index
        %get3A_1371 = tpu.vector_load %arg8[%get3A_1370] {strides = array<i32>} : memref<1024xf32, #tpu.memory_space<vmem>>, vector<16xf32>,
        %get3A_1372 = vector.shape_cast %get3A_1371 : vector<16xf32> to vector<16xf32>
        %mul3A_1373 = arith.mulf %get3A_1369, %get3A_1372 : vector<16xf32>
        %add3A_1374 = arith.addf %add3A_1338, %mul3A_1373 : vector<16xf32>
        %get3A_1375 = arith.index_cast %scan3A_817 : i32 to index
        %get3A_1376 = arith.constant 976 : index
        %get3A_1377 = tpu.vector_load %arg6[%get3A_1375, %get3A_1376] {strides = array<i32>} : memref<16x1024xf32, #tpu.memory_space<vmem>>, vector<1x16xf32>,
        %get3A_1378 = vector.shape_cast %get3A_1377 : vector<1x16xf32> to vector<16xf32>
        %get3A_1379 = arith.constant 976 : index
        %get3A_1380 = tpu.vector_load %arg8[%get3A_1379] {strides = array<i32>} : memref<1024xf32, #tpu.memory_space<vmem>>, vector<16xf32>,
        %get3A_1381 = vector.shape_cast %get3A_1380 : vector<16xf32> to vector<16xf32>
        %mul3A_1382 = arith.mulf %get3A_1378, %get3A_1381 : vector<16xf32>
        %add3A_1383 = arith.addf %add3A_1347, %mul3A_1382 : vector<16xf32>
        %get3A_1384 = arith.index_cast %scan3A_817 : i32 to index
        %get3A_1385 = arith.constant 992 : index
        %get3A_1386 = tpu.vector_load %arg6[%get3A_1384, %get3A_1385] {strides = array<i32>} : memref<16x1024xf32, #tpu.memory_space<vmem>>, vector<1x16xf32>,
        %get3A_1387 = vector.shape_cast %get3A_1386 : vector<1x16xf32> to vector<16xf32>
        %get3A_1388 = arith.constant 992 : index
        %get3A_1389 = tpu.vector_load %arg8[%get3A_1388] {strides = array<i32>} : memref<1024xf32, #tpu.memory_space<vmem>>, vector<16xf32>,
        %get3A_1390 = vector.shape_cast %get3A_1389 : vector<16xf32> to vector<16xf32>
        %mul3A_1391 = arith.mulf %get3A_1387, %get3A_1390 : vector<16xf32>
        %add3A_1392 = arith.addf %add3A_1356, %mul3A_1391 : vector<16xf32>
        %get3A_1393 = arith.index_cast %scan3A_817 : i32 to index
        %get3A_1394 = arith.constant 1008 : index
        %get3A_1395 = tpu.vector_load %arg6[%get3A_1393, %get3A_1394] {strides = array<i32>} : memref<16x1024xf32, #tpu.memory_space<vmem>>, vector<1x16xf32>,
        %get3A_1396 = vector.shape_cast %get3A_1395 : vector<1x16xf32> to vector<16xf32>
        %get3A_1397 = arith.constant 1008 : index
        %get3A_1398 = tpu.vector_load %arg8[%get3A_1397] {strides = array<i32>} : memref<1024xf32, #tpu.memory_space<vmem>>, vector<16xf32>,
        %get3A_1399 = vector.shape_cast %get3A_1398 : vector<16xf32> to vector<16xf32>
        %mul3A_1400 = arith.mulf %get3A_1396, %get3A_1399 : vector<16xf32>
        %add3A_1401 = arith.addf %add3A_1365, %mul3A_1400 : vector<16xf32>
        %add3A_1402 = arith.addf %add3A_1374, %add3A_1383 : vector<16xf32>
        %add3A_1403 = arith.addf %add3A_1392, %add3A_1401 : vector<16xf32>
        %add3A_1404 = arith.addf %add3A_1402, %add3A_1403 : vector<16xf32>
        %iota3A_1405 = tpu.iota {dimensions = array<i32: 0>} : vector<16xi32>
        %xor3A_1406 = arith.constant 8 : i32
        %xor3A_1407 = vector.broadcast %xor3A_1406 : i32 to vector<16xi32>
        %xor3A_1408 = arith.xori %iota3A_1405, %xor3A_1407 : vector<16xi32>
        %lt3A_1409 = arith.constant 0 : i32
        %lt3A_1410 = vector.broadcast %lt3A_1409 : i32 to vector<16xi32>
        %lt3A_1411 = arith.cmpi slt, %xor3A_1408, %lt3A_1410 : vector<16xi32>
        %add3A_1412 = arith.constant 16 : i32
        %add3A_1413 = vector.broadcast %add3A_1412 : i32 to vector<16xi32>
        %add3A_1414 = arith.addi %xor3A_1408, %add3A_1413 : vector<16xi32>
        %select_n3A_1415 = arith.select %lt3A_1411, %add3A_1414, %xor3A_1408 : vector<16xi1>, vector<16xi32>
        %broadcast_in_dim3A_1416 = vector.shape_cast %select_n3A_1415 : vector<16xi32> to vector<16x1xi32>
        %gather3A_1417 = vector.shape_cast %broadcast_in_dim3A_1416 : vector<16x1xi32> to vector<16xi32>
        %gather3A_1418 = tpu.dynamic_gather %add3A_1404[%gather3A_1417] in [0] : vector<16xf32>, vector<16xi32> -> vector<16xf32>
        %add3A_1419 = arith.addf %add3A_1404, %gather3A_1418 : vector<16xf32>
        %xor3A_1420 = arith.constant 4 : i32
        %xor3A_1421 = vector.broadcast %xor3A_1420 : i32 to vector<16xi32>
        %xor3A_1422 = arith.xori %iota3A_1405, %xor3A_1421 : vector<16xi32>
        %lt3A_1423 = arith.constant 0 : i32
        %lt3A_1424 = vector.broadcast %lt3A_1423 : i32 to vector<16xi32>
        %lt3A_1425 = arith.cmpi slt, %xor3A_1422, %lt3A_1424 : vector<16xi32>
        %add3A_1426 = arith.constant 16 : i32
        %add3A_1427 = vector.broadcast %add3A_1426 : i32 to vector<16xi32>
        %add3A_1428 = arith.addi %xor3A_1422, %add3A_1427 : vector<16xi32>
        %select_n3A_1429 = arith.select %lt3A_1425, %add3A_1428, %xor3A_1422 : vector<16xi1>, vector<16xi32>
        %broadcast_in_dim3A_1430 = vector.shape_cast %select_n3A_1429 : vector<16xi32> to vector<16x1xi32>
        %gather3A_1431 = vector.shape_cast %broadcast_in_dim3A_1430 : vector<16x1xi32> to vector<16xi32>
        %gather3A_1432 = tpu.dynamic_gather %add3A_1419[%gather3A_1431] in [0] : vector<16xf32>, vector<16xi32> -> vector<16xf32>
        %add3A_1433 = arith.addf %add3A_1419, %gather3A_1432 : vector<16xf32>
        %xor3A_1434 = arith.constant 2 : i32
        %xor3A_1435 = vector.broadcast %xor3A_1434 : i32 to vector<16xi32>
        %xor3A_1436 = arith.xori %iota3A_1405, %xor3A_1435 : vector<16xi32>
        %lt3A_1437 = arith.constant 0 : i32
        %lt3A_1438 = vector.broadcast %lt3A_1437 : i32 to vector<16xi32>
        %lt3A_1439 = arith.cmpi slt, %xor3A_1436, %lt3A_1438 : vector<16xi32>
        %add3A_1440 = arith.constant 16 : i32
        %add3A_1441 = vector.broadcast %add3A_1440 : i32 to vector<16xi32>
        %add3A_1442 = arith.addi %xor3A_1436, %add3A_1441 : vector<16xi32>
        %select_n3A_1443 = arith.select %lt3A_1439, %add3A_1442, %xor3A_1436 : vector<16xi1>, vector<16xi32>
        %broadcast_in_dim3A_1444 = vector.shape_cast %select_n3A_1443 : vector<16xi32> to vector<16x1xi32>
        %gather3A_1445 = vector.shape_cast %broadcast_in_dim3A_1444 : vector<16x1xi32> to vector<16xi32>
        %gather3A_1446 = tpu.dynamic_gather %add3A_1433[%gather3A_1445] in [0] : vector<16xf32>, vector<16xi32> -> vector<16xf32>
        %add3A_1447 = arith.addf %add3A_1433, %gather3A_1446 : vector<16xf32>
        %xor3A_1448 = arith.constant 1 : i32
        %xor3A_1449 = vector.broadcast %xor3A_1448 : i32 to vector<16xi32>
        %xor3A_1450 = arith.xori %iota3A_1405, %xor3A_1449 : vector<16xi32>
        %lt3A_1451 = arith.constant 0 : i32
        %lt3A_1452 = vector.broadcast %lt3A_1451 : i32 to vector<16xi32>
        %lt3A_1453 = arith.cmpi slt, %xor3A_1450, %lt3A_1452 : vector<16xi32>
        %add3A_1454 = arith.constant 16 : i32
        %add3A_1455 = vector.broadcast %add3A_1454 : i32 to vector<16xi32>
        %add3A_1456 = arith.addi %xor3A_1450, %add3A_1455 : vector<16xi32>
        %select_n3A_1457 = arith.select %lt3A_1453, %add3A_1456, %xor3A_1450 : vector<16xi1>, vector<16xi32>
        %broadcast_in_dim3A_1458 = vector.shape_cast %select_n3A_1457 : vector<16xi32> to vector<16x1xi32>
        %gather3A_1459 = vector.shape_cast %broadcast_in_dim3A_1458 : vector<16x1xi32> to vector<16xi32>
        %gather3A_1460 = tpu.dynamic_gather %add3A_1447[%gather3A_1459] in [0] : vector<16xf32>, vector<16xi32> -> vector<16xf32>
        %add3A_1461 = arith.addf %add3A_1447, %gather3A_1460 : vector<16xf32>
        %eq3A_1462 = vector.broadcast %scan3A_817 : i32 to vector<16xi32>
        %eq3A_1463 = arith.cmpi eq, %iota3A_469, %eq3A_1462 : vector<16xi32>
        %select_n3A_1464 = arith.select %eq3A_1463, %add3A_1461, %scan3A_818 : vector<16xi1>, vector<16xf32>
        scf.yield %select_n3A_1464 : vector<16xf32>
      }
      %scan3A_477 = arith.constant 16 : i32
      %iota3A_478 = tpu.iota {dimensions = array<i32: 0>} : vector<16xi32>
      %xor3A = arith.constant 8 : i32
      %xor3A_479 = vector.broadcast %xor3A : i32 to vector<16xi32>
      %xor3A_480 = arith.xori %iota3A_478, %xor3A_479 : vector<16xi32>
      %lt3A_481 = arith.constant 0 : i32
      %lt3A_482 = vector.broadcast %lt3A_481 : i32 to vector<16xi32>
      %lt3A_483 = arith.cmpi slt, %xor3A_480, %lt3A_482 : vector<16xi32>
      %add3A_484 = arith.constant 16 : i32
      %add3A_485 = vector.broadcast %add3A_484 : i32 to vector<16xi32>
      %add3A_486 = arith.addi %xor3A_480, %add3A_485 : vector<16xi32>
      %select_n3A_487 = arith.select %lt3A_483, %add3A_486, %xor3A_480 : vector<16xi1>, vector<16xi32>
      %broadcast_in_dim3A_488 = vector.shape_cast %select_n3A_487 : vector<16xi32> to vector<16x1xi32>
      %gather3A = vector.shape_cast %broadcast_in_dim3A_488 : vector<16x1xi32> to vector<16xi32>
      %gather3A_489 = tpu.dynamic_gather %scan3A_476[%gather3A] in [0] : vector<16xf32>, vector<16xi32> -> vector<16xf32>
      %max3A = arith.maximumf %scan3A_476, %gather3A_489 : vector<16xf32>
      %xor3A_490 = arith.constant 4 : i32
      %xor3A_491 = vector.broadcast %xor3A_490 : i32 to vector<16xi32>
      %xor3A_492 = arith.xori %iota3A_478, %xor3A_491 : vector<16xi32>
      %lt3A_493 = arith.constant 0 : i32
      %lt3A_494 = vector.broadcast %lt3A_493 : i32 to vector<16xi32>
      %lt3A_495 = arith.cmpi slt, %xor3A_492, %lt3A_494 : vector<16xi32>
      %add3A_496 = arith.constant 16 : i32
      %add3A_497 = vector.broadcast %add3A_496 : i32 to vector<16xi32>
      %add3A_498 = arith.addi %xor3A_492, %add3A_497 : vector<16xi32>
      %select_n3A_499 = arith.select %lt3A_495, %add3A_498, %xor3A_492 : vector<16xi1>, vector<16xi32>
      %broadcast_in_dim3A_500 = vector.shape_cast %select_n3A_499 : vector<16xi32> to vector<16x1xi32>
      %gather3A_501 = vector.shape_cast %broadcast_in_dim3A_500 : vector<16x1xi32> to vector<16xi32>
      %gather3A_502 = tpu.dynamic_gather %max3A[%gather3A_501] in [0] : vector<16xf32>, vector<16xi32> -> vector<16xf32>
      %max3A_503 = arith.maximumf %max3A, %gather3A_502 : vector<16xf32>
      %xor3A_504 = arith.constant 2 : i32
      %xor3A_505 = vector.broadcast %xor3A_504 : i32 to vector<16xi32>
      %xor3A_506 = arith.xori %iota3A_478, %xor3A_505 : vector<16xi32>
      %lt3A_507 = arith.constant 0 : i32
      %lt3A_508 = vector.broadcast %lt3A_507 : i32 to vector<16xi32>
      %lt3A_509 = arith.cmpi slt, %xor3A_506, %lt3A_508 : vector<16xi32>
      %add3A_510 = arith.constant 16 : i32
      %add3A_511 = vector.broadcast %add3A_510 : i32 to vector<16xi32>
      %add3A_512 = arith.addi %xor3A_506, %add3A_511 : vector<16xi32>
      %select_n3A_513 = arith.select %lt3A_509, %add3A_512, %xor3A_506 : vector<16xi1>, vector<16xi32>
      %broadcast_in_dim3A_514 = vector.shape_cast %select_n3A_513 : vector<16xi32> to vector<16x1xi32>
      %gather3A_515 = vector.shape_cast %broadcast_in_dim3A_514 : vector<16x1xi32> to vector<16xi32>
      %gather3A_516 = tpu.dynamic_gather %max3A_503[%gather3A_515] in [0] : vector<16xf32>, vector<16xi32> -> vector<16xf32>
      %max3A_517 = arith.maximumf %max3A_503, %gather3A_516 : vector<16xf32>
      %xor3A_518 = arith.constant 1 : i32
      %xor3A_519 = vector.broadcast %xor3A_518 : i32 to vector<16xi32>
      %xor3A_520 = arith.xori %iota3A_478, %xor3A_519 : vector<16xi32>
      %lt3A_521 = arith.constant 0 : i32
      %lt3A_522 = vector.broadcast %lt3A_521 : i32 to vector<16xi32>
      %lt3A_523 = arith.cmpi slt, %xor3A_520, %lt3A_522 : vector<16xi32>
      %add3A_524 = arith.constant 16 : i32
      %add3A_525 = vector.broadcast %add3A_524 : i32 to vector<16xi32>
      %add3A_526 = arith.addi %xor3A_520, %add3A_525 : vector<16xi32>
      %select_n3A_527 = arith.select %lt3A_523, %add3A_526, %xor3A_520 : vector<16xi1>, vector<16xi32>
      %broadcast_in_dim3A_528 = vector.shape_cast %select_n3A_527 : vector<16xi32> to vector<16x1xi32>
      %gather3A_529 = vector.shape_cast %broadcast_in_dim3A_528 : vector<16x1xi32> to vector<16xi32>
      %gather3A_530 = tpu.dynamic_gather %max3A_517[%gather3A_529] in [0] : vector<16xf32>, vector<16xi32> -> vector<16xf32>
      %max3A_531 = arith.maximumf %max3A_517, %gather3A_530 : vector<16xf32>
      %max3A_532 = arith.maximumf %scan3A_446, %max3A_531 : vector<16xf32>
      %sub3A_533 = arith.subf %scan3A_446, %max3A_532 : vector<16xf32>
      %exp3A = math.exp %sub3A_533 : vector<16xf32>
      %sub3A_534 = arith.subf %scan3A_476, %max3A_532 : vector<16xf32>
      %exp3A_535 = math.exp %sub3A_534 : vector<16xf32>
      %mul3A_536 = arith.mulf %scan3A_447, %exp3A : vector<16xf32>
      %iota3A_537 = tpu.iota {dimensions = array<i32: 0>} : vector<16xi32>
      %xor3A_538 = arith.constant 8 : i32
      %xor3A_539 = vector.broadcast %xor3A_538 : i32 to vector<16xi32>
      %xor3A_540 = arith.xori %iota3A_537, %xor3A_539 : vector<16xi32>
      %lt3A_541 = arith.constant 0 : i32
      %lt3A_542 = vector.broadcast %lt3A_541 : i32 to vector<16xi32>
      %lt3A_543 = arith.cmpi slt, %xor3A_540, %lt3A_542 : vector<16xi32>
      %add3A_544 = arith.constant 16 : i32
      %add3A_545 = vector.broadcast %add3A_544 : i32 to vector<16xi32>
      %add3A_546 = arith.addi %xor3A_540, %add3A_545 : vector<16xi32>
      %select_n3A_547 = arith.select %lt3A_543, %add3A_546, %xor3A_540 : vector<16xi1>, vector<16xi32>
      %broadcast_in_dim3A_548 = vector.shape_cast %select_n3A_547 : vector<16xi32> to vector<16x1xi32>
      %gather3A_549 = vector.shape_cast %broadcast_in_dim3A_548 : vector<16x1xi32> to vector<16xi32>
      %gather3A_550 = tpu.dynamic_gather %exp3A_535[%gather3A_549] in [0] : vector<16xf32>, vector<16xi32> -> vector<16xf32>
      %add3A_551 = arith.addf %exp3A_535, %gather3A_550 : vector<16xf32>
      %xor3A_552 = arith.constant 4 : i32
      %xor3A_553 = vector.broadcast %xor3A_552 : i32 to vector<16xi32>
      %xor3A_554 = arith.xori %iota3A_537, %xor3A_553 : vector<16xi32>
      %lt3A_555 = arith.constant 0 : i32
      %lt3A_556 = vector.broadcast %lt3A_555 : i32 to vector<16xi32>
      %lt3A_557 = arith.cmpi slt, %xor3A_554, %lt3A_556 : vector<16xi32>
      %add3A_558 = arith.constant 16 : i32
      %add3A_559 = vector.broadcast %add3A_558 : i32 to vector<16xi32>
      %add3A_560 = arith.addi %xor3A_554, %add3A_559 : vector<16xi32>
      %select_n3A_561 = arith.select %lt3A_557, %add3A_560, %xor3A_554 : vector<16xi1>, vector<16xi32>
      %broadcast_in_dim3A_562 = vector.shape_cast %select_n3A_561 : vector<16xi32> to vector<16x1xi32>
      %gather3A_563 = vector.shape_cast %broadcast_in_dim3A_562 : vector<16x1xi32> to vector<16xi32>
      %gather3A_564 = tpu.dynamic_gather %add3A_551[%gather3A_563] in [0] : vector<16xf32>, vector<16xi32> -> vector<16xf32>
      %add3A_565 = arith.addf %add3A_551, %gather3A_564 : vector<16xf32>
      %xor3A_566 = arith.constant 2 : i32
      %xor3A_567 = vector.broadcast %xor3A_566 : i32 to vector<16xi32>
      %xor3A_568 = arith.xori %iota3A_537, %xor3A_567 : vector<16xi32>
      %lt3A_569 = arith.constant 0 : i32
      %lt3A_570 = vector.broadcast %lt3A_569 : i32 to vector<16xi32>
      %lt3A_571 = arith.cmpi slt, %xor3A_568, %lt3A_570 : vector<16xi32>
      %add3A_572 = arith.constant 16 : i32
      %add3A_573 = vector.broadcast %add3A_572 : i32 to vector<16xi32>
      %add3A_574 = arith.addi %xor3A_568, %add3A_573 : vector<16xi32>
      %select_n3A_575 = arith.select %lt3A_571, %add3A_574, %xor3A_568 : vector<16xi1>, vector<16xi32>
      %broadcast_in_dim3A_576 = vector.shape_cast %select_n3A_575 : vector<16xi32> to vector<16x1xi32>
      %gather3A_577 = vector.shape_cast %broadcast_in_dim3A_576 : vector<16x1xi32> to vector<16xi32>
      %gather3A_578 = tpu.dynamic_gather %add3A_565[%gather3A_577] in [0] : vector<16xf32>, vector<16xi32> -> vector<16xf32>
      %add3A_579 = arith.addf %add3A_565, %gather3A_578 : vector<16xf32>
      %xor3A_580 = arith.constant 1 : i32
      %xor3A_581 = vector.broadcast %xor3A_580 : i32 to vector<16xi32>
      %xor3A_582 = arith.xori %iota3A_537, %xor3A_581 : vector<16xi32>
      %lt3A_583 = arith.constant 0 : i32
      %lt3A_584 = vector.broadcast %lt3A_583 : i32 to vector<16xi32>
      %lt3A_585 = arith.cmpi slt, %xor3A_582, %lt3A_584 : vector<16xi32>
      %add3A_586 = arith.constant 16 : i32
      %add3A_587 = vector.broadcast %add3A_586 : i32 to vector<16xi32>
      %add3A_588 = arith.addi %xor3A_582, %add3A_587 : vector<16xi32>
      %select_n3A_589 = arith.select %lt3A_585, %add3A_588, %xor3A_582 : vector<16xi1>, vector<16xi32>
      %broadcast_in_dim3A_590 = vector.shape_cast %select_n3A_589 : vector<16xi32> to vector<16x1xi32>
      %gather3A_591 = vector.shape_cast %broadcast_in_dim3A_590 : vector<16x1xi32> to vector<16xi32>
      %gather3A_592 = tpu.dynamic_gather %add3A_579[%gather3A_591] in [0] : vector<16xf32>, vector<16xi32> -> vector<16xf32>
      %add3A_593 = arith.addf %add3A_579, %gather3A_592 : vector<16xf32>
      %add3A_594 = arith.addf %mul3A_536, %add3A_593 : vector<16xf32>
      %slice3A = vector.extract_strided_slice %exp3A_535 {offsets = [0], sizes = [1], strides = [1]} : vector<16xf32> to vector<1xf32>
      %squeeze3A = vector.extract %slice3A[0] : f32 from vector<1xf32>
      %slice3A_595 = vector.extract_strided_slice %exp3A_535 {offsets = [1], sizes = [1], strides = [1]} : vector<16xf32> to vector<1xf32>
      %squeeze3A_596 = vector.extract %slice3A_595[0] : f32 from vector<1xf32>
      %slice3A_597 = vector.extract_strided_slice %exp3A_535 {offsets = [2], sizes = [1], strides = [1]} : vector<16xf32> to vector<1xf32>
      %squeeze3A_598 = vector.extract %slice3A_597[0] : f32 from vector<1xf32>
      %slice3A_599 = vector.extract_strided_slice %exp3A_535 {offsets = [3], sizes = [1], strides = [1]} : vector<16xf32> to vector<1xf32>
      %squeeze3A_600 = vector.extract %slice3A_599[0] : f32 from vector<1xf32>
      %slice3A_601 = vector.extract_strided_slice %exp3A_535 {offsets = [4], sizes = [1], strides = [1]} : vector<16xf32> to vector<1xf32>
      %squeeze3A_602 = vector.extract %slice3A_601[0] : f32 from vector<1xf32>
      %slice3A_603 = vector.extract_strided_slice %exp3A_535 {offsets = [5], sizes = [1], strides = [1]} : vector<16xf32> to vector<1xf32>
      %squeeze3A_604 = vector.extract %slice3A_603[0] : f32 from vector<1xf32>
      %slice3A_605 = vector.extract_strided_slice %exp3A_535 {offsets = [6], sizes = [1], strides = [1]} : vector<16xf32> to vector<1xf32>
      %squeeze3A_606 = vector.extract %slice3A_605[0] : f32 from vector<1xf32>
      %slice3A_607 = vector.extract_strided_slice %exp3A_535 {offsets = [7], sizes = [1], strides = [1]} : vector<16xf32> to vector<1xf32>
      %squeeze3A_608 = vector.extract %slice3A_607[0] : f32 from vector<1xf32>
      %slice3A_609 = vector.extract_strided_slice %exp3A_535 {offsets = [8], sizes = [1], strides = [1]} : vector<16xf32> to vector<1xf32>
      %squeeze3A_610 = vector.extract %slice3A_609[0] : f32 from vector<1xf32>
      %slice3A_611 = vector.extract_strided_slice %exp3A_535 {offsets = [9], sizes = [1], strides = [1]} : vector<16xf32> to vector<1xf32>
      %squeeze3A_612 = vector.extract %slice3A_611[0] : f32 from vector<1xf32>
      %slice3A_613 = vector.extract_strided_slice %exp3A_535 {offsets = [10], sizes = [1], strides = [1]} : vector<16xf32> to vector<1xf32>
      %squeeze3A_614 = vector.extract %slice3A_613[0] : f32 from vector<1xf32>
      %slice3A_615 = vector.extract_strided_slice %exp3A_535 {offsets = [11], sizes = [1], strides = [1]} : vector<16xf32> to vector<1xf32>
      %squeeze3A_616 = vector.extract %slice3A_615[0] : f32 from vector<1xf32>
      %slice3A_617 = vector.extract_strided_slice %exp3A_535 {offsets = [12], sizes = [1], strides = [1]} : vector<16xf32> to vector<1xf32>
      %squeeze3A_618 = vector.extract %slice3A_617[0] : f32 from vector<1xf32>
      %slice3A_619 = vector.extract_strided_slice %exp3A_535 {offsets = [13], sizes = [1], strides = [1]} : vector<16xf32> to vector<1xf32>
      %squeeze3A_620 = vector.extract %slice3A_619[0] : f32 from vector<1xf32>
      %slice3A_621 = vector.extract_strided_slice %exp3A_535 {offsets = [14], sizes = [1], strides = [1]} : vector<16xf32> to vector<1xf32>
      %squeeze3A_622 = vector.extract %slice3A_621[0] : f32 from vector<1xf32>
      %slice3A_623 = vector.extract_strided_slice %exp3A_535 {offsets = [15], sizes = [1], strides = [1]} : vector<16xf32> to vector<1xf32>
      %squeeze3A_624 = vector.extract %slice3A_623[0] : f32 from vector<1xf32>
      %scan3A_625 = arith.constant 0 : i32
      %scan3A_626 = arith.constant 0 : i32
      %scan3A_627 = arith.constant 16 : i32
      %scan3A_628 = arith.addi %scan3A_626, %scan3A_627 : i32
      %scan3A_629 = arith.constant 1 : i32
      %scan3A_630 = scf.for %scan3A_817 = %scan3A_626 to %scan3A_628 step %scan3A_629 iter_args(%scan3A_818 = %scan3A_625) -> (i32)  : i32 {
        %mul3A_819 = arith.constant 4 : i32
        %mul3A_820 = arith.muli %scan3A_817, %mul3A_819 : i32
        %add3A_821 = arith.constant 0 : i32
        %add3A_822 = arith.addi %mul3A_820, %add3A_821 : i32
        %mul3A_823 = arith.constant 16 : i32
        %mul3A_824 = arith.muli %mul3A_823, %add3A_822 : i32
        %get3A = arith.constant 0 : i32
        %get3A_825 = arith.index_cast %get3A : i32 to index
        %get3A_826 = arith.index_cast %mul3A_824 : i32 to index
        %get3A_827 = tpu.vector_load %arg6[%get3A_825, %get3A_826] {strides = array<i32>} : memref<16x1024xf32, #tpu.memory_space<vmem>>, vector<1x16xf32>,
        %get3A_828 = vector.shape_cast %get3A_827 : vector<1x16xf32> to vector<16xf32>
        %mul3A_829 = vector.broadcast %squeeze3A : f32 to vector<16xf32>
        %mul3A_830 = arith.mulf %mul3A_829, %get3A_828 : vector<16xf32>
        %mul3A_831 = arith.constant 16 : i32
        %mul3A_832 = arith.muli %mul3A_831, %add3A_822 : i32
        %get3A_833 = arith.constant 1 : i32
        %get3A_834 = arith.index_cast %get3A_833 : i32 to index
        %get3A_835 = arith.index_cast %mul3A_832 : i32 to index
        %get3A_836 = tpu.vector_load %arg6[%get3A_834, %get3A_835] {strides = array<i32>} : memref<16x1024xf32, #tpu.memory_space<vmem>>, vector<1x16xf32>,
        %get3A_837 = vector.shape_cast %get3A_836 : vector<1x16xf32> to vector<16xf32>
        %mul3A_838 = vector.broadcast %squeeze3A_596 : f32 to vector<16xf32>
        %mul3A_839 = arith.mulf %mul3A_838, %get3A_837 : vector<16xf32>
        %mul3A_840 = arith.constant 16 : i32
        %mul3A_841 = arith.muli %mul3A_840, %add3A_822 : i32
        %get3A_842 = arith.constant 2 : i32
        %get3A_843 = arith.index_cast %get3A_842 : i32 to index
        %get3A_844 = arith.index_cast %mul3A_841 : i32 to index
        %get3A_845 = tpu.vector_load %arg6[%get3A_843, %get3A_844] {strides = array<i32>} : memref<16x1024xf32, #tpu.memory_space<vmem>>, vector<1x16xf32>,
        %get3A_846 = vector.shape_cast %get3A_845 : vector<1x16xf32> to vector<16xf32>
        %mul3A_847 = vector.broadcast %squeeze3A_598 : f32 to vector<16xf32>
        %mul3A_848 = arith.mulf %mul3A_847, %get3A_846 : vector<16xf32>
        %mul3A_849 = arith.constant 16 : i32
        %mul3A_850 = arith.muli %mul3A_849, %add3A_822 : i32
        %get3A_851 = arith.constant 3 : i32
        %get3A_852 = arith.index_cast %get3A_851 : i32 to index
        %get3A_853 = arith.index_cast %mul3A_850 : i32 to index
        %get3A_854 = tpu.vector_load %arg6[%get3A_852, %get3A_853] {strides = array<i32>} : memref<16x1024xf32, #tpu.memory_space<vmem>>, vector<1x16xf32>,
        %get3A_855 = vector.shape_cast %get3A_854 : vector<1x16xf32> to vector<16xf32>
        %mul3A_856 = vector.broadcast %squeeze3A_600 : f32 to vector<16xf32>
        %mul3A_857 = arith.mulf %mul3A_856, %get3A_855 : vector<16xf32>
        %mul3A_858 = arith.constant 16 : i32
        %mul3A_859 = arith.muli %mul3A_858, %add3A_822 : i32
        %get3A_860 = arith.constant 4 : i32
        %get3A_861 = arith.index_cast %get3A_860 : i32 to index
        %get3A_862 = arith.index_cast %mul3A_859 : i32 to index
        %get3A_863 = tpu.vector_load %arg6[%get3A_861, %get3A_862] {strides = array<i32>} : memref<16x1024xf32, #tpu.memory_space<vmem>>, vector<1x16xf32>,
        %get3A_864 = vector.shape_cast %get3A_863 : vector<1x16xf32> to vector<16xf32>
        %mul3A_865 = vector.broadcast %squeeze3A_602 : f32 to vector<16xf32>
        %mul3A_866 = arith.mulf %mul3A_865, %get3A_864 : vector<16xf32>
        %add3A_867 = arith.addf %mul3A_830, %mul3A_866 : vector<16xf32>
        %mul3A_868 = arith.constant 16 : i32
        %mul3A_869 = arith.muli %mul3A_868, %add3A_822 : i32
        %get3A_870 = arith.constant 5 : i32
        %get3A_871 = arith.index_cast %get3A_870 : i32 to index
        %get3A_872 = arith.index_cast %mul3A_869 : i32 to index
        %get3A_873 = tpu.vector_load %arg6[%get3A_871, %get3A_872] {strides = array<i32>} : memref<16x1024xf32, #tpu.memory_space<vmem>>, vector<1x16xf32>,
        %get3A_874 = vector.shape_cast %get3A_873 : vector<1x16xf32> to vector<16xf32>
        %mul3A_875 = vector.broadcast %squeeze3A_604 : f32 to vector<16xf32>
        %mul3A_876 = arith.mulf %mul3A_875, %get3A_874 : vector<16xf32>
        %add3A_877 = arith.addf %mul3A_839, %mul3A_876 : vector<16xf32>
        %mul3A_878 = arith.constant 16 : i32
        %mul3A_879 = arith.muli %mul3A_878, %add3A_822 : i32
        %get3A_880 = arith.constant 6 : i32
        %get3A_881 = arith.index_cast %get3A_880 : i32 to index
        %get3A_882 = arith.index_cast %mul3A_879 : i32 to index
        %get3A_883 = tpu.vector_load %arg6[%get3A_881, %get3A_882] {strides = array<i32>} : memref<16x1024xf32, #tpu.memory_space<vmem>>, vector<1x16xf32>,
        %get3A_884 = vector.shape_cast %get3A_883 : vector<1x16xf32> to vector<16xf32>
        %mul3A_885 = vector.broadcast %squeeze3A_606 : f32 to vector<16xf32>
        %mul3A_886 = arith.mulf %mul3A_885, %get3A_884 : vector<16xf32>
        %add3A_887 = arith.addf %mul3A_848, %mul3A_886 : vector<16xf32>
        %mul3A_888 = arith.constant 16 : i32
        %mul3A_889 = arith.muli %mul3A_888, %add3A_822 : i32
        %get3A_890 = arith.constant 7 : i32
        %get3A_891 = arith.index_cast %get3A_890 : i32 to index
        %get3A_892 = arith.index_cast %mul3A_889 : i32 to index
        %get3A_893 = tpu.vector_load %arg6[%get3A_891, %get3A_892] {strides = array<i32>} : memref<16x1024xf32, #tpu.memory_space<vmem>>, vector<1x16xf32>,
        %get3A_894 = vector.shape_cast %get3A_893 : vector<1x16xf32> to vector<16xf32>
        %mul3A_895 = vector.broadcast %squeeze3A_608 : f32 to vector<16xf32>
        %mul3A_896 = arith.mulf %mul3A_895, %get3A_894 : vector<16xf32>
        %add3A_897 = arith.addf %mul3A_857, %mul3A_896 : vector<16xf32>
        %mul3A_898 = arith.constant 16 : i32
        %mul3A_899 = arith.muli %mul3A_898, %add3A_822 : i32
        %get3A_900 = arith.constant 8 : i32
        %get3A_901 = arith.index_cast %get3A_900 : i32 to index
        %get3A_902 = arith.index_cast %mul3A_899 : i32 to index
        %get3A_903 = tpu.vector_load %arg6[%get3A_901, %get3A_902] {strides = array<i32>} : memref<16x1024xf32, #tpu.memory_space<vmem>>, vector<1x16xf32>,
        %get3A_904 = vector.shape_cast %get3A_903 : vector<1x16xf32> to vector<16xf32>
        %mul3A_905 = vector.broadcast %squeeze3A_610 : f32 to vector<16xf32>
        %mul3A_906 = arith.mulf %mul3A_905, %get3A_904 : vector<16xf32>
        %add3A_907 = arith.addf %add3A_867, %mul3A_906 : vector<16xf32>
        %mul3A_908 = arith.constant 16 : i32
        %mul3A_909 = arith.muli %mul3A_908, %add3A_822 : i32
        %get3A_910 = arith.constant 9 : i32
        %get3A_911 = arith.index_cast %get3A_910 : i32 to index
        %get3A_912 = arith.index_cast %mul3A_909 : i32 to index
        %get3A_913 = tpu.vector_load %arg6[%get3A_911, %get3A_912] {strides = array<i32>} : memref<16x1024xf32, #tpu.memory_space<vmem>>, vector<1x16xf32>,
        %get3A_914 = vector.shape_cast %get3A_913 : vector<1x16xf32> to vector<16xf32>
        %mul3A_915 = vector.broadcast %squeeze3A_612 : f32 to vector<16xf32>
        %mul3A_916 = arith.mulf %mul3A_915, %get3A_914 : vector<16xf32>
        %add3A_917 = arith.addf %add3A_877, %mul3A_916 : vector<16xf32>
        %mul3A_918 = arith.constant 16 : i32
        %mul3A_919 = arith.muli %mul3A_918, %add3A_822 : i32
        %get3A_920 = arith.constant 10 : i32
        %get3A_921 = arith.index_cast %get3A_920 : i32 to index
        %get3A_922 = arith.index_cast %mul3A_919 : i32 to index
        %get3A_923 = tpu.vector_load %arg6[%get3A_921, %get3A_922] {strides = array<i32>} : memref<16x1024xf32, #tpu.memory_space<vmem>>, vector<1x16xf32>,
        %get3A_924 = vector.shape_cast %get3A_923 : vector<1x16xf32> to vector<16xf32>
        %mul3A_925 = vector.broadcast %squeeze3A_614 : f32 to vector<16xf32>
        %mul3A_926 = arith.mulf %mul3A_925, %get3A_924 : vector<16xf32>
        %add3A_927 = arith.addf %add3A_887, %mul3A_926 : vector<16xf32>
        %mul3A_928 = arith.constant 16 : i32
        %mul3A_929 = arith.muli %mul3A_928, %add3A_822 : i32
        %get3A_930 = arith.constant 11 : i32
        %get3A_931 = arith.index_cast %get3A_930 : i32 to index
        %get3A_932 = arith.index_cast %mul3A_929 : i32 to index
        %get3A_933 = tpu.vector_load %arg6[%get3A_931, %get3A_932] {strides = array<i32>} : memref<16x1024xf32, #tpu.memory_space<vmem>>, vector<1x16xf32>,
        %get3A_934 = vector.shape_cast %get3A_933 : vector<1x16xf32> to vector<16xf32>
        %mul3A_935 = vector.broadcast %squeeze3A_616 : f32 to vector<16xf32>
        %mul3A_936 = arith.mulf %mul3A_935, %get3A_934 : vector<16xf32>
        %add3A_937 = arith.addf %add3A_897, %mul3A_936 : vector<16xf32>
        %mul3A_938 = arith.constant 16 : i32
        %mul3A_939 = arith.muli %mul3A_938, %add3A_822 : i32
        %get3A_940 = arith.constant 12 : i32
        %get3A_941 = arith.index_cast %get3A_940 : i32 to index
        %get3A_942 = arith.index_cast %mul3A_939 : i32 to index
        %get3A_943 = tpu.vector_load %arg6[%get3A_941, %get3A_942] {strides = array<i32>} : memref<16x1024xf32, #tpu.memory_space<vmem>>, vector<1x16xf32>,
        %get3A_944 = vector.shape_cast %get3A_943 : vector<1x16xf32> to vector<16xf32>
        %mul3A_945 = vector.broadcast %squeeze3A_618 : f32 to vector<16xf32>
        %mul3A_946 = arith.mulf %mul3A_945, %get3A_944 : vector<16xf32>
        %add3A_947 = arith.addf %add3A_907, %mul3A_946 : vector<16xf32>
        %mul3A_948 = arith.constant 16 : i32
        %mul3A_949 = arith.muli %mul3A_948, %add3A_822 : i32
        %get3A_950 = arith.constant 13 : i32
        %get3A_951 = arith.index_cast %get3A_950 : i32 to index
        %get3A_952 = arith.index_cast %mul3A_949 : i32 to index
        %get3A_953 = tpu.vector_load %arg6[%get3A_951, %get3A_952] {strides = array<i32>} : memref<16x1024xf32, #tpu.memory_space<vmem>>, vector<1x16xf32>,
        %get3A_954 = vector.shape_cast %get3A_953 : vector<1x16xf32> to vector<16xf32>
        %mul3A_955 = vector.broadcast %squeeze3A_620 : f32 to vector<16xf32>
        %mul3A_956 = arith.mulf %mul3A_955, %get3A_954 : vector<16xf32>
        %add3A_957 = arith.addf %add3A_917, %mul3A_956 : vector<16xf32>
        %mul3A_958 = arith.constant 16 : i32
        %mul3A_959 = arith.muli %mul3A_958, %add3A_822 : i32
        %get3A_960 = arith.constant 14 : i32
        %get3A_961 = arith.index_cast %get3A_960 : i32 to index
        %get3A_962 = arith.index_cast %mul3A_959 : i32 to index
        %get3A_963 = tpu.vector_load %arg6[%get3A_961, %get3A_962] {strides = array<i32>} : memref<16x1024xf32, #tpu.memory_space<vmem>>, vector<1x16xf32>,
        %get3A_964 = vector.shape_cast %get3A_963 : vector<1x16xf32> to vector<16xf32>
        %mul3A_965 = vector.broadcast %squeeze3A_622 : f32 to vector<16xf32>
        %mul3A_966 = arith.mulf %mul3A_965, %get3A_964 : vector<16xf32>
        %add3A_967 = arith.addf %add3A_927, %mul3A_966 : vector<16xf32>
        %mul3A_968 = arith.constant 16 : i32
        %mul3A_969 = arith.muli %mul3A_968, %add3A_822 : i32
        %get3A_970 = arith.constant 15 : i32
        %get3A_971 = arith.index_cast %get3A_970 : i32 to index
        %get3A_972 = arith.index_cast %mul3A_969 : i32 to index
        %get3A_973 = tpu.vector_load %arg6[%get3A_971, %get3A_972] {strides = array<i32>} : memref<16x1024xf32, #tpu.memory_space<vmem>>, vector<1x16xf32>,
        %get3A_974 = vector.shape_cast %get3A_973 : vector<1x16xf32> to vector<16xf32>
        %mul3A_975 = vector.broadcast %squeeze3A_624 : f32 to vector<16xf32>
        %mul3A_976 = arith.mulf %mul3A_975, %get3A_974 : vector<16xf32>
        %add3A_977 = arith.addf %add3A_937, %mul3A_976 : vector<16xf32>
        %mul3A_978 = arith.constant 16 : i32
        %mul3A_979 = arith.muli %mul3A_978, %add3A_822 : i32
        %get3A_980 = arith.index_cast %mul3A_979 : i32 to index
        %get3A_981 = tpu.vector_load %arg9[%get3A_980] {strides = array<i32>} : memref<1024xf32, #tpu.memory_space<vmem>>, vector<16xf32>,
        %get3A_982 = vector.shape_cast %get3A_981 : vector<16xf32> to vector<16xf32>
        %mul3A_983 = arith.mulf %get3A_982, %exp3A : vector<16xf32>
        %add3A_984 = arith.addf %add3A_947, %add3A_957 : vector<16xf32>
        %add3A_985 = arith.addf %add3A_967, %add3A_977 : vector<16xf32>
        %add3A_986 = arith.addf %add3A_984, %add3A_985 : vector<16xf32>
        %add3A_987 = arith.addf %mul3A_983, %add3A_986 : vector<16xf32>
        %mul3A_988 = arith.constant 16 : i32
        %mul3A_989 = arith.muli %mul3A_988, %add3A_822 : i32
        %swap3A_990 = arith.index_cast %mul3A_989 : i32 to index
        %swap3A_991 = tpu.vector_load %arg9[%swap3A_990] {strides = array<i32>} : memref<1024xf32, #tpu.memory_space<vmem>>, vector<16xf32>,
        %swap3A_992 = vector.shape_cast %swap3A_991 : vector<16xf32> to vector<16xf32>
        %swap3A_993 = vector.shape_cast %add3A_987 : vector<16xf32> to vector<16xf32>
        tpu.vector_store %arg9[%swap3A_990], %swap3A_993 {strides = array<i32>} : memref<1024xf32, #tpu.memory_space<vmem>>, vector<16xf32>,
        %mul3A_994 = arith.constant 4 : i32
        %mul3A_995 = arith.muli %scan3A_817, %mul3A_994 : i32
        %add3A_996 = arith.constant 1 : i32
        %add3A_997 = arith.addi %mul3A_995, %add3A_996 : i32
        %mul3A_998 = arith.constant 16 : i32
        %mul3A_999 = arith.muli %mul3A_998, %add3A_997 : i32
        %get3A_1000 = arith.constant 0 : i32
        %get3A_1001 = arith.index_cast %get3A_1000 : i32 to index
        %get3A_1002 = arith.index_cast %mul3A_999 : i32 to index
        %get3A_1003 = tpu.vector_load %arg6[%get3A_1001, %get3A_1002] {strides = array<i32>} : memref<16x1024xf32, #tpu.memory_space<vmem>>, vector<1x16xf32>,
        %get3A_1004 = vector.shape_cast %get3A_1003 : vector<1x16xf32> to vector<16xf32>
        %mul3A_1005 = vector.broadcast %squeeze3A : f32 to vector<16xf32>
        %mul3A_1006 = arith.mulf %mul3A_1005, %get3A_1004 : vector<16xf32>
        %mul3A_1007 = arith.constant 16 : i32
        %mul3A_1008 = arith.muli %mul3A_1007, %add3A_997 : i32
        %get3A_1009 = arith.constant 1 : i32
        %get3A_1010 = arith.index_cast %get3A_1009 : i32 to index
        %get3A_1011 = arith.index_cast %mul3A_1008 : i32 to index
        %get3A_1012 = tpu.vector_load %arg6[%get3A_1010, %get3A_1011] {strides = array<i32>} : memref<16x1024xf32, #tpu.memory_space<vmem>>, vector<1x16xf32>,
        %get3A_1013 = vector.shape_cast %get3A_1012 : vector<1x16xf32> to vector<16xf32>
        %mul3A_1014 = vector.broadcast %squeeze3A_596 : f32 to vector<16xf32>
        %mul3A_1015 = arith.mulf %mul3A_1014, %get3A_1013 : vector<16xf32>
        %mul3A_1016 = arith.constant 16 : i32
        %mul3A_1017 = arith.muli %mul3A_1016, %add3A_997 : i32
        %get3A_1018 = arith.constant 2 : i32
        %get3A_1019 = arith.index_cast %get3A_1018 : i32 to index
        %get3A_1020 = arith.index_cast %mul3A_1017 : i32 to index
        %get3A_1021 = tpu.vector_load %arg6[%get3A_1019, %get3A_1020] {strides = array<i32>} : memref<16x1024xf32, #tpu.memory_space<vmem>>, vector<1x16xf32>,
        %get3A_1022 = vector.shape_cast %get3A_1021 : vector<1x16xf32> to vector<16xf32>
        %mul3A_1023 = vector.broadcast %squeeze3A_598 : f32 to vector<16xf32>
        %mul3A_1024 = arith.mulf %mul3A_1023, %get3A_1022 : vector<16xf32>
        %mul3A_1025 = arith.constant 16 : i32
        %mul3A_1026 = arith.muli %mul3A_1025, %add3A_997 : i32
        %get3A_1027 = arith.constant 3 : i32
        %get3A_1028 = arith.index_cast %get3A_1027 : i32 to index
        %get3A_1029 = arith.index_cast %mul3A_1026 : i32 to index
        %get3A_1030 = tpu.vector_load %arg6[%get3A_1028, %get3A_1029] {strides = array<i32>} : memref<16x1024xf32, #tpu.memory_space<vmem>>, vector<1x16xf32>,
        %get3A_1031 = vector.shape_cast %get3A_1030 : vector<1x16xf32> to vector<16xf32>
        %mul3A_1032 = vector.broadcast %squeeze3A_600 : f32 to vector<16xf32>
        %mul3A_1033 = arith.mulf %mul3A_1032, %get3A_1031 : vector<16xf32>
        %mul3A_1034 = arith.constant 16 : i32
        %mul3A_1035 = arith.muli %mul3A_1034, %add3A_997 : i32
        %get3A_1036 = arith.constant 4 : i32
        %get3A_1037 = arith.index_cast %get3A_1036 : i32 to index
        %get3A_1038 = arith.index_cast %mul3A_1035 : i32 to index
        %get3A_1039 = tpu.vector_load %arg6[%get3A_1037, %get3A_1038] {strides = array<i32>} : memref<16x1024xf32, #tpu.memory_space<vmem>>, vector<1x16xf32>,
        %get3A_1040 = vector.shape_cast %get3A_1039 : vector<1x16xf32> to vector<16xf32>
        %mul3A_1041 = vector.broadcast %squeeze3A_602 : f32 to vector<16xf32>
        %mul3A_1042 = arith.mulf %mul3A_1041, %get3A_1040 : vector<16xf32>
        %add3A_1043 = arith.addf %mul3A_1006, %mul3A_1042 : vector<16xf32>
        %mul3A_1044 = arith.constant 16 : i32
        %mul3A_1045 = arith.muli %mul3A_1044, %add3A_997 : i32
        %get3A_1046 = arith.constant 5 : i32
        %get3A_1047 = arith.index_cast %get3A_1046 : i32 to index
        %get3A_1048 = arith.index_cast %mul3A_1045 : i32 to index
        %get3A_1049 = tpu.vector_load %arg6[%get3A_1047, %get3A_1048] {strides = array<i32>} : memref<16x1024xf32, #tpu.memory_space<vmem>>, vector<1x16xf32>,
        %get3A_1050 = vector.shape_cast %get3A_1049 : vector<1x16xf32> to vector<16xf32>
        %mul3A_1051 = vector.broadcast %squeeze3A_604 : f32 to vector<16xf32>
        %mul3A_1052 = arith.mulf %mul3A_1051, %get3A_1050 : vector<16xf32>
        %add3A_1053 = arith.addf %mul3A_1015, %mul3A_1052 : vector<16xf32>
        %mul3A_1054 = arith.constant 16 : i32
        %mul3A_1055 = arith.muli %mul3A_1054, %add3A_997 : i32
        %get3A_1056 = arith.constant 6 : i32
        %get3A_1057 = arith.index_cast %get3A_1056 : i32 to index
        %get3A_1058 = arith.index_cast %mul3A_1055 : i32 to index
        %get3A_1059 = tpu.vector_load %arg6[%get3A_1057, %get3A_1058] {strides = array<i32>} : memref<16x1024xf32, #tpu.memory_space<vmem>>, vector<1x16xf32>,
        %get3A_1060 = vector.shape_cast %get3A_1059 : vector<1x16xf32> to vector<16xf32>
        %mul3A_1061 = vector.broadcast %squeeze3A_606 : f32 to vector<16xf32>
        %mul3A_1062 = arith.mulf %mul3A_1061, %get3A_1060 : vector<16xf32>
        %add3A_1063 = arith.addf %mul3A_1024, %mul3A_1062 : vector<16xf32>
        %mul3A_1064 = arith.constant 16 : i32
        %mul3A_1065 = arith.muli %mul3A_1064, %add3A_997 : i32
        %get3A_1066 = arith.constant 7 : i32
        %get3A_1067 = arith.index_cast %get3A_1066 : i32 to index
        %get3A_1068 = arith.index_cast %mul3A_1065 : i32 to index
        %get3A_1069 = tpu.vector_load %arg6[%get3A_1067, %get3A_1068] {strides = array<i32>} : memref<16x1024xf32, #tpu.memory_space<vmem>>, vector<1x16xf32>,
        %get3A_1070 = vector.shape_cast %get3A_1069 : vector<1x16xf32> to vector<16xf32>
        %mul3A_1071 = vector.broadcast %squeeze3A_608 : f32 to vector<16xf32>
        %mul3A_1072 = arith.mulf %mul3A_1071, %get3A_1070 : vector<16xf32>
        %add3A_1073 = arith.addf %mul3A_1033, %mul3A_1072 : vector<16xf32>
        %mul3A_1074 = arith.constant 16 : i32
        %mul3A_1075 = arith.muli %mul3A_1074, %add3A_997 : i32
        %get3A_1076 = arith.constant 8 : i32
        %get3A_1077 = arith.index_cast %get3A_1076 : i32 to index
        %get3A_1078 = arith.index_cast %mul3A_1075 : i32 to index
        %get3A_1079 = tpu.vector_load %arg6[%get3A_1077, %get3A_1078] {strides = array<i32>} : memref<16x1024xf32, #tpu.memory_space<vmem>>, vector<1x16xf32>,
        %get3A_1080 = vector.shape_cast %get3A_1079 : vector<1x16xf32> to vector<16xf32>
        %mul3A_1081 = vector.broadcast %squeeze3A_610 : f32 to vector<16xf32>
        %mul3A_1082 = arith.mulf %mul3A_1081, %get3A_1080 : vector<16xf32>
        %add3A_1083 = arith.addf %add3A_1043, %mul3A_1082 : vector<16xf32>
        %mul3A_1084 = arith.constant 16 : i32
        %mul3A_1085 = arith.muli %mul3A_1084, %add3A_997 : i32
        %get3A_1086 = arith.constant 9 : i32
        %get3A_1087 = arith.index_cast %get3A_1086 : i32 to index
        %get3A_1088 = arith.index_cast %mul3A_1085 : i32 to index
        %get3A_1089 = tpu.vector_load %arg6[%get3A_1087, %get3A_1088] {strides = array<i32>} : memref<16x1024xf32, #tpu.memory_space<vmem>>, vector<1x16xf32>,
        %get3A_1090 = vector.shape_cast %get3A_1089 : vector<1x16xf32> to vector<16xf32>
        %mul3A_1091 = vector.broadcast %squeeze3A_612 : f32 to vector<16xf32>
        %mul3A_1092 = arith.mulf %mul3A_1091, %get3A_1090 : vector<16xf32>
        %add3A_1093 = arith.addf %add3A_1053, %mul3A_1092 : vector<16xf32>
        %mul3A_1094 = arith.constant 16 : i32
        %mul3A_1095 = arith.muli %mul3A_1094, %add3A_997 : i32
        %get3A_1096 = arith.constant 10 : i32
        %get3A_1097 = arith.index_cast %get3A_1096 : i32 to index
        %get3A_1098 = arith.index_cast %mul3A_1095 : i32 to index
        %get3A_1099 = tpu.vector_load %arg6[%get3A_1097, %get3A_1098] {strides = array<i32>} : memref<16x1024xf32, #tpu.memory_space<vmem>>, vector<1x16xf32>,
        %get3A_1100 = vector.shape_cast %get3A_1099 : vector<1x16xf32> to vector<16xf32>
        %mul3A_1101 = vector.broadcast %squeeze3A_614 : f32 to vector<16xf32>
        %mul3A_1102 = arith.mulf %mul3A_1101, %get3A_1100 : vector<16xf32>
        %add3A_1103 = arith.addf %add3A_1063, %mul3A_1102 : vector<16xf32>
        %mul3A_1104 = arith.constant 16 : i32
        %mul3A_1105 = arith.muli %mul3A_1104, %add3A_997 : i32
        %get3A_1106 = arith.constant 11 : i32
        %get3A_1107 = arith.index_cast %get3A_1106 : i32 to index
        %get3A_1108 = arith.index_cast %mul3A_1105 : i32 to index
        %get3A_1109 = tpu.vector_load %arg6[%get3A_1107, %get3A_1108] {strides = array<i32>} : memref<16x1024xf32, #tpu.memory_space<vmem>>, vector<1x16xf32>,
        %get3A_1110 = vector.shape_cast %get3A_1109 : vector<1x16xf32> to vector<16xf32>
        %mul3A_1111 = vector.broadcast %squeeze3A_616 : f32 to vector<16xf32>
        %mul3A_1112 = arith.mulf %mul3A_1111, %get3A_1110 : vector<16xf32>
        %add3A_1113 = arith.addf %add3A_1073, %mul3A_1112 : vector<16xf32>
        %mul3A_1114 = arith.constant 16 : i32
        %mul3A_1115 = arith.muli %mul3A_1114, %add3A_997 : i32
        %get3A_1116 = arith.constant 12 : i32
        %get3A_1117 = arith.index_cast %get3A_1116 : i32 to index
        %get3A_1118 = arith.index_cast %mul3A_1115 : i32 to index
        %get3A_1119 = tpu.vector_load %arg6[%get3A_1117, %get3A_1118] {strides = array<i32>} : memref<16x1024xf32, #tpu.memory_space<vmem>>, vector<1x16xf32>,
        %get3A_1120 = vector.shape_cast %get3A_1119 : vector<1x16xf32> to vector<16xf32>
        %mul3A_1121 = vector.broadcast %squeeze3A_618 : f32 to vector<16xf32>
        %mul3A_1122 = arith.mulf %mul3A_1121, %get3A_1120 : vector<16xf32>
        %add3A_1123 = arith.addf %add3A_1083, %mul3A_1122 : vector<16xf32>
        %mul3A_1124 = arith.constant 16 : i32
        %mul3A_1125 = arith.muli %mul3A_1124, %add3A_997 : i32
        %get3A_1126 = arith.constant 13 : i32
        %get3A_1127 = arith.index_cast %get3A_1126 : i32 to index
        %get3A_1128 = arith.index_cast %mul3A_1125 : i32 to index
        %get3A_1129 = tpu.vector_load %arg6[%get3A_1127, %get3A_1128] {strides = array<i32>} : memref<16x1024xf32, #tpu.memory_space<vmem>>, vector<1x16xf32>,
        %get3A_1130 = vector.shape_cast %get3A_1129 : vector<1x16xf32> to vector<16xf32>
        %mul3A_1131 = vector.broadcast %squeeze3A_620 : f32 to vector<16xf32>
        %mul3A_1132 = arith.mulf %mul3A_1131, %get3A_1130 : vector<16xf32>
        %add3A_1133 = arith.addf %add3A_1093, %mul3A_1132 : vector<16xf32>
        %mul3A_1134 = arith.constant 16 : i32
        %mul3A_1135 = arith.muli %mul3A_1134, %add3A_997 : i32
        %get3A_1136 = arith.constant 14 : i32
        %get3A_1137 = arith.index_cast %get3A_1136 : i32 to index
        %get3A_1138 = arith.index_cast %mul3A_1135 : i32 to index
        %get3A_1139 = tpu.vector_load %arg6[%get3A_1137, %get3A_1138] {strides = array<i32>} : memref<16x1024xf32, #tpu.memory_space<vmem>>, vector<1x16xf32>,
        %get3A_1140 = vector.shape_cast %get3A_1139 : vector<1x16xf32> to vector<16xf32>
        %mul3A_1141 = vector.broadcast %squeeze3A_622 : f32 to vector<16xf32>
        %mul3A_1142 = arith.mulf %mul3A_1141, %get3A_1140 : vector<16xf32>
        %add3A_1143 = arith.addf %add3A_1103, %mul3A_1142 : vector<16xf32>
        %mul3A_1144 = arith.constant 16 : i32
        %mul3A_1145 = arith.muli %mul3A_1144, %add3A_997 : i32
        %get3A_1146 = arith.constant 15 : i32
        %get3A_1147 = arith.index_cast %get3A_1146 : i32 to index
        %get3A_1148 = arith.index_cast %mul3A_1145 : i32 to index
        %get3A_1149 = tpu.vector_load %arg6[%get3A_1147, %get3A_1148] {strides = array<i32>} : memref<16x1024xf32, #tpu.memory_space<vmem>>, vector<1x16xf32>,
        %get3A_1150 = vector.shape_cast %get3A_1149 : vector<1x16xf32> to vector<16xf32>
        %mul3A_1151 = vector.broadcast %squeeze3A_624 : f32 to vector<16xf32>
        %mul3A_1152 = arith.mulf %mul3A_1151, %get3A_1150 : vector<16xf32>
        %add3A_1153 = arith.addf %add3A_1113, %mul3A_1152 : vector<16xf32>
        %mul3A_1154 = arith.constant 16 : i32
        %mul3A_1155 = arith.muli %mul3A_1154, %add3A_997 : i32
        %get3A_1156 = arith.index_cast %mul3A_1155 : i32 to index
        %get3A_1157 = tpu.vector_load %arg9[%get3A_1156] {strides = array<i32>} : memref<1024xf32, #tpu.memory_space<vmem>>, vector<16xf32>,
        %get3A_1158 = vector.shape_cast %get3A_1157 : vector<16xf32> to vector<16xf32>
        %mul3A_1159 = arith.mulf %get3A_1158, %exp3A : vector<16xf32>
        %add3A_1160 = arith.addf %add3A_1123, %add3A_1133 : vector<16xf32>
        %add3A_1161 = arith.addf %add3A_1143, %add3A_1153 : vector<16xf32>
        %add3A_1162 = arith.addf %add3A_1160, %add3A_1161 : vector<16xf32>
        %add3A_1163 = arith.addf %mul3A_1159, %add3A_1162 : vector<16xf32>
        %mul3A_1164 = arith.constant 16 : i32
        %mul3A_1165 = arith.muli %mul3A_1164, %add3A_997 : i32
        %swap3A_1166 = arith.index_cast %mul3A_1165 : i32 to index
        %swap3A_1167 = tpu.vector_load %arg9[%swap3A_1166] {strides = array<i32>} : memref<1024xf32, #tpu.memory_space<vmem>>, vector<16xf32>,
        %swap3A_1168 = vector.shape_cast %swap3A_1167 : vector<16xf32> to vector<16xf32>
        %swap3A_1169 = vector.shape_cast %add3A_1163 : vector<16xf32> to vector<16xf32>
        tpu.vector_store %arg9[%swap3A_1166], %swap3A_1169 {strides = array<i32>} : memref<1024xf32, #tpu.memory_space<vmem>>, vector<16xf32>,
        %mul3A_1170 = arith.constant 4 : i32
        %mul3A_1171 = arith.muli %scan3A_817, %mul3A_1170 : i32
        %add3A_1172 = arith.constant 2 : i32
        %add3A_1173 = arith.addi %mul3A_1171, %add3A_1172 : i32
        %mul3A_1174 = arith.constant 16 : i32
        %mul3A_1175 = arith.muli %mul3A_1174, %add3A_1173 : i32
        %get3A_1176 = arith.constant 0 : i32
        %get3A_1177 = arith.index_cast %get3A_1176 : i32 to index
        %get3A_1178 = arith.index_cast %mul3A_1175 : i32 to index
        %get3A_1179 = tpu.vector_load %arg6[%get3A_1177, %get3A_1178] {strides = array<i32>} : memref<16x1024xf32, #tpu.memory_space<vmem>>, vector<1x16xf32>,
        %get3A_1180 = vector.shape_cast %get3A_1179 : vector<1x16xf32> to vector<16xf32>
        %mul3A_1181 = vector.broadcast %squeeze3A : f32 to vector<16xf32>
        %mul3A_1182 = arith.mulf %mul3A_1181, %get3A_1180 : vector<16xf32>
        %mul3A_1183 = arith.constant 16 : i32
        %mul3A_1184 = arith.muli %mul3A_1183, %add3A_1173 : i32
        %get3A_1185 = arith.constant 1 : i32
        %get3A_1186 = arith.index_cast %get3A_1185 : i32 to index
        %get3A_1187 = arith.index_cast %mul3A_1184 : i32 to index
        %get3A_1188 = tpu.vector_load %arg6[%get3A_1186, %get3A_1187] {strides = array<i32>} : memref<16x1024xf32, #tpu.memory_space<vmem>>, vector<1x16xf32>,
        %get3A_1189 = vector.shape_cast %get3A_1188 : vector<1x16xf32> to vector<16xf32>
        %mul3A_1190 = vector.broadcast %squeeze3A_596 : f32 to vector<16xf32>
        %mul3A_1191 = arith.mulf %mul3A_1190, %get3A_1189 : vector<16xf32>
        %mul3A_1192 = arith.constant 16 : i32
        %mul3A_1193 = arith.muli %mul3A_1192, %add3A_1173 : i32
        %get3A_1194 = arith.constant 2 : i32
        %get3A_1195 = arith.index_cast %get3A_1194 : i32 to index
        %get3A_1196 = arith.index_cast %mul3A_1193 : i32 to index
        %get3A_1197 = tpu.vector_load %arg6[%get3A_1195, %get3A_1196] {strides = array<i32>} : memref<16x1024xf32, #tpu.memory_space<vmem>>, vector<1x16xf32>,
        %get3A_1198 = vector.shape_cast %get3A_1197 : vector<1x16xf32> to vector<16xf32>
        %mul3A_1199 = vector.broadcast %squeeze3A_598 : f32 to vector<16xf32>
        %mul3A_1200 = arith.mulf %mul3A_1199, %get3A_1198 : vector<16xf32>
        %mul3A_1201 = arith.constant 16 : i32
        %mul3A_1202 = arith.muli %mul3A_1201, %add3A_1173 : i32
        %get3A_1203 = arith.constant 3 : i32
        %get3A_1204 = arith.index_cast %get3A_1203 : i32 to index
        %get3A_1205 = arith.index_cast %mul3A_1202 : i32 to index
        %get3A_1206 = tpu.vector_load %arg6[%get3A_1204, %get3A_1205] {strides = array<i32>} : memref<16x1024xf32, #tpu.memory_space<vmem>>, vector<1x16xf32>,
        %get3A_1207 = vector.shape_cast %get3A_1206 : vector<1x16xf32> to vector<16xf32>
        %mul3A_1208 = vector.broadcast %squeeze3A_600 : f32 to vector<16xf32>
        %mul3A_1209 = arith.mulf %mul3A_1208, %get3A_1207 : vector<16xf32>
        %mul3A_1210 = arith.constant 16 : i32
        %mul3A_1211 = arith.muli %mul3A_1210, %add3A_1173 : i32
        %get3A_1212 = arith.constant 4 : i32
        %get3A_1213 = arith.index_cast %get3A_1212 : i32 to index
        %get3A_1214 = arith.index_cast %mul3A_1211 : i32 to index
        %get3A_1215 = tpu.vector_load %arg6[%get3A_1213, %get3A_1214] {strides = array<i32>} : memref<16x1024xf32, #tpu.memory_space<vmem>>, vector<1x16xf32>,
        %get3A_1216 = vector.shape_cast %get3A_1215 : vector<1x16xf32> to vector<16xf32>
        %mul3A_1217 = vector.broadcast %squeeze3A_602 : f32 to vector<16xf32>
        %mul3A_1218 = arith.mulf %mul3A_1217, %get3A_1216 : vector<16xf32>
        %add3A_1219 = arith.addf %mul3A_1182, %mul3A_1218 : vector<16xf32>
        %mul3A_1220 = arith.constant 16 : i32
        %mul3A_1221 = arith.muli %mul3A_1220, %add3A_1173 : i32
        %get3A_1222 = arith.constant 5 : i32
        %get3A_1223 = arith.index_cast %get3A_1222 : i32 to index
        %get3A_1224 = arith.index_cast %mul3A_1221 : i32 to index
        %get3A_1225 = tpu.vector_load %arg6[%get3A_1223, %get3A_1224] {strides = array<i32>} : memref<16x1024xf32, #tpu.memory_space<vmem>>, vector<1x16xf32>,
        %get3A_1226 = vector.shape_cast %get3A_1225 : vector<1x16xf32> to vector<16xf32>
        %mul3A_1227 = vector.broadcast %squeeze3A_604 : f32 to vector<16xf32>
        %mul3A_1228 = arith.mulf %mul3A_1227, %get3A_1226 : vector<16xf32>
        %add3A_1229 = arith.addf %mul3A_1191, %mul3A_1228 : vector<16xf32>
        %mul3A_1230 = arith.constant 16 : i32
        %mul3A_1231 = arith.muli %mul3A_1230, %add3A_1173 : i32
        %get3A_1232 = arith.constant 6 : i32
        %get3A_1233 = arith.index_cast %get3A_1232 : i32 to index
        %get3A_1234 = arith.index_cast %mul3A_1231 : i32 to index
        %get3A_1235 = tpu.vector_load %arg6[%get3A_1233, %get3A_1234] {strides = array<i32>} : memref<16x1024xf32, #tpu.memory_space<vmem>>, vector<1x16xf32>,
        %get3A_1236 = vector.shape_cast %get3A_1235 : vector<1x16xf32> to vector<16xf32>
        %mul3A_1237 = vector.broadcast %squeeze3A_606 : f32 to vector<16xf32>
        %mul3A_1238 = arith.mulf %mul3A_1237, %get3A_1236 : vector<16xf32>
        %add3A_1239 = arith.addf %mul3A_1200, %mul3A_1238 : vector<16xf32>
        %mul3A_1240 = arith.constant 16 : i32
        %mul3A_1241 = arith.muli %mul3A_1240, %add3A_1173 : i32
        %get3A_1242 = arith.constant 7 : i32
        %get3A_1243 = arith.index_cast %get3A_1242 : i32 to index
        %get3A_1244 = arith.index_cast %mul3A_1241 : i32 to index
        %get3A_1245 = tpu.vector_load %arg6[%get3A_1243, %get3A_1244] {strides = array<i32>} : memref<16x1024xf32, #tpu.memory_space<vmem>>, vector<1x16xf32>,
        %get3A_1246 = vector.shape_cast %get3A_1245 : vector<1x16xf32> to vector<16xf32>
        %mul3A_1247 = vector.broadcast %squeeze3A_608 : f32 to vector<16xf32>
        %mul3A_1248 = arith.mulf %mul3A_1247, %get3A_1246 : vector<16xf32>
        %add3A_1249 = arith.addf %mul3A_1209, %mul3A_1248 : vector<16xf32>
        %mul3A_1250 = arith.constant 16 : i32
        %mul3A_1251 = arith.muli %mul3A_1250, %add3A_1173 : i32
        %get3A_1252 = arith.constant 8 : i32
        %get3A_1253 = arith.index_cast %get3A_1252 : i32 to index
        %get3A_1254 = arith.index_cast %mul3A_1251 : i32 to index
        %get3A_1255 = tpu.vector_load %arg6[%get3A_1253, %get3A_1254] {strides = array<i32>} : memref<16x1024xf32, #tpu.memory_space<vmem>>, vector<1x16xf32>,
        %get3A_1256 = vector.shape_cast %get3A_1255 : vector<1x16xf32> to vector<16xf32>
        %mul3A_1257 = vector.broadcast %squeeze3A_610 : f32 to vector<16xf32>
        %mul3A_1258 = arith.mulf %mul3A_1257, %get3A_1256 : vector<16xf32>
        %add3A_1259 = arith.addf %add3A_1219, %mul3A_1258 : vector<16xf32>
        %mul3A_1260 = arith.constant 16 : i32
        %mul3A_1261 = arith.muli %mul3A_1260, %add3A_1173 : i32
        %get3A_1262 = arith.constant 9 : i32
        %get3A_1263 = arith.index_cast %get3A_1262 : i32 to index
        %get3A_1264 = arith.index_cast %mul3A_1261 : i32 to index
        %get3A_1265 = tpu.vector_load %arg6[%get3A_1263, %get3A_1264] {strides = array<i32>} : memref<16x1024xf32, #tpu.memory_space<vmem>>, vector<1x16xf32>,
        %get3A_1266 = vector.shape_cast %get3A_1265 : vector<1x16xf32> to vector<16xf32>
        %mul3A_1267 = vector.broadcast %squeeze3A_612 : f32 to vector<16xf32>
        %mul3A_1268 = arith.mulf %mul3A_1267, %get3A_1266 : vector<16xf32>
        %add3A_1269 = arith.addf %add3A_1229, %mul3A_1268 : vector<16xf32>
        %mul3A_1270 = arith.constant 16 : i32
        %mul3A_1271 = arith.muli %mul3A_1270, %add3A_1173 : i32
        %get3A_1272 = arith.constant 10 : i32
        %get3A_1273 = arith.index_cast %get3A_1272 : i32 to index
        %get3A_1274 = arith.index_cast %mul3A_1271 : i32 to index
        %get3A_1275 = tpu.vector_load %arg6[%get3A_1273, %get3A_1274] {strides = array<i32>} : memref<16x1024xf32, #tpu.memory_space<vmem>>, vector<1x16xf32>,
        %get3A_1276 = vector.shape_cast %get3A_1275 : vector<1x16xf32> to vector<16xf32>
        %mul3A_1277 = vector.broadcast %squeeze3A_614 : f32 to vector<16xf32>
        %mul3A_1278 = arith.mulf %mul3A_1277, %get3A_1276 : vector<16xf32>
        %add3A_1279 = arith.addf %add3A_1239, %mul3A_1278 : vector<16xf32>
        %mul3A_1280 = arith.constant 16 : i32
        %mul3A_1281 = arith.muli %mul3A_1280, %add3A_1173 : i32
        %get3A_1282 = arith.constant 11 : i32
        %get3A_1283 = arith.index_cast %get3A_1282 : i32 to index
        %get3A_1284 = arith.index_cast %mul3A_1281 : i32 to index
        %get3A_1285 = tpu.vector_load %arg6[%get3A_1283, %get3A_1284] {strides = array<i32>} : memref<16x1024xf32, #tpu.memory_space<vmem>>, vector<1x16xf32>,
        %get3A_1286 = vector.shape_cast %get3A_1285 : vector<1x16xf32> to vector<16xf32>
        %mul3A_1287 = vector.broadcast %squeeze3A_616 : f32 to vector<16xf32>
        %mul3A_1288 = arith.mulf %mul3A_1287, %get3A_1286 : vector<16xf32>
        %add3A_1289 = arith.addf %add3A_1249, %mul3A_1288 : vector<16xf32>
        %mul3A_1290 = arith.constant 16 : i32
        %mul3A_1291 = arith.muli %mul3A_1290, %add3A_1173 : i32
        %get3A_1292 = arith.constant 12 : i32
        %get3A_1293 = arith.index_cast %get3A_1292 : i32 to index
        %get3A_1294 = arith.index_cast %mul3A_1291 : i32 to index
        %get3A_1295 = tpu.vector_load %arg6[%get3A_1293, %get3A_1294] {strides = array<i32>} : memref<16x1024xf32, #tpu.memory_space<vmem>>, vector<1x16xf32>,
        %get3A_1296 = vector.shape_cast %get3A_1295 : vector<1x16xf32> to vector<16xf32>
        %mul3A_1297 = vector.broadcast %squeeze3A_618 : f32 to vector<16xf32>
        %mul3A_1298 = arith.mulf %mul3A_1297, %get3A_1296 : vector<16xf32>
        %add3A_1299 = arith.addf %add3A_1259, %mul3A_1298 : vector<16xf32>
        %mul3A_1300 = arith.constant 16 : i32
        %mul3A_1301 = arith.muli %mul3A_1300, %add3A_1173 : i32
        %get3A_1302 = arith.constant 13 : i32
        %get3A_1303 = arith.index_cast %get3A_1302 : i32 to index
        %get3A_1304 = arith.index_cast %mul3A_1301 : i32 to index
        %get3A_1305 = tpu.vector_load %arg6[%get3A_1303, %get3A_1304] {strides = array<i32>} : memref<16x1024xf32, #tpu.memory_space<vmem>>, vector<1x16xf32>,
        %get3A_1306 = vector.shape_cast %get3A_1305 : vector<1x16xf32> to vector<16xf32>
        %mul3A_1307 = vector.broadcast %squeeze3A_620 : f32 to vector<16xf32>
        %mul3A_1308 = arith.mulf %mul3A_1307, %get3A_1306 : vector<16xf32>
        %add3A_1309 = arith.addf %add3A_1269, %mul3A_1308 : vector<16xf32>
        %mul3A_1310 = arith.constant 16 : i32
        %mul3A_1311 = arith.muli %mul3A_1310, %add3A_1173 : i32
        %get3A_1312 = arith.constant 14 : i32
        %get3A_1313 = arith.index_cast %get3A_1312 : i32 to index
        %get3A_1314 = arith.index_cast %mul3A_1311 : i32 to index
        %get3A_1315 = tpu.vector_load %arg6[%get3A_1313, %get3A_1314] {strides = array<i32>} : memref<16x1024xf32, #tpu.memory_space<vmem>>, vector<1x16xf32>,
        %get3A_1316 = vector.shape_cast %get3A_1315 : vector<1x16xf32> to vector<16xf32>
        %mul3A_1317 = vector.broadcast %squeeze3A_622 : f32 to vector<16xf32>
        %mul3A_1318 = arith.mulf %mul3A_1317, %get3A_1316 : vector<16xf32>
        %add3A_1319 = arith.addf %add3A_1279, %mul3A_1318 : vector<16xf32>
        %mul3A_1320 = arith.constant 16 : i32
        %mul3A_1321 = arith.muli %mul3A_1320, %add3A_1173 : i32
        %get3A_1322 = arith.constant 15 : i32
        %get3A_1323 = arith.index_cast %get3A_1322 : i32 to index
        %get3A_1324 = arith.index_cast %mul3A_1321 : i32 to index
        %get3A_1325 = tpu.vector_load %arg6[%get3A_1323, %get3A_1324] {strides = array<i32>} : memref<16x1024xf32, #tpu.memory_space<vmem>>, vector<1x16xf32>,
        %get3A_1326 = vector.shape_cast %get3A_1325 : vector<1x16xf32> to vector<16xf32>
        %mul3A_1327 = vector.broadcast %squeeze3A_624 : f32 to vector<16xf32>
        %mul3A_1328 = arith.mulf %mul3A_1327, %get3A_1326 : vector<16xf32>
        %add3A_1329 = arith.addf %add3A_1289, %mul3A_1328 : vector<16xf32>
        %mul3A_1330 = arith.constant 16 : i32
        %mul3A_1331 = arith.muli %mul3A_1330, %add3A_1173 : i32
        %get3A_1332 = arith.index_cast %mul3A_1331 : i32 to index
        %get3A_1333 = tpu.vector_load %arg9[%get3A_1332] {strides = array<i32>} : memref<1024xf32, #tpu.memory_space<vmem>>, vector<16xf32>,
        %get3A_1334 = vector.shape_cast %get3A_1333 : vector<16xf32> to vector<16xf32>
        %mul3A_1335 = arith.mulf %get3A_1334, %exp3A : vector<16xf32>
        %add3A_1336 = arith.addf %add3A_1299, %add3A_1309 : vector<16xf32>
        %add3A_1337 = arith.addf %add3A_1319, %add3A_1329 : vector<16xf32>
        %add3A_1338 = arith.addf %add3A_1336, %add3A_1337 : vector<16xf32>
        %add3A_1339 = arith.addf %mul3A_1335, %add3A_1338 : vector<16xf32>
        %mul3A_1340 = arith.constant 16 : i32
        %mul3A_1341 = arith.muli %mul3A_1340, %add3A_1173 : i32
        %swap3A_1342 = arith.index_cast %mul3A_1341 : i32 to index
        %swap3A_1343 = tpu.vector_load %arg9[%swap3A_1342] {strides = array<i32>} : memref<1024xf32, #tpu.memory_space<vmem>>, vector<16xf32>,
        %swap3A_1344 = vector.shape_cast %swap3A_1343 : vector<16xf32> to vector<16xf32>
        %swap3A_1345 = vector.shape_cast %add3A_1339 : vector<16xf32> to vector<16xf32>
        tpu.vector_store %arg9[%swap3A_1342], %swap3A_1345 {strides = array<i32>} : memref<1024xf32, #tpu.memory_space<vmem>>, vector<16xf32>,
        %mul3A_1346 = arith.constant 4 : i32
        %mul3A_1347 = arith.muli %scan3A_817, %mul3A_1346 : i32
        %add3A_1348 = arith.constant 3 : i32
        %add3A_1349 = arith.addi %mul3A_1347, %add3A_1348 : i32
        %mul3A_1350 = arith.constant 16 : i32
        %mul3A_1351 = arith.muli %mul3A_1350, %add3A_1349 : i32
        %get3A_1352 = arith.constant 0 : i32
        %get3A_1353 = arith.index_cast %get3A_1352 : i32 to index
        %get3A_1354 = arith.index_cast %mul3A_1351 : i32 to index
        %get3A_1355 = tpu.vector_load %arg6[%get3A_1353, %get3A_1354] {strides = array<i32>} : memref<16x1024xf32, #tpu.memory_space<vmem>>, vector<1x16xf32>,
        %get3A_1356 = vector.shape_cast %get3A_1355 : vector<1x16xf32> to vector<16xf32>
        %mul3A_1357 = vector.broadcast %squeeze3A : f32 to vector<16xf32>
        %mul3A_1358 = arith.mulf %mul3A_1357, %get3A_1356 : vector<16xf32>
        %mul3A_1359 = arith.constant 16 : i32
        %mul3A_1360 = arith.muli %mul3A_1359, %add3A_1349 : i32
        %get3A_1361 = arith.constant 1 : i32
        %get3A_1362 = arith.index_cast %get3A_1361 : i32 to index
        %get3A_1363 = arith.index_cast %mul3A_1360 : i32 to index
        %get3A_1364 = tpu.vector_load %arg6[%get3A_1362, %get3A_1363] {strides = array<i32>} : memref<16x1024xf32, #tpu.memory_space<vmem>>, vector<1x16xf32>,
        %get3A_1365 = vector.shape_cast %get3A_1364 : vector<1x16xf32> to vector<16xf32>
        %mul3A_1366 = vector.broadcast %squeeze3A_596 : f32 to vector<16xf32>
        %mul3A_1367 = arith.mulf %mul3A_1366, %get3A_1365 : vector<16xf32>
        %mul3A_1368 = arith.constant 16 : i32
        %mul3A_1369 = arith.muli %mul3A_1368, %add3A_1349 : i32
        %get3A_1370 = arith.constant 2 : i32
        %get3A_1371 = arith.index_cast %get3A_1370 : i32 to index
        %get3A_1372 = arith.index_cast %mul3A_1369 : i32 to index
        %get3A_1373 = tpu.vector_load %arg6[%get3A_1371, %get3A_1372] {strides = array<i32>} : memref<16x1024xf32, #tpu.memory_space<vmem>>, vector<1x16xf32>,
        %get3A_1374 = vector.shape_cast %get3A_1373 : vector<1x16xf32> to vector<16xf32>
        %mul3A_1375 = vector.broadcast %squeeze3A_598 : f32 to vector<16xf32>
        %mul3A_1376 = arith.mulf %mul3A_1375, %get3A_1374 : vector<16xf32>
        %mul3A_1377 = arith.constant 16 : i32
        %mul3A_1378 = arith.muli %mul3A_1377, %add3A_1349 : i32
        %get3A_1379 = arith.constant 3 : i32
        %get3A_1380 = arith.index_cast %get3A_1379 : i32 to index
        %get3A_1381 = arith.index_cast %mul3A_1378 : i32 to index
        %get3A_1382 = tpu.vector_load %arg6[%get3A_1380, %get3A_1381] {strides = array<i32>} : memref<16x1024xf32, #tpu.memory_space<vmem>>, vector<1x16xf32>,
        %get3A_1383 = vector.shape_cast %get3A_1382 : vector<1x16xf32> to vector<16xf32>
        %mul3A_1384 = vector.broadcast %squeeze3A_600 : f32 to vector<16xf32>
        %mul3A_1385 = arith.mulf %mul3A_1384, %get3A_1383 : vector<16xf32>
        %mul3A_1386 = arith.constant 16 : i32
        %mul3A_1387 = arith.muli %mul3A_1386, %add3A_1349 : i32
        %get3A_1388 = arith.constant 4 : i32
        %get3A_1389 = arith.index_cast %get3A_1388 : i32 to index
        %get3A_1390 = arith.index_cast %mul3A_1387 : i32 to index
        %get3A_1391 = tpu.vector_load %arg6[%get3A_1389, %get3A_1390] {strides = array<i32>} : memref<16x1024xf32, #tpu.memory_space<vmem>>, vector<1x16xf32>,
        %get3A_1392 = vector.shape_cast %get3A_1391 : vector<1x16xf32> to vector<16xf32>
        %mul3A_1393 = vector.broadcast %squeeze3A_602 : f32 to vector<16xf32>
        %mul3A_1394 = arith.mulf %mul3A_1393, %get3A_1392 : vector<16xf32>
        %add3A_1395 = arith.addf %mul3A_1358, %mul3A_1394 : vector<16xf32>
        %mul3A_1396 = arith.constant 16 : i32
        %mul3A_1397 = arith.muli %mul3A_1396, %add3A_1349 : i32
        %get3A_1398 = arith.constant 5 : i32
        %get3A_1399 = arith.index_cast %get3A_1398 : i32 to index
        %get3A_1400 = arith.index_cast %mul3A_1397 : i32 to index
        %get3A_1401 = tpu.vector_load %arg6[%get3A_1399, %get3A_1400] {strides = array<i32>} : memref<16x1024xf32, #tpu.memory_space<vmem>>, vector<1x16xf32>,
        %get3A_1402 = vector.shape_cast %get3A_1401 : vector<1x16xf32> to vector<16xf32>
        %mul3A_1403 = vector.broadcast %squeeze3A_604 : f32 to vector<16xf32>
        %mul3A_1404 = arith.mulf %mul3A_1403, %get3A_1402 : vector<16xf32>
        %add3A_1405 = arith.addf %mul3A_1367, %mul3A_1404 : vector<16xf32>
        %mul3A_1406 = arith.constant 16 : i32
        %mul3A_1407 = arith.muli %mul3A_1406, %add3A_1349 : i32
        %get3A_1408 = arith.constant 6 : i32
        %get3A_1409 = arith.index_cast %get3A_1408 : i32 to index
        %get3A_1410 = arith.index_cast %mul3A_1407 : i32 to index
        %get3A_1411 = tpu.vector_load %arg6[%get3A_1409, %get3A_1410] {strides = array<i32>} : memref<16x1024xf32, #tpu.memory_space<vmem>>, vector<1x16xf32>,
        %get3A_1412 = vector.shape_cast %get3A_1411 : vector<1x16xf32> to vector<16xf32>
        %mul3A_1413 = vector.broadcast %squeeze3A_606 : f32 to vector<16xf32>
        %mul3A_1414 = arith.mulf %mul3A_1413, %get3A_1412 : vector<16xf32>
        %add3A_1415 = arith.addf %mul3A_1376, %mul3A_1414 : vector<16xf32>
        %mul3A_1416 = arith.constant 16 : i32
        %mul3A_1417 = arith.muli %mul3A_1416, %add3A_1349 : i32
        %get3A_1418 = arith.constant 7 : i32
        %get3A_1419 = arith.index_cast %get3A_1418 : i32 to index
        %get3A_1420 = arith.index_cast %mul3A_1417 : i32 to index
        %get3A_1421 = tpu.vector_load %arg6[%get3A_1419, %get3A_1420] {strides = array<i32>} : memref<16x1024xf32, #tpu.memory_space<vmem>>, vector<1x16xf32>,
        %get3A_1422 = vector.shape_cast %get3A_1421 : vector<1x16xf32> to vector<16xf32>
        %mul3A_1423 = vector.broadcast %squeeze3A_608 : f32 to vector<16xf32>
        %mul3A_1424 = arith.mulf %mul3A_1423, %get3A_1422 : vector<16xf32>
        %add3A_1425 = arith.addf %mul3A_1385, %mul3A_1424 : vector<16xf32>
        %mul3A_1426 = arith.constant 16 : i32
        %mul3A_1427 = arith.muli %mul3A_1426, %add3A_1349 : i32
        %get3A_1428 = arith.constant 8 : i32
        %get3A_1429 = arith.index_cast %get3A_1428 : i32 to index
        %get3A_1430 = arith.index_cast %mul3A_1427 : i32 to index
        %get3A_1431 = tpu.vector_load %arg6[%get3A_1429, %get3A_1430] {strides = array<i32>} : memref<16x1024xf32, #tpu.memory_space<vmem>>, vector<1x16xf32>,
        %get3A_1432 = vector.shape_cast %get3A_1431 : vector<1x16xf32> to vector<16xf32>
        %mul3A_1433 = vector.broadcast %squeeze3A_610 : f32 to vector<16xf32>
        %mul3A_1434 = arith.mulf %mul3A_1433, %get3A_1432 : vector<16xf32>
        %add3A_1435 = arith.addf %add3A_1395, %mul3A_1434 : vector<16xf32>
        %mul3A_1436 = arith.constant 16 : i32
        %mul3A_1437 = arith.muli %mul3A_1436, %add3A_1349 : i32
        %get3A_1438 = arith.constant 9 : i32
        %get3A_1439 = arith.index_cast %get3A_1438 : i32 to index
        %get3A_1440 = arith.index_cast %mul3A_1437 : i32 to index
        %get3A_1441 = tpu.vector_load %arg6[%get3A_1439, %get3A_1440] {strides = array<i32>} : memref<16x1024xf32, #tpu.memory_space<vmem>>, vector<1x16xf32>,
        %get3A_1442 = vector.shape_cast %get3A_1441 : vector<1x16xf32> to vector<16xf32>
        %mul3A_1443 = vector.broadcast %squeeze3A_612 : f32 to vector<16xf32>
        %mul3A_1444 = arith.mulf %mul3A_1443, %get3A_1442 : vector<16xf32>
        %add3A_1445 = arith.addf %add3A_1405, %mul3A_1444 : vector<16xf32>
        %mul3A_1446 = arith.constant 16 : i32
        %mul3A_1447 = arith.muli %mul3A_1446, %add3A_1349 : i32
        %get3A_1448 = arith.constant 10 : i32
        %get3A_1449 = arith.index_cast %get3A_1448 : i32 to index
        %get3A_1450 = arith.index_cast %mul3A_1447 : i32 to index
        %get3A_1451 = tpu.vector_load %arg6[%get3A_1449, %get3A_1450] {strides = array<i32>} : memref<16x1024xf32, #tpu.memory_space<vmem>>, vector<1x16xf32>,
        %get3A_1452 = vector.shape_cast %get3A_1451 : vector<1x16xf32> to vector<16xf32>
        %mul3A_1453 = vector.broadcast %squeeze3A_614 : f32 to vector<16xf32>
        %mul3A_1454 = arith.mulf %mul3A_1453, %get3A_1452 : vector<16xf32>
        %add3A_1455 = arith.addf %add3A_1415, %mul3A_1454 : vector<16xf32>
        %mul3A_1456 = arith.constant 16 : i32
        %mul3A_1457 = arith.muli %mul3A_1456, %add3A_1349 : i32
        %get3A_1458 = arith.constant 11 : i32
        %get3A_1459 = arith.index_cast %get3A_1458 : i32 to index
        %get3A_1460 = arith.index_cast %mul3A_1457 : i32 to index
        %get3A_1461 = tpu.vector_load %arg6[%get3A_1459, %get3A_1460] {strides = array<i32>} : memref<16x1024xf32, #tpu.memory_space<vmem>>, vector<1x16xf32>,
        %get3A_1462 = vector.shape_cast %get3A_1461 : vector<1x16xf32> to vector<16xf32>
        %mul3A_1463 = vector.broadcast %squeeze3A_616 : f32 to vector<16xf32>
        %mul3A_1464 = arith.mulf %mul3A_1463, %get3A_1462 : vector<16xf32>
        %add3A_1465 = arith.addf %add3A_1425, %mul3A_1464 : vector<16xf32>
        %mul3A_1466 = arith.constant 16 : i32
        %mul3A_1467 = arith.muli %mul3A_1466, %add3A_1349 : i32
        %get3A_1468 = arith.constant 12 : i32
        %get3A_1469 = arith.index_cast %get3A_1468 : i32 to index
        %get3A_1470 = arith.index_cast %mul3A_1467 : i32 to index
        %get3A_1471 = tpu.vector_load %arg6[%get3A_1469, %get3A_1470] {strides = array<i32>} : memref<16x1024xf32, #tpu.memory_space<vmem>>, vector<1x16xf32>,
        %get3A_1472 = vector.shape_cast %get3A_1471 : vector<1x16xf32> to vector<16xf32>
        %mul3A_1473 = vector.broadcast %squeeze3A_618 : f32 to vector<16xf32>
        %mul3A_1474 = arith.mulf %mul3A_1473, %get3A_1472 : vector<16xf32>
        %add3A_1475 = arith.addf %add3A_1435, %mul3A_1474 : vector<16xf32>
        %mul3A_1476 = arith.constant 16 : i32
        %mul3A_1477 = arith.muli %mul3A_1476, %add3A_1349 : i32
        %get3A_1478 = arith.constant 13 : i32
        %get3A_1479 = arith.index_cast %get3A_1478 : i32 to index
        %get3A_1480 = arith.index_cast %mul3A_1477 : i32 to index
        %get3A_1481 = tpu.vector_load %arg6[%get3A_1479, %get3A_1480] {strides = array<i32>} : memref<16x1024xf32, #tpu.memory_space<vmem>>, vector<1x16xf32>,
        %get3A_1482 = vector.shape_cast %get3A_1481 : vector<1x16xf32> to vector<16xf32>
        %mul3A_1483 = vector.broadcast %squeeze3A_620 : f32 to vector<16xf32>
        %mul3A_1484 = arith.mulf %mul3A_1483, %get3A_1482 : vector<16xf32>
        %add3A_1485 = arith.addf %add3A_1445, %mul3A_1484 : vector<16xf32>
        %mul3A_1486 = arith.constant 16 : i32
        %mul3A_1487 = arith.muli %mul3A_1486, %add3A_1349 : i32
        %get3A_1488 = arith.constant 14 : i32
        %get3A_1489 = arith.index_cast %get3A_1488 : i32 to index
        %get3A_1490 = arith.index_cast %mul3A_1487 : i32 to index
        %get3A_1491 = tpu.vector_load %arg6[%get3A_1489, %get3A_1490] {strides = array<i32>} : memref<16x1024xf32, #tpu.memory_space<vmem>>, vector<1x16xf32>,
        %get3A_1492 = vector.shape_cast %get3A_1491 : vector<1x16xf32> to vector<16xf32>
        %mul3A_1493 = vector.broadcast %squeeze3A_622 : f32 to vector<16xf32>
        %mul3A_1494 = arith.mulf %mul3A_1493, %get3A_1492 : vector<16xf32>
        %add3A_1495 = arith.addf %add3A_1455, %mul3A_1494 : vector<16xf32>
        %mul3A_1496 = arith.constant 16 : i32
        %mul3A_1497 = arith.muli %mul3A_1496, %add3A_1349 : i32
        %get3A_1498 = arith.constant 15 : i32
        %get3A_1499 = arith.index_cast %get3A_1498 : i32 to index
        %get3A_1500 = arith.index_cast %mul3A_1497 : i32 to index
        %get3A_1501 = tpu.vector_load %arg6[%get3A_1499, %get3A_1500] {strides = array<i32>} : memref<16x1024xf32, #tpu.memory_space<vmem>>, vector<1x16xf32>,
        %get3A_1502 = vector.shape_cast %get3A_1501 : vector<1x16xf32> to vector<16xf32>
        %mul3A_1503 = vector.broadcast %squeeze3A_624 : f32 to vector<16xf32>
        %mul3A_1504 = arith.mulf %mul3A_1503, %get3A_1502 : vector<16xf32>
        %add3A_1505 = arith.addf %add3A_1465, %mul3A_1504 : vector<16xf32>
        %mul3A_1506 = arith.constant 16 : i32
        %mul3A_1507 = arith.muli %mul3A_1506, %add3A_1349 : i32
        %get3A_1508 = arith.index_cast %mul3A_1507 : i32 to index
        %get3A_1509 = tpu.vector_load %arg9[%get3A_1508] {strides = array<i32>} : memref<1024xf32, #tpu.memory_space<vmem>>, vector<16xf32>,
        %get3A_1510 = vector.shape_cast %get3A_1509 : vector<16xf32> to vector<16xf32>
        %mul3A_1511 = arith.mulf %get3A_1510, %exp3A : vector<16xf32>
        %add3A_1512 = arith.addf %add3A_1475, %add3A_1485 : vector<16xf32>
        %add3A_1513 = arith.addf %add3A_1495, %add3A_1505 : vector<16xf32>
        %add3A_1514 = arith.addf %add3A_1512, %add3A_1513 : vector<16xf32>
        %add3A_1515 = arith.addf %mul3A_1511, %add3A_1514 : vector<16xf32>
        %mul3A_1516 = arith.constant 16 : i32
        %mul3A_1517 = arith.muli %mul3A_1516, %add3A_1349 : i32
        %swap3A_1518 = arith.index_cast %mul3A_1517 : i32 to index
        %swap3A_1519 = tpu.vector_load %arg9[%swap3A_1518] {strides = array<i32>} : memref<1024xf32, #tpu.memory_space<vmem>>, vector<16xf32>,
        %swap3A_1520 = vector.shape_cast %swap3A_1519 : vector<16xf32> to vector<16xf32>
        %swap3A_1521 = vector.shape_cast %add3A_1515 : vector<16xf32> to vector<16xf32>
        tpu.vector_store %arg9[%swap3A_1518], %swap3A_1521 {strides = array<i32>} : memref<1024xf32, #tpu.memory_space<vmem>>, vector<16xf32>,
        %scan3A_1522 = arith.constant 0 : i32
        scf.yield %scan3A_1522 : i32
      }
      %scan3A_631 = arith.constant 16 : i32
      %add3A_632 = arith.constant 1 : i32
      %add3A_633 = arith.addi %mul3A_449, %add3A_632 : i32
      %mul3A_634 = arith.constant 16 : i32
      %mul3A_635 = arith.muli %add3A_633, %mul3A_634 : i32
      %add3A_636 = arith.addi %mul3A_32, %mul3A_635 : i32
      %dma_wait3A_637 = arith.constant 0 : i32
      %dma_wait3A_638 = tpu.memref_slice %arg2[%select_n3A, %add3A_636, %dma_wait3A_637] : memref<4x8192x1024xf32, #tpu.memory_space<hbm>> -> memref<1x16x1024xf32, #tpu.memory_space<hbm>>
      %dma_wait3A_639 = tpu.memref_squeeze %dma_wait3A_638 : memref<1x16x1024xf32, #tpu.memory_space<hbm>> -> memref<16x1024xf32, #tpu.memory_space<hbm>>
      %dma_wait3A_640 = arith.constant 0 : i32
      %dma_wait3A_641 = tpu.memref_slice %arg2[%select_n3A, %add3A_636, %dma_wait3A_640] : memref<4x8192x1024xf32, #tpu.memory_space<hbm>> -> memref<1x16x1024xf32, #tpu.memory_space<hbm>>
      %dma_wait3A_642 = tpu.memref_squeeze %dma_wait3A_641 : memref<1x16x1024xf32, #tpu.memory_space<hbm>> -> memref<16x1024xf32, #tpu.memory_space<hbm>>
      tpu.wait_dma2 semaphore(%arg12 : memref<!tpu.dma_semaphore, #tpu.memory_space<semaphore_mem>>) src(%dma_wait3A_642 : memref<16x1024xf32, #tpu.memory_space<hbm>>) dst(%arg7 : memref<16x1024xf32, #tpu.memory_space<vmem>>)
      %add3A_643 = arith.constant 2 : i32
      %add3A_644 = arith.addi %mul3A_449, %add3A_643 : i32
      %lt3A_645 = arith.constant 8 : i32
      %lt3A_646 = arith.cmpi slt, %add3A_644, %lt3A_645 : i32
      %convert_element_type3A = arith.extui %lt3A_646 : i1 to i32
      %cond3A = arith.constant 0 : i32
      %cond3A_647 = arith.cmpi ne, %convert_element_type3A, %cond3A : i32
      scf.if %cond3A_647 {
        %add3A_817 = arith.constant 2 : i32
        %add3A_818 = arith.addi %mul3A_449, %add3A_817 : i32
        %mul3A_819 = arith.constant 16 : i32
        %mul3A_820 = arith.muli %add3A_818, %mul3A_819 : i32
        %add3A_821 = arith.addi %mul3A_32, %mul3A_820 : i32
        %dma_start3A_822 = arith.constant 0 : i32
        %dma_start3A_823 = tpu.memref_slice %arg2[%select_n3A, %add3A_821, %dma_start3A_822] : memref<4x8192x1024xf32, #tpu.memory_space<hbm>> -> memref<1x16x1024xf32, #tpu.memory_space<hbm>>
        %dma_start3A_824 = tpu.memref_squeeze %dma_start3A_823 : memref<1x16x1024xf32, #tpu.memory_space<hbm>> -> memref<16x1024xf32, #tpu.memory_space<hbm>>
        %dma_start3A_825 = arith.constant 0 : i32
        %dma_start3A_826 = tpu.memref_slice %arg2[%select_n3A, %add3A_821, %dma_start3A_825] : memref<4x8192x1024xf32, #tpu.memory_space<hbm>> -> memref<1x16x1024xf32, #tpu.memory_space<hbm>>
        %dma_start3A_827 = tpu.memref_squeeze %dma_start3A_826 : memref<1x16x1024xf32, #tpu.memory_space<hbm>> -> memref<16x1024xf32, #tpu.memory_space<hbm>>
        tpu.enqueue_dma source(%dma_start3A_827 : memref<16x1024xf32, #tpu.memory_space<hbm>>) target(%arg6 : memref<16x1024xf32, #tpu.memory_space<vmem>>) target_semaphore(%arg11 : memref<!tpu.dma_semaphore, #tpu.memory_space<semaphore_mem>>)
      } else {
      }
      %iota3A_648 = tpu.iota {dimensions = array<i32: 0>} : vector<16xi32>
      %broadcast_in_dim3A_649 = arith.constant 0.000000e+00 : f32
      %broadcast_in_dim3A_650 = vector.broadcast %broadcast_in_dim3A_649 : f32 to vector<16xf32>
      %scan3A_651 = arith.constant 0 : i32
      %scan3A_652 = arith.constant 16 : i32
      %scan3A_653 = arith.addi %scan3A_651, %scan3A_652 : i32
      %scan3A_654 = arith.constant 1 : i32
      %scan3A_655 = scf.for %scan3A_817 = %scan3A_651 to %scan3A_653 step %scan3A_654 iter_args(%scan3A_818 = %broadcast_in_dim3A_650) -> (vector<16xf32>)  : i32 {
        %broadcast_in_dim3A_819 = arith.constant 0.000000e+00 : f32
        %broadcast_in_dim3A_820 = vector.broadcast %broadcast_in_dim3A_819 : f32 to vector<16xf32>
        %broadcast_in_dim3A_821 = arith.constant 0.000000e+00 : f32
        %broadcast_in_dim3A_822 = vector.broadcast %broadcast_in_dim3A_821 : f32 to vector<16xf32>
        %broadcast_in_dim3A_823 = arith.constant 0.000000e+00 : f32
        %broadcast_in_dim3A_824 = vector.broadcast %broadcast_in_dim3A_823 : f32 to vector<16xf32>
        %broadcast_in_dim3A_825 = arith.constant 0.000000e+00 : f32
        %broadcast_in_dim3A_826 = vector.broadcast %broadcast_in_dim3A_825 : f32 to vector<16xf32>
        %get3A = arith.index_cast %scan3A_817 : i32 to index
        %get3A_827 = arith.constant 0 : index
        %get3A_828 = tpu.vector_load %arg7[%get3A, %get3A_827] {strides = array<i32>} : memref<16x1024xf32, #tpu.memory_space<vmem>>, vector<1x16xf32>,
        %get3A_829 = vector.shape_cast %get3A_828 : vector<1x16xf32> to vector<16xf32>
        %get3A_830 = arith.constant 0 : index
        %get3A_831 = tpu.vector_load %arg8[%get3A_830] {strides = array<i32>} : memref<1024xf32, #tpu.memory_space<vmem>>, vector<16xf32>,
        %get3A_832 = vector.shape_cast %get3A_831 : vector<16xf32> to vector<16xf32>
        %mul3A_833 = arith.mulf %get3A_829, %get3A_832 : vector<16xf32>
        %add3A_834 = arith.addf %broadcast_in_dim3A_820, %mul3A_833 : vector<16xf32>
        %get3A_835 = arith.index_cast %scan3A_817 : i32 to index
        %get3A_836 = arith.constant 16 : index
        %get3A_837 = tpu.vector_load %arg7[%get3A_835, %get3A_836] {strides = array<i32>} : memref<16x1024xf32, #tpu.memory_space<vmem>>, vector<1x16xf32>,
        %get3A_838 = vector.shape_cast %get3A_837 : vector<1x16xf32> to vector<16xf32>
        %get3A_839 = arith.constant 16 : index
        %get3A_840 = tpu.vector_load %arg8[%get3A_839] {strides = array<i32>} : memref<1024xf32, #tpu.memory_space<vmem>>, vector<16xf32>,
        %get3A_841 = vector.shape_cast %get3A_840 : vector<16xf32> to vector<16xf32>
        %mul3A_842 = arith.mulf %get3A_838, %get3A_841 : vector<16xf32>
        %add3A_843 = arith.addf %broadcast_in_dim3A_822, %mul3A_842 : vector<16xf32>
        %get3A_844 = arith.index_cast %scan3A_817 : i32 to index
        %get3A_845 = arith.constant 32 : index
        %get3A_846 = tpu.vector_load %arg7[%get3A_844, %get3A_845] {strides = array<i32>} : memref<16x1024xf32, #tpu.memory_space<vmem>>, vector<1x16xf32>,
        %get3A_847 = vector.shape_cast %get3A_846 : vector<1x16xf32> to vector<16xf32>
        %get3A_848 = arith.constant 32 : index
        %get3A_849 = tpu.vector_load %arg8[%get3A_848] {strides = array<i32>} : memref<1024xf32, #tpu.memory_space<vmem>>, vector<16xf32>,
        %get3A_850 = vector.shape_cast %get3A_849 : vector<16xf32> to vector<16xf32>
        %mul3A_851 = arith.mulf %get3A_847, %get3A_850 : vector<16xf32>
        %add3A_852 = arith.addf %broadcast_in_dim3A_824, %mul3A_851 : vector<16xf32>
        %get3A_853 = arith.index_cast %scan3A_817 : i32 to index
        %get3A_854 = arith.constant 48 : index
        %get3A_855 = tpu.vector_load %arg7[%get3A_853, %get3A_854] {strides = array<i32>} : memref<16x1024xf32, #tpu.memory_space<vmem>>, vector<1x16xf32>,
        %get3A_856 = vector.shape_cast %get3A_855 : vector<1x16xf32> to vector<16xf32>
        %get3A_857 = arith.constant 48 : index
        %get3A_858 = tpu.vector_load %arg8[%get3A_857] {strides = array<i32>} : memref<1024xf32, #tpu.memory_space<vmem>>, vector<16xf32>,
        %get3A_859 = vector.shape_cast %get3A_858 : vector<16xf32> to vector<16xf32>
        %mul3A_860 = arith.mulf %get3A_856, %get3A_859 : vector<16xf32>
        %add3A_861 = arith.addf %broadcast_in_dim3A_826, %mul3A_860 : vector<16xf32>
        %get3A_862 = arith.index_cast %scan3A_817 : i32 to index
        %get3A_863 = arith.constant 64 : index
        %get3A_864 = tpu.vector_load %arg7[%get3A_862, %get3A_863] {strides = array<i32>} : memref<16x1024xf32, #tpu.memory_space<vmem>>, vector<1x16xf32>,
        %get3A_865 = vector.shape_cast %get3A_864 : vector<1x16xf32> to vector<16xf32>
        %get3A_866 = arith.constant 64 : index
        %get3A_867 = tpu.vector_load %arg8[%get3A_866] {strides = array<i32>} : memref<1024xf32, #tpu.memory_space<vmem>>, vector<16xf32>,
        %get3A_868 = vector.shape_cast %get3A_867 : vector<16xf32> to vector<16xf32>
        %mul3A_869 = arith.mulf %get3A_865, %get3A_868 : vector<16xf32>
        %add3A_870 = arith.addf %add3A_834, %mul3A_869 : vector<16xf32>
        %get3A_871 = arith.index_cast %scan3A_817 : i32 to index
        %get3A_872 = arith.constant 80 : index
        %get3A_873 = tpu.vector_load %arg7[%get3A_871, %get3A_872] {strides = array<i32>} : memref<16x1024xf32, #tpu.memory_space<vmem>>, vector<1x16xf32>,
        %get3A_874 = vector.shape_cast %get3A_873 : vector<1x16xf32> to vector<16xf32>
        %get3A_875 = arith.constant 80 : index
        %get3A_876 = tpu.vector_load %arg8[%get3A_875] {strides = array<i32>} : memref<1024xf32, #tpu.memory_space<vmem>>, vector<16xf32>,
        %get3A_877 = vector.shape_cast %get3A_876 : vector<16xf32> to vector<16xf32>
        %mul3A_878 = arith.mulf %get3A_874, %get3A_877 : vector<16xf32>
        %add3A_879 = arith.addf %add3A_843, %mul3A_878 : vector<16xf32>
        %get3A_880 = arith.index_cast %scan3A_817 : i32 to index
        %get3A_881 = arith.constant 96 : index
        %get3A_882 = tpu.vector_load %arg7[%get3A_880, %get3A_881] {strides = array<i32>} : memref<16x1024xf32, #tpu.memory_space<vmem>>, vector<1x16xf32>,
        %get3A_883 = vector.shape_cast %get3A_882 : vector<1x16xf32> to vector<16xf32>
        %get3A_884 = arith.constant 96 : index
        %get3A_885 = tpu.vector_load %arg8[%get3A_884] {strides = array<i32>} : memref<1024xf32, #tpu.memory_space<vmem>>, vector<16xf32>,
        %get3A_886 = vector.shape_cast %get3A_885 : vector<16xf32> to vector<16xf32>
        %mul3A_887 = arith.mulf %get3A_883, %get3A_886 : vector<16xf32>
        %add3A_888 = arith.addf %add3A_852, %mul3A_887 : vector<16xf32>
        %get3A_889 = arith.index_cast %scan3A_817 : i32 to index
        %get3A_890 = arith.constant 112 : index
        %get3A_891 = tpu.vector_load %arg7[%get3A_889, %get3A_890] {strides = array<i32>} : memref<16x1024xf32, #tpu.memory_space<vmem>>, vector<1x16xf32>,
        %get3A_892 = vector.shape_cast %get3A_891 : vector<1x16xf32> to vector<16xf32>
        %get3A_893 = arith.constant 112 : index
        %get3A_894 = tpu.vector_load %arg8[%get3A_893] {strides = array<i32>} : memref<1024xf32, #tpu.memory_space<vmem>>, vector<16xf32>,
        %get3A_895 = vector.shape_cast %get3A_894 : vector<16xf32> to vector<16xf32>
        %mul3A_896 = arith.mulf %get3A_892, %get3A_895 : vector<16xf32>
        %add3A_897 = arith.addf %add3A_861, %mul3A_896 : vector<16xf32>
        %get3A_898 = arith.index_cast %scan3A_817 : i32 to index
        %get3A_899 = arith.constant 128 : index
        %get3A_900 = tpu.vector_load %arg7[%get3A_898, %get3A_899] {strides = array<i32>} : memref<16x1024xf32, #tpu.memory_space<vmem>>, vector<1x16xf32>,
        %get3A_901 = vector.shape_cast %get3A_900 : vector<1x16xf32> to vector<16xf32>
        %get3A_902 = arith.constant 128 : index
        %get3A_903 = tpu.vector_load %arg8[%get3A_902] {strides = array<i32>} : memref<1024xf32, #tpu.memory_space<vmem>>, vector<16xf32>,
        %get3A_904 = vector.shape_cast %get3A_903 : vector<16xf32> to vector<16xf32>
        %mul3A_905 = arith.mulf %get3A_901, %get3A_904 : vector<16xf32>
        %add3A_906 = arith.addf %add3A_870, %mul3A_905 : vector<16xf32>
        %get3A_907 = arith.index_cast %scan3A_817 : i32 to index
        %get3A_908 = arith.constant 144 : index
        %get3A_909 = tpu.vector_load %arg7[%get3A_907, %get3A_908] {strides = array<i32>} : memref<16x1024xf32, #tpu.memory_space<vmem>>, vector<1x16xf32>,
        %get3A_910 = vector.shape_cast %get3A_909 : vector<1x16xf32> to vector<16xf32>
        %get3A_911 = arith.constant 144 : index
        %get3A_912 = tpu.vector_load %arg8[%get3A_911] {strides = array<i32>} : memref<1024xf32, #tpu.memory_space<vmem>>, vector<16xf32>,
        %get3A_913 = vector.shape_cast %get3A_912 : vector<16xf32> to vector<16xf32>
        %mul3A_914 = arith.mulf %get3A_910, %get3A_913 : vector<16xf32>
        %add3A_915 = arith.addf %add3A_879, %mul3A_914 : vector<16xf32>
        %get3A_916 = arith.index_cast %scan3A_817 : i32 to index
        %get3A_917 = arith.constant 160 : index
        %get3A_918 = tpu.vector_load %arg7[%get3A_916, %get3A_917] {strides = array<i32>} : memref<16x1024xf32, #tpu.memory_space<vmem>>, vector<1x16xf32>,
        %get3A_919 = vector.shape_cast %get3A_918 : vector<1x16xf32> to vector<16xf32>
        %get3A_920 = arith.constant 160 : index
        %get3A_921 = tpu.vector_load %arg8[%get3A_920] {strides = array<i32>} : memref<1024xf32, #tpu.memory_space<vmem>>, vector<16xf32>,
        %get3A_922 = vector.shape_cast %get3A_921 : vector<16xf32> to vector<16xf32>
        %mul3A_923 = arith.mulf %get3A_919, %get3A_922 : vector<16xf32>
        %add3A_924 = arith.addf %add3A_888, %mul3A_923 : vector<16xf32>
        %get3A_925 = arith.index_cast %scan3A_817 : i32 to index
        %get3A_926 = arith.constant 176 : index
        %get3A_927 = tpu.vector_load %arg7[%get3A_925, %get3A_926] {strides = array<i32>} : memref<16x1024xf32, #tpu.memory_space<vmem>>, vector<1x16xf32>,
        %get3A_928 = vector.shape_cast %get3A_927 : vector<1x16xf32> to vector<16xf32>
        %get3A_929 = arith.constant 176 : index
        %get3A_930 = tpu.vector_load %arg8[%get3A_929] {strides = array<i32>} : memref<1024xf32, #tpu.memory_space<vmem>>, vector<16xf32>,
        %get3A_931 = vector.shape_cast %get3A_930 : vector<16xf32> to vector<16xf32>
        %mul3A_932 = arith.mulf %get3A_928, %get3A_931 : vector<16xf32>
        %add3A_933 = arith.addf %add3A_897, %mul3A_932 : vector<16xf32>
        %get3A_934 = arith.index_cast %scan3A_817 : i32 to index
        %get3A_935 = arith.constant 192 : index
        %get3A_936 = tpu.vector_load %arg7[%get3A_934, %get3A_935] {strides = array<i32>} : memref<16x1024xf32, #tpu.memory_space<vmem>>, vector<1x16xf32>,
        %get3A_937 = vector.shape_cast %get3A_936 : vector<1x16xf32> to vector<16xf32>
        %get3A_938 = arith.constant 192 : index
        %get3A_939 = tpu.vector_load %arg8[%get3A_938] {strides = array<i32>} : memref<1024xf32, #tpu.memory_space<vmem>>, vector<16xf32>,
        %get3A_940 = vector.shape_cast %get3A_939 : vector<16xf32> to vector<16xf32>
        %mul3A_941 = arith.mulf %get3A_937, %get3A_940 : vector<16xf32>
        %add3A_942 = arith.addf %add3A_906, %mul3A_941 : vector<16xf32>
        %get3A_943 = arith.index_cast %scan3A_817 : i32 to index
        %get3A_944 = arith.constant 208 : index
        %get3A_945 = tpu.vector_load %arg7[%get3A_943, %get3A_944] {strides = array<i32>} : memref<16x1024xf32, #tpu.memory_space<vmem>>, vector<1x16xf32>,
        %get3A_946 = vector.shape_cast %get3A_945 : vector<1x16xf32> to vector<16xf32>
        %get3A_947 = arith.constant 208 : index
        %get3A_948 = tpu.vector_load %arg8[%get3A_947] {strides = array<i32>} : memref<1024xf32, #tpu.memory_space<vmem>>, vector<16xf32>,
        %get3A_949 = vector.shape_cast %get3A_948 : vector<16xf32> to vector<16xf32>
        %mul3A_950 = arith.mulf %get3A_946, %get3A_949 : vector<16xf32>
        %add3A_951 = arith.addf %add3A_915, %mul3A_950 : vector<16xf32>
        %get3A_952 = arith.index_cast %scan3A_817 : i32 to index
        %get3A_953 = arith.constant 224 : index
        %get3A_954 = tpu.vector_load %arg7[%get3A_952, %get3A_953] {strides = array<i32>} : memref<16x1024xf32, #tpu.memory_space<vmem>>, vector<1x16xf32>,
        %get3A_955 = vector.shape_cast %get3A_954 : vector<1x16xf32> to vector<16xf32>
        %get3A_956 = arith.constant 224 : index
        %get3A_957 = tpu.vector_load %arg8[%get3A_956] {strides = array<i32>} : memref<1024xf32, #tpu.memory_space<vmem>>, vector<16xf32>,
        %get3A_958 = vector.shape_cast %get3A_957 : vector<16xf32> to vector<16xf32>
        %mul3A_959 = arith.mulf %get3A_955, %get3A_958 : vector<16xf32>
        %add3A_960 = arith.addf %add3A_924, %mul3A_959 : vector<16xf32>
        %get3A_961 = arith.index_cast %scan3A_817 : i32 to index
        %get3A_962 = arith.constant 240 : index
        %get3A_963 = tpu.vector_load %arg7[%get3A_961, %get3A_962] {strides = array<i32>} : memref<16x1024xf32, #tpu.memory_space<vmem>>, vector<1x16xf32>,
        %get3A_964 = vector.shape_cast %get3A_963 : vector<1x16xf32> to vector<16xf32>
        %get3A_965 = arith.constant 240 : index
        %get3A_966 = tpu.vector_load %arg8[%get3A_965] {strides = array<i32>} : memref<1024xf32, #tpu.memory_space<vmem>>, vector<16xf32>,
        %get3A_967 = vector.shape_cast %get3A_966 : vector<16xf32> to vector<16xf32>
        %mul3A_968 = arith.mulf %get3A_964, %get3A_967 : vector<16xf32>
        %add3A_969 = arith.addf %add3A_933, %mul3A_968 : vector<16xf32>
        %get3A_970 = arith.index_cast %scan3A_817 : i32 to index
        %get3A_971 = arith.constant 256 : index
        %get3A_972 = tpu.vector_load %arg7[%get3A_970, %get3A_971] {strides = array<i32>} : memref<16x1024xf32, #tpu.memory_space<vmem>>, vector<1x16xf32>,
        %get3A_973 = vector.shape_cast %get3A_972 : vector<1x16xf32> to vector<16xf32>
        %get3A_974 = arith.constant 256 : index
        %get3A_975 = tpu.vector_load %arg8[%get3A_974] {strides = array<i32>} : memref<1024xf32, #tpu.memory_space<vmem>>, vector<16xf32>,
        %get3A_976 = vector.shape_cast %get3A_975 : vector<16xf32> to vector<16xf32>
        %mul3A_977 = arith.mulf %get3A_973, %get3A_976 : vector<16xf32>
        %add3A_978 = arith.addf %add3A_942, %mul3A_977 : vector<16xf32>
        %get3A_979 = arith.index_cast %scan3A_817 : i32 to index
        %get3A_980 = arith.constant 272 : index
        %get3A_981 = tpu.vector_load %arg7[%get3A_979, %get3A_980] {strides = array<i32>} : memref<16x1024xf32, #tpu.memory_space<vmem>>, vector<1x16xf32>,
        %get3A_982 = vector.shape_cast %get3A_981 : vector<1x16xf32> to vector<16xf32>
        %get3A_983 = arith.constant 272 : index
        %get3A_984 = tpu.vector_load %arg8[%get3A_983] {strides = array<i32>} : memref<1024xf32, #tpu.memory_space<vmem>>, vector<16xf32>,
        %get3A_985 = vector.shape_cast %get3A_984 : vector<16xf32> to vector<16xf32>
        %mul3A_986 = arith.mulf %get3A_982, %get3A_985 : vector<16xf32>
        %add3A_987 = arith.addf %add3A_951, %mul3A_986 : vector<16xf32>
        %get3A_988 = arith.index_cast %scan3A_817 : i32 to index
        %get3A_989 = arith.constant 288 : index
        %get3A_990 = tpu.vector_load %arg7[%get3A_988, %get3A_989] {strides = array<i32>} : memref<16x1024xf32, #tpu.memory_space<vmem>>, vector<1x16xf32>,
        %get3A_991 = vector.shape_cast %get3A_990 : vector<1x16xf32> to vector<16xf32>
        %get3A_992 = arith.constant 288 : index
        %get3A_993 = tpu.vector_load %arg8[%get3A_992] {strides = array<i32>} : memref<1024xf32, #tpu.memory_space<vmem>>, vector<16xf32>,
        %get3A_994 = vector.shape_cast %get3A_993 : vector<16xf32> to vector<16xf32>
        %mul3A_995 = arith.mulf %get3A_991, %get3A_994 : vector<16xf32>
        %add3A_996 = arith.addf %add3A_960, %mul3A_995 : vector<16xf32>
        %get3A_997 = arith.index_cast %scan3A_817 : i32 to index
        %get3A_998 = arith.constant 304 : index
        %get3A_999 = tpu.vector_load %arg7[%get3A_997, %get3A_998] {strides = array<i32>} : memref<16x1024xf32, #tpu.memory_space<vmem>>, vector<1x16xf32>,
        %get3A_1000 = vector.shape_cast %get3A_999 : vector<1x16xf32> to vector<16xf32>
        %get3A_1001 = arith.constant 304 : index
        %get3A_1002 = tpu.vector_load %arg8[%get3A_1001] {strides = array<i32>} : memref<1024xf32, #tpu.memory_space<vmem>>, vector<16xf32>,
        %get3A_1003 = vector.shape_cast %get3A_1002 : vector<16xf32> to vector<16xf32>
        %mul3A_1004 = arith.mulf %get3A_1000, %get3A_1003 : vector<16xf32>
        %add3A_1005 = arith.addf %add3A_969, %mul3A_1004 : vector<16xf32>
        %get3A_1006 = arith.index_cast %scan3A_817 : i32 to index
        %get3A_1007 = arith.constant 320 : index
        %get3A_1008 = tpu.vector_load %arg7[%get3A_1006, %get3A_1007] {strides = array<i32>} : memref<16x1024xf32, #tpu.memory_space<vmem>>, vector<1x16xf32>,
        %get3A_1009 = vector.shape_cast %get3A_1008 : vector<1x16xf32> to vector<16xf32>
        %get3A_1010 = arith.constant 320 : index
        %get3A_1011 = tpu.vector_load %arg8[%get3A_1010] {strides = array<i32>} : memref<1024xf32, #tpu.memory_space<vmem>>, vector<16xf32>,
        %get3A_1012 = vector.shape_cast %get3A_1011 : vector<16xf32> to vector<16xf32>
        %mul3A_1013 = arith.mulf %get3A_1009, %get3A_1012 : vector<16xf32>
        %add3A_1014 = arith.addf %add3A_978, %mul3A_1013 : vector<16xf32>
        %get3A_1015 = arith.index_cast %scan3A_817 : i32 to index
        %get3A_1016 = arith.constant 336 : index
        %get3A_1017 = tpu.vector_load %arg7[%get3A_1015, %get3A_1016] {strides = array<i32>} : memref<16x1024xf32, #tpu.memory_space<vmem>>, vector<1x16xf32>,
        %get3A_1018 = vector.shape_cast %get3A_1017 : vector<1x16xf32> to vector<16xf32>
        %get3A_1019 = arith.constant 336 : index
        %get3A_1020 = tpu.vector_load %arg8[%get3A_1019] {strides = array<i32>} : memref<1024xf32, #tpu.memory_space<vmem>>, vector<16xf32>,
        %get3A_1021 = vector.shape_cast %get3A_1020 : vector<16xf32> to vector<16xf32>
        %mul3A_1022 = arith.mulf %get3A_1018, %get3A_1021 : vector<16xf32>
        %add3A_1023 = arith.addf %add3A_987, %mul3A_1022 : vector<16xf32>
        %get3A_1024 = arith.index_cast %scan3A_817 : i32 to index
        %get3A_1025 = arith.constant 352 : index
        %get3A_1026 = tpu.vector_load %arg7[%get3A_1024, %get3A_1025] {strides = array<i32>} : memref<16x1024xf32, #tpu.memory_space<vmem>>, vector<1x16xf32>,
        %get3A_1027 = vector.shape_cast %get3A_1026 : vector<1x16xf32> to vector<16xf32>
        %get3A_1028 = arith.constant 352 : index
        %get3A_1029 = tpu.vector_load %arg8[%get3A_1028] {strides = array<i32>} : memref<1024xf32, #tpu.memory_space<vmem>>, vector<16xf32>,
        %get3A_1030 = vector.shape_cast %get3A_1029 : vector<16xf32> to vector<16xf32>
        %mul3A_1031 = arith.mulf %get3A_1027, %get3A_1030 : vector<16xf32>
        %add3A_1032 = arith.addf %add3A_996, %mul3A_1031 : vector<16xf32>
        %get3A_1033 = arith.index_cast %scan3A_817 : i32 to index
        %get3A_1034 = arith.constant 368 : index
        %get3A_1035 = tpu.vector_load %arg7[%get3A_1033, %get3A_1034] {strides = array<i32>} : memref<16x1024xf32, #tpu.memory_space<vmem>>, vector<1x16xf32>,
        %get3A_1036 = vector.shape_cast %get3A_1035 : vector<1x16xf32> to vector<16xf32>
        %get3A_1037 = arith.constant 368 : index
        %get3A_1038 = tpu.vector_load %arg8[%get3A_1037] {strides = array<i32>} : memref<1024xf32, #tpu.memory_space<vmem>>, vector<16xf32>,
        %get3A_1039 = vector.shape_cast %get3A_1038 : vector<16xf32> to vector<16xf32>
        %mul3A_1040 = arith.mulf %get3A_1036, %get3A_1039 : vector<16xf32>
        %add3A_1041 = arith.addf %add3A_1005, %mul3A_1040 : vector<16xf32>
        %get3A_1042 = arith.index_cast %scan3A_817 : i32 to index
        %get3A_1043 = arith.constant 384 : index
        %get3A_1044 = tpu.vector_load %arg7[%get3A_1042, %get3A_1043] {strides = array<i32>} : memref<16x1024xf32, #tpu.memory_space<vmem>>, vector<1x16xf32>,
        %get3A_1045 = vector.shape_cast %get3A_1044 : vector<1x16xf32> to vector<16xf32>
        %get3A_1046 = arith.constant 384 : index
        %get3A_1047 = tpu.vector_load %arg8[%get3A_1046] {strides = array<i32>} : memref<1024xf32, #tpu.memory_space<vmem>>, vector<16xf32>,
        %get3A_1048 = vector.shape_cast %get3A_1047 : vector<16xf32> to vector<16xf32>
        %mul3A_1049 = arith.mulf %get3A_1045, %get3A_1048 : vector<16xf32>
        %add3A_1050 = arith.addf %add3A_1014, %mul3A_1049 : vector<16xf32>
        %get3A_1051 = arith.index_cast %scan3A_817 : i32 to index
        %get3A_1052 = arith.constant 400 : index
        %get3A_1053 = tpu.vector_load %arg7[%get3A_1051, %get3A_1052] {strides = array<i32>} : memref<16x1024xf32, #tpu.memory_space<vmem>>, vector<1x16xf32>,
        %get3A_1054 = vector.shape_cast %get3A_1053 : vector<1x16xf32> to vector<16xf32>
        %get3A_1055 = arith.constant 400 : index
        %get3A_1056 = tpu.vector_load %arg8[%get3A_1055] {strides = array<i32>} : memref<1024xf32, #tpu.memory_space<vmem>>, vector<16xf32>,
        %get3A_1057 = vector.shape_cast %get3A_1056 : vector<16xf32> to vector<16xf32>
        %mul3A_1058 = arith.mulf %get3A_1054, %get3A_1057 : vector<16xf32>
        %add3A_1059 = arith.addf %add3A_1023, %mul3A_1058 : vector<16xf32>
        %get3A_1060 = arith.index_cast %scan3A_817 : i32 to index
        %get3A_1061 = arith.constant 416 : index
        %get3A_1062 = tpu.vector_load %arg7[%get3A_1060, %get3A_1061] {strides = array<i32>} : memref<16x1024xf32, #tpu.memory_space<vmem>>, vector<1x16xf32>,
        %get3A_1063 = vector.shape_cast %get3A_1062 : vector<1x16xf32> to vector<16xf32>
        %get3A_1064 = arith.constant 416 : index
        %get3A_1065 = tpu.vector_load %arg8[%get3A_1064] {strides = array<i32>} : memref<1024xf32, #tpu.memory_space<vmem>>, vector<16xf32>,
        %get3A_1066 = vector.shape_cast %get3A_1065 : vector<16xf32> to vector<16xf32>
        %mul3A_1067 = arith.mulf %get3A_1063, %get3A_1066 : vector<16xf32>
        %add3A_1068 = arith.addf %add3A_1032, %mul3A_1067 : vector<16xf32>
        %get3A_1069 = arith.index_cast %scan3A_817 : i32 to index
        %get3A_1070 = arith.constant 432 : index
        %get3A_1071 = tpu.vector_load %arg7[%get3A_1069, %get3A_1070] {strides = array<i32>} : memref<16x1024xf32, #tpu.memory_space<vmem>>, vector<1x16xf32>,
        %get3A_1072 = vector.shape_cast %get3A_1071 : vector<1x16xf32> to vector<16xf32>
        %get3A_1073 = arith.constant 432 : index
        %get3A_1074 = tpu.vector_load %arg8[%get3A_1073] {strides = array<i32>} : memref<1024xf32, #tpu.memory_space<vmem>>, vector<16xf32>,
        %get3A_1075 = vector.shape_cast %get3A_1074 : vector<16xf32> to vector<16xf32>
        %mul3A_1076 = arith.mulf %get3A_1072, %get3A_1075 : vector<16xf32>
        %add3A_1077 = arith.addf %add3A_1041, %mul3A_1076 : vector<16xf32>
        %get3A_1078 = arith.index_cast %scan3A_817 : i32 to index
        %get3A_1079 = arith.constant 448 : index
        %get3A_1080 = tpu.vector_load %arg7[%get3A_1078, %get3A_1079] {strides = array<i32>} : memref<16x1024xf32, #tpu.memory_space<vmem>>, vector<1x16xf32>,
        %get3A_1081 = vector.shape_cast %get3A_1080 : vector<1x16xf32> to vector<16xf32>
        %get3A_1082 = arith.constant 448 : index
        %get3A_1083 = tpu.vector_load %arg8[%get3A_1082] {strides = array<i32>} : memref<1024xf32, #tpu.memory_space<vmem>>, vector<16xf32>,
        %get3A_1084 = vector.shape_cast %get3A_1083 : vector<16xf32> to vector<16xf32>
        %mul3A_1085 = arith.mulf %get3A_1081, %get3A_1084 : vector<16xf32>
        %add3A_1086 = arith.addf %add3A_1050, %mul3A_1085 : vector<16xf32>
        %get3A_1087 = arith.index_cast %scan3A_817 : i32 to index
        %get3A_1088 = arith.constant 464 : index
        %get3A_1089 = tpu.vector_load %arg7[%get3A_1087, %get3A_1088] {strides = array<i32>} : memref<16x1024xf32, #tpu.memory_space<vmem>>, vector<1x16xf32>,
        %get3A_1090 = vector.shape_cast %get3A_1089 : vector<1x16xf32> to vector<16xf32>
        %get3A_1091 = arith.constant 464 : index
        %get3A_1092 = tpu.vector_load %arg8[%get3A_1091] {strides = array<i32>} : memref<1024xf32, #tpu.memory_space<vmem>>, vector<16xf32>,
        %get3A_1093 = vector.shape_cast %get3A_1092 : vector<16xf32> to vector<16xf32>
        %mul3A_1094 = arith.mulf %get3A_1090, %get3A_1093 : vector<16xf32>
        %add3A_1095 = arith.addf %add3A_1059, %mul3A_1094 : vector<16xf32>
        %get3A_1096 = arith.index_cast %scan3A_817 : i32 to index
        %get3A_1097 = arith.constant 480 : index
        %get3A_1098 = tpu.vector_load %arg7[%get3A_1096, %get3A_1097] {strides = array<i32>} : memref<16x1024xf32, #tpu.memory_space<vmem>>, vector<1x16xf32>,
        %get3A_1099 = vector.shape_cast %get3A_1098 : vector<1x16xf32> to vector<16xf32>
        %get3A_1100 = arith.constant 480 : index
        %get3A_1101 = tpu.vector_load %arg8[%get3A_1100] {strides = array<i32>} : memref<1024xf32, #tpu.memory_space<vmem>>, vector<16xf32>,
        %get3A_1102 = vector.shape_cast %get3A_1101 : vector<16xf32> to vector<16xf32>
        %mul3A_1103 = arith.mulf %get3A_1099, %get3A_1102 : vector<16xf32>
        %add3A_1104 = arith.addf %add3A_1068, %mul3A_1103 : vector<16xf32>
        %get3A_1105 = arith.index_cast %scan3A_817 : i32 to index
        %get3A_1106 = arith.constant 496 : index
        %get3A_1107 = tpu.vector_load %arg7[%get3A_1105, %get3A_1106] {strides = array<i32>} : memref<16x1024xf32, #tpu.memory_space<vmem>>, vector<1x16xf32>,
        %get3A_1108 = vector.shape_cast %get3A_1107 : vector<1x16xf32> to vector<16xf32>
        %get3A_1109 = arith.constant 496 : index
        %get3A_1110 = tpu.vector_load %arg8[%get3A_1109] {strides = array<i32>} : memref<1024xf32, #tpu.memory_space<vmem>>, vector<16xf32>,
        %get3A_1111 = vector.shape_cast %get3A_1110 : vector<16xf32> to vector<16xf32>
        %mul3A_1112 = arith.mulf %get3A_1108, %get3A_1111 : vector<16xf32>
        %add3A_1113 = arith.addf %add3A_1077, %mul3A_1112 : vector<16xf32>
        %get3A_1114 = arith.index_cast %scan3A_817 : i32 to index
        %get3A_1115 = arith.constant 512 : index
        %get3A_1116 = tpu.vector_load %arg7[%get3A_1114, %get3A_1115] {strides = array<i32>} : memref<16x1024xf32, #tpu.memory_space<vmem>>, vector<1x16xf32>,
        %get3A_1117 = vector.shape_cast %get3A_1116 : vector<1x16xf32> to vector<16xf32>
        %get3A_1118 = arith.constant 512 : index
        %get3A_1119 = tpu.vector_load %arg8[%get3A_1118] {strides = array<i32>} : memref<1024xf32, #tpu.memory_space<vmem>>, vector<16xf32>,
        %get3A_1120 = vector.shape_cast %get3A_1119 : vector<16xf32> to vector<16xf32>
        %mul3A_1121 = arith.mulf %get3A_1117, %get3A_1120 : vector<16xf32>
        %add3A_1122 = arith.addf %add3A_1086, %mul3A_1121 : vector<16xf32>
        %get3A_1123 = arith.index_cast %scan3A_817 : i32 to index
        %get3A_1124 = arith.constant 528 : index
        %get3A_1125 = tpu.vector_load %arg7[%get3A_1123, %get3A_1124] {strides = array<i32>} : memref<16x1024xf32, #tpu.memory_space<vmem>>, vector<1x16xf32>,
        %get3A_1126 = vector.shape_cast %get3A_1125 : vector<1x16xf32> to vector<16xf32>
        %get3A_1127 = arith.constant 528 : index
        %get3A_1128 = tpu.vector_load %arg8[%get3A_1127] {strides = array<i32>} : memref<1024xf32, #tpu.memory_space<vmem>>, vector<16xf32>,
        %get3A_1129 = vector.shape_cast %get3A_1128 : vector<16xf32> to vector<16xf32>
        %mul3A_1130 = arith.mulf %get3A_1126, %get3A_1129 : vector<16xf32>
        %add3A_1131 = arith.addf %add3A_1095, %mul3A_1130 : vector<16xf32>
        %get3A_1132 = arith.index_cast %scan3A_817 : i32 to index
        %get3A_1133 = arith.constant 544 : index
        %get3A_1134 = tpu.vector_load %arg7[%get3A_1132, %get3A_1133] {strides = array<i32>} : memref<16x1024xf32, #tpu.memory_space<vmem>>, vector<1x16xf32>,
        %get3A_1135 = vector.shape_cast %get3A_1134 : vector<1x16xf32> to vector<16xf32>
        %get3A_1136 = arith.constant 544 : index
        %get3A_1137 = tpu.vector_load %arg8[%get3A_1136] {strides = array<i32>} : memref<1024xf32, #tpu.memory_space<vmem>>, vector<16xf32>,
        %get3A_1138 = vector.shape_cast %get3A_1137 : vector<16xf32> to vector<16xf32>
        %mul3A_1139 = arith.mulf %get3A_1135, %get3A_1138 : vector<16xf32>
        %add3A_1140 = arith.addf %add3A_1104, %mul3A_1139 : vector<16xf32>
        %get3A_1141 = arith.index_cast %scan3A_817 : i32 to index
        %get3A_1142 = arith.constant 560 : index
        %get3A_1143 = tpu.vector_load %arg7[%get3A_1141, %get3A_1142] {strides = array<i32>} : memref<16x1024xf32, #tpu.memory_space<vmem>>, vector<1x16xf32>,
        %get3A_1144 = vector.shape_cast %get3A_1143 : vector<1x16xf32> to vector<16xf32>
        %get3A_1145 = arith.constant 560 : index
        %get3A_1146 = tpu.vector_load %arg8[%get3A_1145] {strides = array<i32>} : memref<1024xf32, #tpu.memory_space<vmem>>, vector<16xf32>,
        %get3A_1147 = vector.shape_cast %get3A_1146 : vector<16xf32> to vector<16xf32>
        %mul3A_1148 = arith.mulf %get3A_1144, %get3A_1147 : vector<16xf32>
        %add3A_1149 = arith.addf %add3A_1113, %mul3A_1148 : vector<16xf32>
        %get3A_1150 = arith.index_cast %scan3A_817 : i32 to index
        %get3A_1151 = arith.constant 576 : index
        %get3A_1152 = tpu.vector_load %arg7[%get3A_1150, %get3A_1151] {strides = array<i32>} : memref<16x1024xf32, #tpu.memory_space<vmem>>, vector<1x16xf32>,
        %get3A_1153 = vector.shape_cast %get3A_1152 : vector<1x16xf32> to vector<16xf32>
        %get3A_1154 = arith.constant 576 : index
        %get3A_1155 = tpu.vector_load %arg8[%get3A_1154] {strides = array<i32>} : memref<1024xf32, #tpu.memory_space<vmem>>, vector<16xf32>,
        %get3A_1156 = vector.shape_cast %get3A_1155 : vector<16xf32> to vector<16xf32>
        %mul3A_1157 = arith.mulf %get3A_1153, %get3A_1156 : vector<16xf32>
        %add3A_1158 = arith.addf %add3A_1122, %mul3A_1157 : vector<16xf32>
        %get3A_1159 = arith.index_cast %scan3A_817 : i32 to index
        %get3A_1160 = arith.constant 592 : index
        %get3A_1161 = tpu.vector_load %arg7[%get3A_1159, %get3A_1160] {strides = array<i32>} : memref<16x1024xf32, #tpu.memory_space<vmem>>, vector<1x16xf32>,
        %get3A_1162 = vector.shape_cast %get3A_1161 : vector<1x16xf32> to vector<16xf32>
        %get3A_1163 = arith.constant 592 : index
        %get3A_1164 = tpu.vector_load %arg8[%get3A_1163] {strides = array<i32>} : memref<1024xf32, #tpu.memory_space<vmem>>, vector<16xf32>,
        %get3A_1165 = vector.shape_cast %get3A_1164 : vector<16xf32> to vector<16xf32>
        %mul3A_1166 = arith.mulf %get3A_1162, %get3A_1165 : vector<16xf32>
        %add3A_1167 = arith.addf %add3A_1131, %mul3A_1166 : vector<16xf32>
        %get3A_1168 = arith.index_cast %scan3A_817 : i32 to index
        %get3A_1169 = arith.constant 608 : index
        %get3A_1170 = tpu.vector_load %arg7[%get3A_1168, %get3A_1169] {strides = array<i32>} : memref<16x1024xf32, #tpu.memory_space<vmem>>, vector<1x16xf32>,
        %get3A_1171 = vector.shape_cast %get3A_1170 : vector<1x16xf32> to vector<16xf32>
        %get3A_1172 = arith.constant 608 : index
        %get3A_1173 = tpu.vector_load %arg8[%get3A_1172] {strides = array<i32>} : memref<1024xf32, #tpu.memory_space<vmem>>, vector<16xf32>,
        %get3A_1174 = vector.shape_cast %get3A_1173 : vector<16xf32> to vector<16xf32>
        %mul3A_1175 = arith.mulf %get3A_1171, %get3A_1174 : vector<16xf32>
        %add3A_1176 = arith.addf %add3A_1140, %mul3A_1175 : vector<16xf32>
        %get3A_1177 = arith.index_cast %scan3A_817 : i32 to index
        %get3A_1178 = arith.constant 624 : index
        %get3A_1179 = tpu.vector_load %arg7[%get3A_1177, %get3A_1178] {strides = array<i32>} : memref<16x1024xf32, #tpu.memory_space<vmem>>, vector<1x16xf32>,
        %get3A_1180 = vector.shape_cast %get3A_1179 : vector<1x16xf32> to vector<16xf32>
        %get3A_1181 = arith.constant 624 : index
        %get3A_1182 = tpu.vector_load %arg8[%get3A_1181] {strides = array<i32>} : memref<1024xf32, #tpu.memory_space<vmem>>, vector<16xf32>,
        %get3A_1183 = vector.shape_cast %get3A_1182 : vector<16xf32> to vector<16xf32>
        %mul3A_1184 = arith.mulf %get3A_1180, %get3A_1183 : vector<16xf32>
        %add3A_1185 = arith.addf %add3A_1149, %mul3A_1184 : vector<16xf32>
        %get3A_1186 = arith.index_cast %scan3A_817 : i32 to index
        %get3A_1187 = arith.constant 640 : index
        %get3A_1188 = tpu.vector_load %arg7[%get3A_1186, %get3A_1187] {strides = array<i32>} : memref<16x1024xf32, #tpu.memory_space<vmem>>, vector<1x16xf32>,
        %get3A_1189 = vector.shape_cast %get3A_1188 : vector<1x16xf32> to vector<16xf32>
        %get3A_1190 = arith.constant 640 : index
        %get3A_1191 = tpu.vector_load %arg8[%get3A_1190] {strides = array<i32>} : memref<1024xf32, #tpu.memory_space<vmem>>, vector<16xf32>,
        %get3A_1192 = vector.shape_cast %get3A_1191 : vector<16xf32> to vector<16xf32>
        %mul3A_1193 = arith.mulf %get3A_1189, %get3A_1192 : vector<16xf32>
        %add3A_1194 = arith.addf %add3A_1158, %mul3A_1193 : vector<16xf32>
        %get3A_1195 = arith.index_cast %scan3A_817 : i32 to index
        %get3A_1196 = arith.constant 656 : index
        %get3A_1197 = tpu.vector_load %arg7[%get3A_1195, %get3A_1196] {strides = array<i32>} : memref<16x1024xf32, #tpu.memory_space<vmem>>, vector<1x16xf32>,
        %get3A_1198 = vector.shape_cast %get3A_1197 : vector<1x16xf32> to vector<16xf32>
        %get3A_1199 = arith.constant 656 : index
        %get3A_1200 = tpu.vector_load %arg8[%get3A_1199] {strides = array<i32>} : memref<1024xf32, #tpu.memory_space<vmem>>, vector<16xf32>,
        %get3A_1201 = vector.shape_cast %get3A_1200 : vector<16xf32> to vector<16xf32>
        %mul3A_1202 = arith.mulf %get3A_1198, %get3A_1201 : vector<16xf32>
        %add3A_1203 = arith.addf %add3A_1167, %mul3A_1202 : vector<16xf32>
        %get3A_1204 = arith.index_cast %scan3A_817 : i32 to index
        %get3A_1205 = arith.constant 672 : index
        %get3A_1206 = tpu.vector_load %arg7[%get3A_1204, %get3A_1205] {strides = array<i32>} : memref<16x1024xf32, #tpu.memory_space<vmem>>, vector<1x16xf32>,
        %get3A_1207 = vector.shape_cast %get3A_1206 : vector<1x16xf32> to vector<16xf32>
        %get3A_1208 = arith.constant 672 : index
        %get3A_1209 = tpu.vector_load %arg8[%get3A_1208] {strides = array<i32>} : memref<1024xf32, #tpu.memory_space<vmem>>, vector<16xf32>,
        %get3A_1210 = vector.shape_cast %get3A_1209 : vector<16xf32> to vector<16xf32>
        %mul3A_1211 = arith.mulf %get3A_1207, %get3A_1210 : vector<16xf32>
        %add3A_1212 = arith.addf %add3A_1176, %mul3A_1211 : vector<16xf32>
        %get3A_1213 = arith.index_cast %scan3A_817 : i32 to index
        %get3A_1214 = arith.constant 688 : index
        %get3A_1215 = tpu.vector_load %arg7[%get3A_1213, %get3A_1214] {strides = array<i32>} : memref<16x1024xf32, #tpu.memory_space<vmem>>, vector<1x16xf32>,
        %get3A_1216 = vector.shape_cast %get3A_1215 : vector<1x16xf32> to vector<16xf32>
        %get3A_1217 = arith.constant 688 : index
        %get3A_1218 = tpu.vector_load %arg8[%get3A_1217] {strides = array<i32>} : memref<1024xf32, #tpu.memory_space<vmem>>, vector<16xf32>,
        %get3A_1219 = vector.shape_cast %get3A_1218 : vector<16xf32> to vector<16xf32>
        %mul3A_1220 = arith.mulf %get3A_1216, %get3A_1219 : vector<16xf32>
        %add3A_1221 = arith.addf %add3A_1185, %mul3A_1220 : vector<16xf32>
        %get3A_1222 = arith.index_cast %scan3A_817 : i32 to index
        %get3A_1223 = arith.constant 704 : index
        %get3A_1224 = tpu.vector_load %arg7[%get3A_1222, %get3A_1223] {strides = array<i32>} : memref<16x1024xf32, #tpu.memory_space<vmem>>, vector<1x16xf32>,
        %get3A_1225 = vector.shape_cast %get3A_1224 : vector<1x16xf32> to vector<16xf32>
        %get3A_1226 = arith.constant 704 : index
        %get3A_1227 = tpu.vector_load %arg8[%get3A_1226] {strides = array<i32>} : memref<1024xf32, #tpu.memory_space<vmem>>, vector<16xf32>,
        %get3A_1228 = vector.shape_cast %get3A_1227 : vector<16xf32> to vector<16xf32>
        %mul3A_1229 = arith.mulf %get3A_1225, %get3A_1228 : vector<16xf32>
        %add3A_1230 = arith.addf %add3A_1194, %mul3A_1229 : vector<16xf32>
        %get3A_1231 = arith.index_cast %scan3A_817 : i32 to index
        %get3A_1232 = arith.constant 720 : index
        %get3A_1233 = tpu.vector_load %arg7[%get3A_1231, %get3A_1232] {strides = array<i32>} : memref<16x1024xf32, #tpu.memory_space<vmem>>, vector<1x16xf32>,
        %get3A_1234 = vector.shape_cast %get3A_1233 : vector<1x16xf32> to vector<16xf32>
        %get3A_1235 = arith.constant 720 : index
        %get3A_1236 = tpu.vector_load %arg8[%get3A_1235] {strides = array<i32>} : memref<1024xf32, #tpu.memory_space<vmem>>, vector<16xf32>,
        %get3A_1237 = vector.shape_cast %get3A_1236 : vector<16xf32> to vector<16xf32>
        %mul3A_1238 = arith.mulf %get3A_1234, %get3A_1237 : vector<16xf32>
        %add3A_1239 = arith.addf %add3A_1203, %mul3A_1238 : vector<16xf32>
        %get3A_1240 = arith.index_cast %scan3A_817 : i32 to index
        %get3A_1241 = arith.constant 736 : index
        %get3A_1242 = tpu.vector_load %arg7[%get3A_1240, %get3A_1241] {strides = array<i32>} : memref<16x1024xf32, #tpu.memory_space<vmem>>, vector<1x16xf32>,
        %get3A_1243 = vector.shape_cast %get3A_1242 : vector<1x16xf32> to vector<16xf32>
        %get3A_1244 = arith.constant 736 : index
        %get3A_1245 = tpu.vector_load %arg8[%get3A_1244] {strides = array<i32>} : memref<1024xf32, #tpu.memory_space<vmem>>, vector<16xf32>,
        %get3A_1246 = vector.shape_cast %get3A_1245 : vector<16xf32> to vector<16xf32>
        %mul3A_1247 = arith.mulf %get3A_1243, %get3A_1246 : vector<16xf32>
        %add3A_1248 = arith.addf %add3A_1212, %mul3A_1247 : vector<16xf32>
        %get3A_1249 = arith.index_cast %scan3A_817 : i32 to index
        %get3A_1250 = arith.constant 752 : index
        %get3A_1251 = tpu.vector_load %arg7[%get3A_1249, %get3A_1250] {strides = array<i32>} : memref<16x1024xf32, #tpu.memory_space<vmem>>, vector<1x16xf32>,
        %get3A_1252 = vector.shape_cast %get3A_1251 : vector<1x16xf32> to vector<16xf32>
        %get3A_1253 = arith.constant 752 : index
        %get3A_1254 = tpu.vector_load %arg8[%get3A_1253] {strides = array<i32>} : memref<1024xf32, #tpu.memory_space<vmem>>, vector<16xf32>,
        %get3A_1255 = vector.shape_cast %get3A_1254 : vector<16xf32> to vector<16xf32>
        %mul3A_1256 = arith.mulf %get3A_1252, %get3A_1255 : vector<16xf32>
        %add3A_1257 = arith.addf %add3A_1221, %mul3A_1256 : vector<16xf32>
        %get3A_1258 = arith.index_cast %scan3A_817 : i32 to index
        %get3A_1259 = arith.constant 768 : index
        %get3A_1260 = tpu.vector_load %arg7[%get3A_1258, %get3A_1259] {strides = array<i32>} : memref<16x1024xf32, #tpu.memory_space<vmem>>, vector<1x16xf32>,
        %get3A_1261 = vector.shape_cast %get3A_1260 : vector<1x16xf32> to vector<16xf32>
        %get3A_1262 = arith.constant 768 : index
        %get3A_1263 = tpu.vector_load %arg8[%get3A_1262] {strides = array<i32>} : memref<1024xf32, #tpu.memory_space<vmem>>, vector<16xf32>,
        %get3A_1264 = vector.shape_cast %get3A_1263 : vector<16xf32> to vector<16xf32>
        %mul3A_1265 = arith.mulf %get3A_1261, %get3A_1264 : vector<16xf32>
        %add3A_1266 = arith.addf %add3A_1230, %mul3A_1265 : vector<16xf32>
        %get3A_1267 = arith.index_cast %scan3A_817 : i32 to index
        %get3A_1268 = arith.constant 784 : index
        %get3A_1269 = tpu.vector_load %arg7[%get3A_1267, %get3A_1268] {strides = array<i32>} : memref<16x1024xf32, #tpu.memory_space<vmem>>, vector<1x16xf32>,
        %get3A_1270 = vector.shape_cast %get3A_1269 : vector<1x16xf32> to vector<16xf32>
        %get3A_1271 = arith.constant 784 : index
        %get3A_1272 = tpu.vector_load %arg8[%get3A_1271] {strides = array<i32>} : memref<1024xf32, #tpu.memory_space<vmem>>, vector<16xf32>,
        %get3A_1273 = vector.shape_cast %get3A_1272 : vector<16xf32> to vector<16xf32>
        %mul3A_1274 = arith.mulf %get3A_1270, %get3A_1273 : vector<16xf32>
        %add3A_1275 = arith.addf %add3A_1239, %mul3A_1274 : vector<16xf32>
        %get3A_1276 = arith.index_cast %scan3A_817 : i32 to index
        %get3A_1277 = arith.constant 800 : index
        %get3A_1278 = tpu.vector_load %arg7[%get3A_1276, %get3A_1277] {strides = array<i32>} : memref<16x1024xf32, #tpu.memory_space<vmem>>, vector<1x16xf32>,
        %get3A_1279 = vector.shape_cast %get3A_1278 : vector<1x16xf32> to vector<16xf32>
        %get3A_1280 = arith.constant 800 : index
        %get3A_1281 = tpu.vector_load %arg8[%get3A_1280] {strides = array<i32>} : memref<1024xf32, #tpu.memory_space<vmem>>, vector<16xf32>,
        %get3A_1282 = vector.shape_cast %get3A_1281 : vector<16xf32> to vector<16xf32>
        %mul3A_1283 = arith.mulf %get3A_1279, %get3A_1282 : vector<16xf32>
        %add3A_1284 = arith.addf %add3A_1248, %mul3A_1283 : vector<16xf32>
        %get3A_1285 = arith.index_cast %scan3A_817 : i32 to index
        %get3A_1286 = arith.constant 816 : index
        %get3A_1287 = tpu.vector_load %arg7[%get3A_1285, %get3A_1286] {strides = array<i32>} : memref<16x1024xf32, #tpu.memory_space<vmem>>, vector<1x16xf32>,
        %get3A_1288 = vector.shape_cast %get3A_1287 : vector<1x16xf32> to vector<16xf32>
        %get3A_1289 = arith.constant 816 : index
        %get3A_1290 = tpu.vector_load %arg8[%get3A_1289] {strides = array<i32>} : memref<1024xf32, #tpu.memory_space<vmem>>, vector<16xf32>,
        %get3A_1291 = vector.shape_cast %get3A_1290 : vector<16xf32> to vector<16xf32>
        %mul3A_1292 = arith.mulf %get3A_1288, %get3A_1291 : vector<16xf32>
        %add3A_1293 = arith.addf %add3A_1257, %mul3A_1292 : vector<16xf32>
        %get3A_1294 = arith.index_cast %scan3A_817 : i32 to index
        %get3A_1295 = arith.constant 832 : index
        %get3A_1296 = tpu.vector_load %arg7[%get3A_1294, %get3A_1295] {strides = array<i32>} : memref<16x1024xf32, #tpu.memory_space<vmem>>, vector<1x16xf32>,
        %get3A_1297 = vector.shape_cast %get3A_1296 : vector<1x16xf32> to vector<16xf32>
        %get3A_1298 = arith.constant 832 : index
        %get3A_1299 = tpu.vector_load %arg8[%get3A_1298] {strides = array<i32>} : memref<1024xf32, #tpu.memory_space<vmem>>, vector<16xf32>,
        %get3A_1300 = vector.shape_cast %get3A_1299 : vector<16xf32> to vector<16xf32>
        %mul3A_1301 = arith.mulf %get3A_1297, %get3A_1300 : vector<16xf32>
        %add3A_1302 = arith.addf %add3A_1266, %mul3A_1301 : vector<16xf32>
        %get3A_1303 = arith.index_cast %scan3A_817 : i32 to index
        %get3A_1304 = arith.constant 848 : index
        %get3A_1305 = tpu.vector_load %arg7[%get3A_1303, %get3A_1304] {strides = array<i32>} : memref<16x1024xf32, #tpu.memory_space<vmem>>, vector<1x16xf32>,
        %get3A_1306 = vector.shape_cast %get3A_1305 : vector<1x16xf32> to vector<16xf32>
        %get3A_1307 = arith.constant 848 : index
        %get3A_1308 = tpu.vector_load %arg8[%get3A_1307] {strides = array<i32>} : memref<1024xf32, #tpu.memory_space<vmem>>, vector<16xf32>,
        %get3A_1309 = vector.shape_cast %get3A_1308 : vector<16xf32> to vector<16xf32>
        %mul3A_1310 = arith.mulf %get3A_1306, %get3A_1309 : vector<16xf32>
        %add3A_1311 = arith.addf %add3A_1275, %mul3A_1310 : vector<16xf32>
        %get3A_1312 = arith.index_cast %scan3A_817 : i32 to index
        %get3A_1313 = arith.constant 864 : index
        %get3A_1314 = tpu.vector_load %arg7[%get3A_1312, %get3A_1313] {strides = array<i32>} : memref<16x1024xf32, #tpu.memory_space<vmem>>, vector<1x16xf32>,
        %get3A_1315 = vector.shape_cast %get3A_1314 : vector<1x16xf32> to vector<16xf32>
        %get3A_1316 = arith.constant 864 : index
        %get3A_1317 = tpu.vector_load %arg8[%get3A_1316] {strides = array<i32>} : memref<1024xf32, #tpu.memory_space<vmem>>, vector<16xf32>,
        %get3A_1318 = vector.shape_cast %get3A_1317 : vector<16xf32> to vector<16xf32>
        %mul3A_1319 = arith.mulf %get3A_1315, %get3A_1318 : vector<16xf32>
        %add3A_1320 = arith.addf %add3A_1284, %mul3A_1319 : vector<16xf32>
        %get3A_1321 = arith.index_cast %scan3A_817 : i32 to index
        %get3A_1322 = arith.constant 880 : index
        %get3A_1323 = tpu.vector_load %arg7[%get3A_1321, %get3A_1322] {strides = array<i32>} : memref<16x1024xf32, #tpu.memory_space<vmem>>, vector<1x16xf32>,
        %get3A_1324 = vector.shape_cast %get3A_1323 : vector<1x16xf32> to vector<16xf32>
        %get3A_1325 = arith.constant 880 : index
        %get3A_1326 = tpu.vector_load %arg8[%get3A_1325] {strides = array<i32>} : memref<1024xf32, #tpu.memory_space<vmem>>, vector<16xf32>,
        %get3A_1327 = vector.shape_cast %get3A_1326 : vector<16xf32> to vector<16xf32>
        %mul3A_1328 = arith.mulf %get3A_1324, %get3A_1327 : vector<16xf32>
        %add3A_1329 = arith.addf %add3A_1293, %mul3A_1328 : vector<16xf32>
        %get3A_1330 = arith.index_cast %scan3A_817 : i32 to index
        %get3A_1331 = arith.constant 896 : index
        %get3A_1332 = tpu.vector_load %arg7[%get3A_1330, %get3A_1331] {strides = array<i32>} : memref<16x1024xf32, #tpu.memory_space<vmem>>, vector<1x16xf32>,
        %get3A_1333 = vector.shape_cast %get3A_1332 : vector<1x16xf32> to vector<16xf32>
        %get3A_1334 = arith.constant 896 : index
        %get3A_1335 = tpu.vector_load %arg8[%get3A_1334] {strides = array<i32>} : memref<1024xf32, #tpu.memory_space<vmem>>, vector<16xf32>,
        %get3A_1336 = vector.shape_cast %get3A_1335 : vector<16xf32> to vector<16xf32>
        %mul3A_1337 = arith.mulf %get3A_1333, %get3A_1336 : vector<16xf32>
        %add3A_1338 = arith.addf %add3A_1302, %mul3A_1337 : vector<16xf32>
        %get3A_1339 = arith.index_cast %scan3A_817 : i32 to index
        %get3A_1340 = arith.constant 912 : index
        %get3A_1341 = tpu.vector_load %arg7[%get3A_1339, %get3A_1340] {strides = array<i32>} : memref<16x1024xf32, #tpu.memory_space<vmem>>, vector<1x16xf32>,
        %get3A_1342 = vector.shape_cast %get3A_1341 : vector<1x16xf32> to vector<16xf32>
        %get3A_1343 = arith.constant 912 : index
        %get3A_1344 = tpu.vector_load %arg8[%get3A_1343] {strides = array<i32>} : memref<1024xf32, #tpu.memory_space<vmem>>, vector<16xf32>,
        %get3A_1345 = vector.shape_cast %get3A_1344 : vector<16xf32> to vector<16xf32>
        %mul3A_1346 = arith.mulf %get3A_1342, %get3A_1345 : vector<16xf32>
        %add3A_1347 = arith.addf %add3A_1311, %mul3A_1346 : vector<16xf32>
        %get3A_1348 = arith.index_cast %scan3A_817 : i32 to index
        %get3A_1349 = arith.constant 928 : index
        %get3A_1350 = tpu.vector_load %arg7[%get3A_1348, %get3A_1349] {strides = array<i32>} : memref<16x1024xf32, #tpu.memory_space<vmem>>, vector<1x16xf32>,
        %get3A_1351 = vector.shape_cast %get3A_1350 : vector<1x16xf32> to vector<16xf32>
        %get3A_1352 = arith.constant 928 : index
        %get3A_1353 = tpu.vector_load %arg8[%get3A_1352] {strides = array<i32>} : memref<1024xf32, #tpu.memory_space<vmem>>, vector<16xf32>,
        %get3A_1354 = vector.shape_cast %get3A_1353 : vector<16xf32> to vector<16xf32>
        %mul3A_1355 = arith.mulf %get3A_1351, %get3A_1354 : vector<16xf32>
        %add3A_1356 = arith.addf %add3A_1320, %mul3A_1355 : vector<16xf32>
        %get3A_1357 = arith.index_cast %scan3A_817 : i32 to index
        %get3A_1358 = arith.constant 944 : index
        %get3A_1359 = tpu.vector_load %arg7[%get3A_1357, %get3A_1358] {strides = array<i32>} : memref<16x1024xf32, #tpu.memory_space<vmem>>, vector<1x16xf32>,
        %get3A_1360 = vector.shape_cast %get3A_1359 : vector<1x16xf32> to vector<16xf32>
        %get3A_1361 = arith.constant 944 : index
        %get3A_1362 = tpu.vector_load %arg8[%get3A_1361] {strides = array<i32>} : memref<1024xf32, #tpu.memory_space<vmem>>, vector<16xf32>,
        %get3A_1363 = vector.shape_cast %get3A_1362 : vector<16xf32> to vector<16xf32>
        %mul3A_1364 = arith.mulf %get3A_1360, %get3A_1363 : vector<16xf32>
        %add3A_1365 = arith.addf %add3A_1329, %mul3A_1364 : vector<16xf32>
        %get3A_1366 = arith.index_cast %scan3A_817 : i32 to index
        %get3A_1367 = arith.constant 960 : index
        %get3A_1368 = tpu.vector_load %arg7[%get3A_1366, %get3A_1367] {strides = array<i32>} : memref<16x1024xf32, #tpu.memory_space<vmem>>, vector<1x16xf32>,
        %get3A_1369 = vector.shape_cast %get3A_1368 : vector<1x16xf32> to vector<16xf32>
        %get3A_1370 = arith.constant 960 : index
        %get3A_1371 = tpu.vector_load %arg8[%get3A_1370] {strides = array<i32>} : memref<1024xf32, #tpu.memory_space<vmem>>, vector<16xf32>,
        %get3A_1372 = vector.shape_cast %get3A_1371 : vector<16xf32> to vector<16xf32>
        %mul3A_1373 = arith.mulf %get3A_1369, %get3A_1372 : vector<16xf32>
        %add3A_1374 = arith.addf %add3A_1338, %mul3A_1373 : vector<16xf32>
        %get3A_1375 = arith.index_cast %scan3A_817 : i32 to index
        %get3A_1376 = arith.constant 976 : index
        %get3A_1377 = tpu.vector_load %arg7[%get3A_1375, %get3A_1376] {strides = array<i32>} : memref<16x1024xf32, #tpu.memory_space<vmem>>, vector<1x16xf32>,
        %get3A_1378 = vector.shape_cast %get3A_1377 : vector<1x16xf32> to vector<16xf32>
        %get3A_1379 = arith.constant 976 : index
        %get3A_1380 = tpu.vector_load %arg8[%get3A_1379] {strides = array<i32>} : memref<1024xf32, #tpu.memory_space<vmem>>, vector<16xf32>,
        %get3A_1381 = vector.shape_cast %get3A_1380 : vector<16xf32> to vector<16xf32>
        %mul3A_1382 = arith.mulf %get3A_1378, %get3A_1381 : vector<16xf32>
        %add3A_1383 = arith.addf %add3A_1347, %mul3A_1382 : vector<16xf32>
        %get3A_1384 = arith.index_cast %scan3A_817 : i32 to index
        %get3A_1385 = arith.constant 992 : index
        %get3A_1386 = tpu.vector_load %arg7[%get3A_1384, %get3A_1385] {strides = array<i32>} : memref<16x1024xf32, #tpu.memory_space<vmem>>, vector<1x16xf32>,
        %get3A_1387 = vector.shape_cast %get3A_1386 : vector<1x16xf32> to vector<16xf32>
        %get3A_1388 = arith.constant 992 : index
        %get3A_1389 = tpu.vector_load %arg8[%get3A_1388] {strides = array<i32>} : memref<1024xf32, #tpu.memory_space<vmem>>, vector<16xf32>,
        %get3A_1390 = vector.shape_cast %get3A_1389 : vector<16xf32> to vector<16xf32>
        %mul3A_1391 = arith.mulf %get3A_1387, %get3A_1390 : vector<16xf32>
        %add3A_1392 = arith.addf %add3A_1356, %mul3A_1391 : vector<16xf32>
        %get3A_1393 = arith.index_cast %scan3A_817 : i32 to index
        %get3A_1394 = arith.constant 1008 : index
        %get3A_1395 = tpu.vector_load %arg7[%get3A_1393, %get3A_1394] {strides = array<i32>} : memref<16x1024xf32, #tpu.memory_space<vmem>>, vector<1x16xf32>,
        %get3A_1396 = vector.shape_cast %get3A_1395 : vector<1x16xf32> to vector<16xf32>
        %get3A_1397 = arith.constant 1008 : index
        %get3A_1398 = tpu.vector_load %arg8[%get3A_1397] {strides = array<i32>} : memref<1024xf32, #tpu.memory_space<vmem>>, vector<16xf32>,
        %get3A_1399 = vector.shape_cast %get3A_1398 : vector<16xf32> to vector<16xf32>
        %mul3A_1400 = arith.mulf %get3A_1396, %get3A_1399 : vector<16xf32>
        %add3A_1401 = arith.addf %add3A_1365, %mul3A_1400 : vector<16xf32>
        %add3A_1402 = arith.addf %add3A_1374, %add3A_1383 : vector<16xf32>
        %add3A_1403 = arith.addf %add3A_1392, %add3A_1401 : vector<16xf32>
        %add3A_1404 = arith.addf %add3A_1402, %add3A_1403 : vector<16xf32>
        %iota3A_1405 = tpu.iota {dimensions = array<i32: 0>} : vector<16xi32>
        %xor3A_1406 = arith.constant 8 : i32
        %xor3A_1407 = vector.broadcast %xor3A_1406 : i32 to vector<16xi32>
        %xor3A_1408 = arith.xori %iota3A_1405, %xor3A_1407 : vector<16xi32>
        %lt3A_1409 = arith.constant 0 : i32
        %lt3A_1410 = vector.broadcast %lt3A_1409 : i32 to vector<16xi32>
        %lt3A_1411 = arith.cmpi slt, %xor3A_1408, %lt3A_1410 : vector<16xi32>
        %add3A_1412 = arith.constant 16 : i32
        %add3A_1413 = vector.broadcast %add3A_1412 : i32 to vector<16xi32>
        %add3A_1414 = arith.addi %xor3A_1408, %add3A_1413 : vector<16xi32>
        %select_n3A_1415 = arith.select %lt3A_1411, %add3A_1414, %xor3A_1408 : vector<16xi1>, vector<16xi32>
        %broadcast_in_dim3A_1416 = vector.shape_cast %select_n3A_1415 : vector<16xi32> to vector<16x1xi32>
        %gather3A_1417 = vector.shape_cast %broadcast_in_dim3A_1416 : vector<16x1xi32> to vector<16xi32>
        %gather3A_1418 = tpu.dynamic_gather %add3A_1404[%gather3A_1417] in [0] : vector<16xf32>, vector<16xi32> -> vector<16xf32>
        %add3A_1419 = arith.addf %add3A_1404, %gather3A_1418 : vector<16xf32>
        %xor3A_1420 = arith.constant 4 : i32
        %xor3A_1421 = vector.broadcast %xor3A_1420 : i32 to vector<16xi32>
        %xor3A_1422 = arith.xori %iota3A_1405, %xor3A_1421 : vector<16xi32>
        %lt3A_1423 = arith.constant 0 : i32
        %lt3A_1424 = vector.broadcast %lt3A_1423 : i32 to vector<16xi32>
        %lt3A_1425 = arith.cmpi slt, %xor3A_1422, %lt3A_1424 : vector<16xi32>
        %add3A_1426 = arith.constant 16 : i32
        %add3A_1427 = vector.broadcast %add3A_1426 : i32 to vector<16xi32>
        %add3A_1428 = arith.addi %xor3A_1422, %add3A_1427 : vector<16xi32>
        %select_n3A_1429 = arith.select %lt3A_1425, %add3A_1428, %xor3A_1422 : vector<16xi1>, vector<16xi32>
        %broadcast_in_dim3A_1430 = vector.shape_cast %select_n3A_1429 : vector<16xi32> to vector<16x1xi32>
        %gather3A_1431 = vector.shape_cast %broadcast_in_dim3A_1430 : vector<16x1xi32> to vector<16xi32>
        %gather3A_1432 = tpu.dynamic_gather %add3A_1419[%gather3A_1431] in [0] : vector<16xf32>, vector<16xi32> -> vector<16xf32>
        %add3A_1433 = arith.addf %add3A_1419, %gather3A_1432 : vector<16xf32>
        %xor3A_1434 = arith.constant 2 : i32
        %xor3A_1435 = vector.broadcast %xor3A_1434 : i32 to vector<16xi32>
        %xor3A_1436 = arith.xori %iota3A_1405, %xor3A_1435 : vector<16xi32>
        %lt3A_1437 = arith.constant 0 : i32
        %lt3A_1438 = vector.broadcast %lt3A_1437 : i32 to vector<16xi32>
        %lt3A_1439 = arith.cmpi slt, %xor3A_1436, %lt3A_1438 : vector<16xi32>
        %add3A_1440 = arith.constant 16 : i32
        %add3A_1441 = vector.broadcast %add3A_1440 : i32 to vector<16xi32>
        %add3A_1442 = arith.addi %xor3A_1436, %add3A_1441 : vector<16xi32>
        %select_n3A_1443 = arith.select %lt3A_1439, %add3A_1442, %xor3A_1436 : vector<16xi1>, vector<16xi32>
        %broadcast_in_dim3A_1444 = vector.shape_cast %select_n3A_1443 : vector<16xi32> to vector<16x1xi32>
        %gather3A_1445 = vector.shape_cast %broadcast_in_dim3A_1444 : vector<16x1xi32> to vector<16xi32>
        %gather3A_1446 = tpu.dynamic_gather %add3A_1433[%gather3A_1445] in [0] : vector<16xf32>, vector<16xi32> -> vector<16xf32>
        %add3A_1447 = arith.addf %add3A_1433, %gather3A_1446 : vector<16xf32>
        %xor3A_1448 = arith.constant 1 : i32
        %xor3A_1449 = vector.broadcast %xor3A_1448 : i32 to vector<16xi32>
        %xor3A_1450 = arith.xori %iota3A_1405, %xor3A_1449 : vector<16xi32>
        %lt3A_1451 = arith.constant 0 : i32
        %lt3A_1452 = vector.broadcast %lt3A_1451 : i32 to vector<16xi32>
        %lt3A_1453 = arith.cmpi slt, %xor3A_1450, %lt3A_1452 : vector<16xi32>
        %add3A_1454 = arith.constant 16 : i32
        %add3A_1455 = vector.broadcast %add3A_1454 : i32 to vector<16xi32>
        %add3A_1456 = arith.addi %xor3A_1450, %add3A_1455 : vector<16xi32>
        %select_n3A_1457 = arith.select %lt3A_1453, %add3A_1456, %xor3A_1450 : vector<16xi1>, vector<16xi32>
        %broadcast_in_dim3A_1458 = vector.shape_cast %select_n3A_1457 : vector<16xi32> to vector<16x1xi32>
        %gather3A_1459 = vector.shape_cast %broadcast_in_dim3A_1458 : vector<16x1xi32> to vector<16xi32>
        %gather3A_1460 = tpu.dynamic_gather %add3A_1447[%gather3A_1459] in [0] : vector<16xf32>, vector<16xi32> -> vector<16xf32>
        %add3A_1461 = arith.addf %add3A_1447, %gather3A_1460 : vector<16xf32>
        %eq3A_1462 = vector.broadcast %scan3A_817 : i32 to vector<16xi32>
        %eq3A_1463 = arith.cmpi eq, %iota3A_648, %eq3A_1462 : vector<16xi32>
        %select_n3A_1464 = arith.select %eq3A_1463, %add3A_1461, %scan3A_818 : vector<16xi1>, vector<16xf32>
        scf.yield %select_n3A_1464 : vector<16xf32>
      }
      %scan3A_656 = arith.constant 16 : i32
      %iota3A_657 = tpu.iota {dimensions = array<i32: 0>} : vector<16xi32>
      %xor3A_658 = arith.constant 8 : i32
      %xor3A_659 = vector.broadcast %xor3A_658 : i32 to vector<16xi32>
      %xor3A_660 = arith.xori %iota3A_657, %xor3A_659 : vector<16xi32>
      %lt3A_661 = arith.constant 0 : i32
      %lt3A_662 = vector.broadcast %lt3A_661 : i32 to vector<16xi32>
      %lt3A_663 = arith.cmpi slt, %xor3A_660, %lt3A_662 : vector<16xi32>
      %add3A_664 = arith.constant 16 : i32
      %add3A_665 = vector.broadcast %add3A_664 : i32 to vector<16xi32>
      %add3A_666 = arith.addi %xor3A_660, %add3A_665 : vector<16xi32>
      %select_n3A_667 = arith.select %lt3A_663, %add3A_666, %xor3A_660 : vector<16xi1>, vector<16xi32>
      %broadcast_in_dim3A_668 = vector.shape_cast %select_n3A_667 : vector<16xi32> to vector<16x1xi32>
      %gather3A_669 = vector.shape_cast %broadcast_in_dim3A_668 : vector<16x1xi32> to vector<16xi32>
      %gather3A_670 = tpu.dynamic_gather %scan3A_655[%gather3A_669] in [0] : vector<16xf32>, vector<16xi32> -> vector<16xf32>
      %max3A_671 = arith.maximumf %scan3A_655, %gather3A_670 : vector<16xf32>
      %xor3A_672 = arith.constant 4 : i32
      %xor3A_673 = vector.broadcast %xor3A_672 : i32 to vector<16xi32>
      %xor3A_674 = arith.xori %iota3A_657, %xor3A_673 : vector<16xi32>
      %lt3A_675 = arith.constant 0 : i32
      %lt3A_676 = vector.broadcast %lt3A_675 : i32 to vector<16xi32>
      %lt3A_677 = arith.cmpi slt, %xor3A_674, %lt3A_676 : vector<16xi32>
      %add3A_678 = arith.constant 16 : i32
      %add3A_679 = vector.broadcast %add3A_678 : i32 to vector<16xi32>
      %add3A_680 = arith.addi %xor3A_674, %add3A_679 : vector<16xi32>
      %select_n3A_681 = arith.select %lt3A_677, %add3A_680, %xor3A_674 : vector<16xi1>, vector<16xi32>
      %broadcast_in_dim3A_682 = vector.shape_cast %select_n3A_681 : vector<16xi32> to vector<16x1xi32>
      %gather3A_683 = vector.shape_cast %broadcast_in_dim3A_682 : vector<16x1xi32> to vector<16xi32>
      %gather3A_684 = tpu.dynamic_gather %max3A_671[%gather3A_683] in [0] : vector<16xf32>, vector<16xi32> -> vector<16xf32>
      %max3A_685 = arith.maximumf %max3A_671, %gather3A_684 : vector<16xf32>
      %xor3A_686 = arith.constant 2 : i32
      %xor3A_687 = vector.broadcast %xor3A_686 : i32 to vector<16xi32>
      %xor3A_688 = arith.xori %iota3A_657, %xor3A_687 : vector<16xi32>
      %lt3A_689 = arith.constant 0 : i32
      %lt3A_690 = vector.broadcast %lt3A_689 : i32 to vector<16xi32>
      %lt3A_691 = arith.cmpi slt, %xor3A_688, %lt3A_690 : vector<16xi32>
      %add3A_692 = arith.constant 16 : i32
      %add3A_693 = vector.broadcast %add3A_692 : i32 to vector<16xi32>
      %add3A_694 = arith.addi %xor3A_688, %add3A_693 : vector<16xi32>
      %select_n3A_695 = arith.select %lt3A_691, %add3A_694, %xor3A_688 : vector<16xi1>, vector<16xi32>
      %broadcast_in_dim3A_696 = vector.shape_cast %select_n3A_695 : vector<16xi32> to vector<16x1xi32>
      %gather3A_697 = vector.shape_cast %broadcast_in_dim3A_696 : vector<16x1xi32> to vector<16xi32>
      %gather3A_698 = tpu.dynamic_gather %max3A_685[%gather3A_697] in [0] : vector<16xf32>, vector<16xi32> -> vector<16xf32>
      %max3A_699 = arith.maximumf %max3A_685, %gather3A_698 : vector<16xf32>
      %xor3A_700 = arith.constant 1 : i32
      %xor3A_701 = vector.broadcast %xor3A_700 : i32 to vector<16xi32>
      %xor3A_702 = arith.xori %iota3A_657, %xor3A_701 : vector<16xi32>
      %lt3A_703 = arith.constant 0 : i32
      %lt3A_704 = vector.broadcast %lt3A_703 : i32 to vector<16xi32>
      %lt3A_705 = arith.cmpi slt, %xor3A_702, %lt3A_704 : vector<16xi32>
      %add3A_706 = arith.constant 16 : i32
      %add3A_707 = vector.broadcast %add3A_706 : i32 to vector<16xi32>
      %add3A_708 = arith.addi %xor3A_702, %add3A_707 : vector<16xi32>
      %select_n3A_709 = arith.select %lt3A_705, %add3A_708, %xor3A_702 : vector<16xi1>, vector<16xi32>
      %broadcast_in_dim3A_710 = vector.shape_cast %select_n3A_709 : vector<16xi32> to vector<16x1xi32>
      %gather3A_711 = vector.shape_cast %broadcast_in_dim3A_710 : vector<16x1xi32> to vector<16xi32>
      %gather3A_712 = tpu.dynamic_gather %max3A_699[%gather3A_711] in [0] : vector<16xf32>, vector<16xi32> -> vector<16xf32>
      %max3A_713 = arith.maximumf %max3A_699, %gather3A_712 : vector<16xf32>
      %max3A_714 = arith.maximumf %max3A_532, %max3A_713 : vector<16xf32>
      %sub3A_715 = arith.subf %max3A_532, %max3A_714 : vector<16xf32>
      %exp3A_716 = math.exp %sub3A_715 : vector<16xf32>
      %sub3A_717 = arith.subf %scan3A_655, %max3A_714 : vector<16xf32>
      %exp3A_718 = math.exp %sub3A_717 : vector<16xf32>
      %mul3A_719 = arith.mulf %add3A_594, %exp3A_716 : vector<16xf32>
      %iota3A_720 = tpu.iota {dimensions = array<i32: 0>} : vector<16xi32>
      %xor3A_721 = arith.constant 8 : i32
      %xor3A_722 = vector.broadcast %xor3A_721 : i32 to vector<16xi32>
      %xor3A_723 = arith.xori %iota3A_720, %xor3A_722 : vector<16xi32>
      %lt3A_724 = arith.constant 0 : i32
      %lt3A_725 = vector.broadcast %lt3A_724 : i32 to vector<16xi32>
      %lt3A_726 = arith.cmpi slt, %xor3A_723, %lt3A_725 : vector<16xi32>
      %add3A_727 = arith.constant 16 : i32
      %add3A_728 = vector.broadcast %add3A_727 : i32 to vector<16xi32>
      %add3A_729 = arith.addi %xor3A_723, %add3A_728 : vector<16xi32>
      %select_n3A_730 = arith.select %lt3A_726, %add3A_729, %xor3A_723 : vector<16xi1>, vector<16xi32>
      %broadcast_in_dim3A_731 = vector.shape_cast %select_n3A_730 : vector<16xi32> to vector<16x1xi32>
      %gather3A_732 = vector.shape_cast %broadcast_in_dim3A_731 : vector<16x1xi32> to vector<16xi32>
      %gather3A_733 = tpu.dynamic_gather %exp3A_718[%gather3A_732] in [0] : vector<16xf32>, vector<16xi32> -> vector<16xf32>
      %add3A_734 = arith.addf %exp3A_718, %gather3A_733 : vector<16xf32>
      %xor3A_735 = arith.constant 4 : i32
      %xor3A_736 = vector.broadcast %xor3A_735 : i32 to vector<16xi32>
      %xor3A_737 = arith.xori %iota3A_720, %xor3A_736 : vector<16xi32>
      %lt3A_738 = arith.constant 0 : i32
      %lt3A_739 = vector.broadcast %lt3A_738 : i32 to vector<16xi32>
      %lt3A_740 = arith.cmpi slt, %xor3A_737, %lt3A_739 : vector<16xi32>
      %add3A_741 = arith.constant 16 : i32
      %add3A_742 = vector.broadcast %add3A_741 : i32 to vector<16xi32>
      %add3A_743 = arith.addi %xor3A_737, %add3A_742 : vector<16xi32>
      %select_n3A_744 = arith.select %lt3A_740, %add3A_743, %xor3A_737 : vector<16xi1>, vector<16xi32>
      %broadcast_in_dim3A_745 = vector.shape_cast %select_n3A_744 : vector<16xi32> to vector<16x1xi32>
      %gather3A_746 = vector.shape_cast %broadcast_in_dim3A_745 : vector<16x1xi32> to vector<16xi32>
      %gather3A_747 = tpu.dynamic_gather %add3A_734[%gather3A_746] in [0] : vector<16xf32>, vector<16xi32> -> vector<16xf32>
      %add3A_748 = arith.addf %add3A_734, %gather3A_747 : vector<16xf32>
      %xor3A_749 = arith.constant 2 : i32
      %xor3A_750 = vector.broadcast %xor3A_749 : i32 to vector<16xi32>
      %xor3A_751 = arith.xori %iota3A_720, %xor3A_750 : vector<16xi32>
      %lt3A_752 = arith.constant 0 : i32
      %lt3A_753 = vector.broadcast %lt3A_752 : i32 to vector<16xi32>
      %lt3A_754 = arith.cmpi slt, %xor3A_751, %lt3A_753 : vector<16xi32>
      %add3A_755 = arith.constant 16 : i32
      %add3A_756 = vector.broadcast %add3A_755 : i32 to vector<16xi32>
      %add3A_757 = arith.addi %xor3A_751, %add3A_756 : vector<16xi32>
      %select_n3A_758 = arith.select %lt3A_754, %add3A_757, %xor3A_751 : vector<16xi1>, vector<16xi32>
      %broadcast_in_dim3A_759 = vector.shape_cast %select_n3A_758 : vector<16xi32> to vector<16x1xi32>
      %gather3A_760 = vector.shape_cast %broadcast_in_dim3A_759 : vector<16x1xi32> to vector<16xi32>
      %gather3A_761 = tpu.dynamic_gather %add3A_748[%gather3A_760] in [0] : vector<16xf32>, vector<16xi32> -> vector<16xf32>
      %add3A_762 = arith.addf %add3A_748, %gather3A_761 : vector<16xf32>
      %xor3A_763 = arith.constant 1 : i32
      %xor3A_764 = vector.broadcast %xor3A_763 : i32 to vector<16xi32>
      %xor3A_765 = arith.xori %iota3A_720, %xor3A_764 : vector<16xi32>
      %lt3A_766 = arith.constant 0 : i32
      %lt3A_767 = vector.broadcast %lt3A_766 : i32 to vector<16xi32>
      %lt3A_768 = arith.cmpi slt, %xor3A_765, %lt3A_767 : vector<16xi32>
      %add3A_769 = arith.constant 16 : i32
      %add3A_770 = vector.broadcast %add3A_769 : i32 to vector<16xi32>
      %add3A_771 = arith.addi %xor3A_765, %add3A_770 : vector<16xi32>
      %select_n3A_772 = arith.select %lt3A_768, %add3A_771, %xor3A_765 : vector<16xi1>, vector<16xi32>
      %broadcast_in_dim3A_773 = vector.shape_cast %select_n3A_772 : vector<16xi32> to vector<16x1xi32>
      %gather3A_774 = vector.shape_cast %broadcast_in_dim3A_773 : vector<16x1xi32> to vector<16xi32>
      %gather3A_775 = tpu.dynamic_gather %add3A_762[%gather3A_774] in [0] : vector<16xf32>, vector<16xi32> -> vector<16xf32>
      %add3A_776 = arith.addf %add3A_762, %gather3A_775 : vector<16xf32>
      %add3A_777 = arith.addf %mul3A_719, %add3A_776 : vector<16xf32>
      %slice3A_778 = vector.extract_strided_slice %exp3A_718 {offsets = [0], sizes = [1], strides = [1]} : vector<16xf32> to vector<1xf32>
      %squeeze3A_779 = vector.extract %slice3A_778[0] : f32 from vector<1xf32>
      %slice3A_780 = vector.extract_strided_slice %exp3A_718 {offsets = [1], sizes = [1], strides = [1]} : vector<16xf32> to vector<1xf32>
      %squeeze3A_781 = vector.extract %slice3A_780[0] : f32 from vector<1xf32>
      %slice3A_782 = vector.extract_strided_slice %exp3A_718 {offsets = [2], sizes = [1], strides = [1]} : vector<16xf32> to vector<1xf32>
      %squeeze3A_783 = vector.extract %slice3A_782[0] : f32 from vector<1xf32>
      %slice3A_784 = vector.extract_strided_slice %exp3A_718 {offsets = [3], sizes = [1], strides = [1]} : vector<16xf32> to vector<1xf32>
      %squeeze3A_785 = vector.extract %slice3A_784[0] : f32 from vector<1xf32>
      %slice3A_786 = vector.extract_strided_slice %exp3A_718 {offsets = [4], sizes = [1], strides = [1]} : vector<16xf32> to vector<1xf32>
      %squeeze3A_787 = vector.extract %slice3A_786[0] : f32 from vector<1xf32>
      %slice3A_788 = vector.extract_strided_slice %exp3A_718 {offsets = [5], sizes = [1], strides = [1]} : vector<16xf32> to vector<1xf32>
      %squeeze3A_789 = vector.extract %slice3A_788[0] : f32 from vector<1xf32>
      %slice3A_790 = vector.extract_strided_slice %exp3A_718 {offsets = [6], sizes = [1], strides = [1]} : vector<16xf32> to vector<1xf32>
      %squeeze3A_791 = vector.extract %slice3A_790[0] : f32 from vector<1xf32>
      %slice3A_792 = vector.extract_strided_slice %exp3A_718 {offsets = [7], sizes = [1], strides = [1]} : vector<16xf32> to vector<1xf32>
      %squeeze3A_793 = vector.extract %slice3A_792[0] : f32 from vector<1xf32>
      %slice3A_794 = vector.extract_strided_slice %exp3A_718 {offsets = [8], sizes = [1], strides = [1]} : vector<16xf32> to vector<1xf32>
      %squeeze3A_795 = vector.extract %slice3A_794[0] : f32 from vector<1xf32>
      %slice3A_796 = vector.extract_strided_slice %exp3A_718 {offsets = [9], sizes = [1], strides = [1]} : vector<16xf32> to vector<1xf32>
      %squeeze3A_797 = vector.extract %slice3A_796[0] : f32 from vector<1xf32>
      %slice3A_798 = vector.extract_strided_slice %exp3A_718 {offsets = [10], sizes = [1], strides = [1]} : vector<16xf32> to vector<1xf32>
      %squeeze3A_799 = vector.extract %slice3A_798[0] : f32 from vector<1xf32>
      %slice3A_800 = vector.extract_strided_slice %exp3A_718 {offsets = [11], sizes = [1], strides = [1]} : vector<16xf32> to vector<1xf32>
      %squeeze3A_801 = vector.extract %slice3A_800[0] : f32 from vector<1xf32>
      %slice3A_802 = vector.extract_strided_slice %exp3A_718 {offsets = [12], sizes = [1], strides = [1]} : vector<16xf32> to vector<1xf32>
      %squeeze3A_803 = vector.extract %slice3A_802[0] : f32 from vector<1xf32>
      %slice3A_804 = vector.extract_strided_slice %exp3A_718 {offsets = [13], sizes = [1], strides = [1]} : vector<16xf32> to vector<1xf32>
      %squeeze3A_805 = vector.extract %slice3A_804[0] : f32 from vector<1xf32>
      %slice3A_806 = vector.extract_strided_slice %exp3A_718 {offsets = [14], sizes = [1], strides = [1]} : vector<16xf32> to vector<1xf32>
      %squeeze3A_807 = vector.extract %slice3A_806[0] : f32 from vector<1xf32>
      %slice3A_808 = vector.extract_strided_slice %exp3A_718 {offsets = [15], sizes = [1], strides = [1]} : vector<16xf32> to vector<1xf32>
      %squeeze3A_809 = vector.extract %slice3A_808[0] : f32 from vector<1xf32>
      %scan3A_810 = arith.constant 0 : i32
      %scan3A_811 = arith.constant 0 : i32
      %scan3A_812 = arith.constant 16 : i32
      %scan3A_813 = arith.addi %scan3A_811, %scan3A_812 : i32
      %scan3A_814 = arith.constant 1 : i32
      %scan3A_815 = scf.for %scan3A_817 = %scan3A_811 to %scan3A_813 step %scan3A_814 iter_args(%scan3A_818 = %scan3A_810) -> (i32)  : i32 {
        %mul3A_819 = arith.constant 4 : i32
        %mul3A_820 = arith.muli %scan3A_817, %mul3A_819 : i32
        %add3A_821 = arith.constant 0 : i32
        %add3A_822 = arith.addi %mul3A_820, %add3A_821 : i32
        %mul3A_823 = arith.constant 16 : i32
        %mul3A_824 = arith.muli %mul3A_823, %add3A_822 : i32
        %get3A = arith.constant 0 : i32
        %get3A_825 = arith.index_cast %get3A : i32 to index
        %get3A_826 = arith.index_cast %mul3A_824 : i32 to index
        %get3A_827 = tpu.vector_load %arg7[%get3A_825, %get3A_826] {strides = array<i32>} : memref<16x1024xf32, #tpu.memory_space<vmem>>, vector<1x16xf32>,
        %get3A_828 = vector.shape_cast %get3A_827 : vector<1x16xf32> to vector<16xf32>
        %mul3A_829 = vector.broadcast %squeeze3A_779 : f32 to vector<16xf32>
        %mul3A_830 = arith.mulf %mul3A_829, %get3A_828 : vector<16xf32>
        %mul3A_831 = arith.constant 16 : i32
        %mul3A_832 = arith.muli %mul3A_831, %add3A_822 : i32
        %get3A_833 = arith.constant 1 : i32
        %get3A_834 = arith.index_cast %get3A_833 : i32 to index
        %get3A_835 = arith.index_cast %mul3A_832 : i32 to index
        %get3A_836 = tpu.vector_load %arg7[%get3A_834, %get3A_835] {strides = array<i32>} : memref<16x1024xf32, #tpu.memory_space<vmem>>, vector<1x16xf32>,
        %get3A_837 = vector.shape_cast %get3A_836 : vector<1x16xf32> to vector<16xf32>
        %mul3A_838 = vector.broadcast %squeeze3A_781 : f32 to vector<16xf32>
        %mul3A_839 = arith.mulf %mul3A_838, %get3A_837 : vector<16xf32>
        %mul3A_840 = arith.constant 16 : i32
        %mul3A_841 = arith.muli %mul3A_840, %add3A_822 : i32
        %get3A_842 = arith.constant 2 : i32
        %get3A_843 = arith.index_cast %get3A_842 : i32 to index
        %get3A_844 = arith.index_cast %mul3A_841 : i32 to index
        %get3A_845 = tpu.vector_load %arg7[%get3A_843, %get3A_844] {strides = array<i32>} : memref<16x1024xf32, #tpu.memory_space<vmem>>, vector<1x16xf32>,
        %get3A_846 = vector.shape_cast %get3A_845 : vector<1x16xf32> to vector<16xf32>
        %mul3A_847 = vector.broadcast %squeeze3A_783 : f32 to vector<16xf32>
        %mul3A_848 = arith.mulf %mul3A_847, %get3A_846 : vector<16xf32>
        %mul3A_849 = arith.constant 16 : i32
        %mul3A_850 = arith.muli %mul3A_849, %add3A_822 : i32
        %get3A_851 = arith.constant 3 : i32
        %get3A_852 = arith.index_cast %get3A_851 : i32 to index
        %get3A_853 = arith.index_cast %mul3A_850 : i32 to index
        %get3A_854 = tpu.vector_load %arg7[%get3A_852, %get3A_853] {strides = array<i32>} : memref<16x1024xf32, #tpu.memory_space<vmem>>, vector<1x16xf32>,
        %get3A_855 = vector.shape_cast %get3A_854 : vector<1x16xf32> to vector<16xf32>
        %mul3A_856 = vector.broadcast %squeeze3A_785 : f32 to vector<16xf32>
        %mul3A_857 = arith.mulf %mul3A_856, %get3A_855 : vector<16xf32>
        %mul3A_858 = arith.constant 16 : i32
        %mul3A_859 = arith.muli %mul3A_858, %add3A_822 : i32
        %get3A_860 = arith.constant 4 : i32
        %get3A_861 = arith.index_cast %get3A_860 : i32 to index
        %get3A_862 = arith.index_cast %mul3A_859 : i32 to index
        %get3A_863 = tpu.vector_load %arg7[%get3A_861, %get3A_862] {strides = array<i32>} : memref<16x1024xf32, #tpu.memory_space<vmem>>, vector<1x16xf32>,
        %get3A_864 = vector.shape_cast %get3A_863 : vector<1x16xf32> to vector<16xf32>
        %mul3A_865 = vector.broadcast %squeeze3A_787 : f32 to vector<16xf32>
        %mul3A_866 = arith.mulf %mul3A_865, %get3A_864 : vector<16xf32>
        %add3A_867 = arith.addf %mul3A_830, %mul3A_866 : vector<16xf32>
        %mul3A_868 = arith.constant 16 : i32
        %mul3A_869 = arith.muli %mul3A_868, %add3A_822 : i32
        %get3A_870 = arith.constant 5 : i32
        %get3A_871 = arith.index_cast %get3A_870 : i32 to index
        %get3A_872 = arith.index_cast %mul3A_869 : i32 to index
        %get3A_873 = tpu.vector_load %arg7[%get3A_871, %get3A_872] {strides = array<i32>} : memref<16x1024xf32, #tpu.memory_space<vmem>>, vector<1x16xf32>,
        %get3A_874 = vector.shape_cast %get3A_873 : vector<1x16xf32> to vector<16xf32>
        %mul3A_875 = vector.broadcast %squeeze3A_789 : f32 to vector<16xf32>
        %mul3A_876 = arith.mulf %mul3A_875, %get3A_874 : vector<16xf32>
        %add3A_877 = arith.addf %mul3A_839, %mul3A_876 : vector<16xf32>
        %mul3A_878 = arith.constant 16 : i32
        %mul3A_879 = arith.muli %mul3A_878, %add3A_822 : i32
        %get3A_880 = arith.constant 6 : i32
        %get3A_881 = arith.index_cast %get3A_880 : i32 to index
        %get3A_882 = arith.index_cast %mul3A_879 : i32 to index
        %get3A_883 = tpu.vector_load %arg7[%get3A_881, %get3A_882] {strides = array<i32>} : memref<16x1024xf32, #tpu.memory_space<vmem>>, vector<1x16xf32>,
        %get3A_884 = vector.shape_cast %get3A_883 : vector<1x16xf32> to vector<16xf32>
        %mul3A_885 = vector.broadcast %squeeze3A_791 : f32 to vector<16xf32>
        %mul3A_886 = arith.mulf %mul3A_885, %get3A_884 : vector<16xf32>
        %add3A_887 = arith.addf %mul3A_848, %mul3A_886 : vector<16xf32>
        %mul3A_888 = arith.constant 16 : i32
        %mul3A_889 = arith.muli %mul3A_888, %add3A_822 : i32
        %get3A_890 = arith.constant 7 : i32
        %get3A_891 = arith.index_cast %get3A_890 : i32 to index
        %get3A_892 = arith.index_cast %mul3A_889 : i32 to index
        %get3A_893 = tpu.vector_load %arg7[%get3A_891, %get3A_892] {strides = array<i32>} : memref<16x1024xf32, #tpu.memory_space<vmem>>, vector<1x16xf32>,
        %get3A_894 = vector.shape_cast %get3A_893 : vector<1x16xf32> to vector<16xf32>
        %mul3A_895 = vector.broadcast %squeeze3A_793 : f32 to vector<16xf32>
        %mul3A_896 = arith.mulf %mul3A_895, %get3A_894 : vector<16xf32>
        %add3A_897 = arith.addf %mul3A_857, %mul3A_896 : vector<16xf32>
        %mul3A_898 = arith.constant 16 : i32
        %mul3A_899 = arith.muli %mul3A_898, %add3A_822 : i32
        %get3A_900 = arith.constant 8 : i32
        %get3A_901 = arith.index_cast %get3A_900 : i32 to index
        %get3A_902 = arith.index_cast %mul3A_899 : i32 to index
        %get3A_903 = tpu.vector_load %arg7[%get3A_901, %get3A_902] {strides = array<i32>} : memref<16x1024xf32, #tpu.memory_space<vmem>>, vector<1x16xf32>,
        %get3A_904 = vector.shape_cast %get3A_903 : vector<1x16xf32> to vector<16xf32>
        %mul3A_905 = vector.broadcast %squeeze3A_795 : f32 to vector<16xf32>
        %mul3A_906 = arith.mulf %mul3A_905, %get3A_904 : vector<16xf32>
        %add3A_907 = arith.addf %add3A_867, %mul3A_906 : vector<16xf32>
        %mul3A_908 = arith.constant 16 : i32
        %mul3A_909 = arith.muli %mul3A_908, %add3A_822 : i32
        %get3A_910 = arith.constant 9 : i32
        %get3A_911 = arith.index_cast %get3A_910 : i32 to index
        %get3A_912 = arith.index_cast %mul3A_909 : i32 to index
        %get3A_913 = tpu.vector_load %arg7[%get3A_911, %get3A_912] {strides = array<i32>} : memref<16x1024xf32, #tpu.memory_space<vmem>>, vector<1x16xf32>,
        %get3A_914 = vector.shape_cast %get3A_913 : vector<1x16xf32> to vector<16xf32>
        %mul3A_915 = vector.broadcast %squeeze3A_797 : f32 to vector<16xf32>
        %mul3A_916 = arith.mulf %mul3A_915, %get3A_914 : vector<16xf32>
        %add3A_917 = arith.addf %add3A_877, %mul3A_916 : vector<16xf32>
        %mul3A_918 = arith.constant 16 : i32
        %mul3A_919 = arith.muli %mul3A_918, %add3A_822 : i32
        %get3A_920 = arith.constant 10 : i32
        %get3A_921 = arith.index_cast %get3A_920 : i32 to index
        %get3A_922 = arith.index_cast %mul3A_919 : i32 to index
        %get3A_923 = tpu.vector_load %arg7[%get3A_921, %get3A_922] {strides = array<i32>} : memref<16x1024xf32, #tpu.memory_space<vmem>>, vector<1x16xf32>,
        %get3A_924 = vector.shape_cast %get3A_923 : vector<1x16xf32> to vector<16xf32>
        %mul3A_925 = vector.broadcast %squeeze3A_799 : f32 to vector<16xf32>
        %mul3A_926 = arith.mulf %mul3A_925, %get3A_924 : vector<16xf32>
        %add3A_927 = arith.addf %add3A_887, %mul3A_926 : vector<16xf32>
        %mul3A_928 = arith.constant 16 : i32
        %mul3A_929 = arith.muli %mul3A_928, %add3A_822 : i32
        %get3A_930 = arith.constant 11 : i32
        %get3A_931 = arith.index_cast %get3A_930 : i32 to index
        %get3A_932 = arith.index_cast %mul3A_929 : i32 to index
        %get3A_933 = tpu.vector_load %arg7[%get3A_931, %get3A_932] {strides = array<i32>} : memref<16x1024xf32, #tpu.memory_space<vmem>>, vector<1x16xf32>,
        %get3A_934 = vector.shape_cast %get3A_933 : vector<1x16xf32> to vector<16xf32>
        %mul3A_935 = vector.broadcast %squeeze3A_801 : f32 to vector<16xf32>
        %mul3A_936 = arith.mulf %mul3A_935, %get3A_934 : vector<16xf32>
        %add3A_937 = arith.addf %add3A_897, %mul3A_936 : vector<16xf32>
        %mul3A_938 = arith.constant 16 : i32
        %mul3A_939 = arith.muli %mul3A_938, %add3A_822 : i32
        %get3A_940 = arith.constant 12 : i32
        %get3A_941 = arith.index_cast %get3A_940 : i32 to index
        %get3A_942 = arith.index_cast %mul3A_939 : i32 to index
        %get3A_943 = tpu.vector_load %arg7[%get3A_941, %get3A_942] {strides = array<i32>} : memref<16x1024xf32, #tpu.memory_space<vmem>>, vector<1x16xf32>,
        %get3A_944 = vector.shape_cast %get3A_943 : vector<1x16xf32> to vector<16xf32>
        %mul3A_945 = vector.broadcast %squeeze3A_803 : f32 to vector<16xf32>
        %mul3A_946 = arith.mulf %mul3A_945, %get3A_944 : vector<16xf32>
        %add3A_947 = arith.addf %add3A_907, %mul3A_946 : vector<16xf32>
        %mul3A_948 = arith.constant 16 : i32
        %mul3A_949 = arith.muli %mul3A_948, %add3A_822 : i32
        %get3A_950 = arith.constant 13 : i32
        %get3A_951 = arith.index_cast %get3A_950 : i32 to index
        %get3A_952 = arith.index_cast %mul3A_949 : i32 to index
        %get3A_953 = tpu.vector_load %arg7[%get3A_951, %get3A_952] {strides = array<i32>} : memref<16x1024xf32, #tpu.memory_space<vmem>>, vector<1x16xf32>,
        %get3A_954 = vector.shape_cast %get3A_953 : vector<1x16xf32> to vector<16xf32>
        %mul3A_955 = vector.broadcast %squeeze3A_805 : f32 to vector<16xf32>
        %mul3A_956 = arith.mulf %mul3A_955, %get3A_954 : vector<16xf32>
        %add3A_957 = arith.addf %add3A_917, %mul3A_956 : vector<16xf32>
        %mul3A_958 = arith.constant 16 : i32
        %mul3A_959 = arith.muli %mul3A_958, %add3A_822 : i32
        %get3A_960 = arith.constant 14 : i32
        %get3A_961 = arith.index_cast %get3A_960 : i32 to index
        %get3A_962 = arith.index_cast %mul3A_959 : i32 to index
        %get3A_963 = tpu.vector_load %arg7[%get3A_961, %get3A_962] {strides = array<i32>} : memref<16x1024xf32, #tpu.memory_space<vmem>>, vector<1x16xf32>,
        %get3A_964 = vector.shape_cast %get3A_963 : vector<1x16xf32> to vector<16xf32>
        %mul3A_965 = vector.broadcast %squeeze3A_807 : f32 to vector<16xf32>
        %mul3A_966 = arith.mulf %mul3A_965, %get3A_964 : vector<16xf32>
        %add3A_967 = arith.addf %add3A_927, %mul3A_966 : vector<16xf32>
        %mul3A_968 = arith.constant 16 : i32
        %mul3A_969 = arith.muli %mul3A_968, %add3A_822 : i32
        %get3A_970 = arith.constant 15 : i32
        %get3A_971 = arith.index_cast %get3A_970 : i32 to index
        %get3A_972 = arith.index_cast %mul3A_969 : i32 to index
        %get3A_973 = tpu.vector_load %arg7[%get3A_971, %get3A_972] {strides = array<i32>} : memref<16x1024xf32, #tpu.memory_space<vmem>>, vector<1x16xf32>,
        %get3A_974 = vector.shape_cast %get3A_973 : vector<1x16xf32> to vector<16xf32>
        %mul3A_975 = vector.broadcast %squeeze3A_809 : f32 to vector<16xf32>
        %mul3A_976 = arith.mulf %mul3A_975, %get3A_974 : vector<16xf32>
        %add3A_977 = arith.addf %add3A_937, %mul3A_976 : vector<16xf32>
        %mul3A_978 = arith.constant 16 : i32
        %mul3A_979 = arith.muli %mul3A_978, %add3A_822 : i32
        %get3A_980 = arith.index_cast %mul3A_979 : i32 to index
        %get3A_981 = tpu.vector_load %arg9[%get3A_980] {strides = array<i32>} : memref<1024xf32, #tpu.memory_space<vmem>>, vector<16xf32>,
        %get3A_982 = vector.shape_cast %get3A_981 : vector<16xf32> to vector<16xf32>
        %mul3A_983 = arith.mulf %get3A_982, %exp3A_716 : vector<16xf32>
        %add3A_984 = arith.addf %add3A_947, %add3A_957 : vector<16xf32>
        %add3A_985 = arith.addf %add3A_967, %add3A_977 : vector<16xf32>
        %add3A_986 = arith.addf %add3A_984, %add3A_985 : vector<16xf32>
        %add3A_987 = arith.addf %mul3A_983, %add3A_986 : vector<16xf32>
        %mul3A_988 = arith.constant 16 : i32
        %mul3A_989 = arith.muli %mul3A_988, %add3A_822 : i32
        %swap3A_990 = arith.index_cast %mul3A_989 : i32 to index
        %swap3A_991 = tpu.vector_load %arg9[%swap3A_990] {strides = array<i32>} : memref<1024xf32, #tpu.memory_space<vmem>>, vector<16xf32>,
        %swap3A_992 = vector.shape_cast %swap3A_991 : vector<16xf32> to vector<16xf32>
        %swap3A_993 = vector.shape_cast %add3A_987 : vector<16xf32> to vector<16xf32>
        tpu.vector_store %arg9[%swap3A_990], %swap3A_993 {strides = array<i32>} : memref<1024xf32, #tpu.memory_space<vmem>>, vector<16xf32>,
        %mul3A_994 = arith.constant 4 : i32
        %mul3A_995 = arith.muli %scan3A_817, %mul3A_994 : i32
        %add3A_996 = arith.constant 1 : i32
        %add3A_997 = arith.addi %mul3A_995, %add3A_996 : i32
        %mul3A_998 = arith.constant 16 : i32
        %mul3A_999 = arith.muli %mul3A_998, %add3A_997 : i32
        %get3A_1000 = arith.constant 0 : i32
        %get3A_1001 = arith.index_cast %get3A_1000 : i32 to index
        %get3A_1002 = arith.index_cast %mul3A_999 : i32 to index
        %get3A_1003 = tpu.vector_load %arg7[%get3A_1001, %get3A_1002] {strides = array<i32>} : memref<16x1024xf32, #tpu.memory_space<vmem>>, vector<1x16xf32>,
        %get3A_1004 = vector.shape_cast %get3A_1003 : vector<1x16xf32> to vector<16xf32>
        %mul3A_1005 = vector.broadcast %squeeze3A_779 : f32 to vector<16xf32>
        %mul3A_1006 = arith.mulf %mul3A_1005, %get3A_1004 : vector<16xf32>
        %mul3A_1007 = arith.constant 16 : i32
        %mul3A_1008 = arith.muli %mul3A_1007, %add3A_997 : i32
        %get3A_1009 = arith.constant 1 : i32
        %get3A_1010 = arith.index_cast %get3A_1009 : i32 to index
        %get3A_1011 = arith.index_cast %mul3A_1008 : i32 to index
        %get3A_1012 = tpu.vector_load %arg7[%get3A_1010, %get3A_1011] {strides = array<i32>} : memref<16x1024xf32, #tpu.memory_space<vmem>>, vector<1x16xf32>,
        %get3A_1013 = vector.shape_cast %get3A_1012 : vector<1x16xf32> to vector<16xf32>
        %mul3A_1014 = vector.broadcast %squeeze3A_781 : f32 to vector<16xf32>
        %mul3A_1015 = arith.mulf %mul3A_1014, %get3A_1013 : vector<16xf32>
        %mul3A_1016 = arith.constant 16 : i32
        %mul3A_1017 = arith.muli %mul3A_1016, %add3A_997 : i32
        %get3A_1018 = arith.constant 2 : i32
        %get3A_1019 = arith.index_cast %get3A_1018 : i32 to index
        %get3A_1020 = arith.index_cast %mul3A_1017 : i32 to index
        %get3A_1021 = tpu.vector_load %arg7[%get3A_1019, %get3A_1020] {strides = array<i32>} : memref<16x1024xf32, #tpu.memory_space<vmem>>, vector<1x16xf32>,
        %get3A_1022 = vector.shape_cast %get3A_1021 : vector<1x16xf32> to vector<16xf32>
        %mul3A_1023 = vector.broadcast %squeeze3A_783 : f32 to vector<16xf32>
        %mul3A_1024 = arith.mulf %mul3A_1023, %get3A_1022 : vector<16xf32>
        %mul3A_1025 = arith.constant 16 : i32
        %mul3A_1026 = arith.muli %mul3A_1025, %add3A_997 : i32
        %get3A_1027 = arith.constant 3 : i32
        %get3A_1028 = arith.index_cast %get3A_1027 : i32 to index
        %get3A_1029 = arith.index_cast %mul3A_1026 : i32 to index
        %get3A_1030 = tpu.vector_load %arg7[%get3A_1028, %get3A_1029] {strides = array<i32>} : memref<16x1024xf32, #tpu.memory_space<vmem>>, vector<1x16xf32>,
        %get3A_1031 = vector.shape_cast %get3A_1030 : vector<1x16xf32> to vector<16xf32>
        %mul3A_1032 = vector.broadcast %squeeze3A_785 : f32 to vector<16xf32>
        %mul3A_1033 = arith.mulf %mul3A_1032, %get3A_1031 : vector<16xf32>
        %mul3A_1034 = arith.constant 16 : i32
        %mul3A_1035 = arith.muli %mul3A_1034, %add3A_997 : i32
        %get3A_1036 = arith.constant 4 : i32
        %get3A_1037 = arith.index_cast %get3A_1036 : i32 to index
        %get3A_1038 = arith.index_cast %mul3A_1035 : i32 to index
        %get3A_1039 = tpu.vector_load %arg7[%get3A_1037, %get3A_1038] {strides = array<i32>} : memref<16x1024xf32, #tpu.memory_space<vmem>>, vector<1x16xf32>,
        %get3A_1040 = vector.shape_cast %get3A_1039 : vector<1x16xf32> to vector<16xf32>
        %mul3A_1041 = vector.broadcast %squeeze3A_787 : f32 to vector<16xf32>
        %mul3A_1042 = arith.mulf %mul3A_1041, %get3A_1040 : vector<16xf32>
        %add3A_1043 = arith.addf %mul3A_1006, %mul3A_1042 : vector<16xf32>
        %mul3A_1044 = arith.constant 16 : i32
        %mul3A_1045 = arith.muli %mul3A_1044, %add3A_997 : i32
        %get3A_1046 = arith.constant 5 : i32
        %get3A_1047 = arith.index_cast %get3A_1046 : i32 to index
        %get3A_1048 = arith.index_cast %mul3A_1045 : i32 to index
        %get3A_1049 = tpu.vector_load %arg7[%get3A_1047, %get3A_1048] {strides = array<i32>} : memref<16x1024xf32, #tpu.memory_space<vmem>>, vector<1x16xf32>,
        %get3A_1050 = vector.shape_cast %get3A_1049 : vector<1x16xf32> to vector<16xf32>
        %mul3A_1051 = vector.broadcast %squeeze3A_789 : f32 to vector<16xf32>
        %mul3A_1052 = arith.mulf %mul3A_1051, %get3A_1050 : vector<16xf32>
        %add3A_1053 = arith.addf %mul3A_1015, %mul3A_1052 : vector<16xf32>
        %mul3A_1054 = arith.constant 16 : i32
        %mul3A_1055 = arith.muli %mul3A_1054, %add3A_997 : i32
        %get3A_1056 = arith.constant 6 : i32
        %get3A_1057 = arith.index_cast %get3A_1056 : i32 to index
        %get3A_1058 = arith.index_cast %mul3A_1055 : i32 to index
        %get3A_1059 = tpu.vector_load %arg7[%get3A_1057, %get3A_1058] {strides = array<i32>} : memref<16x1024xf32, #tpu.memory_space<vmem>>, vector<1x16xf32>,
        %get3A_1060 = vector.shape_cast %get3A_1059 : vector<1x16xf32> to vector<16xf32>
        %mul3A_1061 = vector.broadcast %squeeze3A_791 : f32 to vector<16xf32>
        %mul3A_1062 = arith.mulf %mul3A_1061, %get3A_1060 : vector<16xf32>
        %add3A_1063 = arith.addf %mul3A_1024, %mul3A_1062 : vector<16xf32>
        %mul3A_1064 = arith.constant 16 : i32
        %mul3A_1065 = arith.muli %mul3A_1064, %add3A_997 : i32
        %get3A_1066 = arith.constant 7 : i32
        %get3A_1067 = arith.index_cast %get3A_1066 : i32 to index
        %get3A_1068 = arith.index_cast %mul3A_1065 : i32 to index
        %get3A_1069 = tpu.vector_load %arg7[%get3A_1067, %get3A_1068] {strides = array<i32>} : memref<16x1024xf32, #tpu.memory_space<vmem>>, vector<1x16xf32>,
        %get3A_1070 = vector.shape_cast %get3A_1069 : vector<1x16xf32> to vector<16xf32>
        %mul3A_1071 = vector.broadcast %squeeze3A_793 : f32 to vector<16xf32>
        %mul3A_1072 = arith.mulf %mul3A_1071, %get3A_1070 : vector<16xf32>
        %add3A_1073 = arith.addf %mul3A_1033, %mul3A_1072 : vector<16xf32>
        %mul3A_1074 = arith.constant 16 : i32
        %mul3A_1075 = arith.muli %mul3A_1074, %add3A_997 : i32
        %get3A_1076 = arith.constant 8 : i32
        %get3A_1077 = arith.index_cast %get3A_1076 : i32 to index
        %get3A_1078 = arith.index_cast %mul3A_1075 : i32 to index
        %get3A_1079 = tpu.vector_load %arg7[%get3A_1077, %get3A_1078] {strides = array<i32>} : memref<16x1024xf32, #tpu.memory_space<vmem>>, vector<1x16xf32>,
        %get3A_1080 = vector.shape_cast %get3A_1079 : vector<1x16xf32> to vector<16xf32>
        %mul3A_1081 = vector.broadcast %squeeze3A_795 : f32 to vector<16xf32>
        %mul3A_1082 = arith.mulf %mul3A_1081, %get3A_1080 : vector<16xf32>
        %add3A_1083 = arith.addf %add3A_1043, %mul3A_1082 : vector<16xf32>
        %mul3A_1084 = arith.constant 16 : i32
        %mul3A_1085 = arith.muli %mul3A_1084, %add3A_997 : i32
        %get3A_1086 = arith.constant 9 : i32
        %get3A_1087 = arith.index_cast %get3A_1086 : i32 to index
        %get3A_1088 = arith.index_cast %mul3A_1085 : i32 to index
        %get3A_1089 = tpu.vector_load %arg7[%get3A_1087, %get3A_1088] {strides = array<i32>} : memref<16x1024xf32, #tpu.memory_space<vmem>>, vector<1x16xf32>,
        %get3A_1090 = vector.shape_cast %get3A_1089 : vector<1x16xf32> to vector<16xf32>
        %mul3A_1091 = vector.broadcast %squeeze3A_797 : f32 to vector<16xf32>
        %mul3A_1092 = arith.mulf %mul3A_1091, %get3A_1090 : vector<16xf32>
        %add3A_1093 = arith.addf %add3A_1053, %mul3A_1092 : vector<16xf32>
        %mul3A_1094 = arith.constant 16 : i32
        %mul3A_1095 = arith.muli %mul3A_1094, %add3A_997 : i32
        %get3A_1096 = arith.constant 10 : i32
        %get3A_1097 = arith.index_cast %get3A_1096 : i32 to index
        %get3A_1098 = arith.index_cast %mul3A_1095 : i32 to index
        %get3A_1099 = tpu.vector_load %arg7[%get3A_1097, %get3A_1098] {strides = array<i32>} : memref<16x1024xf32, #tpu.memory_space<vmem>>, vector<1x16xf32>,
        %get3A_1100 = vector.shape_cast %get3A_1099 : vector<1x16xf32> to vector<16xf32>
        %mul3A_1101 = vector.broadcast %squeeze3A_799 : f32 to vector<16xf32>
        %mul3A_1102 = arith.mulf %mul3A_1101, %get3A_1100 : vector<16xf32>
        %add3A_1103 = arith.addf %add3A_1063, %mul3A_1102 : vector<16xf32>
        %mul3A_1104 = arith.constant 16 : i32
        %mul3A_1105 = arith.muli %mul3A_1104, %add3A_997 : i32
        %get3A_1106 = arith.constant 11 : i32
        %get3A_1107 = arith.index_cast %get3A_1106 : i32 to index
        %get3A_1108 = arith.index_cast %mul3A_1105 : i32 to index
        %get3A_1109 = tpu.vector_load %arg7[%get3A_1107, %get3A_1108] {strides = array<i32>} : memref<16x1024xf32, #tpu.memory_space<vmem>>, vector<1x16xf32>,
        %get3A_1110 = vector.shape_cast %get3A_1109 : vector<1x16xf32> to vector<16xf32>
        %mul3A_1111 = vector.broadcast %squeeze3A_801 : f32 to vector<16xf32>
        %mul3A_1112 = arith.mulf %mul3A_1111, %get3A_1110 : vector<16xf32>
        %add3A_1113 = arith.addf %add3A_1073, %mul3A_1112 : vector<16xf32>
        %mul3A_1114 = arith.constant 16 : i32
        %mul3A_1115 = arith.muli %mul3A_1114, %add3A_997 : i32
        %get3A_1116 = arith.constant 12 : i32
        %get3A_1117 = arith.index_cast %get3A_1116 : i32 to index
        %get3A_1118 = arith.index_cast %mul3A_1115 : i32 to index
        %get3A_1119 = tpu.vector_load %arg7[%get3A_1117, %get3A_1118] {strides = array<i32>} : memref<16x1024xf32, #tpu.memory_space<vmem>>, vector<1x16xf32>,
        %get3A_1120 = vector.shape_cast %get3A_1119 : vector<1x16xf32> to vector<16xf32>
        %mul3A_1121 = vector.broadcast %squeeze3A_803 : f32 to vector<16xf32>
        %mul3A_1122 = arith.mulf %mul3A_1121, %get3A_1120 : vector<16xf32>
        %add3A_1123 = arith.addf %add3A_1083, %mul3A_1122 : vector<16xf32>
        %mul3A_1124 = arith.constant 16 : i32
        %mul3A_1125 = arith.muli %mul3A_1124, %add3A_997 : i32
        %get3A_1126 = arith.constant 13 : i32
        %get3A_1127 = arith.index_cast %get3A_1126 : i32 to index
        %get3A_1128 = arith.index_cast %mul3A_1125 : i32 to index
        %get3A_1129 = tpu.vector_load %arg7[%get3A_1127, %get3A_1128] {strides = array<i32>} : memref<16x1024xf32, #tpu.memory_space<vmem>>, vector<1x16xf32>,
        %get3A_1130 = vector.shape_cast %get3A_1129 : vector<1x16xf32> to vector<16xf32>
        %mul3A_1131 = vector.broadcast %squeeze3A_805 : f32 to vector<16xf32>
        %mul3A_1132 = arith.mulf %mul3A_1131, %get3A_1130 : vector<16xf32>
        %add3A_1133 = arith.addf %add3A_1093, %mul3A_1132 : vector<16xf32>
        %mul3A_1134 = arith.constant 16 : i32
        %mul3A_1135 = arith.muli %mul3A_1134, %add3A_997 : i32
        %get3A_1136 = arith.constant 14 : i32
        %get3A_1137 = arith.index_cast %get3A_1136 : i32 to index
        %get3A_1138 = arith.index_cast %mul3A_1135 : i32 to index
        %get3A_1139 = tpu.vector_load %arg7[%get3A_1137, %get3A_1138] {strides = array<i32>} : memref<16x1024xf32, #tpu.memory_space<vmem>>, vector<1x16xf32>,
        %get3A_1140 = vector.shape_cast %get3A_1139 : vector<1x16xf32> to vector<16xf32>
        %mul3A_1141 = vector.broadcast %squeeze3A_807 : f32 to vector<16xf32>
        %mul3A_1142 = arith.mulf %mul3A_1141, %get3A_1140 : vector<16xf32>
        %add3A_1143 = arith.addf %add3A_1103, %mul3A_1142 : vector<16xf32>
        %mul3A_1144 = arith.constant 16 : i32
        %mul3A_1145 = arith.muli %mul3A_1144, %add3A_997 : i32
        %get3A_1146 = arith.constant 15 : i32
        %get3A_1147 = arith.index_cast %get3A_1146 : i32 to index
        %get3A_1148 = arith.index_cast %mul3A_1145 : i32 to index
        %get3A_1149 = tpu.vector_load %arg7[%get3A_1147, %get3A_1148] {strides = array<i32>} : memref<16x1024xf32, #tpu.memory_space<vmem>>, vector<1x16xf32>,
        %get3A_1150 = vector.shape_cast %get3A_1149 : vector<1x16xf32> to vector<16xf32>
        %mul3A_1151 = vector.broadcast %squeeze3A_809 : f32 to vector<16xf32>
        %mul3A_1152 = arith.mulf %mul3A_1151, %get3A_1150 : vector<16xf32>
        %add3A_1153 = arith.addf %add3A_1113, %mul3A_1152 : vector<16xf32>
        %mul3A_1154 = arith.constant 16 : i32
        %mul3A_1155 = arith.muli %mul3A_1154, %add3A_997 : i32
        %get3A_1156 = arith.index_cast %mul3A_1155 : i32 to index
        %get3A_1157 = tpu.vector_load %arg9[%get3A_1156] {strides = array<i32>} : memref<1024xf32, #tpu.memory_space<vmem>>, vector<16xf32>,
        %get3A_1158 = vector.shape_cast %get3A_1157 : vector<16xf32> to vector<16xf32>
        %mul3A_1159 = arith.mulf %get3A_1158, %exp3A_716 : vector<16xf32>
        %add3A_1160 = arith.addf %add3A_1123, %add3A_1133 : vector<16xf32>
        %add3A_1161 = arith.addf %add3A_1143, %add3A_1153 : vector<16xf32>
        %add3A_1162 = arith.addf %add3A_1160, %add3A_1161 : vector<16xf32>
        %add3A_1163 = arith.addf %mul3A_1159, %add3A_1162 : vector<16xf32>
        %mul3A_1164 = arith.constant 16 : i32
        %mul3A_1165 = arith.muli %mul3A_1164, %add3A_997 : i32
        %swap3A_1166 = arith.index_cast %mul3A_1165 : i32 to index
        %swap3A_1167 = tpu.vector_load %arg9[%swap3A_1166] {strides = array<i32>} : memref<1024xf32, #tpu.memory_space<vmem>>, vector<16xf32>,
        %swap3A_1168 = vector.shape_cast %swap3A_1167 : vector<16xf32> to vector<16xf32>
        %swap3A_1169 = vector.shape_cast %add3A_1163 : vector<16xf32> to vector<16xf32>
        tpu.vector_store %arg9[%swap3A_1166], %swap3A_1169 {strides = array<i32>} : memref<1024xf32, #tpu.memory_space<vmem>>, vector<16xf32>,
        %mul3A_1170 = arith.constant 4 : i32
        %mul3A_1171 = arith.muli %scan3A_817, %mul3A_1170 : i32
        %add3A_1172 = arith.constant 2 : i32
        %add3A_1173 = arith.addi %mul3A_1171, %add3A_1172 : i32
        %mul3A_1174 = arith.constant 16 : i32
        %mul3A_1175 = arith.muli %mul3A_1174, %add3A_1173 : i32
        %get3A_1176 = arith.constant 0 : i32
        %get3A_1177 = arith.index_cast %get3A_1176 : i32 to index
        %get3A_1178 = arith.index_cast %mul3A_1175 : i32 to index
        %get3A_1179 = tpu.vector_load %arg7[%get3A_1177, %get3A_1178] {strides = array<i32>} : memref<16x1024xf32, #tpu.memory_space<vmem>>, vector<1x16xf32>,
        %get3A_1180 = vector.shape_cast %get3A_1179 : vector<1x16xf32> to vector<16xf32>
        %mul3A_1181 = vector.broadcast %squeeze3A_779 : f32 to vector<16xf32>
        %mul3A_1182 = arith.mulf %mul3A_1181, %get3A_1180 : vector<16xf32>
        %mul3A_1183 = arith.constant 16 : i32
        %mul3A_1184 = arith.muli %mul3A_1183, %add3A_1173 : i32
        %get3A_1185 = arith.constant 1 : i32
        %get3A_1186 = arith.index_cast %get3A_1185 : i32 to index
        %get3A_1187 = arith.index_cast %mul3A_1184 : i32 to index
        %get3A_1188 = tpu.vector_load %arg7[%get3A_1186, %get3A_1187] {strides = array<i32>} : memref<16x1024xf32, #tpu.memory_space<vmem>>, vector<1x16xf32>,
        %get3A_1189 = vector.shape_cast %get3A_1188 : vector<1x16xf32> to vector<16xf32>
        %mul3A_1190 = vector.broadcast %squeeze3A_781 : f32 to vector<16xf32>
        %mul3A_1191 = arith.mulf %mul3A_1190, %get3A_1189 : vector<16xf32>
        %mul3A_1192 = arith.constant 16 : i32
        %mul3A_1193 = arith.muli %mul3A_1192, %add3A_1173 : i32
        %get3A_1194 = arith.constant 2 : i32
        %get3A_1195 = arith.index_cast %get3A_1194 : i32 to index
        %get3A_1196 = arith.index_cast %mul3A_1193 : i32 to index
        %get3A_1197 = tpu.vector_load %arg7[%get3A_1195, %get3A_1196] {strides = array<i32>} : memref<16x1024xf32, #tpu.memory_space<vmem>>, vector<1x16xf32>,
        %get3A_1198 = vector.shape_cast %get3A_1197 : vector<1x16xf32> to vector<16xf32>
        %mul3A_1199 = vector.broadcast %squeeze3A_783 : f32 to vector<16xf32>
        %mul3A_1200 = arith.mulf %mul3A_1199, %get3A_1198 : vector<16xf32>
        %mul3A_1201 = arith.constant 16 : i32
        %mul3A_1202 = arith.muli %mul3A_1201, %add3A_1173 : i32
        %get3A_1203 = arith.constant 3 : i32
        %get3A_1204 = arith.index_cast %get3A_1203 : i32 to index
        %get3A_1205 = arith.index_cast %mul3A_1202 : i32 to index
        %get3A_1206 = tpu.vector_load %arg7[%get3A_1204, %get3A_1205] {strides = array<i32>} : memref<16x1024xf32, #tpu.memory_space<vmem>>, vector<1x16xf32>,
        %get3A_1207 = vector.shape_cast %get3A_1206 : vector<1x16xf32> to vector<16xf32>
        %mul3A_1208 = vector.broadcast %squeeze3A_785 : f32 to vector<16xf32>
        %mul3A_1209 = arith.mulf %mul3A_1208, %get3A_1207 : vector<16xf32>
        %mul3A_1210 = arith.constant 16 : i32
        %mul3A_1211 = arith.muli %mul3A_1210, %add3A_1173 : i32
        %get3A_1212 = arith.constant 4 : i32
        %get3A_1213 = arith.index_cast %get3A_1212 : i32 to index
        %get3A_1214 = arith.index_cast %mul3A_1211 : i32 to index
        %get3A_1215 = tpu.vector_load %arg7[%get3A_1213, %get3A_1214] {strides = array<i32>} : memref<16x1024xf32, #tpu.memory_space<vmem>>, vector<1x16xf32>,
        %get3A_1216 = vector.shape_cast %get3A_1215 : vector<1x16xf32> to vector<16xf32>
        %mul3A_1217 = vector.broadcast %squeeze3A_787 : f32 to vector<16xf32>
        %mul3A_1218 = arith.mulf %mul3A_1217, %get3A_1216 : vector<16xf32>
        %add3A_1219 = arith.addf %mul3A_1182, %mul3A_1218 : vector<16xf32>
        %mul3A_1220 = arith.constant 16 : i32
        %mul3A_1221 = arith.muli %mul3A_1220, %add3A_1173 : i32
        %get3A_1222 = arith.constant 5 : i32
        %get3A_1223 = arith.index_cast %get3A_1222 : i32 to index
        %get3A_1224 = arith.index_cast %mul3A_1221 : i32 to index
        %get3A_1225 = tpu.vector_load %arg7[%get3A_1223, %get3A_1224] {strides = array<i32>} : memref<16x1024xf32, #tpu.memory_space<vmem>>, vector<1x16xf32>,
        %get3A_1226 = vector.shape_cast %get3A_1225 : vector<1x16xf32> to vector<16xf32>
        %mul3A_1227 = vector.broadcast %squeeze3A_789 : f32 to vector<16xf32>
        %mul3A_1228 = arith.mulf %mul3A_1227, %get3A_1226 : vector<16xf32>
        %add3A_1229 = arith.addf %mul3A_1191, %mul3A_1228 : vector<16xf32>
        %mul3A_1230 = arith.constant 16 : i32
        %mul3A_1231 = arith.muli %mul3A_1230, %add3A_1173 : i32
        %get3A_1232 = arith.constant 6 : i32
        %get3A_1233 = arith.index_cast %get3A_1232 : i32 to index
        %get3A_1234 = arith.index_cast %mul3A_1231 : i32 to index
        %get3A_1235 = tpu.vector_load %arg7[%get3A_1233, %get3A_1234] {strides = array<i32>} : memref<16x1024xf32, #tpu.memory_space<vmem>>, vector<1x16xf32>,
        %get3A_1236 = vector.shape_cast %get3A_1235 : vector<1x16xf32> to vector<16xf32>
        %mul3A_1237 = vector.broadcast %squeeze3A_791 : f32 to vector<16xf32>
        %mul3A_1238 = arith.mulf %mul3A_1237, %get3A_1236 : vector<16xf32>
        %add3A_1239 = arith.addf %mul3A_1200, %mul3A_1238 : vector<16xf32>
        %mul3A_1240 = arith.constant 16 : i32
        %mul3A_1241 = arith.muli %mul3A_1240, %add3A_1173 : i32
        %get3A_1242 = arith.constant 7 : i32
        %get3A_1243 = arith.index_cast %get3A_1242 : i32 to index
        %get3A_1244 = arith.index_cast %mul3A_1241 : i32 to index
        %get3A_1245 = tpu.vector_load %arg7[%get3A_1243, %get3A_1244] {strides = array<i32>} : memref<16x1024xf32, #tpu.memory_space<vmem>>, vector<1x16xf32>,
        %get3A_1246 = vector.shape_cast %get3A_1245 : vector<1x16xf32> to vector<16xf32>
        %mul3A_1247 = vector.broadcast %squeeze3A_793 : f32 to vector<16xf32>
        %mul3A_1248 = arith.mulf %mul3A_1247, %get3A_1246 : vector<16xf32>
        %add3A_1249 = arith.addf %mul3A_1209, %mul3A_1248 : vector<16xf32>
        %mul3A_1250 = arith.constant 16 : i32
        %mul3A_1251 = arith.muli %mul3A_1250, %add3A_1173 : i32
        %get3A_1252 = arith.constant 8 : i32
        %get3A_1253 = arith.index_cast %get3A_1252 : i32 to index
        %get3A_1254 = arith.index_cast %mul3A_1251 : i32 to index
        %get3A_1255 = tpu.vector_load %arg7[%get3A_1253, %get3A_1254] {strides = array<i32>} : memref<16x1024xf32, #tpu.memory_space<vmem>>, vector<1x16xf32>,
        %get3A_1256 = vector.shape_cast %get3A_1255 : vector<1x16xf32> to vector<16xf32>
        %mul3A_1257 = vector.broadcast %squeeze3A_795 : f32 to vector<16xf32>
        %mul3A_1258 = arith.mulf %mul3A_1257, %get3A_1256 : vector<16xf32>
        %add3A_1259 = arith.addf %add3A_1219, %mul3A_1258 : vector<16xf32>
        %mul3A_1260 = arith.constant 16 : i32
        %mul3A_1261 = arith.muli %mul3A_1260, %add3A_1173 : i32
        %get3A_1262 = arith.constant 9 : i32
        %get3A_1263 = arith.index_cast %get3A_1262 : i32 to index
        %get3A_1264 = arith.index_cast %mul3A_1261 : i32 to index
        %get3A_1265 = tpu.vector_load %arg7[%get3A_1263, %get3A_1264] {strides = array<i32>} : memref<16x1024xf32, #tpu.memory_space<vmem>>, vector<1x16xf32>,
        %get3A_1266 = vector.shape_cast %get3A_1265 : vector<1x16xf32> to vector<16xf32>
        %mul3A_1267 = vector.broadcast %squeeze3A_797 : f32 to vector<16xf32>
        %mul3A_1268 = arith.mulf %mul3A_1267, %get3A_1266 : vector<16xf32>
        %add3A_1269 = arith.addf %add3A_1229, %mul3A_1268 : vector<16xf32>
        %mul3A_1270 = arith.constant 16 : i32
        %mul3A_1271 = arith.muli %mul3A_1270, %add3A_1173 : i32
        %get3A_1272 = arith.constant 10 : i32
        %get3A_1273 = arith.index_cast %get3A_1272 : i32 to index
        %get3A_1274 = arith.index_cast %mul3A_1271 : i32 to index
        %get3A_1275 = tpu.vector_load %arg7[%get3A_1273, %get3A_1274] {strides = array<i32>} : memref<16x1024xf32, #tpu.memory_space<vmem>>, vector<1x16xf32>,
        %get3A_1276 = vector.shape_cast %get3A_1275 : vector<1x16xf32> to vector<16xf32>
        %mul3A_1277 = vector.broadcast %squeeze3A_799 : f32 to vector<16xf32>
        %mul3A_1278 = arith.mulf %mul3A_1277, %get3A_1276 : vector<16xf32>
        %add3A_1279 = arith.addf %add3A_1239, %mul3A_1278 : vector<16xf32>
        %mul3A_1280 = arith.constant 16 : i32
        %mul3A_1281 = arith.muli %mul3A_1280, %add3A_1173 : i32
        %get3A_1282 = arith.constant 11 : i32
        %get3A_1283 = arith.index_cast %get3A_1282 : i32 to index
        %get3A_1284 = arith.index_cast %mul3A_1281 : i32 to index
        %get3A_1285 = tpu.vector_load %arg7[%get3A_1283, %get3A_1284] {strides = array<i32>} : memref<16x1024xf32, #tpu.memory_space<vmem>>, vector<1x16xf32>,
        %get3A_1286 = vector.shape_cast %get3A_1285 : vector<1x16xf32> to vector<16xf32>
        %mul3A_1287 = vector.broadcast %squeeze3A_801 : f32 to vector<16xf32>
        %mul3A_1288 = arith.mulf %mul3A_1287, %get3A_1286 : vector<16xf32>
        %add3A_1289 = arith.addf %add3A_1249, %mul3A_1288 : vector<16xf32>
        %mul3A_1290 = arith.constant 16 : i32
        %mul3A_1291 = arith.muli %mul3A_1290, %add3A_1173 : i32
        %get3A_1292 = arith.constant 12 : i32
        %get3A_1293 = arith.index_cast %get3A_1292 : i32 to index
        %get3A_1294 = arith.index_cast %mul3A_1291 : i32 to index
        %get3A_1295 = tpu.vector_load %arg7[%get3A_1293, %get3A_1294] {strides = array<i32>} : memref<16x1024xf32, #tpu.memory_space<vmem>>, vector<1x16xf32>,
        %get3A_1296 = vector.shape_cast %get3A_1295 : vector<1x16xf32> to vector<16xf32>
        %mul3A_1297 = vector.broadcast %squeeze3A_803 : f32 to vector<16xf32>
        %mul3A_1298 = arith.mulf %mul3A_1297, %get3A_1296 : vector<16xf32>
        %add3A_1299 = arith.addf %add3A_1259, %mul3A_1298 : vector<16xf32>
        %mul3A_1300 = arith.constant 16 : i32
        %mul3A_1301 = arith.muli %mul3A_1300, %add3A_1173 : i32
        %get3A_1302 = arith.constant 13 : i32
        %get3A_1303 = arith.index_cast %get3A_1302 : i32 to index
        %get3A_1304 = arith.index_cast %mul3A_1301 : i32 to index
        %get3A_1305 = tpu.vector_load %arg7[%get3A_1303, %get3A_1304] {strides = array<i32>} : memref<16x1024xf32, #tpu.memory_space<vmem>>, vector<1x16xf32>,
        %get3A_1306 = vector.shape_cast %get3A_1305 : vector<1x16xf32> to vector<16xf32>
        %mul3A_1307 = vector.broadcast %squeeze3A_805 : f32 to vector<16xf32>
        %mul3A_1308 = arith.mulf %mul3A_1307, %get3A_1306 : vector<16xf32>
        %add3A_1309 = arith.addf %add3A_1269, %mul3A_1308 : vector<16xf32>
        %mul3A_1310 = arith.constant 16 : i32
        %mul3A_1311 = arith.muli %mul3A_1310, %add3A_1173 : i32
        %get3A_1312 = arith.constant 14 : i32
        %get3A_1313 = arith.index_cast %get3A_1312 : i32 to index
        %get3A_1314 = arith.index_cast %mul3A_1311 : i32 to index
        %get3A_1315 = tpu.vector_load %arg7[%get3A_1313, %get3A_1314] {strides = array<i32>} : memref<16x1024xf32, #tpu.memory_space<vmem>>, vector<1x16xf32>,
        %get3A_1316 = vector.shape_cast %get3A_1315 : vector<1x16xf32> to vector<16xf32>
        %mul3A_1317 = vector.broadcast %squeeze3A_807 : f32 to vector<16xf32>
        %mul3A_1318 = arith.mulf %mul3A_1317, %get3A_1316 : vector<16xf32>
        %add3A_1319 = arith.addf %add3A_1279, %mul3A_1318 : vector<16xf32>
        %mul3A_1320 = arith.constant 16 : i32
        %mul3A_1321 = arith.muli %mul3A_1320, %add3A_1173 : i32
        %get3A_1322 = arith.constant 15 : i32
        %get3A_1323 = arith.index_cast %get3A_1322 : i32 to index
        %get3A_1324 = arith.index_cast %mul3A_1321 : i32 to index
        %get3A_1325 = tpu.vector_load %arg7[%get3A_1323, %get3A_1324] {strides = array<i32>} : memref<16x1024xf32, #tpu.memory_space<vmem>>, vector<1x16xf32>,
        %get3A_1326 = vector.shape_cast %get3A_1325 : vector<1x16xf32> to vector<16xf32>
        %mul3A_1327 = vector.broadcast %squeeze3A_809 : f32 to vector<16xf32>
        %mul3A_1328 = arith.mulf %mul3A_1327, %get3A_1326 : vector<16xf32>
        %add3A_1329 = arith.addf %add3A_1289, %mul3A_1328 : vector<16xf32>
        %mul3A_1330 = arith.constant 16 : i32
        %mul3A_1331 = arith.muli %mul3A_1330, %add3A_1173 : i32
        %get3A_1332 = arith.index_cast %mul3A_1331 : i32 to index
        %get3A_1333 = tpu.vector_load %arg9[%get3A_1332] {strides = array<i32>} : memref<1024xf32, #tpu.memory_space<vmem>>, vector<16xf32>,
        %get3A_1334 = vector.shape_cast %get3A_1333 : vector<16xf32> to vector<16xf32>
        %mul3A_1335 = arith.mulf %get3A_1334, %exp3A_716 : vector<16xf32>
        %add3A_1336 = arith.addf %add3A_1299, %add3A_1309 : vector<16xf32>
        %add3A_1337 = arith.addf %add3A_1319, %add3A_1329 : vector<16xf32>
        %add3A_1338 = arith.addf %add3A_1336, %add3A_1337 : vector<16xf32>
        %add3A_1339 = arith.addf %mul3A_1335, %add3A_1338 : vector<16xf32>
        %mul3A_1340 = arith.constant 16 : i32
        %mul3A_1341 = arith.muli %mul3A_1340, %add3A_1173 : i32
        %swap3A_1342 = arith.index_cast %mul3A_1341 : i32 to index
        %swap3A_1343 = tpu.vector_load %arg9[%swap3A_1342] {strides = array<i32>} : memref<1024xf32, #tpu.memory_space<vmem>>, vector<16xf32>,
        %swap3A_1344 = vector.shape_cast %swap3A_1343 : vector<16xf32> to vector<16xf32>
        %swap3A_1345 = vector.shape_cast %add3A_1339 : vector<16xf32> to vector<16xf32>
        tpu.vector_store %arg9[%swap3A_1342], %swap3A_1345 {strides = array<i32>} : memref<1024xf32, #tpu.memory_space<vmem>>, vector<16xf32>,
        %mul3A_1346 = arith.constant 4 : i32
        %mul3A_1347 = arith.muli %scan3A_817, %mul3A_1346 : i32
        %add3A_1348 = arith.constant 3 : i32
        %add3A_1349 = arith.addi %mul3A_1347, %add3A_1348 : i32
        %mul3A_1350 = arith.constant 16 : i32
        %mul3A_1351 = arith.muli %mul3A_1350, %add3A_1349 : i32
        %get3A_1352 = arith.constant 0 : i32
        %get3A_1353 = arith.index_cast %get3A_1352 : i32 to index
        %get3A_1354 = arith.index_cast %mul3A_1351 : i32 to index
        %get3A_1355 = tpu.vector_load %arg7[%get3A_1353, %get3A_1354] {strides = array<i32>} : memref<16x1024xf32, #tpu.memory_space<vmem>>, vector<1x16xf32>,
        %get3A_1356 = vector.shape_cast %get3A_1355 : vector<1x16xf32> to vector<16xf32>
        %mul3A_1357 = vector.broadcast %squeeze3A_779 : f32 to vector<16xf32>
        %mul3A_1358 = arith.mulf %mul3A_1357, %get3A_1356 : vector<16xf32>
        %mul3A_1359 = arith.constant 16 : i32
        %mul3A_1360 = arith.muli %mul3A_1359, %add3A_1349 : i32
        %get3A_1361 = arith.constant 1 : i32
        %get3A_1362 = arith.index_cast %get3A_1361 : i32 to index
        %get3A_1363 = arith.index_cast %mul3A_1360 : i32 to index
        %get3A_1364 = tpu.vector_load %arg7[%get3A_1362, %get3A_1363] {strides = array<i32>} : memref<16x1024xf32, #tpu.memory_space<vmem>>, vector<1x16xf32>,
        %get3A_1365 = vector.shape_cast %get3A_1364 : vector<1x16xf32> to vector<16xf32>
        %mul3A_1366 = vector.broadcast %squeeze3A_781 : f32 to vector<16xf32>
        %mul3A_1367 = arith.mulf %mul3A_1366, %get3A_1365 : vector<16xf32>
        %mul3A_1368 = arith.constant 16 : i32
        %mul3A_1369 = arith.muli %mul3A_1368, %add3A_1349 : i32
        %get3A_1370 = arith.constant 2 : i32
        %get3A_1371 = arith.index_cast %get3A_1370 : i32 to index
        %get3A_1372 = arith.index_cast %mul3A_1369 : i32 to index
        %get3A_1373 = tpu.vector_load %arg7[%get3A_1371, %get3A_1372] {strides = array<i32>} : memref<16x1024xf32, #tpu.memory_space<vmem>>, vector<1x16xf32>,
        %get3A_1374 = vector.shape_cast %get3A_1373 : vector<1x16xf32> to vector<16xf32>
        %mul3A_1375 = vector.broadcast %squeeze3A_783 : f32 to vector<16xf32>
        %mul3A_1376 = arith.mulf %mul3A_1375, %get3A_1374 : vector<16xf32>
        %mul3A_1377 = arith.constant 16 : i32
        %mul3A_1378 = arith.muli %mul3A_1377, %add3A_1349 : i32
        %get3A_1379 = arith.constant 3 : i32
        %get3A_1380 = arith.index_cast %get3A_1379 : i32 to index
        %get3A_1381 = arith.index_cast %mul3A_1378 : i32 to index
        %get3A_1382 = tpu.vector_load %arg7[%get3A_1380, %get3A_1381] {strides = array<i32>} : memref<16x1024xf32, #tpu.memory_space<vmem>>, vector<1x16xf32>,
        %get3A_1383 = vector.shape_cast %get3A_1382 : vector<1x16xf32> to vector<16xf32>
        %mul3A_1384 = vector.broadcast %squeeze3A_785 : f32 to vector<16xf32>
        %mul3A_1385 = arith.mulf %mul3A_1384, %get3A_1383 : vector<16xf32>
        %mul3A_1386 = arith.constant 16 : i32
        %mul3A_1387 = arith.muli %mul3A_1386, %add3A_1349 : i32
        %get3A_1388 = arith.constant 4 : i32
        %get3A_1389 = arith.index_cast %get3A_1388 : i32 to index
        %get3A_1390 = arith.index_cast %mul3A_1387 : i32 to index
        %get3A_1391 = tpu.vector_load %arg7[%get3A_1389, %get3A_1390] {strides = array<i32>} : memref<16x1024xf32, #tpu.memory_space<vmem>>, vector<1x16xf32>,
        %get3A_1392 = vector.shape_cast %get3A_1391 : vector<1x16xf32> to vector<16xf32>
        %mul3A_1393 = vector.broadcast %squeeze3A_787 : f32 to vector<16xf32>
        %mul3A_1394 = arith.mulf %mul3A_1393, %get3A_1392 : vector<16xf32>
        %add3A_1395 = arith.addf %mul3A_1358, %mul3A_1394 : vector<16xf32>
        %mul3A_1396 = arith.constant 16 : i32
        %mul3A_1397 = arith.muli %mul3A_1396, %add3A_1349 : i32
        %get3A_1398 = arith.constant 5 : i32
        %get3A_1399 = arith.index_cast %get3A_1398 : i32 to index
        %get3A_1400 = arith.index_cast %mul3A_1397 : i32 to index
        %get3A_1401 = tpu.vector_load %arg7[%get3A_1399, %get3A_1400] {strides = array<i32>} : memref<16x1024xf32, #tpu.memory_space<vmem>>, vector<1x16xf32>,
        %get3A_1402 = vector.shape_cast %get3A_1401 : vector<1x16xf32> to vector<16xf32>
        %mul3A_1403 = vector.broadcast %squeeze3A_789 : f32 to vector<16xf32>
        %mul3A_1404 = arith.mulf %mul3A_1403, %get3A_1402 : vector<16xf32>
        %add3A_1405 = arith.addf %mul3A_1367, %mul3A_1404 : vector<16xf32>
        %mul3A_1406 = arith.constant 16 : i32
        %mul3A_1407 = arith.muli %mul3A_1406, %add3A_1349 : i32
        %get3A_1408 = arith.constant 6 : i32
        %get3A_1409 = arith.index_cast %get3A_1408 : i32 to index
        %get3A_1410 = arith.index_cast %mul3A_1407 : i32 to index
        %get3A_1411 = tpu.vector_load %arg7[%get3A_1409, %get3A_1410] {strides = array<i32>} : memref<16x1024xf32, #tpu.memory_space<vmem>>, vector<1x16xf32>,
        %get3A_1412 = vector.shape_cast %get3A_1411 : vector<1x16xf32> to vector<16xf32>
        %mul3A_1413 = vector.broadcast %squeeze3A_791 : f32 to vector<16xf32>
        %mul3A_1414 = arith.mulf %mul3A_1413, %get3A_1412 : vector<16xf32>
        %add3A_1415 = arith.addf %mul3A_1376, %mul3A_1414 : vector<16xf32>
        %mul3A_1416 = arith.constant 16 : i32
        %mul3A_1417 = arith.muli %mul3A_1416, %add3A_1349 : i32
        %get3A_1418 = arith.constant 7 : i32
        %get3A_1419 = arith.index_cast %get3A_1418 : i32 to index
        %get3A_1420 = arith.index_cast %mul3A_1417 : i32 to index
        %get3A_1421 = tpu.vector_load %arg7[%get3A_1419, %get3A_1420] {strides = array<i32>} : memref<16x1024xf32, #tpu.memory_space<vmem>>, vector<1x16xf32>,
        %get3A_1422 = vector.shape_cast %get3A_1421 : vector<1x16xf32> to vector<16xf32>
        %mul3A_1423 = vector.broadcast %squeeze3A_793 : f32 to vector<16xf32>
        %mul3A_1424 = arith.mulf %mul3A_1423, %get3A_1422 : vector<16xf32>
        %add3A_1425 = arith.addf %mul3A_1385, %mul3A_1424 : vector<16xf32>
        %mul3A_1426 = arith.constant 16 : i32
        %mul3A_1427 = arith.muli %mul3A_1426, %add3A_1349 : i32
        %get3A_1428 = arith.constant 8 : i32
        %get3A_1429 = arith.index_cast %get3A_1428 : i32 to index
        %get3A_1430 = arith.index_cast %mul3A_1427 : i32 to index
        %get3A_1431 = tpu.vector_load %arg7[%get3A_1429, %get3A_1430] {strides = array<i32>} : memref<16x1024xf32, #tpu.memory_space<vmem>>, vector<1x16xf32>,
        %get3A_1432 = vector.shape_cast %get3A_1431 : vector<1x16xf32> to vector<16xf32>
        %mul3A_1433 = vector.broadcast %squeeze3A_795 : f32 to vector<16xf32>
        %mul3A_1434 = arith.mulf %mul3A_1433, %get3A_1432 : vector<16xf32>
        %add3A_1435 = arith.addf %add3A_1395, %mul3A_1434 : vector<16xf32>
        %mul3A_1436 = arith.constant 16 : i32
        %mul3A_1437 = arith.muli %mul3A_1436, %add3A_1349 : i32
        %get3A_1438 = arith.constant 9 : i32
        %get3A_1439 = arith.index_cast %get3A_1438 : i32 to index
        %get3A_1440 = arith.index_cast %mul3A_1437 : i32 to index
        %get3A_1441 = tpu.vector_load %arg7[%get3A_1439, %get3A_1440] {strides = array<i32>} : memref<16x1024xf32, #tpu.memory_space<vmem>>, vector<1x16xf32>,
        %get3A_1442 = vector.shape_cast %get3A_1441 : vector<1x16xf32> to vector<16xf32>
        %mul3A_1443 = vector.broadcast %squeeze3A_797 : f32 to vector<16xf32>
        %mul3A_1444 = arith.mulf %mul3A_1443, %get3A_1442 : vector<16xf32>
        %add3A_1445 = arith.addf %add3A_1405, %mul3A_1444 : vector<16xf32>
        %mul3A_1446 = arith.constant 16 : i32
        %mul3A_1447 = arith.muli %mul3A_1446, %add3A_1349 : i32
        %get3A_1448 = arith.constant 10 : i32
        %get3A_1449 = arith.index_cast %get3A_1448 : i32 to index
        %get3A_1450 = arith.index_cast %mul3A_1447 : i32 to index
        %get3A_1451 = tpu.vector_load %arg7[%get3A_1449, %get3A_1450] {strides = array<i32>} : memref<16x1024xf32, #tpu.memory_space<vmem>>, vector<1x16xf32>,
        %get3A_1452 = vector.shape_cast %get3A_1451 : vector<1x16xf32> to vector<16xf32>
        %mul3A_1453 = vector.broadcast %squeeze3A_799 : f32 to vector<16xf32>
        %mul3A_1454 = arith.mulf %mul3A_1453, %get3A_1452 : vector<16xf32>
        %add3A_1455 = arith.addf %add3A_1415, %mul3A_1454 : vector<16xf32>
        %mul3A_1456 = arith.constant 16 : i32
        %mul3A_1457 = arith.muli %mul3A_1456, %add3A_1349 : i32
        %get3A_1458 = arith.constant 11 : i32
        %get3A_1459 = arith.index_cast %get3A_1458 : i32 to index
        %get3A_1460 = arith.index_cast %mul3A_1457 : i32 to index
        %get3A_1461 = tpu.vector_load %arg7[%get3A_1459, %get3A_1460] {strides = array<i32>} : memref<16x1024xf32, #tpu.memory_space<vmem>>, vector<1x16xf32>,
        %get3A_1462 = vector.shape_cast %get3A_1461 : vector<1x16xf32> to vector<16xf32>
        %mul3A_1463 = vector.broadcast %squeeze3A_801 : f32 to vector<16xf32>
        %mul3A_1464 = arith.mulf %mul3A_1463, %get3A_1462 : vector<16xf32>
        %add3A_1465 = arith.addf %add3A_1425, %mul3A_1464 : vector<16xf32>
        %mul3A_1466 = arith.constant 16 : i32
        %mul3A_1467 = arith.muli %mul3A_1466, %add3A_1349 : i32
        %get3A_1468 = arith.constant 12 : i32
        %get3A_1469 = arith.index_cast %get3A_1468 : i32 to index
        %get3A_1470 = arith.index_cast %mul3A_1467 : i32 to index
        %get3A_1471 = tpu.vector_load %arg7[%get3A_1469, %get3A_1470] {strides = array<i32>} : memref<16x1024xf32, #tpu.memory_space<vmem>>, vector<1x16xf32>,
        %get3A_1472 = vector.shape_cast %get3A_1471 : vector<1x16xf32> to vector<16xf32>
        %mul3A_1473 = vector.broadcast %squeeze3A_803 : f32 to vector<16xf32>
        %mul3A_1474 = arith.mulf %mul3A_1473, %get3A_1472 : vector<16xf32>
        %add3A_1475 = arith.addf %add3A_1435, %mul3A_1474 : vector<16xf32>
        %mul3A_1476 = arith.constant 16 : i32
        %mul3A_1477 = arith.muli %mul3A_1476, %add3A_1349 : i32
        %get3A_1478 = arith.constant 13 : i32
        %get3A_1479 = arith.index_cast %get3A_1478 : i32 to index
        %get3A_1480 = arith.index_cast %mul3A_1477 : i32 to index
        %get3A_1481 = tpu.vector_load %arg7[%get3A_1479, %get3A_1480] {strides = array<i32>} : memref<16x1024xf32, #tpu.memory_space<vmem>>, vector<1x16xf32>,
        %get3A_1482 = vector.shape_cast %get3A_1481 : vector<1x16xf32> to vector<16xf32>
        %mul3A_1483 = vector.broadcast %squeeze3A_805 : f32 to vector<16xf32>
        %mul3A_1484 = arith.mulf %mul3A_1483, %get3A_1482 : vector<16xf32>
        %add3A_1485 = arith.addf %add3A_1445, %mul3A_1484 : vector<16xf32>
        %mul3A_1486 = arith.constant 16 : i32
        %mul3A_1487 = arith.muli %mul3A_1486, %add3A_1349 : i32
        %get3A_1488 = arith.constant 14 : i32
        %get3A_1489 = arith.index_cast %get3A_1488 : i32 to index
        %get3A_1490 = arith.index_cast %mul3A_1487 : i32 to index
        %get3A_1491 = tpu.vector_load %arg7[%get3A_1489, %get3A_1490] {strides = array<i32>} : memref<16x1024xf32, #tpu.memory_space<vmem>>, vector<1x16xf32>,
        %get3A_1492 = vector.shape_cast %get3A_1491 : vector<1x16xf32> to vector<16xf32>
        %mul3A_1493 = vector.broadcast %squeeze3A_807 : f32 to vector<16xf32>
        %mul3A_1494 = arith.mulf %mul3A_1493, %get3A_1492 : vector<16xf32>
        %add3A_1495 = arith.addf %add3A_1455, %mul3A_1494 : vector<16xf32>
        %mul3A_1496 = arith.constant 16 : i32
        %mul3A_1497 = arith.muli %mul3A_1496, %add3A_1349 : i32
        %get3A_1498 = arith.constant 15 : i32
        %get3A_1499 = arith.index_cast %get3A_1498 : i32 to index
        %get3A_1500 = arith.index_cast %mul3A_1497 : i32 to index
        %get3A_1501 = tpu.vector_load %arg7[%get3A_1499, %get3A_1500] {strides = array<i32>} : memref<16x1024xf32, #tpu.memory_space<vmem>>, vector<1x16xf32>,
        %get3A_1502 = vector.shape_cast %get3A_1501 : vector<1x16xf32> to vector<16xf32>
        %mul3A_1503 = vector.broadcast %squeeze3A_809 : f32 to vector<16xf32>
        %mul3A_1504 = arith.mulf %mul3A_1503, %get3A_1502 : vector<16xf32>
        %add3A_1505 = arith.addf %add3A_1465, %mul3A_1504 : vector<16xf32>
        %mul3A_1506 = arith.constant 16 : i32
        %mul3A_1507 = arith.muli %mul3A_1506, %add3A_1349 : i32
        %get3A_1508 = arith.index_cast %mul3A_1507 : i32 to index
        %get3A_1509 = tpu.vector_load %arg9[%get3A_1508] {strides = array<i32>} : memref<1024xf32, #tpu.memory_space<vmem>>, vector<16xf32>,
        %get3A_1510 = vector.shape_cast %get3A_1509 : vector<16xf32> to vector<16xf32>
        %mul3A_1511 = arith.mulf %get3A_1510, %exp3A_716 : vector<16xf32>
        %add3A_1512 = arith.addf %add3A_1475, %add3A_1485 : vector<16xf32>
        %add3A_1513 = arith.addf %add3A_1495, %add3A_1505 : vector<16xf32>
        %add3A_1514 = arith.addf %add3A_1512, %add3A_1513 : vector<16xf32>
        %add3A_1515 = arith.addf %mul3A_1511, %add3A_1514 : vector<16xf32>
        %mul3A_1516 = arith.constant 16 : i32
        %mul3A_1517 = arith.muli %mul3A_1516, %add3A_1349 : i32
        %swap3A_1518 = arith.index_cast %mul3A_1517 : i32 to index
        %swap3A_1519 = tpu.vector_load %arg9[%swap3A_1518] {strides = array<i32>} : memref<1024xf32, #tpu.memory_space<vmem>>, vector<16xf32>,
        %swap3A_1520 = vector.shape_cast %swap3A_1519 : vector<16xf32> to vector<16xf32>
        %swap3A_1521 = vector.shape_cast %add3A_1515 : vector<16xf32> to vector<16xf32>
        tpu.vector_store %arg9[%swap3A_1518], %swap3A_1521 {strides = array<i32>} : memref<1024xf32, #tpu.memory_space<vmem>>, vector<16xf32>,
        %scan3A_1522 = arith.constant 0 : i32
        scf.yield %scan3A_1522 : i32
      }
      %scan3A_816 = arith.constant 16 : i32
      scf.yield %max3A_714, %add3A_777 : vector<16xf32>, vector<16xf32>
    }
    %scan3A_430 = arith.constant 4 : i32
    %iota3A = tpu.iota {dimensions = array<i32: 0>} : vector<16xi32>
    %eq3A_431 = arith.constant 0 : i32
    %eq3A_432 = vector.broadcast %eq3A_431 : i32 to vector<16xi32>
    %eq3A_433 = arith.cmpi eq, %iota3A, %eq3A_432 : vector<16xi32>
    %eq3A_434 = arith.constant 1 : i32
    %eq3A_435 = vector.broadcast %eq3A_434 : i32 to vector<16xi32>
    %eq3A_436 = arith.cmpi eq, %iota3A, %eq3A_435 : vector<16xi32>
    %broadcast_in_dim3A_437 = arith.constant 0.000000e+00 : f32
    %broadcast_in_dim3A_438 = vector.broadcast %broadcast_in_dim3A_437 : f32 to vector<16xf32>
    %select_n3A_439 = arith.select %eq3A_436, %scan3A_429#1, %broadcast_in_dim3A_438 : vector<16xi1>, vector<16xf32>
    %select_n3A_440 = arith.select %eq3A_433, %scan3A_429#0, %select_n3A_439 : vector<16xi1>, vector<16xf32>
    %swap3A_441 = arith.constant 0 : index
    %swap3A_442 = tpu.vector_load %arg10[%swap3A_441] {strides = array<i32>} : memref<16xf32, #tpu.memory_space<vmem>>, vector<16xf32>,
    %swap3A_443 = vector.shape_cast %swap3A_442 : vector<16xf32> to vector<16xf32>
    %swap3A_444 = vector.shape_cast %select_n3A_440 : vector<16xf32> to vector<16xf32>
    tpu.vector_store %arg10[%swap3A_441], %swap3A_444 {strides = array<i32>} : memref<16xf32, #tpu.memory_space<vmem>>, vector<16xf32>,
    "tpu.region"() ({
      %run_scoped3A = tpu.sem_alloc : memref<!tpu.dma_semaphore, #tpu.memory_space<semaphore_mem>>
      %dma_start3A_445 = arith.constant 0 : i32
      %dma_start3A_446 = tpu.memref_slice %arg4[%add3A, %dma_start3A_445] : memref<32x1024xf32, #tpu.memory_space<hbm>> -> memref<1x1024xf32, #tpu.memory_space<hbm>>
      %dma_start3A_447 = tpu.memref_squeeze %dma_start3A_446 : memref<1x1024xf32, #tpu.memory_space<hbm>> -> memref<1024xf32, #tpu.memory_space<hbm>>
      %dma_start3A_448 = arith.constant 0 : i32
      %dma_start3A_449 = tpu.memref_slice %arg4[%add3A, %dma_start3A_448] : memref<32x1024xf32, #tpu.memory_space<hbm>> -> memref<1x1024xf32, #tpu.memory_space<hbm>>
      %dma_start3A_450 = tpu.memref_squeeze %dma_start3A_449 : memref<1x1024xf32, #tpu.memory_space<hbm>> -> memref<1024xf32, #tpu.memory_space<hbm>>
      tpu.enqueue_dma source(%arg9 : memref<1024xf32, #tpu.memory_space<vmem>>) target(%dma_start3A_450 : memref<1024xf32, #tpu.memory_space<hbm>>) target_semaphore(%run_scoped3A : memref<!tpu.dma_semaphore, #tpu.memory_space<semaphore_mem>>)
      %dma_wait3A = arith.constant 0 : i32
      %dma_wait3A_451 = tpu.memref_slice %arg4[%add3A, %dma_wait3A] : memref<32x1024xf32, #tpu.memory_space<hbm>> -> memref<1x1024xf32, #tpu.memory_space<hbm>>
      %dma_wait3A_452 = tpu.memref_squeeze %dma_wait3A_451 : memref<1x1024xf32, #tpu.memory_space<hbm>> -> memref<1024xf32, #tpu.memory_space<hbm>>
      %dma_wait3A_453 = arith.constant 0 : i32
      %dma_wait3A_454 = tpu.memref_slice %arg4[%add3A, %dma_wait3A_453] : memref<32x1024xf32, #tpu.memory_space<hbm>> -> memref<1x1024xf32, #tpu.memory_space<hbm>>
      %dma_wait3A_455 = tpu.memref_squeeze %dma_wait3A_454 : memref<1x1024xf32, #tpu.memory_space<hbm>> -> memref<1024xf32, #tpu.memory_space<hbm>>
      tpu.wait_dma2 semaphore(%run_scoped3A : memref<!tpu.dma_semaphore, #tpu.memory_space<semaphore_mem>>) src(%arg9 : memref<1024xf32, #tpu.memory_space<vmem>>) dst(%dma_wait3A_455 : memref<1024xf32, #tpu.memory_space<hbm>>)
      tpu.yield
    }) : () -> ()
    "tpu.region"() ({
      %run_scoped3A = tpu.sem_alloc : memref<!tpu.dma_semaphore, #tpu.memory_space<semaphore_mem>>
      %dma_start3A_445 = arith.constant 0 : i32
      %dma_start3A_446 = tpu.memref_slice %arg5[%add3A, %dma_start3A_445] : memref<32x16xf32, #tpu.memory_space<hbm>> -> memref<1x16xf32, #tpu.memory_space<hbm>>
      %dma_start3A_447 = tpu.memref_squeeze %dma_start3A_446 : memref<1x16xf32, #tpu.memory_space<hbm>> -> memref<16xf32, #tpu.memory_space<hbm>>
      %dma_start3A_448 = arith.constant 0 : i32
      %dma_start3A_449 = tpu.memref_slice %arg5[%add3A, %dma_start3A_448] : memref<32x16xf32, #tpu.memory_space<hbm>> -> memref<1x16xf32, #tpu.memory_space<hbm>>
      %dma_start3A_450 = tpu.memref_squeeze %dma_start3A_449 : memref<1x16xf32, #tpu.memory_space<hbm>> -> memref<16xf32, #tpu.memory_space<hbm>>
      tpu.enqueue_dma source(%arg10 : memref<16xf32, #tpu.memory_space<vmem>>) target(%dma_start3A_450 : memref<16xf32, #tpu.memory_space<hbm>>) target_semaphore(%run_scoped3A : memref<!tpu.dma_semaphore, #tpu.memory_space<semaphore_mem>>)
      %dma_wait3A = arith.constant 0 : i32
      %dma_wait3A_451 = tpu.memref_slice %arg5[%add3A, %dma_wait3A] : memref<32x16xf32, #tpu.memory_space<hbm>> -> memref<1x16xf32, #tpu.memory_space<hbm>>
      %dma_wait3A_452 = tpu.memref_squeeze %dma_wait3A_451 : memref<1x16xf32, #tpu.memory_space<hbm>> -> memref<16xf32, #tpu.memory_space<hbm>>
      %dma_wait3A_453 = arith.constant 0 : i32
      %dma_wait3A_454 = tpu.memref_slice %arg5[%add3A, %dma_wait3A_453] : memref<32x16xf32, #tpu.memory_space<hbm>> -> memref<1x16xf32, #tpu.memory_space<hbm>>
      %dma_wait3A_455 = tpu.memref_squeeze %dma_wait3A_454 : memref<1x16xf32, #tpu.memory_space<hbm>> -> memref<16xf32, #tpu.memory_space<hbm>>
      tpu.wait_dma2 semaphore(%run_scoped3A : memref<!tpu.dma_semaphore, #tpu.memory_space<semaphore_mem>>) src(%arg10 : memref<16xf32, #tpu.memory_space<vmem>>) dst(%dma_wait3A_455 : memref<16xf32, #tpu.memory_space<hbm>>)
      tpu.yield
    }) : () -> ()
    return
  }
}

module attributes {stable_mosaic.version = 14 : i64} {
  func.func @_tc_pool_kernel(%arg0: i32, %arg1: i32, %arg2: memref<1x1792x1024xf32, #tpu.memory_space<vmem>>, %arg3: memref<1024x1xf32, #tpu.memory_space<vmem>>, %arg4: memref<4x1024xf32, #tpu.memory_space<vmem>>, %arg5: memref<4x128xf32, #tpu.memory_space<vmem>>, %arg6: memref<4x128xf32, #tpu.memory_space<vmem>>, %arg7: memref<1xf32, #tpu.memory_space<smem>>, %arg8: memref<1xf32, #tpu.memory_space<smem>>) attributes {dimension_semantics = [#tpu.dimension_semantics<arbitrary>, #tpu.dimension_semantics<arbitrary>], iteration_bounds = array<i64: 4, 4>, scalar_prefetch = 0 : i64, scratch_operands = 2 : i64, tpu.core_type = #tpu.core_type<tc>, window_params = [{transform_indices = @transform_0, window_bounds = array<i64: 1, 1792, 1024>}, {pipeline_mode = #tpu.pipeline_mode<synchronous>, transform_indices = @transform_1, window_bounds = array<i64: 1024, 1>}, {pipeline_mode = #tpu.pipeline_mode<synchronous>, transform_indices = @transform_2, window_bounds = array<i64: 4, 1024>}, {pipeline_mode = #tpu.pipeline_mode<synchronous>, transform_indices = @transform_3, window_bounds = array<i64: 4, 128>}, {pipeline_mode = #tpu.pipeline_mode<synchronous>, transform_indices = @transform_4, window_bounds = array<i64: 4, 128>}]} {
    %eq3A = arith.constant 0 : i32
    %eq3A_0 = arith.cmpi eq, %arg1, %eq3A : i32
    %convert_element_type3A = arith.extui %eq3A_0 : i1 to i32
    %cond3A = arith.constant 0 : i32
    %cond3A_1 = arith.cmpi ne, %convert_element_type3A, %cond3A : i32
    scf.if %cond3A_1 {
      %swap3A_46 = arith.constant 0xFF800000 : f32
      %swap3A_47 = arith.constant 0 : index
      %swap3A_48 = memref.load %arg7[%swap3A_47] : memref<1xf32, #tpu.memory_space<smem>>
      memref.store %swap3A_46, %arg7[%swap3A_47] : memref<1xf32, #tpu.memory_space<smem>>
      %swap3A_49 = arith.constant 0.000000e+00 : f32
      %swap3A_50 = arith.constant 0 : index
      %swap3A_51 = memref.load %arg8[%swap3A_50] : memref<1xf32, #tpu.memory_space<smem>>
      memref.store %swap3A_49, %arg8[%swap3A_50] : memref<1xf32, #tpu.memory_space<smem>>
    } else {
    }
    %get3A = arith.constant 0 : index
    %get3A_2 = arith.constant 0 : index
    %get3A_3 = arith.constant 0 : index
    %get3A_4 = vector.load %arg2[%get3A, %get3A_2, %get3A_3] : memref<1x1792x1024xf32, #tpu.memory_space<vmem>>, vector<1x1792x1024xf32>
    %get3A_5 = vector.shape_cast %get3A_4 : vector<1x1792x1024xf32> to vector<1792x1024xf32>
    %get3A_6 = arith.constant 0 : index
    %get3A_7 = arith.constant 0 : index
    %get3A_8 = vector.load %arg3[%get3A_6, %get3A_7] : memref<1024x1xf32, #tpu.memory_space<vmem>>, vector<1024x1xf32>
    %reshape3A = vector.shape_cast %get3A_8 : vector<1024x1xf32> to vector<1x1024xf32>
    %mul3A = vector.broadcast %reshape3A : vector<1x1024xf32> to vector<1792x1024xf32>
    %mul3A_9 = arith.mulf %get3A_5, %mul3A : vector<1792x1024xf32>
    %reduce_sum3A = arith.constant dense<0.000000e+00> : vector<1792xf32>
    %reduce_sum3A_10 = vector.multi_reduction <add>, %mul3A_9, %reduce_sum3A [1] : vector<1792x1024xf32> to vector<1792xf32>
    %broadcast_in_dim3A = vector.shape_cast %reduce_sum3A_10 : vector<1792xf32> to vector<1792x1xf32>
    %reduce_max3A = vector.shape_cast %broadcast_in_dim3A : vector<1792x1xf32> to vector<1x1792x1xf32>
    %reduce_max3A_11 = arith.constant dense<0xFF800000> : vector<1xf32>
    %reduce_max3A_12 = vector.multi_reduction <maximumf>, %reduce_max3A, %reduce_max3A_11 [1, 2] : vector<1x1792x1xf32> to vector<1xf32>
    %reduce_max3A_13 = vector.shape_cast %reduce_max3A_12 : vector<1xf32> to vector<1x1x1xf32>
    %reduce_max3A_14 = vector.extract %reduce_max3A_13[0, 0, 0] : f32 from vector<1x1x1xf32>
    %get3A_15 = arith.constant 0 : index
    %get3A_16 = memref.load %arg7[%get3A_15] : memref<1xf32, #tpu.memory_space<smem>>
    %max3A = arith.maximumf %get3A_16, %reduce_max3A_14 : f32
    %swap3A = arith.constant 0 : index
    %swap3A_17 = memref.load %arg7[%swap3A] : memref<1xf32, #tpu.memory_space<smem>>
    memref.store %max3A, %arg7[%swap3A] : memref<1xf32, #tpu.memory_space<smem>>
    %sub3A = arith.subf %get3A_16, %max3A : f32
    %exp3A = math.exp %sub3A : f32
    %sub3A_18 = vector.broadcast %max3A : f32 to vector<1792x1xf32>
    %sub3A_19 = arith.subf %broadcast_in_dim3A, %sub3A_18 : vector<1792x1xf32>
    %exp3A_20 = math.exp %sub3A_19 : vector<1792x1xf32>
    %get3A_21 = arith.constant 0 : index
    %get3A_22 = memref.load %arg8[%get3A_21] : memref<1xf32, #tpu.memory_space<smem>>
    %mul3A_23 = arith.mulf %get3A_22, %exp3A : f32
    %reduce_sum3A_24 = vector.shape_cast %exp3A_20 : vector<1792x1xf32> to vector<1x1792x1xf32>
    %reduce_sum3A_25 = arith.constant dense<0.000000e+00> : vector<1xf32>
    %reduce_sum3A_26 = vector.multi_reduction <add>, %reduce_sum3A_24, %reduce_sum3A_25 [1, 2] : vector<1x1792x1xf32> to vector<1xf32>
    %reduce_sum3A_27 = vector.shape_cast %reduce_sum3A_26 : vector<1xf32> to vector<1x1x1xf32>
    %reduce_sum3A_28 = vector.extract %reduce_sum3A_27[0, 0, 0] : f32 from vector<1x1x1xf32>
    %add3A = arith.addf %mul3A_23, %reduce_sum3A_28 : f32
    %swap3A_29 = arith.constant 0 : index
    %swap3A_30 = memref.load %arg8[%swap3A_29] : memref<1xf32, #tpu.memory_space<smem>>
    memref.store %add3A, %arg8[%swap3A_29] : memref<1xf32, #tpu.memory_space<smem>>
    %transpose3A = tpu.transpose %exp3A_20, [1, 0] : vector<1792x1xf32> -> vector<1x1792xf32>
    %dot_general3A = arith.constant dense<0.000000e+00> : vector<1x1024xf32>
    %dot_general3A_31 = tpu.matmul %transpose3A, %get3A_5, %dot_general3A {dimension_numbers = #tpu.dot_dimension_numbers<[1], [0], [0], [1], [0, 0, 1, 1], [], []>, transpose_lhs_hint = false} : vector<1x1792xf32>, vector<1792x1024xf32>, vector<1x1024xf32> -> vector<1x1024xf32>
    %eq3A_32 = arith.constant 0 : i32
    %eq3A_33 = arith.cmpi eq, %arg1, %eq3A_32 : i32
    %convert_element_type3A_34 = arith.extui %eq3A_33 : i1 to i32
    %cond3A_35 = arith.constant 0 : i32
    %cond3A_36 = arith.cmpi ne, %convert_element_type3A_34, %cond3A_35 : i32
    scf.if %cond3A_36 {
      %swap3A_46 = arith.index_cast %arg0 : i32 to index
      %swap3A_47 = arith.constant 0 : index
      %swap3A_48 = vector.load %arg4[%swap3A_46, %swap3A_47] : memref<4x1024xf32, #tpu.memory_space<vmem>>, vector<1x1024xf32>
      tpu.vector_store %arg4[%swap3A_46, %swap3A_47], %dot_general3A_31 {strides = array<i32>} : memref<4x1024xf32, #tpu.memory_space<vmem>>, vector<1x1024xf32>,
    } else {
    }
    %gt3A = arith.constant 0 : i32
    %gt3A_37 = arith.cmpi sgt, %arg1, %gt3A : i32
    %convert_element_type3A_38 = arith.extui %gt3A_37 : i1 to i32
    %cond3A_39 = arith.constant 0 : i32
    %cond3A_40 = arith.cmpi ne, %convert_element_type3A_38, %cond3A_39 : i32
    scf.if %cond3A_40 {
      %get3A_46 = arith.index_cast %arg0 : i32 to index
      %get3A_47 = arith.constant 0 : index
      %get3A_48 = vector.load %arg4[%get3A_46, %get3A_47] : memref<4x1024xf32, #tpu.memory_space<vmem>>, vector<1x1024xf32>
      %mul3A_49 = vector.broadcast %exp3A : f32 to vector<1x1024xf32>
      %mul3A_50 = arith.mulf %get3A_48, %mul3A_49 : vector<1x1024xf32>
      %add3A_51 = arith.addf %mul3A_50, %dot_general3A_31 : vector<1x1024xf32>
      %swap3A_52 = arith.index_cast %arg0 : i32 to index
      %swap3A_53 = arith.constant 0 : index
      %swap3A_54 = vector.load %arg4[%swap3A_52, %swap3A_53] : memref<4x1024xf32, #tpu.memory_space<vmem>>, vector<1x1024xf32>
      tpu.vector_store %arg4[%swap3A_52, %swap3A_53], %add3A_51 {strides = array<i32>} : memref<4x1024xf32, #tpu.memory_space<vmem>>, vector<1x1024xf32>,
    } else {
    }
    %eq3A_41 = arith.constant 3 : i32
    %eq3A_42 = arith.cmpi eq, %arg1, %eq3A_41 : i32
    %convert_element_type3A_43 = arith.extui %eq3A_42 : i1 to i32
    %cond3A_44 = arith.constant 0 : i32
    %cond3A_45 = arith.cmpi ne, %convert_element_type3A_43, %cond3A_44 : i32
    scf.if %cond3A_45 {
      %get3A_46 = arith.constant 0 : index
      %get3A_47 = memref.load %arg7[%get3A_46] : memref<1xf32, #tpu.memory_space<smem>>
      %broadcast_in_dim3A_48 = vector.broadcast %get3A_47 : f32 to vector<1x128xf32>
      %swap3A_49 = arith.index_cast %arg0 : i32 to index
      %swap3A_50 = arith.constant 0 : index
      %swap3A_51 = vector.load %arg5[%swap3A_49, %swap3A_50] : memref<4x128xf32, #tpu.memory_space<vmem>>, vector<1x128xf32>
      tpu.vector_store %arg5[%swap3A_49, %swap3A_50], %broadcast_in_dim3A_48 {strides = array<i32>} : memref<4x128xf32, #tpu.memory_space<vmem>>, vector<1x128xf32>,
      %get3A_52 = arith.constant 0 : index
      %get3A_53 = memref.load %arg8[%get3A_52] : memref<1xf32, #tpu.memory_space<smem>>
      %broadcast_in_dim3A_54 = vector.broadcast %get3A_53 : f32 to vector<1x128xf32>
      %swap3A_55 = arith.index_cast %arg0 : i32 to index
      %swap3A_56 = arith.constant 0 : index
      %swap3A_57 = vector.load %arg6[%swap3A_55, %swap3A_56] : memref<4x128xf32, #tpu.memory_space<vmem>>, vector<1x128xf32>
      tpu.vector_store %arg6[%swap3A_55, %swap3A_56], %broadcast_in_dim3A_54 {strides = array<i32>} : memref<4x128xf32, #tpu.memory_space<vmem>>, vector<1x128xf32>,
    } else {
    }
    return
  }
  func.func @transform_0(%arg0: i32, %arg1: i32) -> (i32, i32, i32) {
    %add3A = arith.constant 0 : i32
    %add3A_0 = arith.addi %arg1, %add3A : i32
    %c0_i32 = arith.constant 0 : i32
    %c0_i32_1 = arith.constant 0 : i32
    return %arg0, %add3A_0, %c0_i32 : i32, i32, i32
  }
  func.func @transform_1(%arg0: i32, %arg1: i32) -> (i32, i32) {
    %c0_i32 = arith.constant 0 : i32
    %c0_i32_0 = arith.constant 0 : i32
    %c0_i32_1 = arith.constant 0 : i32
    return %c0_i32, %c0_i32_0 : i32, i32
  }
  func.func @transform_2(%arg0: i32, %arg1: i32) -> (i32, i32) {
    %c0_i32 = arith.constant 0 : i32
    %c0_i32_0 = arith.constant 0 : i32
    %c0_i32_1 = arith.constant 0 : i32
    return %c0_i32, %c0_i32_0 : i32, i32
  }
  func.func @transform_3(%arg0: i32, %arg1: i32) -> (i32, i32) {
    %c0_i32 = arith.constant 0 : i32
    %c0_i32_0 = arith.constant 0 : i32
    %c0_i32_1 = arith.constant 0 : i32
    return %c0_i32, %c0_i32_0 : i32, i32
  }
  func.func @transform_4(%arg0: i32, %arg1: i32) -> (i32, i32) {
    %c0_i32 = arith.constant 0 : i32
    %c0_i32_0 = arith.constant 0 : i32
    %c0_i32_1 = arith.constant 0 : i32
    return %c0_i32, %c0_i32_0 : i32, i32
  }
}

module attributes {stable_mosaic.version = 14 : i64} {
  func.func @_combine_kernel(%arg0: memref<4x1024xf32, #tpu.memory_space<vmem>>, %arg1: memref<4x128xf32, #tpu.memory_space<vmem>>, %arg2: memref<4x128xf32, #tpu.memory_space<vmem>>, %arg3: memref<4x8x1024xf32, #tpu.memory_space<vmem>>, %arg4: memref<4x8x16xf32, #tpu.memory_space<vmem>>, %arg5: memref<1024x512xf32, #tpu.memory_space<vmem>>, %arg6: memref<1x512xf32, #tpu.memory_space<vmem>>, %arg7: memref<512x8xf32, #tpu.memory_space<vmem>>, %arg8: memref<1x8xf32, #tpu.memory_space<vmem>>, %arg9: memref<4x8xf32, #tpu.memory_space<vmem>>) attributes {dimension_semantics = [], scalar_prefetch = 0 : i64, scratch_operands = 0 : i64, tpu.core_type = #tpu.core_type<tc>} {
    %get3A = arith.constant 0 : index
    %get3A_0 = arith.constant 0 : index
    %get3A_1 = arith.constant 0 : index
    %get3A_2 = vector.load %arg4[%get3A, %get3A_0, %get3A_1] : memref<4x8x16xf32, #tpu.memory_space<vmem>>, vector<4x8x16xf32>
    %slice3A = vector.extract_strided_slice %get3A_2 {offsets = [0, 0, 0], sizes = [4, 8, 1], strides = [1, 1, 1]} : vector<4x8x16xf32> to vector<4x8x1xf32>
    %squeeze3A = vector.shape_cast %slice3A : vector<4x8x1xf32> to vector<4x8xf32>
    %get3A_3 = arith.constant 0 : index
    %get3A_4 = arith.constant 0 : index
    %get3A_5 = arith.constant 0 : index
    %get3A_6 = vector.load %arg4[%get3A_3, %get3A_4, %get3A_5] : memref<4x8x16xf32, #tpu.memory_space<vmem>>, vector<4x8x16xf32>
    %slice3A_7 = vector.extract_strided_slice %get3A_6 {offsets = [0, 0, 1], sizes = [4, 8, 1], strides = [1, 1, 1]} : vector<4x8x16xf32> to vector<4x8x1xf32>
    %squeeze3A_8 = vector.shape_cast %slice3A_7 : vector<4x8x1xf32> to vector<4x8xf32>
    %get3A_9 = arith.constant 0 : index
    %get3A_10 = arith.constant 0 : index
    %get3A_11 = vector.load %arg1[%get3A_9, %get3A_10] : memref<4x128xf32, #tpu.memory_space<vmem>>, vector<4x128xf32>
    %slice3A_12 = vector.extract_strided_slice %get3A_11 {offsets = [0, 0], sizes = [4, 1], strides = [1, 1]} : vector<4x128xf32> to vector<4x1xf32>
    %get3A_13 = arith.constant 0 : index
    %get3A_14 = arith.constant 0 : index
    %get3A_15 = vector.load %arg2[%get3A_13, %get3A_14] : memref<4x128xf32, #tpu.memory_space<vmem>>, vector<4x128xf32>
    %slice3A_16 = vector.extract_strided_slice %get3A_15 {offsets = [0, 0], sizes = [4, 1], strides = [1, 1]} : vector<4x128xf32> to vector<4x1xf32>
    %reduce_max3A = arith.constant dense<0xFF800000> : vector<4xf32>
    %reduce_max3A_17 = vector.multi_reduction <maximumf>, %squeeze3A, %reduce_max3A [1] : vector<4x8xf32> to vector<4xf32>
    %broadcast_in_dim3A = vector.shape_cast %reduce_max3A_17 : vector<4xf32> to vector<4x1xf32>
    %max3A = arith.maximumf %broadcast_in_dim3A, %slice3A_12 : vector<4x1xf32>
    %sub3A = vector.broadcast %max3A : vector<4x1xf32> to vector<4x8xf32>
    %sub3A_18 = arith.subf %squeeze3A, %sub3A : vector<4x8xf32>
    %exp3A = math.exp %sub3A_18 : vector<4x8xf32>
    %sub3A_19 = arith.subf %slice3A_12, %max3A : vector<4x1xf32>
    %exp3A_20 = math.exp %sub3A_19 : vector<4x1xf32>
    %mul3A = arith.mulf %slice3A_16, %exp3A_20 : vector<4x1xf32>
    %mul3A_21 = arith.mulf %squeeze3A_8, %exp3A : vector<4x8xf32>
    %reduce_sum3A = arith.constant dense<0.000000e+00> : vector<4xf32>
    %reduce_sum3A_22 = vector.multi_reduction <add>, %mul3A_21, %reduce_sum3A [1] : vector<4x8xf32> to vector<4xf32>
    %broadcast_in_dim3A_23 = vector.shape_cast %reduce_sum3A_22 : vector<4xf32> to vector<4x1xf32>
    %add3A = arith.addf %mul3A, %broadcast_in_dim3A_23 : vector<4x1xf32>
    %get3A_24 = arith.constant 0 : index
    %get3A_25 = arith.constant 0 : index
    %get3A_26 = vector.load %arg0[%get3A_24, %get3A_25] : memref<4x1024xf32, #tpu.memory_space<vmem>>, vector<4x1024xf32>
    %mul3A_27 = vector.broadcast %exp3A_20 : vector<4x1xf32> to vector<4x1024xf32>
    %mul3A_28 = arith.mulf %get3A_26, %mul3A_27 : vector<4x1024xf32>
    %get3A_29 = arith.constant 0 : index
    %get3A_30 = arith.constant 0 : index
    %get3A_31 = arith.constant 0 : index
    %get3A_32 = vector.load %arg3[%get3A_29, %get3A_30, %get3A_31] : memref<4x8x1024xf32, #tpu.memory_space<vmem>>, vector<4x8x1024xf32>
    %broadcast_in_dim3A_33 = vector.shape_cast %exp3A : vector<4x8xf32> to vector<4x8x1xf32>
    %mul3A_34 = vector.broadcast %broadcast_in_dim3A_33 : vector<4x8x1xf32> to vector<4x8x1024xf32>
    %mul3A_35 = arith.mulf %get3A_32, %mul3A_34 : vector<4x8x1024xf32>
    %reduce_sum3A_36 = arith.constant dense<0.000000e+00> : vector<4x1024xf32>
    %reduce_sum3A_37 = vector.multi_reduction <add>, %mul3A_35, %reduce_sum3A_36 [1] : vector<4x8x1024xf32> to vector<4x1024xf32>
    %add3A_38 = arith.addf %mul3A_28, %reduce_sum3A_37 : vector<4x1024xf32>
    %div3A = vector.broadcast %add3A : vector<4x1xf32> to vector<4x1024xf32>
    %div3A_39 = arith.divf %add3A_38, %div3A : vector<4x1024xf32>
    %get3A_40 = arith.constant 0 : index
    %get3A_41 = arith.constant 0 : index
    %get3A_42 = vector.load %arg5[%get3A_40, %get3A_41] : memref<1024x512xf32, #tpu.memory_space<vmem>>, vector<1024x512xf32>
    %dot_general3A = arith.constant dense<0.000000e+00> : vector<4x512xf32>
    %dot_general3A_43 = tpu.matmul %div3A_39, %get3A_42, %dot_general3A {dimension_numbers = #tpu.dot_dimension_numbers<[1], [0], [0], [1], [0, 0, 1, 1], [], []>, transpose_lhs_hint = false} : vector<4x1024xf32>, vector<1024x512xf32>, vector<4x512xf32> -> vector<4x512xf32>
    %get3A_44 = arith.constant 0 : index
    %get3A_45 = arith.constant 0 : index
    %get3A_46 = vector.load %arg6[%get3A_44, %get3A_45] : memref<1x512xf32, #tpu.memory_space<vmem>>, vector<1x512xf32>
    %add3A_47 = vector.broadcast %get3A_46 : vector<1x512xf32> to vector<4x512xf32>
    %add3A_48 = arith.addf %dot_general3A_43, %add3A_47 : vector<4x512xf32>
    %max3A_49 = arith.constant 0.000000e+00 : f32
    %max3A_50 = vector.broadcast %max3A_49 : f32 to vector<4x512xf32>
    %max3A_51 = arith.maximumf %add3A_48, %max3A_50 : vector<4x512xf32>
    %get3A_52 = arith.constant 0 : index
    %get3A_53 = arith.constant 0 : index
    %get3A_54 = vector.load %arg7[%get3A_52, %get3A_53] : memref<512x8xf32, #tpu.memory_space<vmem>>, vector<512x8xf32>
    %dot_general3A_55 = arith.constant dense<0.000000e+00> : vector<4x8xf32>
    %dot_general3A_56 = tpu.matmul %max3A_51, %get3A_54, %dot_general3A_55 {dimension_numbers = #tpu.dot_dimension_numbers<[1], [0], [0], [1], [0, 0, 1, 1], [], []>, transpose_lhs_hint = false} : vector<4x512xf32>, vector<512x8xf32>, vector<4x8xf32> -> vector<4x8xf32>
    %get3A_57 = arith.constant 0 : index
    %get3A_58 = arith.constant 0 : index
    %get3A_59 = vector.load %arg8[%get3A_57, %get3A_58] : memref<1x8xf32, #tpu.memory_space<vmem>>, vector<1x8xf32>
    %add3A_60 = vector.broadcast %get3A_59 : vector<1x8xf32> to vector<4x8xf32>
    %add3A_61 = arith.addf %dot_general3A_56, %add3A_60 : vector<4x8xf32>
    %iota3A = tpu.iota {dimensions = array<i32: 1>} : vector<4x8xi32>
    %reduce_max3A_62 = arith.constant dense<0xFF800000> : vector<4xf32>
    %reduce_max3A_63 = vector.multi_reduction <maximumf>, %add3A_61, %reduce_max3A_62 [1] : vector<4x8xf32> to vector<4xf32>
    %broadcast_in_dim3A_64 = vector.shape_cast %reduce_max3A_63 : vector<4xf32> to vector<4x1xf32>
    %eq3A = vector.broadcast %broadcast_in_dim3A_64 : vector<4x1xf32> to vector<4x8xf32>
    %eq3A_65 = arith.cmpf oeq, %add3A_61, %eq3A : vector<4x8xf32>
    %jit3A = arith.constant 8 : i32
    %broadcast_in_dim3A_66 = vector.broadcast %jit3A : i32 to vector<4x8xi32>
    %select_n3A = arith.select %eq3A_65, %iota3A, %broadcast_in_dim3A_66 : vector<4x8xi1>, vector<4x8xi32>
    %reduce_min3A = arith.constant dense<2147483647> : vector<4xi32>
    %reduce_min3A_67 = vector.multi_reduction <minsi>, %select_n3A, %reduce_min3A [1] : vector<4x8xi32> to vector<4xi32>
    %broadcast_in_dim3A_68 = vector.shape_cast %reduce_min3A_67 : vector<4xi32> to vector<4x1xi32>
    %eq3A_69 = vector.broadcast %broadcast_in_dim3A_68 : vector<4x1xi32> to vector<4x8xi32>
    %eq3A_70 = arith.cmpi eq, %iota3A, %eq3A_69 : vector<4x8xi32>
    %jit3A_71 = arith.constant 0xFF800000 : f32
    %broadcast_in_dim3A_72 = vector.broadcast %jit3A_71 : f32 to vector<4x8xf32>
    %select_n3A_73 = arith.select %eq3A_70, %broadcast_in_dim3A_72, %add3A_61 : vector<4x8xi1>, vector<4x8xf32>
    %reduce_max3A_74 = arith.constant dense<0xFF800000> : vector<4xf32>
    %reduce_max3A_75 = vector.multi_reduction <maximumf>, %select_n3A_73, %reduce_max3A_74 [1] : vector<4x8xf32> to vector<4xf32>
    %broadcast_in_dim3A_76 = vector.shape_cast %reduce_max3A_75 : vector<4xf32> to vector<4x1xf32>
    %eq3A_77 = vector.broadcast %broadcast_in_dim3A_76 : vector<4x1xf32> to vector<4x8xf32>
    %eq3A_78 = arith.cmpf oeq, %select_n3A_73, %eq3A_77 : vector<4x8xf32>
    %jit3A_79 = arith.constant 8 : i32
    %broadcast_in_dim3A_80 = vector.broadcast %jit3A_79 : i32 to vector<4x8xi32>
    %select_n3A_81 = arith.select %eq3A_78, %iota3A, %broadcast_in_dim3A_80 : vector<4x8xi1>, vector<4x8xi32>
    %reduce_min3A_82 = arith.constant dense<2147483647> : vector<4xi32>
    %reduce_min3A_83 = vector.multi_reduction <minsi>, %select_n3A_81, %reduce_min3A_82 [1] : vector<4x8xi32> to vector<4xi32>
    %broadcast_in_dim3A_84 = vector.shape_cast %reduce_min3A_83 : vector<4xi32> to vector<4x1xi32>
    %eq3A_85 = vector.broadcast %broadcast_in_dim3A_68 : vector<4x1xi32> to vector<4x8xi32>
    %eq3A_86 = arith.cmpi eq, %iota3A, %eq3A_85 : vector<4x8xi32>
    %eq3A_87 = vector.broadcast %broadcast_in_dim3A_84 : vector<4x1xi32> to vector<4x8xi32>
    %eq3A_88 = arith.cmpi eq, %iota3A, %eq3A_87 : vector<4x8xi32>
    %or3A = arith.ori %eq3A_86, %eq3A_88 : vector<4x8xi1>
    %sub3A_89 = vector.broadcast %broadcast_in_dim3A_64 : vector<4x1xf32> to vector<4x8xf32>
    %sub3A_90 = arith.subf %add3A_61, %sub3A_89 : vector<4x8xf32>
    %exp3A_91 = math.exp %sub3A_90 : vector<4x8xf32>
    %jit3A_92 = arith.constant 0.000000e+00 : f32
    %broadcast_in_dim3A_93 = vector.broadcast %jit3A_92 : f32 to vector<4x8xf32>
    %select_n3A_94 = arith.select %or3A, %exp3A_91, %broadcast_in_dim3A_93 : vector<4x8xi1>, vector<4x8xf32>
    %reduce_sum3A_95 = arith.constant dense<0.000000e+00> : vector<4xf32>
    %reduce_sum3A_96 = vector.multi_reduction <add>, %select_n3A_94, %reduce_sum3A_95 [1] : vector<4x8xf32> to vector<4xf32>
    %broadcast_in_dim3A_97 = vector.shape_cast %reduce_sum3A_96 : vector<4xf32> to vector<4x1xf32>
    %div3A_98 = vector.broadcast %broadcast_in_dim3A_97 : vector<4x1xf32> to vector<4x8xf32>
    %div3A_99 = arith.divf %select_n3A_94, %div3A_98 : vector<4x8xf32>
    %swap3A = arith.constant 0 : index
    %swap3A_100 = arith.constant 0 : index
    %swap3A_101 = vector.load %arg9[%swap3A, %swap3A_100] : memref<4x8xf32, #tpu.memory_space<vmem>>, vector<4x8xf32>
    tpu.vector_store %arg9[%swap3A, %swap3A_100], %div3A_99 {strides = array<i32>} : memref<4x8xf32, #tpu.memory_space<vmem>>, vector<4x8xf32>,
    return
  }
}

</mosaic_0001>

<sc_bundles>
// kernel: kernel.5.cloned.1.call-start
scs
__scs_entry_jumppad:
0x0: {  	(pc) =	sbr.rel $0x88, $3  }
0x1: {  	(tag) =	ssettag $0x0;
	lr =	simm.s32 $0x1  }
0x2: {  	[smem:$0x3F9B] =	sst lr;
	_ =	strace $0xD0000000  }
0x3: {  	_ = 	snop  }
0x4: {  	_ = 	snop  }
0x5: {  	_ = 	snop  }
0x6: {  	_ = 	snop  }
0x7: {  	_ = 	snop  }
__scs_overlays_trampoline_lowered:
0x8: {  	[smem:$0x3FAA] =	sst s0  }
0x9: {  	[smem:$0x3FAB] =	sst s1  }
0xa: {  	[smem:$0x3FAC] =	sst s2  }
0xb: {  	[smem:$0x3FAD] =	sst s3  }
0xc: {  	[smem:$0x3FAE] =	sst s4  }
0xd: {  	[smem:$0x3FAF] =	sst s5  }
0xe: {  	[smem:$0x3FB0] =	sst s6  }
0xf: {  	[smem:$0x3FB1] =	sst s7  }
0x10: {  	[smem:$0x3FB2] =	sst s8  }
0x11: {  	[smem:$0x3FB3] =	sst s9;
	s0 =	simm.s32 @!p0 $0x0  }
0x12: {  	s1 =	sld [smem:$0x3F99];
	s0 =	simm.s32 @p0 $0x1  }
0x13: {  	[smem:$0x3FB4] =	sst s0;
	s0 =	simm.s32 @!p1 $0x0  }
0x14: {  	s2 =	sld [smem:$0x3F98];
	s0 =	simm.s32 @p1 $0x1  }
0x15: {  	[smem:$0x3FB5] =	sst s0;
	s0 =	simm.s32 @!p2 $0x0  }
0x16: {  	s3 =	sld [smem:$0x3FDB];
	s0 =	simm.s32 @p2 $0x1  }
0x17: {  	s4 =	simm.s32 $0x1BF5;
	[smem:$0x3FB7] =	sst s0  }
0x18: {  	s0 =	sld [smem:$0x3F9A];
	_ =	swait.ge [sflag:s4], $0x0  }
0x19: {  	s7 =	sld [smem:$0x3F9B]  }
0x1a: {  	s8 =	sadd.s32 $0xFFFFE003, lr  }
0x1b: {  	s9 =	sadd.s32 $0xFFFFFEF7, lr;
	s5 =	simm.s32 $0xFFFFFFFF;
	p2 =	slt.u32 s8, $0xFFFFF086  }
0x1c: {  	p1 =	slt.u32 s9, $0xF7A;
	s5 =	simm.s32 @!p2 $0x0  }
0x1d: {  	s5 =	simm.s32 @p1 $0x1;
	p0 =	seq.s32 s7, s2  }
0x1e: {  	s7 =	smul.u32 @!p0 $0xF7A, s2;
	p2 =	seq.s32 @!p0 s5, $0x0  }
0x1f: {  	s9 =	smul.u32 $0xF7A, s1;
	s8 =	simm.s32 @!p0 $0x1BF5;
	p2 =	por !p2, p0  }
0x20: {  	[sflag:s8] =	ssyncset.s32 @!p0 $0xFFFFF086;
	s6 =	sadd.s32 @!p0 s3, s7;
	s7 =	simm.s32 @!p0 $0x108  }
0x21: {  	s3 =	sadd.s32 s3, s9;
	s6 =	sadd.s32 @!p0 $0x88, s6;
	s7 =	simm.s32 @p2 $0x1082  }
0x22: {  	[simem:s7], [sflag:s8] =	dma.local @!p0 [hbm:s6], $0xF7A  }
0x23: {  	s9 =	sor.u32 $0xD0000000, s2;
	s6 =	simm.s32 $0x108;
	_ =	swait.ge @!p0 [sflag:s8], $0x0  }
0x24: {  	s3 =	sadd.s32 $0x88, s3;
	s6 =	simm.s32 @!p1 $0x1082;
	[sflag:s4] =	ssyncset.s32 $0xFFFFF086  }
0x25: {  	[simem:s6], [sflag:s4] =	dma.local [hbm:s3], $0xF7A  }
0x26: {  	[smem:$0x3F9B] =	sst s1;
	(tag) =	ssettag s2;
	_ =	strace s9  }
0x27: {  	s1 =	sld [smem:$0x3FAB]  }
0x28: {  	s2 =	sld [smem:$0x3FAC]  }
0x29: {  	s4 =	sld [smem:$0x3FAE]  }
0x2a: {  	p0 =	seq.s32 s5, $0x0;
	s5 =	sld [smem:$0x3FAF]  }
0x2b: {  	s6 =	sld [smem:$0x3FB0]  }
0x2c: {  	s7 =	sld [smem:$0x3FB1]  }
0x2d: {  	s3 =	simm.s32 $0x108;
	s8 =	sld [smem:$0x3FB2]  }
0x2e: {  	s3 =	simm.s32 @!p0 $0x1082;
	s9 =	sld [smem:$0x3FB3]  }
0x2f: {  	lr =	sadd.s32 s0, s3;
	s0 =	sld [smem:$0x3FAA]  }
0x30: {  	s3 =	sld [smem:$0x3FAD]  }
0x31: {  	[smem:$0x3FB6] =	sst s10  }
0x32: {  	s10 =	sld [smem:$0x3FB4];
	_ =	sdelay $0x3  }
0x33: {  	p0 =	seq.s32 s10, $0x1;
	s10 =	sld [smem:$0x3FB6];
	_ =	sdelay $0x3  }
0x34: {  	[smem:$0x3FB6] =	sst s10  }
0x35: {  	s10 =	sld [smem:$0x3FB5];
	_ =	sdelay $0x3  }
0x36: {  	p1 =	seq.s32 s10, $0x1;
	s10 =	sld [smem:$0x3FB6];
	_ =	sdelay $0x3  }
0x37: {  	[smem:$0x3FB6] =	sst s10  }
0x38: {  	s10 =	sld [smem:$0x3FB7]  }
0x39: {  	_ = 	snop;
	(pc) =	sbr.ind lr, $3  }
0x3a: {  	_ = 	snop  }
0x3b: {  	_ = 	snop  }
0x3c: {  	p2 =	seq.s32 s10, $0x1;
	s10 =	sld [smem:$0x3FB6]  }
0x3d: {  	_ =	shalt  }
0x3e: {  	_ =	shalt  }
0x3f: {  	_ =	shalt  }
0x40: {  	_ =	shalt  }
0x41: {  	_ =	shalt  }
0x42: {  	_ =	shalt  }
0x43: {  	_ =	shalt  }
0x44: {  	_ =	shalt  }
0x45: {  	_ =	shalt  }
0x46: {  	_ =	shalt  }
0x47: {  	_ =	shalt  }
0x48: {  	_ =	shalt  }
0x49: {  	_ =	shalt  }
0x4a: {  	_ =	shalt  }
0x4b: {  	_ =	shalt  }
0x4c: {  	_ =	shalt  }
0x4d: {  	_ =	shalt  }
0x4e: {  	_ =	shalt  }
0x4f: {  	_ =	shalt  }
0x50: {  	_ =	shalt  }
0x51: {  	_ =	shalt  }
0x52: {  	_ =	shalt  }
0x53: {  	_ =	shalt  }
0x54: {  	_ =	shalt  }
0x55: {  	_ =	shalt  }
0x56: {  	_ =	shalt  }
0x57: {  	_ =	shalt  }
0x58: {  	_ =	shalt  }
0x59: {  	_ =	shalt  }
0x5a: {  	_ =	shalt  }
0x5b: {  	_ =	shalt  }
0x5c: {  	_ =	shalt  }
0x5d: {  	_ =	shalt  }
0x5e: {  	_ =	shalt  }
0x5f: {  	_ =	shalt  }
0x60: {  	_ =	shalt  }
0x61: {  	_ =	shalt  }
0x62: {  	_ =	shalt  }
0x63: {  	_ =	shalt  }
0x64: {  	_ =	shalt  }
0x65: {  	_ =	shalt  }
0x66: {  	_ =	shalt  }
0x67: {  	_ =	shalt  }
0x68: {  	_ =	shalt  }
0x69: {  	_ =	shalt  }
0x6a: {  	_ =	shalt  }
0x6b: {  	_ =	shalt  }
0x6c: {  	_ =	shalt  }
0x6d: {  	_ =	shalt  }
0x6e: {  	_ =	shalt  }
0x6f: {  	_ =	shalt  }
0x70: {  	_ =	shalt  }
0x71: {  	_ =	shalt  }
0x72: {  	_ =	shalt  }
0x73: {  	_ =	shalt  }
0x74: {  	_ =	shalt  }
0x75: {  	_ =	shalt  }
0x76: {  	_ =	shalt  }
0x77: {  	_ =	shalt  }
0x78: {  	_ =	shalt  }
0x79: {  	_ =	shalt  }
0x7a: {  	_ =	shalt  }
0x7b: {  	_ =	shalt  }
0x7c: {  	_ =	shalt  }
0x7d: {  	_ =	shalt  }
0x7e: {  	_ =	shalt  }
0x7f: {  	_ =	shalt  }
0x80: {  	_ =	shalt  }
0x81: {  	_ =	shalt  }
0x82: {  	_ =	shalt  }
0x83: {  	_ =	shalt  }
0x84: {  	_ =	shalt  }
0x85: {  	_ =	shalt  }
0x86: {  	_ =	shalt  }
0x87: {  	_ =	shalt  }
.Lfunc_end0:
.L_simem_size_0:
called_computation_lowered:
.L_overlay_start_0:
0x88: {  	s2 =	sld [smem:$0x3FD9]  }
0x89: {  	s3 =	sld [smem:$0x3FFE];
	_ =	sdelay $0x1  }
0x8a: {  	s1 =	srdreg.scid  }
0x8b: {  	s0 =	sand.u32 $0x1, s1  }
0x8c: {  	s17 =	sshll.u32 s0, $0xA;
	s2 =	sadd.s32 s3, s2  }
0x8d: {  	s2 =	sadd.s32 s2, s17  }
0x8e: {  	[smem:$0x3FC2] =	sst s2  }
0x8f: {  	_ = 	snop  }
0x90: {  	s2 =	sld [smem:$0x3FC9]  }
0x91: {  	s18 =	sld [smem:$0x3FC8];
	(tm) =	ssettm $0x1  }
0x92: {  	s4 =	sld [smem:$0x3FFB];
	_ =	sdelay $0x3  }
0x93: {  	_ =	strace s4  }
0x94: {  	s4 =	sld [smem:$0x3FFC];
	_ =	sdelay $0x3  }
0x95: {  	_ =	strace s4  }
0x96: {  	s4 =	sld [smem:$0x3FFD];
	_ =	sdelay $0x3  }
0x97: {  	_ =	strace s4  }
0x98: {  	_ =	strace $0x8FFFFFFF  }
0x99: {  	s19 =	sld [smem:$0x3FDB];
	_ =	sdelay $0x1  }
0x9a: {  	s5 =	simm.s32 $_scs_section_size  }
0x9b: {  	s6 =	simm.s32 $_size__tile_overlayer_lowered;
	s7 =	simm.s32 $_tile_overlayer_lowered  }
0x9c: {  	s22 =	simm.s32 $0x1BFF;
	s21 =	sshll.u32 s7, $0x1;
	s4 =	sadd.s32 s5, s19  }
0x9d: {  	s8 =	simm.s32 $0x0;
	s20 =	sshll.u32 s6, $0x1;
	s6 =	sadd.s32 s21, s4  }
0x9e: {  	[timem:s8], [sflag:s22] =	dma.local [hbm:s6], s20  }
0x9f: {  	_ =	swait.ge [sflag:s22], s20  }
0xa0: {  	s5 =	ssub.s32 $0x0, s20;
	[sflag:s22] =	ssyncset.done $0x0  }
0xa1: {  	[sflag:s22] =	ssyncadd.s32 s5;
	_ =	sdelay $0x1  }
0xa2: {  	s23 =	simm.s32 $0x1B8B  }
0xa3: {  	_ =	swait.ge [sflag:s23], $0x1  }
0xa4: {  	[sflag:s23] =	ssyncset.done $0x0  }
0xa5: {  	s25 =	simm.s32 $0x1B8E;
	s24 =	sld [smem:$0x3FFE];
	[sflag:s23] =	ssyncadd.s32 $0xFFFFFFFF  }
0xa6: {  	s26 =	simm.s32 $execute0_lowered;
	[smem:$0x3FD2] =	sst s25  }
0xa7: {  	s6 =	sshll.u32 s26, $0x1;
	_ =	strace $0x80000046;
	[dreg:$0x1] =	wrdreg $0xFFFFFFFF  }
0xa8: {  	s28 =	simm.s32 $_size_execute0_lowered;
	s4 =	sadd.s32 s4, s6;
	[dreg:$0x0] =	wrdreg $0x0  }
0xa9: {  	s6 =	sshll.u32 s28, $0x1;
	[dreg:$0x2] =	wrdreg s4  }
0xaa: {  	[dreg:$0x3] =	wrdreg s6  }
0xab: {  	[dreg:$0x4] =	wrdreg $0xC0  }
0xac: {  	_ =	task [dreg:s8], $0x5FFFF  }
0xad: {  	[dreg:$0x1] =	wrdreg $0xFFFFFFFF  }
0xae: {  	[dreg:$0x0] =	wrdreg $0x60  }
0xaf: {  	[dreg:$0x2] =	wrdreg s2  }
0xb0: {  	[dreg:$0x3] =	wrdreg s18  }
0xb1: {  	[dreg:$0x4] =	wrdreg s24  }
0xb2: {  	[dreg:$0x5] =	wrdreg $0x9  }
0xb3: {  	_ =	task.clear_ibuf [dreg:s8], $0x6FFFF;
	_ =	strace $0x90000046  }
0xb4: {  	s29 =	simm.s32 $0x9;
	_ =	strace $0x80000048  }
0xb5: {  	_ =	swait.ge [sflag:s29], $0x1  }
0xb6: {  	[sflag:s29] =	ssyncadd.s32 $0xFFFFFFFF  }
0xb7: {  	_ =	strace $0x90000048  }
0xb8: {  	_ =	sfence  }
0xb9: {  	s30 =	sld [smem:$0x0];
	_ =	sdelay $0x2  }
0xba: {  	s31 =	sshll.u32 s1, $0xD;
	s1 =	sshrl.u32 s1, $0x2  }
0xbb: {  	s3 =	sand.u32 $0x4000, s31;
	s1 =	sadd.s32 s1, s30  }
0xbc: {  	s0 =	sor.u32 s3, s0;
	s1 =	sshll.u32 s1, $0x11  }
0xbd: {  	s0 =	sor.u32 s1, s0  }
0xbe: {  	s0 =	sadd.s32 $0x8F2B, s0  }
0xbf: {  	[sflag:s0] =	ssyncadd.remote.s32 $0x1  }
0xc0: {  	_ =	sfence.sel $0xFFFF  }
0xc1: {  	[dreg:$0x0] =	wrdreg $0xFFFFFFFF;
	(pc) =	sbr.abs _section_cstart, $3  }
0xc2: {  	[dreg:$0x1] =	wrdreg $0xFFFFFFFF  }
0xc3: {  	_ =	task.clear_ibuf [dreg:s8], $0x2FFFF;
	_ =	strace $0x9FFFFFFF  }
0xc4: {  	(tm) =	ssettm $0x7FFFFFFF  }
0xc5: {  	_ =	shalt  }
tec
execute0_lowered:
.L_overlay_start_1:
0x0: {  	(tag) =	ssettag $0x1  }
0x1: {  	s1 =	rddreg [dreg:$0x0];
	s0 =	srdreg.scid  }
0x2: {  	s8 =	stileid.u32;
	s2 =	rddreg [dreg:$0x2]  }
0x3: {  	s4 =	simm.s32 $0x0;
	s12 =	simm.s32 $0x3;
	s13 =	simm.s32 $0x1  }
0x4: {  	v0 =	vimm.s32 $0xFEDCBA98;
	v1 =	vimm.s32 $0x76543210;
	s14 =	simm.s32 $0x4000;
	s15 =	simm.s32 $0x2;
	s20 =	simm.s32 $0x0  }
0x5: {  	v2 =	vimm.s32 $0xBA98FEDC;
	v3 =	vimm.s32 $0x32107654;
	v4 =	vimm.s32 $0xDCFE98BA;
	s0 =	sand.u32 $0x1, s0;
	s3 =	sshll.u32 s8, $0x1;
	s5 =	sshrl.u32 s8, $0x2  }
0x6: {  	v5 =	vimm.s32 $0x54761032;
	v6 =	vimm.s32 $0xEFCDAB89;
	[smem:$0x7FF] =	sst s4;
	s8 =	sshll.u32 s8, $0x15;
	s3 =	sor.u32 s0, s3  }
0x7: {  	v7 =	vimm.s32 $0x67452301;
	v0 =	vunpack.c.l.s4.s8 v0;
	v1 =	vunpack.c.l.s4.s8 v1;
	s7 =	sshll.u32 s5, $0xD;
	_ =	strace $0x80000047;
	s5 =	sshll.u32 s5, $0xA  }
0x8: {  	v2 =	vunpack.c.l.s4.s8 v2;
	v6 =	vunpack.c.l.s4.s8 v6;
	v7 =	vunpack.c.l.s4.s8 v7;
	s0 =	ssub.s32 $0x2, s0;
	s6 =	sshll.u32 s3, $0x7;
	s3 =	sshll.u32 s3, $0x11  }
0x9: {  	v3 =	vunpack.c.l.s4.s8 v3;
	v4 =	vunpack.c.l.s4.s8 v4;
	v5 =	vunpack.c.l.s4.s8 v5;
	s30 =	sshrl.u32 s0, $0x1;
	s6 =	sand.u32 $0x380, s6;
	s3 =	sor.u32 s8, s3  }
0xa: {  	v0 =	vunpack.c.0.s8.s32 v0;
	v62 =	vunpack.c.0.s8.s32 v6;
	v63 =	vunpack.c.0.s8.s32 v7;
	s0 =	ssub.s32 s0, s30;
	s7 =	sor.u32 s7, s6;
	s5 =	sor.u32 s5, s6  }
0xb: {  	v1 =	vunpack.c.0.s8.s32 v1;
	v2 =	vunpack.c.0.s8.s32 v2;
	v3 =	vunpack.c.0.s8.s32 v3;
	s3 =	sand.u32 $0x18E0000, s3;
	s10 =	smax.u32 s0, $0x1;
	s7 =	sshrl.u32 s7, $0x3  }
0xc: {  	v4 =	vunpack.c.0.s8.s32 v4;
	v5 =	vunpack.c.0.s8.s32 v5;
	v44 =	vcombine.low v63, v62;
	s5 =	sshrl.u32 s5, $0x3;
	s31 =	sshrl.u32 s3, $0x3;
	s6 =	sor.u32 $0x4000, s3  }
0xd: {  	v50 =	vlaneseq.u32;
	v0 =	vand.u32 $0xF, v0;
	v48 =	vcombine.low v3, v2;
	s9 =	sadd.s32 s7, s2;
	s2 =	sadd.s32 s5, s2;
	s5 =	sadd.s32 s1, s31  }
0xe: {  	vm0 =	vcmask $0x3F08;
	v49 =	vcombine.low v5, v4;
	v47 =	vcombine.low v0, v1;
	s7 =	sor.u32 $0x8000, s3;
	[tilespmem:$0x1FFF0] =	vst v44;
	s8 =	sadd.s32 $0x1800, s9;
	s9 =	sadd.s32 $0x2800, s2  }
.LBB2_1:
0xf: {  	s0 =	rddreg [dreg:$0x1];
	s2 =	simm.s32 $0x8000  }
0x10: {  	[tilespmem:s2], [sflag:$0x3] =	stream.linear.gather [hbm4b:s0+s4], $0x400, $0x38;
	[tilespmem:$0x8880] =	vst v63  }
0x11: {  	_ =	swait.ge [sflag:s12], $0x400  }
0x12: {  	[sflag:s12] =	ssyncset.done $0x0  }
0x13: {  	v0 =	vimm.f32 $0.0e+00;
	[sflag:s12] =	ssyncadd.s32 $0xFFFFFC00  }
0x14: {  	[tilespmem:$0x8400] =	vst v0  }
0x15: {  	[tilespmem:$0x8410] =	vst v0  }
0x16: {  	[tilespmem:$0x8420] =	vst v0  }
0x17: {  	[tilespmem:$0x8430] =	vst v0  }
0x18: {  	[tilespmem:$0x8440] =	vst v0  }
0x19: {  	[tilespmem:$0x8450] =	vst v0  }
0x1a: {  	[tilespmem:$0x8460] =	vst v0  }
0x1b: {  	[tilespmem:$0x8470] =	vst v0  }
0x1c: {  	[tilespmem:$0x8480] =	vst v0  }
0x1d: {  	[tilespmem:$0x8490] =	vst v0  }
0x1e: {  	[tilespmem:$0x84A0] =	vst v0  }
0x1f: {  	[tilespmem:$0x84B0] =	vst v0  }
0x20: {  	[tilespmem:$0x84C0] =	vst v0  }
0x21: {  	[tilespmem:$0x84D0] =	vst v0  }
0x22: {  	[tilespmem:$0x84E0] =	vst v0  }
0x23: {  	[tilespmem:$0x84F0] =	vst v0  }
0x24: {  	[tilespmem:$0x8500] =	vst v0  }
0x25: {  	[tilespmem:$0x8510] =	vst v0  }
0x26: {  	[tilespmem:$0x8520] =	vst v0  }
0x27: {  	[tilespmem:$0x8530] =	vst v0  }
0x28: {  	[tilespmem:$0x8540] =	vst v0  }
0x29: {  	[tilespmem:$0x8550] =	vst v0  }
0x2a: {  	[tilespmem:$0x8560] =	vst v0  }
0x2b: {  	[tilespmem:$0x8570] =	vst v0  }
0x2c: {  	[tilespmem:$0x8580] =	vst v0  }
0x2d: {  	[tilespmem:$0x8590] =	vst v0  }
0x2e: {  	[tilespmem:$0x85A0] =	vst v0  }
0x2f: {  	[tilespmem:$0x85B0] =	vst v0  }
0x30: {  	[tilespmem:$0x85C0] =	vst v0  }
0x31: {  	[tilespmem:$0x85D0] =	vst v0  }
0x32: {  	[tilespmem:$0x85E0] =	vst v0  }
0x33: {  	[tilespmem:$0x85F0] =	vst v0  }
0x34: {  	[tilespmem:$0x8600] =	vst v0  }
0x35: {  	[tilespmem:$0x8610] =	vst v0  }
0x36: {  	[tilespmem:$0x8620] =	vst v0  }
0x37: {  	[tilespmem:$0x8630] =	vst v0  }
0x38: {  	[tilespmem:$0x8640] =	vst v0  }
0x39: {  	[tilespmem:$0x8650] =	vst v0  }
0x3a: {  	[tilespmem:$0x8660] =	vst v0  }
0x3b: {  	[tilespmem:$0x8670] =	vst v0  }
0x3c: {  	[tilespmem:$0x8680] =	vst v0  }
0x3d: {  	[tilespmem:$0x8690] =	vst v0  }
0x3e: {  	[tilespmem:$0x86A0] =	vst v0  }
0x3f: {  	[tilespmem:$0x86B0] =	vst v0  }
0x40: {  	[tilespmem:$0x86C0] =	vst v0  }
0x41: {  	[tilespmem:$0x86D0] =	vst v0  }
0x42: {  	[tilespmem:$0x86E0] =	vst v0  }
0x43: {  	[tilespmem:$0x86F0] =	vst v0  }
0x44: {  	[tilespmem:$0x8700] =	vst v0  }
0x45: {  	[tilespmem:$0x8710] =	vst v0  }
0x46: {  	[tilespmem:$0x8720] =	vst v0  }
0x47: {  	[tilespmem:$0x8730] =	vst v0  }
0x48: {  	[tilespmem:$0x8740] =	vst v0  }
0x49: {  	[tilespmem:$0x8750] =	vst v0  }
0x4a: {  	[tilespmem:$0x8760] =	vst v0  }
0x4b: {  	[tilespmem:$0x8770] =	vst v0  }
0x4c: {  	[tilespmem:$0x8780] =	vst v0  }
0x4d: {  	[tilespmem:$0x8790] =	vst v0  }
0x4e: {  	[tilespmem:$0x87A0] =	vst v0  }
0x4f: {  	[tilespmem:$0x87B0] =	vst v0  }
0x50: {  	[tilespmem:$0x87C0] =	vst v0  }
0x51: {  	[tilespmem:$0x87D0] =	vst v0  }
0x52: {  	[tilespmem:$0x87E0] =	vst v0  }
0x53: {  	s21 =	simm.s32 $0x0;
	[tilespmem:$0x87F0] =	vst v0  }
0x54: {  	v34 =	vimm.f32 $-Inf;
	v0 =	vimm.f32 $0.0e+00;
	[tilespmem:s4], [sflag:$0x1] =	stream.linear.gather [hbm4b:s5+s4], $0x4000, $0x38;
	[tilespmem:$0x8880] =	vst v63  }
.LBB2_2:
0x55: {  	[tilespmem:$0x1FB50] =	vst v34  }
0x56: {  	[tilespmem:$0x1FB60] =	vst v0;
	s22 =	sshll.u32 s21, $0xF  }
0x57: {  	_ =	swait.ge [sflag:s13], $0x4000;
	s0 =	sadd.s32 s6, s22  }
0x58: {  	[sflag:s13] =	ssyncset.done $0x0;
	s0 =	sshrl.u32 s0, $0x3  }
0x59: {  	s23 =	simm.s32 $0x0;
	[sflag:s13] =	ssyncadd.s32 $0xFFFFC000;
	s0 =	sadd.s32 s1, s0  }
0x5a: {  	[tilespmem:s14], [sflag:$0x2] =	stream.linear.gather [hbm4b:s0+s23], $0x4000, $0x38;
	[tilespmem:$0x8880] =	vst v63  }
0x5b: {  	v35 =	vld [tilespmem:$0x8000]  }
0x5c: {  	v38 =	vld [tilespmem:$0x8010]  }
0x5d: {  	v20 =	vld [tilespmem:$0x8380]  }
0x5e: {  	v39 =	vld [tilespmem:$0x8020]  }
0x5f: {  	v0 =	vld [tilespmem:$0x8030]  }
0x60: {  	v37 =	vld [tilespmem:$0x8040]  }
0x61: {  	v1 =	vld [tilespmem:$0x8050]  }
0x62: {  	[tilespmem:$0x1FF40] =	vst v20;
	v20 =	vld [tilespmem:$0x8390]  }
0x63: {  	v2 =	vld [tilespmem:$0x8060]  }
0x64: {  	v40 =	vld [tilespmem:$0x8070]  }
0x65: {  	v3 =	vld [tilespmem:$0x8080]  }
0x66: {  	v4 =	vld [tilespmem:$0x8090]  }
0x67: {  	[tilespmem:$0x1FF50] =	vst v20;
	v20 =	vld [tilespmem:$0x83A0]  }
0x68: {  	v6 =	vld [tilespmem:$0x80A0]  }
0x69: {  	v7 =	vld [tilespmem:$0x80B0]  }
0x6a: {  	v8 =	vld [tilespmem:$0x80C0]  }
0x6b: {  	v9 =	vld [tilespmem:$0x80D0]  }
0x6c: {  	[tilespmem:$0x1FF60] =	vst v20;
	v20 =	vld [tilespmem:$0x83B0]  }
0x6d: {  	v14 =	vld [tilespmem:$0x80E0]  }
0x6e: {  	v62 =	vld [tilespmem:$0x80F0]  }
0x6f: {  	v11 =	vld [tilespmem:$0x8100]  }
0x70: {  	v12 =	vld [tilespmem:$0x8110]  }
0x71: {  	[tilespmem:$0x1FF70] =	vst v20;
	v20 =	vld [tilespmem:$0x83C0]  }
0x72: {  	v61 =	vld [tilespmem:$0x8120]  }
0x73: {  	v60 =	vld [tilespmem:$0x8130]  }
0x74: {  	v13 =	vld [tilespmem:$0x8140]  }
0x75: {  	v15 =	vld [tilespmem:$0x8150]  }
0x76: {  	[tilespmem:$0x1FF80] =	vst v20;
	v20 =	vld [tilespmem:$0x83D0]  }
0x77: {  	v59 =	vld [tilespmem:$0x8160]  }
0x78: {  	v16 =	vld [tilespmem:$0x8170]  }
0x79: {  	v5 =	vld [tilespmem:$0x8180]  }
0x7a: {  	v58 =	vld [tilespmem:$0x81A0]  }
0x7b: {  	[tilespmem:$0x1FF90] =	vst v20;
	v20 =	vld [tilespmem:$0x83E0]  }
0x7c: {  	v17 =	vld [tilespmem:$0x81B0]  }
0x7d: {  	v10 =	vld [tilespmem:$0x81C0]  }
0x7e: {  	v57 =	vld [tilespmem:$0x81E0]  }
0x7f: {  	v18 =	vld [tilespmem:$0x81F0]  }
0x80: {  	[tilespmem:$0x1FFA0] =	vst v20;
	v20 =	vld [tilespmem:$0x83F0]  }
0x81: {  	v56 =	vld [tilespmem:$0x8220]  }
0x82: {  	v19 =	vld [tilespmem:$0x8230]  }
0x83: {  	s16 =	sand.u32 $0x2000, s23;
	s2 =	sand.u32 $0x380, s23;
	v42 =	vld [tilespmem:$0x8260]  }
0x84: {  	s0 =	sor.u32 s2, s16;
	v41 =	vld [tilespmem:$0x8270]  }
0x85: {  	[tilespmem:$0x1FFB0] =	vst v20;
	v20 =	vld [tilespmem:s0+$0x1840]  }
0x86: {  	v43 =	vld [tilespmem:$0x82A0]  }
0x87: {  	v54 =	vld [tilespmem:$0x82B0]  }
0x88: {  	v45 =	vld [tilespmem:$0x8340]  }
0x89: {  	v46 =	vld [tilespmem:$0x8360]  }
0x8a: {  	[tilespmem:$0x1FF00] =	vst v20;
	v20 =	vld [tilespmem:s0+$0x1850]  }
0x8b: {  	v53 =	vld [tilespmem:$0x8370]  }
0x8c: {  	v63 =	vld [tilespmem:s0+$0x1040]  }
0x8d: {  	v24 =	vld [tilespmem:s0+$0x840]  }
0x8e: {  	[tilespmem:$0x1FD20] =	vst v10;
	v10 =	vld [tilespmem:$0x81D0]  }
0x8f: {  	[tilespmem:$0x1FF10] =	vst v20;
	v20 =	vld [tilespmem:s0+$0x1860]  }
0x90: {  	v25 =	vld [tilespmem:s0+$0x800]  }
0x91: {  	v26 =	vld [tilespmem:s0+$0x440]  }
0x92: {  	v27 =	vld [tilespmem:s0+$0x450]  }
0x93: {  	[tilespmem:$0x1FD30] =	vst v10;
	v10 =	vld [tilespmem:$0x8200]  }
0x94: {  	[tilespmem:$0x1FF20] =	vst v20;
	v20 =	vld [tilespmem:s0+$0x1870]  }
0x95: {  	v28 =	vld [tilespmem:s0+$0x400]  }
0x96: {  	v29 =	vld [tilespmem:s0+$0x40]  }
0x97: {  	v30 =	vld [tilespmem:s0+$0x0]  }
0x98: {  	[tilespmem:$0x1FD60] =	vst v10;
	v10 =	vld [tilespmem:$0x8210]  }
0x99: {  	[tilespmem:$0x1FF30] =	vst v20;
	v20 =	vld [tilespmem:s0+$0x1800]  }
0x9a: {  	v31 =	vld [tilespmem:s0+$0x50]  }
0x9b: {  	v32 =	vld [tilespmem:s0+$0x10]  }
0x9c: {  	v33 =	vld [tilespmem:s0+$0x20]  }
0x9d: {  	[tilespmem:$0x1FD70] =	vst v10;
	v10 =	vld [tilespmem:$0x8240]  }
0x9e: {  	[tilespmem:$0x1FE90] =	vst v20;
	v20 =	vld [tilespmem:s0+$0x1810]  }
0x9f: {  	v34 =	vld [tilespmem:s0+$0x30]  }
0xa0: {  	v36 =	vld [tilespmem:s0+$0x70]  }
0xa1: {  	[tilespmem:$0x1FB70] =	vst v35;
	v30 =	vmul.f32 v35, v30;
	v35 =	vld [tilespmem:s0+$0x60]  }
0xa2: {  	[tilespmem:$0x1FDA0] =	vst v10;
	v10 =	vld [tilespmem:$0x8250]  }
0xa3: {  	[tilespmem:$0x1FEB0] =	vst v20;
	v20 =	vld [tilespmem:s0+$0x1820]  }
0xa4: {  	[tilespmem:$0x1FB80] =	vst v37;
	v29 =	vmul.f32 v37, v29;
	v37 =	vld [tilespmem:s0+$0x410]  }
0xa5: {  	[tilespmem:$0x1FB90] =	vst v38;
	v32 =	vmul.f32 v38, v32;
	v38 =	vld [tilespmem:s0+$0x420];
	v30 =	vadd.f32 $0.0e+00, v30  }
0xa6: {  	[tilespmem:$0x1FBE0] =	vst v40;
	v36 =	vmul.f32 v40, v36;
	v40 =	vld [tilespmem:s0+$0x470]  }
0xa7: {  	v29 =	vadd.f32 v29, v30;
	v30 =	vmul.f32 v39, v33;
	v33 =	vmul.f32 v0, v34;
	[tilespmem:$0x1FDB0] =	vst v10;
	v10 =	vld [tilespmem:$0x8280]  }
0xa8: {  	[tilespmem:$0x1FED0] =	vst v20;
	v20 =	vld [tilespmem:s0+$0x1830]  }
0xa9: {  	v34 =	vld [tilespmem:s0+$0x430];
	v33 =	vadd.f32 $0.0e+00, v33  }
0xaa: {  	[tilespmem:$0x1FBA0] =	vst v39;
	v31 =	vmul.f32 v1, v31;
	v28 =	vmul.f32 v3, v28;
	v32 =	vadd.f32 $0.0e+00, v32;
	v39 =	vld [tilespmem:s0+$0x460]  }
0xab: {  	v26 =	vmul.f32 v8, v26;
	v33 =	vadd.f32 v36, v33;
	v36 =	vld [tilespmem:s0+$0x820]  }
0xac: {  	v31 =	vadd.f32 v31, v32;
	v32 =	vmul.f32 v4, v37;
	v28 =	vadd.f32 v28, v29;
	[tilespmem:$0x1FDE0] =	vst v10;
	v10 =	vld [tilespmem:$0x8290]  }
0xad: {  	v27 =	vmul.f32 v9, v27;
	v35 =	vmul.f32 v2, v35;
	v30 =	vadd.f32 $0.0e+00, v30;
	[tilespmem:$0x1FEF0] =	vst v20;
	v20 =	vld [tilespmem:s0+$0x1440]  }
0xae: {  	v25 =	vmul.f32 v11, v25;
	v37 =	vld [tilespmem:s0+$0x810];
	v29 =	vadd.f32 v32, v31;
	v26 =	vadd.f32 v26, v28  }
0xaf: {  	v30 =	vadd.f32 v35, v30;
	v35 =	vmul.f32 v6, v38;
	v31 =	vmul.f32 v7, v34;
	v34 =	vld [tilespmem:s0+$0x850]  }
0xb0: {  	[tilespmem:$0x1FC60] =	vst v62;
	v62 =	vmul.f32 v62, v40;
	v25 =	vadd.f32 v25, v26;
	v26 =	vmul.f32 v61, v36;
	v36 =	vld [tilespmem:s0+$0xC30]  }
0xb1: {  	v30 =	vadd.f32 v35, v30;
	v31 =	vadd.f32 v31, v33;
	v33 =	vmul.f32 v14, v39;
	[tilespmem:$0x1FE00] =	vst v10;
	v10 =	vld [tilespmem:$0x82C0]  }
0xb2: {  	v27 =	vadd.f32 v27, v29;
	[tilespmem:$0x1FE40] =	vst v20;
	v20 =	vld [tilespmem:s0+$0x1400]  }
0xb3: {  	v21 =	vld [tilespmem:s0+$0xC40];
	v29 =	vadd.f32 v33, v30;
	v30 =	vadd.f32 v62, v31;
	v31 =	vmul.f32 v12, v37  }
0xb4: {  	v22 =	vld [tilespmem:s0+$0xC00]  }
0xb5: {  	v23 =	vld [tilespmem:s0+$0xC10];
	v24 =	vmul.f32 v13, v24;
	v27 =	vadd.f32 v31, v27;
	v31 =	vmul.f32 v15, v34  }
0xb6: {  	[tilespmem:$0x1FE30] =	vst v10;
	v10 =	vld [tilespmem:$0x82D0]  }
0xb7: {  	v24 =	vadd.f32 v24, v25;
	v25 =	vadd.f32 v31, v27;
	v31 =	vmul.f32 v17, v36;
	v36 =	vld [tilespmem:$0x1FDE0];
	[tilespmem:$0x1FDF0] =	vst v20  }
0xb8: {  	[tilespmem:$0x1FBC0] =	vst v1;
	v1 =	vld [tilespmem:$0x1FDF0]  }
0xb9: {  	[tilespmem:$0x1FCF0] =	vst v5;
	v5 =	vld [tilespmem:$0x8190]  }
0xba: {  	v28 =	vld [tilespmem:s0+$0x870]  }
0xbb: {  	[tilespmem:$0x1FE50] =	vst v10;
	v10 =	vld [tilespmem:$0x8300]  }
0xbc: {  	[tilespmem:$0x1FC10] =	vst v6;
	v6 =	vld [tilespmem:$0x1FE30]  }
0xbd: {  	[tilespmem:$0x1FD10] =	vst v17;
	v17 =	vmul.f32 v36, v1;
	v1 =	vld [tilespmem:$0x1FE40]  }
0xbe: {  	[tilespmem:$0x1FBF0] =	vst v3;
	v3 =	vld [tilespmem:$0x1FCF0]  }
0xbf: {  	[tilespmem:$0x1FBB0] =	vst v0;
	v0 =	vld [tilespmem:$0x1FD20]  }
0xc0: {  	[tilespmem:$0x1FE80] =	vst v10;
	v10 =	vld [tilespmem:$0x8310]  }
0xc1: {  	[tilespmem:$0x1FBD0] =	vst v2;
	v2 =	vld [tilespmem:$0x1FE90]  }
0xc2: {  	[tilespmem:$0x1FCE0] =	vst v16;
	v27 =	vmul.f32 v16, v28;
	v16 =	vmul.f32 v6, v1;
	v1 =	vld [tilespmem:$0x1FE80]  }
0xc3: {  	v32 =	vld [tilespmem:s0+$0x830]  }
0xc4: {  	v39 =	vld [tilespmem:s0+$0xC60]  }
0xc5: {  	[tilespmem:$0x1FEA0] =	vst v10;
	v10 =	vld [tilespmem:$0x8320]  }
0xc6: {  	[tilespmem:$0x1FFE0] =	vst v5;
	v23 =	vmul.f32 v5, v23;
	v5 =	vld [tilespmem:$0x1FEA0]  }
0xc7: {  	[tilespmem:$0x1FC50] =	vst v14;
	v22 =	vmul.f32 v3, v22;
	v14 =	vmul.f32 v1, v2;
	v2 =	vld [tilespmem:$0x1FEB0]  }
0xc8: {  	v55 =	vld [tilespmem:s0+$0x1050]  }
0xc9: {  	v21 =	vmul.f32 v0, v21;
	v62 =	vld [tilespmem:s0+$0xC20];
	v22 =	vadd.f32 v22, v24  }
0xca: {  	[tilespmem:$0x1FEC0] =	vst v10;
	v10 =	vld [tilespmem:$0x8330]  }
0xcb: {  	[tilespmem:$0x1FD40] =	vst v57;
	v21 =	vadd.f32 v21, v22;
	v22 =	vmul.f32 v57, v39;
	v57 =	vld [tilespmem:$0x1FEC0]  }
0xcc: {  	[tilespmem:$0x1FCC0] =	vst v15;
	v32 =	vmul.f32 v60, v32;
	v15 =	vmul.f32 v5, v2;
	v2 =	vld [tilespmem:$0x1FED0]  }
0xcd: {  	[tilespmem:$0x1FC00] =	vst v4;
	v40 =	vld [tilespmem:s0+$0x860]  }
0xce: {  	[tilespmem:$0x1FCA0] =	vst v60;
	v4 =	vld [tilespmem:$0x1FD60];
	v26 =	vadd.f32 v26, v29;
	v29 =	vadd.f32 v32, v30  }
0xcf: {  	v60 =	vld [tilespmem:$0x1FD30];
	[tilespmem:$0x1FEE0] =	vst v10  }
0xd0: {  	[tilespmem:$0x1FD00] =	vst v58;
	v27 =	vadd.f32 v27, v29;
	v29 =	vmul.f32 v58, v62;
	v58 =	vld [tilespmem:$0x1FEE0]  }
0xd1: {  	[tilespmem:$0x1FC80] =	vst v12;
	v12 =	vmul.f32 v57, v2;
	v2 =	vld [tilespmem:$0x1FEF0]  }
0xd2: {  	v37 =	vld [tilespmem:s0+$0xC50]  }
0xd3: {  	v24 =	vld [tilespmem:s0+$0x1030]  }
0xd4: {  	v30 =	vmul.f32 v59, v40;
	v40 =	vld [tilespmem:s0+$0x1020]  }
0xd5: {  	[tilespmem:$0x1FCD0] =	vst v59;
	v59 =	vld [tilespmem:$0x1FD70]  }
0xd6: {  	[tilespmem:$0x1FCB0] =	vst v13;
	v13 =	vmul.f32 v58, v2;
	v2 =	vld [tilespmem:$0x1FF00]  }
0xd7: {  	v28 =	vld [tilespmem:s0+$0xC70]  }
0xd8: {  	v26 =	vadd.f32 v30, v26;
	v30 =	vld [tilespmem:s0+$0x1010]  }
0xd9: {  	v10 =	vld [tilespmem:$0x8350]  }
0xda: {  	v20 =	vld [tilespmem:s0+$0x1000]  }
0xdb: {  	[tilespmem:$0x1FC70] =	vst v11;
	v23 =	vadd.f32 v23, v25;
	v11 =	vmul.f32 v45, v2;
	v2 =	vld [tilespmem:$0x1FF10]  }
0xdc: {  	v25 =	vadd.f32 v29, v26;
	v26 =	vadd.f32 v31, v27;
	v27 =	vmul.f32 v60, v37;
	v29 =	vld [tilespmem:s0+$0x1060]  }
0xdd: {  	v31 =	vld [tilespmem:s0+$0x1070];
	v28 =	vmul.f32 v18, v28  }
0xde: {  	v37 =	vld [tilespmem:$0x1FDA0];
	v23 =	vadd.f32 v27, v23;
	v27 =	vmul.f32 v59, v30  }
0xdf: {  	[tilespmem:$0x1FD80] =	vst v56;
	v22 =	vadd.f32 v22, v25;
	v25 =	vadd.f32 v28, v26;
	v26 =	vmul.f32 v56, v40;
	v56 =	vld [tilespmem:$0x1FDB0]  }
0xe0: {  	[tilespmem:$0x1FC40] =	vst v9;
	v20 =	vmul.f32 v4, v20;
	v9 =	vmul.f32 v10, v2;
	v2 =	vld [tilespmem:$0x1FF20]  }
0xe1: {  	v30 =	vld [tilespmem:s0+$0x1410]  }
0xe2: {  	[tilespmem:$0x1FDD0] =	vst v41;
	v20 =	vadd.f32 v20, v21;
	v21 =	vadd.f32 v27, v23;
	v27 =	vmul.f32 v41, v31;
	v41 =	vld [tilespmem:$0x1FE00]  }
0xe3: {  	[tilespmem:$0x1FD50] =	vst v18;
	v22 =	vadd.f32 v26, v22;
	v26 =	vld [tilespmem:s0+$0x1450];
	v23 =	vmul.f32 v19, v24  }
0xe4: {  	[tilespmem:$0x1FD90] =	vst v19;
	v18 =	vmul.f32 v37, v63;
	v35 =	vld [tilespmem:$0x1FE50];
	v19 =	vmul.f32 v56, v55  }
0xe5: {  	s17 =	sand.u32 $0x7, s23;
	[tilespmem:$0x1FC20] =	vst v7;
	v23 =	vadd.f32 v23, v25;
	v25 =	vmul.f32 v42, v29;
	v7 =	vmul.f32 v46, v2;
	v2 =	vld [tilespmem:$0x1FF30]  }
0xe6: {  	s2 =	sshll.u32 s17, $0x7;
	v28 =	vld [tilespmem:s0+$0x1420];
	v18 =	vadd.f32 v18, v20;
	v19 =	vadd.f32 v19, v21  }
0xe7: {  	s2 =	sadd.s32 $0x0, s2;
	v24 =	vld [tilespmem:s0+$0x1430];
	v21 =	vadd.f32 v25, v22;
	v22 =	vadd.f32 v27, v23;
	v23 =	vmul.f32 v41, v30  }
0xe8: {  	v52 =	vld [tilespmem:$0x82E0];
	s19 =	sor.u32 $0x1C00, s2  }
0xe9: {  	v17 =	vadd.f32 v17, v18;
	v19 =	vadd.f32 v23, v19;
	v23 =	vmul.f32 v35, v26;
	v26 =	vld [tilespmem:s19+$0x0]  }
0xea: {  	[tilespmem:$0x1FC30] =	vst v8;
	v8 =	vmul.f32 v53, v2;
	v2 =	vld [tilespmem:$0x1FF40]  }
0xeb: {  	v29 =	vld [tilespmem:s0+$0x1460];
	v16 =	vadd.f32 v16, v17;
	v17 =	vadd.f32 v23, v19  }
0xec: {  	v51 =	vld [tilespmem:$0x82F0];
	v18 =	vmul.f32 v43, v28;
	v24 =	vmul.f32 v54, v24  }
0xed: {  	s24 =	sor.u32 $0x1C10, s2;
	v20 =	vld [tilespmem:s0+$0x1470];
	v15 =	vadd.f32 v15, v17  }
0xee: {  	v18 =	vadd.f32 v18, v21;
	v21 =	vadd.f32 v24, v22;
	v24 =	vld [tilespmem:s24+$0x0]  }
0xef: {  	v9 =	vadd.f32 v9, v15;
	v15 =	vmul.f32 v2, v26;
	v2 =	vld [tilespmem:$0x1FF50]  }
0xf0: {  	v22 =	vmul.f32 v52, v29;
	_ =	sdelay $0x1  }
0xf1: {  	s25 =	sor.u32 $0x1C20, s2;
	v18 =	vadd.f32 v22, v18  }
0xf2: {  	v19 =	vmul.f32 v51, v20;
	v20 =	vld [tilespmem:s25+$0x0]  }
0xf3: {  	v12 =	vadd.f32 v12, v18;
	v18 =	vmul.f32 v2, v24;
	v2 =	vld [tilespmem:$0x1FF60];
	_ =	sdelay $0x2  }
0xf4: {  	s26 =	sor.u32 $0x1C30, s2  }
0xf5: {  	v22 =	vld [tilespmem:s26+$0x0]  }
0xf6: {  	v7 =	vadd.f32 v7, v12;
	v12 =	vmul.f32 v2, v20;
	v2 =	vld [tilespmem:$0x1FF70]  }
0xf7: {  	v19 =	vadd.f32 v19, v21;
	_ =	sdelay $0x1  }
0xf8: {  	s3 =	sor.u32 $0x1C40, s2;
	v13 =	vadd.f32 v13, v19  }
0xf9: {  	v25 =	vld [tilespmem:s3+$0x0]  }
0xfa: {  	v8 =	vadd.f32 v8, v13;
	v13 =	vmul.f32 v2, v22;
	v2 =	vld [tilespmem:$0x1FF80];
	_ =	sdelay $0x2  }
0xfb: {  	s18 =	sor.u32 $0x1C50, s2  }
0xfc: {  	v27 =	vld [tilespmem:s18+$0x0]  }
0xfd: {  	s28 =	simm.s32 $0x80;
	s24 =	simm.s32 $0x400;
	v7 =	vadd.f32 v12, v7;
	v12 =	vmul.f32 v2, v25;
	v2 =	vld [tilespmem:$0x1FF90]  }
0xfe: {  	s11 =	sand.u32 $0x380, s28;
	s31 =	sand.u32 $0x2000, s24  }
0xff: {  	s26 =	sor.u32 s11, s31  }
0x100: {  	s30 =	sor.u32 $0x1C60, s2;
	v23 =	vld [tilespmem:s26+$0x1440]  }
0x101: {  	v21 =	vld [tilespmem:s30+$0x0]  }
0x102: {  	v9 =	vadd.f32 v18, v9;
	v18 =	vmul.f32 v2, v27;
	v2 =	vld [tilespmem:$0x1FFA0]  }
0x103: {  	v28 =	vld [tilespmem:s26+$0x1050]  }
0x104: {  	v38 =	vld [tilespmem:s26+$0x1000]  }
0x105: {  	s2 =	sor.u32 $0x1C70, s2;
	v39 =	vld [tilespmem:s26+$0x1010]  }
0x106: {  	v14 =	vadd.f32 v14, v16;
	v16 =	vld [tilespmem:s2+$0x0]  }
0x107: {  	v8 =	vadd.f32 v13, v8;
	v13 =	vmul.f32 v2, v21;
	v2 =	vld [tilespmem:$0x1FFB0]  }
0x108: {  	v40 =	vld [tilespmem:s26+$0xC40]  }
0x109: {  	[tilespmem:$0x1FE20] =	vst v54;
	v54 =	vld [tilespmem:s26+$0xC50];
	v11 =	vadd.f32 v11, v14  }
0x10a: {  	[tilespmem:$0x1FDC0] =	vst v42;
	v42 =	vld [tilespmem:s26+$0xC00]  }
0x10b: {  	[tilespmem:$0x1FE10] =	vst v43;
	v43 =	vld [tilespmem:s26+$0xC10];
	v11 =	vadd.f32 v15, v11  }
0x10c: {  	v29 =	vld [tilespmem:s26+$0x840];
	v16 =	vmul.f32 v2, v16  }
0x10d: {  	v30 =	vld [tilespmem:s26+$0x850];
	v11 =	vadd.f32 v12, v11;
	v9 =	vadd.f32 v18, v9  }
0x10e: {  	v31 =	vld [tilespmem:s26+$0x800];
	v7 =	vadd.f32 v13, v7;
	v8 =	vadd.f32 v16, v8  }
0x10f: {  	v32 =	vld [tilespmem:s26+$0x810]  }
0x110: {  	v33 =	vld [tilespmem:s26+$0x440];
	v9 =	vadd.f32 v9, v11;
	v7 =	vadd.f32 v8, v7  }
0x111: {  	v34 =	vld [tilespmem:s26+$0x450]  }
0x112: {  	v14 =	vld [tilespmem:s26+$0x1850];
	v7 =	vadd.f32 v7, v9  }
0x113: {  	v26 =	vld [tilespmem:s26+$0x1410]  }
0x114: {  	v20 =	vld [tilespmem:s26+$0x1870];
	v8 =	vperm.xlane v7, v47  }
0x115: {  	v15 =	vld [tilespmem:s26+$0x1800]  }
0x116: {  	v18 =	vld [tilespmem:s26+$0x1830];
	v7 =	vadd.f32 v7, v8  }
0x117: {  	v24 =	vld [tilespmem:s26+$0x1450]  }
0x118: {  	v22 =	vld [tilespmem:s26+$0x1810];
	v8 =	vperm.xlane v7, v48  }
0x119: {  	v17 =	vld [tilespmem:s26+$0x1840];
	v12 =	vmul.f32 v53, v20;
	v20 =	vmul.f32 v41, v26  }
0x11a: {  	v19 =	vld [tilespmem:s26+$0x1860];
	v26 =	vmul.f32 v60, v54;
	v11 =	vmul.f32 v10, v14;
	v7 =	vadd.f32 v7, v8  }
0x11b: {  	v21 =	vld [tilespmem:s26+$0x1820];
	v13 =	vmul.f32 v1, v15;
	v15 =	vmul.f32 v58, v18  }
0x11c: {  	[tilespmem:$0x1FC90] =	vst v61;
	v25 =	vld [tilespmem:s26+$0x1400];
	v18 =	vmul.f32 v35, v24;
	v14 =	vperm.xlane v7, v49  }
0x11d: {  	[tilespmem:$0x1FE60] =	vst v52;
	v27 =	vld [tilespmem:s26+$0x1040];
	v24 =	vmul.f32 v59, v39;
	v16 =	vmul.f32 v5, v22  }
0x11e: {  	v52 =	vmovc v35;
	v35 =	vld [tilespmem:s26+$0x400];
	v22 =	vmul.f32 v56, v28;
	v9 =	vmul.f32 v45, v17;
	v7 =	vadd.f32 v7, v14  }
0x11f: {  	[tilespmem:$0x1FE70] =	vst v51;
	v62 =	vmov v46;
	v28 =	vld [tilespmem:$0x1FFE0];
	v17 =	vmul.f32 v6, v23;
	v23 =	vmul.f32 v4, v38  }
0x120: {  	v63 =	vmovc v59;
	v61 =	vmovc v57;
	v51 =	vmov v36;
	v39 =	vld [tilespmem:s26+$0x0];
	v14 =	vmul.f32 v57, v21;
	v21 =	vperm.xlane v7, v44  }
0x121: {  	[tilespmem:$0x1FFD0] =	vst v10;
	v10 =	vmovc v58;
	v58 =	vmovc v41;
	v38 =	vld [tilespmem:s26+$0x50];
	v8 =	vmul.f32 v46, v19;
	v19 =	vmul.f32 v36, v25;
	v25 =	vmov s23  }
0x122: {  	v59 =	vmovc v0;
	v2 =	vmovc v1;
	v1 =	vmov v53;
	v36 =	vld [tilespmem:s26+$0x410];
	vm1 =	veq.s32 v25, v50;
	v7 =	vadd.f32 v7, v21  }
0x123: {  	[tilespmem:$0x1FFC0] =	vst v45;
	v25 =	vmul.f32 v0, v40;
	v0 =	vmovc v3;
	v40 =	vld [tilespmem:s26+$0x10];
	v57 =	vmovc v37;
	v21 =	vmul.f32 v37, v27;
	v27 =	vimm.f32 $0.0e+00  }
0x124: {  	s29 =	simm.s32 $0x2;
	s25 =	simm.s32 $0x1;
	v37 =	vld [tilespmem:s26+$0x40];
	v7 =	vsel vm1, v7, v27;
	v27 =	vmul.f32 v3, v42;
	v3 =	vmovc v28;
	v28 =	vmul.f32 v28, v43  }
.LBB2_3:
0x125: {  	v41 =	vld [tilespmem:s26+$0x20]  }
0x126: {  	v42 =	vld [tilespmem:$0x1FCB0]  }
0x127: {  	v46 =	vld [tilespmem:$0x1FCC0]  }
0x128: {  	v43 =	vld [tilespmem:$0x1FC70]  }
0x129: {  	v53 =	vld [tilespmem:$0x1FC40]  }
0x12a: {  	v50 =	vld [tilespmem:$0x1FC80]  }
0x12b: {  	v45 =	vld [tilespmem:$0x1FC30]  }
0x12c: {  	v30 =	vmul.f32 v46, v30;
	v46 =	vld [tilespmem:$0x1FB70]  }
0x12d: {  	v54 =	vld [tilespmem:$0x1FBF0]  }
0x12e: {  	v34 =	vmul.f32 v53, v34;
	v53 =	vld [tilespmem:$0x1FB80]  }
0x12f: {  	v55 =	vld [tilespmem:$0x1FC00]  }
0x130: {  	v29 =	vmul.f32 v42, v29;
	v42 =	vld [tilespmem:s26+$0x30]  }
0x131: {  	v31 =	vmul.f32 v43, v31;
	v43 =	vld [tilespmem:s26+$0x60];
	v39 =	vmul.f32 v46, v39  }
0x132: {  	v35 =	vmul.f32 v54, v35;
	v54 =	vld [tilespmem:$0x1FBC0]  }
0x133: {  	v33 =	vmul.f32 v45, v33;
	v45 =	vld [tilespmem:s26+$0x420];
	v37 =	vmul.f32 v53, v37;
	v39 =	vadd.f32 $0.0e+00, v39  }
0x134: {  	v53 =	vld [tilespmem:$0x1FBA0]  }
0x135: {  	v37 =	vadd.f32 v37, v39;
	v39 =	vld [tilespmem:$0x1FC10]  }
0x136: {  	v36 =	vmul.f32 v55, v36;
	v55 =	vld [tilespmem:$0x1FB90]  }
0x137: {  	v46 =	vld [tilespmem:s26+$0x430]  }
0x138: {  	v38 =	vmul.f32 v54, v38;
	v54 =	vld [tilespmem:$0x1FBD0]  }
0x139: {  	v41 =	vmul.f32 v53, v41;
	v53 =	vld [tilespmem:$0x1FBB0]  }
0x13a: {  	v39 =	vmul.f32 v39, v45;
	v45 =	vld [tilespmem:$0x1FC20];
	_ =	sdelay $0x2  }
0x13b: {  	v32 =	vmul.f32 v50, v32;
	v50 =	vmovc v44;
	v44 =	vld [tilespmem:s26+$0x70];
	v43 =	vmul.f32 v54, v43;
	v41 =	vadd.f32 $0.0e+00, v41  }
0x13c: {  	v40 =	vmul.f32 v55, v40;
	v42 =	vmul.f32 v53, v42;
	v53 =	vmov v47;
	v47 =	vld [tilespmem:s26+$0x460]  }
0x13d: {  	v41 =	vadd.f32 v43, v41;
	v43 =	vmul.f32 v45, v46;
	v46 =	vld [tilespmem:$0x1FC50]  }
0x13e: {  	v55 =	vld [tilespmem:$0x1FBE0];
	v40 =	vadd.f32 $0.0e+00, v40;
	_ =	sdelay $0x1  }
0x13f: {  	v38 =	vadd.f32 v38, v40;
	v40 =	vld [tilespmem:s26+$0x830]  }
0x140: {  	v54 =	vmov v48;
	v48 =	vld [tilespmem:s26+$0x470]  }
0x141: {  	v35 =	vadd.f32 v35, v37;
	v37 =	vmul.f32 v46, v47;
	v46 =	vld [tilespmem:$0x1FC60]  }
0x142: {  	v44 =	vmul.f32 v55, v44;
	v55 =	vmovc v49;
	v49 =	vld [tilespmem:s26+$0x820];
	v36 =	vadd.f32 v36, v38;
	v42 =	vadd.f32 $0.0e+00, v42  }
0x143: {  	v38 =	vld [tilespmem:s26+$0x870];
	v33 =	vadd.f32 v33, v35  }
0x144: {  	v34 =	vadd.f32 v34, v36;
	v36 =	vld [tilespmem:$0x1FC90];
	v42 =	vadd.f32 v44, v42  }
0x145: {  	v31 =	vadd.f32 v31, v33;
	v44 =	vld [tilespmem:s26+$0x860]  }
0x146: {  	v45 =	vadd.f32 v43, v42;
	v42 =	vmul.f32 v46, v48;
	v46 =	vld [tilespmem:$0x1FCD0]  }
0x147: {  	v39 =	vadd.f32 v39, v41;
	v29 =	vadd.f32 v29, v31;
	v31 =	vld [tilespmem:$0x1FD00]  }
0x148: {  	v43 =	vld [tilespmem:s26+$0xC20]  }
0x149: {  	v37 =	vadd.f32 v37, v39;
	v39 =	vadd.f32 v42, v45;
	v45 =	vld [tilespmem:$0x1FCA0]  }
0x14a: {  	v32 =	vadd.f32 v32, v34;
	v34 =	vld [tilespmem:s26+$0xC70]  }
0x14b: {  	v33 =	vmul.f32 v46, v44;
	v46 =	vld [tilespmem:$0x1FCE0]  }
0x14c: {  	v35 =	vmul.f32 v36, v49;
	v36 =	vld [tilespmem:s26+$0xC30]  }
0x14d: {  	v31 =	vmul.f32 v31, v43;
	v43 =	vld [tilespmem:$0x1FD10]  }
0x14e: {  	v41 =	vld [tilespmem:s26+$0xC60];
	v40 =	vmul.f32 v45, v40  }
0x14f: {  	v30 =	vadd.f32 v30, v32;
	v32 =	vld [tilespmem:s26+$0x1030];
	v27 =	vadd.f32 v27, v29  }
0x150: {  	v29 =	vld [tilespmem:$0x1FD40];
	v42 =	vadd.f32 v40, v39;
	v38 =	vmul.f32 v46, v38  }
0x151: {  	v25 =	vadd.f32 v25, v27;
	v27 =	vld [tilespmem:$0x1FD80]  }
0x152: {  	v35 =	vadd.f32 v35, v37;
	v36 =	vmul.f32 v43, v36;
	v40 =	vld [tilespmem:$0x1FD50];
	v42 =	vadd.f32 v38, v42  }
0x153: {  	v39 =	vld [tilespmem:s26+$0x1020]  }
0x154: {  	v33 =	vadd.f32 v33, v35;
	v38 =	vadd.f32 v36, v42;
	v42 =	vld [tilespmem:$0x1FD90];
	_ =	sdelay $0x1  }
0x155: {  	v29 =	vmul.f32 v29, v41;
	v31 =	vadd.f32 v31, v33  }
0x156: {  	v28 =	vadd.f32 v28, v30;
	v34 =	vmul.f32 v40, v34  }
0x157: {  	v30 =	vld [tilespmem:s26+$0x1070];
	v23 =	vadd.f32 v23, v25;
	v29 =	vadd.f32 v29, v31  }
0x158: {  	v25 =	vld [tilespmem:$0x1FDC0];
	v27 =	vmul.f32 v27, v39;
	v31 =	vadd.f32 v34, v38;
	v32 =	vmul.f32 v42, v32  }
0x159: {  	v46 =	vld [tilespmem:s26+$0x1060]  }
0x15a: {  	v27 =	vadd.f32 v27, v29;
	v29 =	vadd.f32 v32, v31;
	v31 =	vld [tilespmem:$0x1FDD0];
	_ =	sdelay $0x3  }
0x15b: {  	s23 =	sadd.s32 $0x1, s23;
	v26 =	vadd.f32 v26, v28;
	v28 =	vld [tilespmem:s26+$0x1430]  }
0x15c: {  	s0 =	sand.u32 $0x7, s23;
	v41 =	vld [tilespmem:s26+$0x1420];
	v25 =	vmul.f32 v25, v46;
	v30 =	vmul.f32 v31, v30  }
0x15d: {  	s0 =	sshll.u32 s0, $0x7;
	v24 =	vadd.f32 v24, v26;
	v21 =	vadd.f32 v21, v23;
	v23 =	vld [tilespmem:$0x1FE10]  }
0x15e: {  	s0 =	sadd.s32 s0, s24;
	v25 =	vadd.f32 v25, v27;
	v27 =	vadd.f32 v30, v29;
	v29 =	vld [tilespmem:$0x1FE20]  }
0x15f: {  	s17 =	sor.u32 $0x1C50, s0;
	v26 =	vld [tilespmem:s26+$0x1470];
	v22 =	vadd.f32 v22, v24  }
0x160: {  	v24 =	vld [tilespmem:s17+$0x0];
	v19 =	vadd.f32 v19, v21  }
0x161: {  	s18 =	sor.u32 $0x1C10, s0;
	v20 =	vadd.f32 v20, v22;
	v21 =	vld [tilespmem:$0x1FE60]  }
0x162: {  	v22 =	vld [tilespmem:s18+$0x0];
	v17 =	vadd.f32 v17, v19  }
0x163: {  	v18 =	vadd.f32 v18, v20;
	v20 =	vld [tilespmem:$0x1FF80];
	v23 =	vmul.f32 v23, v41;
	v28 =	vmul.f32 v29, v28  }
0x164: {  	v43 =	vld [tilespmem:s26+$0x1460];
	v13 =	vadd.f32 v13, v17  }
0x165: {  	v23 =	vadd.f32 v23, v25;
	v25 =	vadd.f32 v28, v27;
	v27 =	vld [tilespmem:$0x1FE70]  }
0x166: {  	v17 =	vld [tilespmem:$0x1FF40]  }
0x167: {  	v9 =	vadd.f32 v9, v13;
	v13 =	vld [tilespmem:$0x1FF60];
	s26 =	sor.u32 $0x1C30, s0  }
0x168: {  	s2 =	sor.u32 $0x1C40, s0;
	s3 =	sor.u32 $0x1C00, s0;
	v19 =	vld [tilespmem:s26+$0x0]  }
0x169: {  	s19 =	sor.u32 $0x1C20, s0;
	s30 =	sor.u32 $0x1C60, s0;
	v21 =	vmul.f32 v21, v43;
	s0 =	sor.u32 $0x1C70, s0;
	v29 =	vld [tilespmem:s3+$0x0]  }
0x16a: {  	v16 =	vadd.f32 v16, v18;
	v18 =	vld [tilespmem:s0+$0x0];
	v26 =	vmul.f32 v27, v26  }
0x16b: {  	v21 =	vadd.f32 v21, v23;
	v27 =	vld [tilespmem:s19+$0x0]  }
0x16c: {  	v23 =	vadd.f32 v26, v25;
	v25 =	vld [tilespmem:$0x1FF90]  }
0x16d: {  	v14 =	vadd.f32 v14, v21;
	v21 =	vld [tilespmem:$0x1FF50]  }
0x16e: {  	v31 =	vld [tilespmem:s2+$0x0];
	v17 =	vmul.f32 v17, v29  }
0x16f: {  	v8 =	vadd.f32 v8, v14;
	v14 =	vld [tilespmem:$0x1FF70]  }
0x170: {  	v9 =	vadd.f32 v17, v9;
	v17 =	vld [tilespmem:$0x1FFA0];
	v13 =	vmul.f32 v13, v27  }
0x171: {  	v24 =	vmul.f32 v25, v24;
	v25 =	vld [tilespmem:s30+$0x0]  }
0x172: {  	v8 =	vadd.f32 v13, v8;
	v13 =	vld [tilespmem:$0x1FFB0]  }
0x173: {  	v15 =	vadd.f32 v15, v23  }
0x174: {  	s28 =	sadd.s32 $0x80, s28;
	s24 =	sadd.s32 $0x400, s24;
	v11 =	vadd.f32 v11, v16;
	v21 =	vmul.f32 v21, v22  }
0x175: {  	s11 =	sand.u32 $0x380, s28;
	s31 =	sand.u32 $0x2000, s24;
	v14 =	vmul.f32 v14, v19;
	v12 =	vadd.f32 v12, v15  }
0x176: {  	s26 =	sor.u32 s11, s31;
	v20 =	vmul.f32 v20, v31;
	v11 =	vadd.f32 v21, v11  }
0x177: {  	v16 =	vld [tilespmem:s26+$0x1860];
	v12 =	vadd.f32 v14, v12;
	v17 =	vmul.f32 v17, v25;
	v13 =	vmul.f32 v13, v18  }
0x178: {  	v41 =	vld [tilespmem:s26+$0xC50];
	v9 =	vadd.f32 v20, v9;
	v11 =	vadd.f32 v24, v11  }
0x179: {  	v33 =	vld [tilespmem:s26+$0x440];
	v8 =	vadd.f32 v17, v8;
	v12 =	vadd.f32 v13, v12  }
0x17a: {  	v35 =	vld [tilespmem:s26+$0x400]  }
0x17b: {  	v37 =	vld [tilespmem:s26+$0x40];
	v9 =	vadd.f32 v11, v9;
	v8 =	vadd.f32 v12, v8  }
0x17c: {  	v39 =	vld [tilespmem:s26+$0x1010]  }
0x17d: {  	v40 =	vld [tilespmem:s26+$0xC40];
	v8 =	vadd.f32 v8, v9  }
0x17e: {  	v36 =	vld [tilespmem:s26+$0x410]  }
0x17f: {  	v46 =	vld [tilespmem:s26+$0xC10];
	v9 =	vperm.xlane v8, v53  }
0x180: {  	v34 =	vld [tilespmem:s26+$0x450]  }
0x181: {  	v38 =	vld [tilespmem:s26+$0x50];
	v8 =	vadd.f32 v8, v9  }
0x182: {  	v42 =	vld [tilespmem:s26+$0xC00]  }
0x183: {  	v22 =	vld [tilespmem:s26+$0x1850];
	v9 =	vperm.xlane v8, v54  }
0x184: {  	v26 =	vld [tilespmem:s26+$0x1840]  }
0x185: {  	v12 =	vadd.f32 v8, v9;
	v8 =	vld [tilespmem:$0x1FFC0]  }
0x186: {  	v19 =	vld [tilespmem:s26+$0x1800]  }
0x187: {  	v21 =	vld [tilespmem:s26+$0x1450]  }
0x188: {  	v28 =	vld [tilespmem:s26+$0x1000]  }
0x189: {  	v15 =	vld [tilespmem:s26+$0x1870]  }
0x18a: {  	v9 =	vmul.f32 v8, v26;
	v8 =	vld [tilespmem:$0x1FFD0]  }
0x18b: {  	v14 =	vld [tilespmem:s26+$0x1810]  }
0x18c: {  	v18 =	vld [tilespmem:s26+$0x1820]  }
0x18d: {  	v17 =	vld [tilespmem:s26+$0x1830]  }
0x18e: {  	v45 =	vlaneseq.u32;
	v20 =	vld [tilespmem:s26+$0x1440];
	v13 =	vperm.xlane v12, v55;
	v26 =	vmov s25  }
0x18f: {  	v24 =	vld [tilespmem:s26+$0x1410];
	vm1 =	veq.s32 v26, v45;
	v26 =	vmul.f32 v60, v41;
	v11 =	vmul.f32 v8, v22  }
0x190: {  	v25 =	vld [tilespmem:s26+$0x1040];
	v8 =	vmul.f32 v62, v16;
	v22 =	vadd.f32 v12, v13;
	v13 =	vmul.f32 v2, v19  }
0x191: {  	v23 =	vld [tilespmem:s26+$0x1400];
	v12 =	vmul.f32 v1, v15;
	v16 =	vmul.f32 v5, v14  }
0x192: {  	v27 =	vld [tilespmem:s26+$0x1050];
	v14 =	vmul.f32 v61, v18;
	v15 =	vmul.f32 v10, v17  }
0x193: {  	p0 =	sne.s32 s29, $0xF;
	v32 =	vld [tilespmem:s26+$0x810];
	v17 =	vmul.f32 v6, v20;
	v18 =	vmul.f32 v52, v21  }
.Ltmp0:
0x194: {  	v30 =	vld [tilespmem:s26+$0x850];
	v20 =	vmul.f32 v58, v24;
	v19 =	vperm.xlane v22, v50;
	(pc) =	sbr.rel @p0 .LBB2_3-.Ltmp0, $4  }
0x195: {  	v31 =	vld [tilespmem:s26+$0x800];
	v21 =	vmul.f32 v57, v25;
	v24 =	vmul.f32 v63, v39  }
0x196: {  	v44 =	vmovc v50;
	v29 =	vld [tilespmem:s26+$0x840];
	v25 =	vmul.f32 v59, v40;
	v50 =	vadd.f32 v22, v19;
	v19 =	vmul.f32 v51, v23  }
0x197: {  	v49 =	vmovc v55;
	v47 =	vmov v53;
	v39 =	vld [tilespmem:s26+$0x0];
	v22 =	vmul.f32 v56, v27;
	v23 =	vmul.f32 v4, v28  }
0x198: {  	v48 =	vmovc v54;
	s25 =	smov.u32 s29;
	s29 =	sadd.s32 $0x1, s29;
	v40 =	vld [tilespmem:s26+$0x10];
	v27 =	vmul.f32 v0, v42;
	v28 =	vmul.f32 v3, v46;
	v7 =	vsel vm1, v50, v7  }
0x199: {  	v0 =	vld [tilespmem:$0x1FCB0];
	_ =	sdelay $0x4  }
0x19a: {  	v1 =	vmul.f32 v0, v29;
	v29 =	vld [tilespmem:$0x1FB80];
	_ =	sdelay $0x4  }
0x19b: {  	v42 =	vmul.f32 v29, v37;
	v29 =	vld [tilespmem:$0x1FBC0];
	_ =	sdelay $0x4  }
0x19c: {  	v56 =	vmul.f32 v29, v38;
	v29 =	vld [tilespmem:$0x1FB70];
	_ =	sdelay $0x3  }
0x19d: {  	v0 =	vld [tilespmem:$0x1FCC0]  }
0x19e: {  	v58 =	vmul.f32 v29, v39;
	v29 =	vld [tilespmem:$0x1FB90];
	_ =	sdelay $0x3  }
0x19f: {  	v3 =	vmul.f32 v0, v30;
	v30 =	vld [tilespmem:s26+$0x20]  }
0x1a0: {  	v59 =	vmul.f32 v29, v40;
	v29 =	vld [tilespmem:$0x1FBA0];
	_ =	sdelay $0x2  }
0x1a1: {  	v41 =	vld [tilespmem:s26+$0x30]  }
0x1a2: {  	v0 =	vld [tilespmem:$0x1FC70]  }
0x1a3: {  	v29 =	vmul.f32 v29, v30;
	v30 =	vld [tilespmem:$0x1FBB0];
	_ =	sdelay $0x3  }
0x1a4: {  	v4 =	vmul.f32 v0, v31;
	v31 =	vld [tilespmem:s26+$0x60]  }
0x1a5: {  	v41 =	vmul.f32 v30, v41;
	v30 =	vld [tilespmem:$0x1FBD0];
	_ =	sdelay $0x3  }
0x1a6: {  	v52 =	vld [tilespmem:s26+$0x70]  }
0x1a7: {  	v62 =	vmul.f32 v30, v31;
	v30 =	vld [tilespmem:$0x1FBE0];
	_ =	sdelay $0x2  }
0x1a8: {  	v2 =	vld [tilespmem:$0x1FBF0]  }
0x1a9: {  	v57 =	vld [tilespmem:s26+$0x420]  }
0x1aa: {  	v30 =	vmul.f32 v30, v52;
	v52 =	vld [tilespmem:$0x1FC10]  }
0x1ab: {  	v0 =	vld [tilespmem:$0x1FC80];
	_ =	sdelay $0x1  }
0x1ac: {  	v60 =	vld [tilespmem:s26+$0x430];
	v31 =	vadd.f32 $0.0e+00, v29;
	v29 =	vadd.f32 $0.0e+00, v41  }
0x1ad: {  	v61 =	vld [tilespmem:s26+$0x460]  }
0x1ae: {  	v46 =	vmul.f32 v2, v35;
	v35 =	vmul.f32 v52, v57;
	v57 =	vadd.f32 v30, v29;
	v29 =	vld [tilespmem:$0x1FC20]  }
0x1af: {  	v5 =	vmul.f32 v0, v32;
	v0 =	vld [tilespmem:$0x1FC30]  }
0x1b0: {  	v37 =	vadd.f32 $0.0e+00, v59;
	v59 =	vld [tilespmem:$0x1FC50];
	_ =	sdelay $0x2  }
0x1b1: {  	v2 =	vld [tilespmem:$0x1FC00];
	v29 =	vmul.f32 v29, v60  }
0x1b2: {  	v63 =	vld [tilespmem:s26+$0x470]  }
0x1b3: {  	v6 =	vmul.f32 v0, v33;
	v33 =	vmul.f32 v59, v61;
	v61 =	vadd.f32 v29, v57;
	v29 =	vld [tilespmem:$0x1FC60]  }
0x1b4: {  	v0 =	vld [tilespmem:$0x1FC40]  }
0x1b5: {  	v10 =	vld [tilespmem:$0x1FD80]  }
0x1b6: {  	v43 =	vmul.f32 v2, v36;
	v2 =	vld [tilespmem:$0x1FD40];
	v36 =	vadd.f32 $0.0e+00, v58  }
0x1b7: {  	v58 =	vld [tilespmem:s26+$0x860]  }
0x1b8: {  	v51 =	vadd.f32 v42, v36;
	v42 =	vld [tilespmem:s26+$0x1430];
	v29 =	vmul.f32 v29, v63  }
0x1b9: {  	v50 =	vmul.f32 v0, v34;
	v34 =	vadd.f32 v56, v37;
	v56 =	vld [tilespmem:s26+$0x830]  }
0x1ba: {  	v39 =	vadd.f32 v29, v61;
	v29 =	vld [tilespmem:$0x1FCA0]  }
0x1bb: {  	v0 =	vld [tilespmem:$0x1FE10]  }
0x1bc: {  	v41 =	vld [tilespmem:s26+$0x820];
	v32 =	vadd.f32 v62, v31;
	v31 =	vadd.f32 v43, v34  }
0x1bd: {  	v62 =	vld [tilespmem:s26+$0xC20]  }
0x1be: {  	v30 =	vadd.f32 v46, v51;
	v46 =	vadd.f32 v50, v31;
	v31 =	vld [tilespmem:s26+$0xC30]  }
0x1bf: {  	v57 =	vld [tilespmem:$0x1FCD0];
	v29 =	vmul.f32 v29, v56  }
0x1c0: {  	v60 =	vld [tilespmem:s26+$0x870]  }
0x1c1: {  	v39 =	vadd.f32 v29, v39;
	v29 =	vld [tilespmem:$0x1FCE0]  }
0x1c2: {  	v51 =	vld [tilespmem:s26+$0xC60];
	v32 =	vadd.f32 v35, v32  }
0x1c3: {  	v63 =	vadd.f32 v6, v30;
	v30 =	vld [tilespmem:$0x1FC90]  }
0x1c4: {  	v50 =	vadd.f32 v33, v32;
	v32 =	vmul.f32 v57, v58;
	v58 =	vld [tilespmem:s26+$0xC70]  }
0x1c5: {  	v56 =	vadd.f32 v5, v46;
	v5 =	vld [tilespmem:$0x1FD00]  }
0x1c6: {  	v6 =	vld [tilespmem:$0x1FFA0];
	v29 =	vmul.f32 v29, v60  }
0x1c7: {  	v61 =	vld [tilespmem:s26+$0x1030]  }
0x1c8: {  	v39 =	vadd.f32 v29, v39;
	v29 =	vld [tilespmem:$0x1FD10]  }
0x1c9: {  	v52 =	vadd.f32 v4, v63;
	v4 =	vld [tilespmem:$0x1FDC0];
	v30 =	vmul.f32 v30, v41  }
0x1ca: {  	s0 =	sadd.s32 $0x1, s23;
	v35 =	vmul.f32 v5, v62;
	v5 =	vld [tilespmem:$0x1FD50]  }
0x1cb: {  	s0 =	sand.u32 $0x7, s0;
	v59 =	vadd.f32 v1, v52;
	v52 =	vld [tilespmem:s26+$0x1470];
	v40 =	vadd.f32 v30, v50  }
0x1cc: {  	s0 =	sshll.u32 s0, $0x7;
	v1 =	vld [tilespmem:$0x1FF80]  }
0x1cd: {  	s0 =	sadd.s32 s0, s24;
	v30 =	vld [tilespmem:s26+$0x1020];
	v40 =	vadd.f32 v32, v40;
	v31 =	vmul.f32 v29, v31  }
0x1ce: {  	s3 =	sor.u32 $0x1C00, s0;
	v36 =	vmul.f32 v2, v51;
	v62 =	vadd.f32 v27, v59;
	v29 =	vld [tilespmem:s26+$0x1060]  }
0x1cf: {  	v59 =	vld [tilespmem:s3+$0x0];
	v2 =	vadd.f32 v35, v40;
	v5 =	vmul.f32 v5, v58;
	v40 =	vadd.f32 v31, v39  }
0x1d0: {  	v60 =	vadd.f32 v3, v56;
	v31 =	vld [tilespmem:s26+$0x1420]  }
0x1d1: {  	v43 =	vadd.f32 v5, v40;
	v5 =	vld [tilespmem:$0x1FD90]  }
0x1d2: {  	v10 =	vmul.f32 v10, v30;
	v63 =	vadd.f32 v28, v60;
	v28 =	vld [tilespmem:s26+$0x1070];
	v2 =	vadd.f32 v36, v2  }
0x1d3: {  	s2 =	sor.u32 $0x1C40, s0;
	v51 =	vmul.f32 v4, v29;
	v4 =	vld [tilespmem:$0x1FDD0]  }
0x1d4: {  	v2 =	vadd.f32 v10, v2;
	v10 =	vld [tilespmem:s2+$0x0]  }
0x1d5: {  	v32 =	vadd.f32 v25, v62;
	v57 =	vmul.f32 v0, v31;
	v0 =	vld [tilespmem:$0x1FE20]  }
0x1d6: {  	v46 =	vmul.f32 v5, v61;
	v5 =	vld [tilespmem:s26+$0x1460]  }
0x1d7: {  	s28 =	sor.u32 $0x1C10, s0;
	v50 =	vadd.f32 v23, v32;
	v61 =	vld [tilespmem:$0x1FE60]  }
0x1d8: {  	s29 =	sor.u32 $0x1C20, s0;
	v62 =	vld [tilespmem:s28+$0x0];
	v4 =	vmul.f32 v4, v28;
	v29 =	vadd.f32 v46, v43  }
0x1d9: {  	v41 =	vadd.f32 v26, v63;
	v56 =	vadd.f32 v21, v50;
	v63 =	vld [tilespmem:s29+$0x0];
	v10 =	vmul.f32 v1, v10  }
0x1da: {  	v1 =	vld [tilespmem:$0x1FF90];
	v2 =	vadd.f32 v51, v2;
	s26 =	sor.u32 $0x1C50, s0;
	v3 =	vadd.f32 v4, v29;
	v4 =	vmul.f32 v0, v42  }
0x1db: {  	v30 =	vadd.f32 v24, v41;
	v58 =	vld [tilespmem:s26+$0x0];
	v0 =	vadd.f32 v19, v56  }
0x1dc: {  	s30 =	sor.u32 $0x1C30, s0;
	v2 =	vadd.f32 v57, v2;
	v5 =	vmul.f32 v61, v5;
	v3 =	vadd.f32 v4, v3;
	v4 =	vld [tilespmem:$0x1FE70]  }
0x1dd: {  	s31 =	sor.u32 $0x1C60, s0;
	v0 =	vadd.f32 v17, v0;
	v17 =	vld [tilespmem:s30+$0x0]  }
0x1de: {  	v28 =	vadd.f32 v22, v30;
	v2 =	vadd.f32 v5, v2;
	v5 =	vld [tilespmem:s31+$0x0]  }
0x1df: {  	v0 =	vadd.f32 v13, v0;
	v13 =	vld [tilespmem:$0x1FF40]  }
0x1e0: {  	v60 =	vadd.f32 v20, v28;
	v2 =	vadd.f32 v14, v2;
	v14 =	vld [tilespmem:$0x1FF50]  }
0x1e1: {  	v0 =	vadd.f32 v9, v0;
	v9 =	vld [tilespmem:$0x1FF60];
	v4 =	vmul.f32 v4, v52  }
0x1e2: {  	v18 =	vadd.f32 v18, v60;
	v2 =	vadd.f32 v8, v2;
	v8 =	vld [tilespmem:$0x1FF70]  }
0x1e3: {  	s0 =	sor.u32 $0x1C70, s0;
	v5 =	vmul.f32 v6, v5;
	v6 =	vld [tilespmem:$0x1FFB0];
	v3 =	vadd.f32 v4, v3  }
0x1e4: {  	v4 =	vmul.f32 v1, v58;
	v1 =	vadd.f32 v16, v18;
	v16 =	vld [tilespmem:s0+$0x0]  }
0x1e5: {  	v3 =	vadd.f32 v15, v3  }
0x1e6: {  	v13 =	vmul.f32 v13, v59;
	v14 =	vmul.f32 v14, v62;
	v1 =	vadd.f32 v11, v1  }
0x1e7: {  	v9 =	vmul.f32 v9, v63;
	v8 =	vmul.f32 v8, v17;
	v3 =	vadd.f32 v12, v3  }
0x1e8: {  	v0 =	vadd.f32 v13, v0;
	v1 =	vadd.f32 v14, v1  }
0x1e9: {  	v2 =	vadd.f32 v9, v2;
	v6 =	vmul.f32 v6, v16;
	v3 =	vadd.f32 v8, v3  }
0x1ea: {  	v0 =	vadd.f32 v10, v0;
	v1 =	vadd.f32 v4, v1  }
0x1eb: {  	v2 =	vadd.f32 v5, v2;
	v3 =	vadd.f32 v6, v3;
	_ =	sdelay $0x1  }
0x1ec: {  	v0 =	vadd.f32 v1, v0;
	v1 =	vadd.f32 v3, v2;
	_ =	sdelay $0x1  }
0x1ed: {  	v0 =	vadd.f32 v1, v0;
	_ =	sdelay $0x1  }
0x1ee: {  	v1 =	vperm.xlane v0, v47;
	_ =	sdelay $0x1  }
0x1ef: {  	v0 =	vadd.f32 v0, v1;
	_ =	sdelay $0x1  }
0x1f0: {  	v1 =	vperm.xlane v0, v48;
	_ =	sdelay $0x1  }
0x1f1: {  	v0 =	vadd.f32 v0, v1;
	_ =	sdelay $0x1  }
0x1f2: {  	v1 =	vperm.xlane v0, v49;
	_ =	sdelay $0x1  }
0x1f3: {  	v0 =	vadd.f32 v0, v1;
	_ =	sdelay $0x1  }
0x1f4: {  	v1 =	vperm.xlane v0, v44;
	_ =	sdelay $0x1  }
0x1f5: {  	v2 =	vmov s25;
	v0 =	vadd.f32 v0, v1  }
0x1f6: {  	vm1 =	veq.s32 v2, v45  }
0x1f7: {  	v0 =	vsel vm1, v0, v7  }
0x1f8: {  	v1 =	vperm.xlane v0, v47;
	_ =	sdelay $0x1  }
0x1f9: {  	v3 =	vand.u32 $0xF, v48;
	v1 =	vmax.f32 v0, v1  }
0x1fa: {  	v2 =	vperm.xlane v1, v3;
	_ =	sdelay $0x1  }
0x1fb: {  	v4 =	vand.u32 $0xF, v49;
	v1 =	vmax.f32 v1, v2  }
0x1fc: {  	v2 =	vperm.xlane v1, v4;
	_ =	sdelay $0x1  }
0x1fd: {  	v5 =	vand.u32 $0xF, v44;
	v1 =	vmax.f32 v1, v2  }
0x1fe: {  	v2 =	vperm.xlane v1, v5;
	_ =	sdelay $0x1  }
0x1ff: {  	v1 =	vmax.f32 v1, v2;
	v2 =	vld [tilespmem:$0x1FB50];
	_ =	sdelay $0x4  }
0x200: {  	v6 =	vmax.f32 v2, v1  }
0x201: {  	v1 =	vsub.f32 v2, v6  }
0x202: {  	v0 =	vsub.f32 v0, v6  }
0x203: {  	v1 =	vmul.f32 $1.442695020e+00, v1  }
0x204: {  	v0 =	vmul.f32 $1.442695020e+00, v0  }
0x205: {  	(erf) = vpow2.f32 v1  }
0x206: {  	(erf) = vpow2.f32 v0;
	_ =	sdelay $0x7  }
0x207: {  	v31 =	vpop (erf)  }
0x208: {  	v15 =	vpop (erf)  }
0x209: {  	v0 =	vperm.xlane v15, v47;
	_ =	sdelay $0x1  }
0x20a: {  	v0 =	vadd.f32 v15, v0;
	_ =	sdelay $0x1  }
0x20b: {  	v1 =	vperm.xlane v0, v3;
	_ =	sdelay $0x1  }
0x20c: {  	[tilespmem:$0x1FAF0] =	vst v6;
	v2 =	vbroadcast v15, $0x2;
	v6 =	vbroadcast v15, $0x6;
	v0 =	vadd.f32 v0, v1  }
0x20d: {  	v7 =	vbroadcast v15, $0x7;
	v8 =	vbroadcast v15, $0x8  }
0x20e: {  	v9 =	vbroadcast v15, $0x9;
	v1 =	vperm.xlane v0, v4  }
0x20f: {  	v10 =	vbroadcast v15, $0xA;
	v11 =	vbroadcast v15, $0xB  }
0x210: {  	[tilespmem:$0x1FB10] =	vst v4;
	v12 =	vbroadcast v15, $0xC;
	v13 =	vbroadcast v15, $0xD;
	v0 =	vadd.f32 v0, v1  }
0x211: {  	[tilespmem:$0x1FB00] =	vst v3;
	v14 =	vbroadcast v15, $0xE;
	v3 =	vbroadcast v15, $0x3  }
0x212: {  	v4 =	vbroadcast v15, $0x4;
	[tilespmem:$0x1FB30] =	vst v0;
	v0 =	vperm.xlane v0, v5  }
0x213: {  	[tilespmem:$0x1FB20] =	vst v5;
	v1 =	vbroadcast v15, $0x1;
	v5 =	vbroadcast v15, $0x5  }
0x214: {  	s23 =	simm.s32 $0x0;
	s24 =	simm.s32 $0x8400;
	s25 =	simm.s32 $0x0;
	[tilespmem:$0x1FB40] =	vst v0;
	v0 =	vbroadcast v15, $0x0;
	v15 =	vbroadcast v15, $0xF  }
.LBB2_5:
0x215: {  	s29 =	sand.u32 $0x40, s25;
	s26 =	sand.u32 $0x1C00, s23  }
0x216: {  	s0 =	sor.u32 s29, s26  }
0x217: {  	v16 =	vld [tilespmem:s0+$0x0]  }
0x218: {  	v17 =	vld [tilespmem:s0+$0x80]  }
0x219: {  	v18 =	vld [tilespmem:s0+$0x100]  }
0x21a: {  	v19 =	vld [tilespmem:s0+$0x180]  }
0x21b: {  	v20 =	vld [tilespmem:s0+$0x200]  }
0x21c: {  	v21 =	vld [tilespmem:s0+$0x280]  }
0x21d: {  	s28 =	sor.u32 $0x2000, s26;
	v22 =	vld [tilespmem:s0+$0x300]  }
0x21e: {  	s30 =	sor.u32 $0x2080, s26;
	v23 =	vld [tilespmem:s0+$0x380];
	s3 =	sor.u32 s29, s28  }
0x21f: {  	s31 =	sor.u32 $0x2100, s26;
	s11 =	sor.u32 s29, s30;
	v24 =	vld [tilespmem:s3+$0x0]  }
0x220: {  	s2 =	sor.u32 $0x2180, s26;
	s16 =	sor.u32 s29, s31;
	v25 =	vld [tilespmem:s11+$0x0]  }
0x221: {  	s17 =	sor.u32 s29, s2;
	s0 =	sor.u32 $0x2280, s26;
	v26 =	vld [tilespmem:s16+$0x0]  }
0x222: {  	s3 =	sor.u32 $0x2200, s26;
	v27 =	vld [tilespmem:s17+$0x0];
	s16 =	sor.u32 s29, s0;
	v16 =	vmul.f32 v16, v0  }
0x223: {  	s11 =	sor.u32 s29, s3;
	v29 =	vld [tilespmem:s16+$0x0];
	s16 =	sor.u32 $0x2380, s26;
	v17 =	vmul.f32 v17, v1;
	v18 =	vmul.f32 v18, v2  }
0x224: {  	v28 =	vld [tilespmem:s11+$0x0];
	s11 =	sor.u32 $0x2300, s26;
	s18 =	sor.u32 s29, s16;
	v20 =	vmul.f32 v20, v4;
	v19 =	vmul.f32 v19, v3  }
0x225: {  	s17 =	sor.u32 s29, s11;
	v32 =	vld [tilespmem:s18+$0x0];
	v21 =	vmul.f32 v21, v5;
	v62 =	vmul.f32 v22, v6  }
0x226: {  	v30 =	vld [tilespmem:s17+$0x0];
	v63 =	vmul.f32 v23, v7;
	v33 =	vmul.f32 v24, v8  }
0x227: {  	v34 =	vmul.f32 v25, v9;
	v35 =	vmul.f32 v26, v10;
	v16 =	vadd.f32 v20, v16  }
0x228: {  	v36 =	vmul.f32 v27, v11;
	v17 =	vadd.f32 v21, v17;
	v18 =	vadd.f32 v62, v18  }
0x229: {  	v19 =	vadd.f32 v63, v19;
	v38 =	vmul.f32 v29, v13;
	v16 =	vadd.f32 v33, v16  }
0x22a: {  	v37 =	vmul.f32 v28, v12;
	v17 =	vadd.f32 v34, v17;
	v18 =	vadd.f32 v35, v18  }
0x22b: {  	v19 =	vadd.f32 v36, v19;
	v23 =	vmul.f32 v32, v15;
	v39 =	vmul.f32 v30, v14  }
0x22c: {  	v40 =	vld [tilespmem:s24+$0x0];
	v16 =	vadd.f32 v37, v16;
	v17 =	vadd.f32 v38, v17  }
0x22d: {  	v19 =	vadd.f32 v23, v19;
	v18 =	vadd.f32 v39, v18;
	_ =	sdelay $0x1  }
0x22e: {  	v16 =	vadd.f32 v17, v16;
	v17 =	vadd.f32 v19, v18;
	_ =	sdelay $0x1  }
0x22f: {  	v41 =	vmul.f32 v40, v31;
	v16 =	vadd.f32 v17, v16;
	_ =	sdelay $0x1  }
0x230: {  	v16 =	vadd.f32 v16, v41  }
0x231: {  	s18 =	sor.u32 $0x10, s29  }
0x232: {  	s19 =	sor.u32 s18, s26;
	[tilespmem:s24+$0x0] =	vst v16  }
0x233: {  	v16 =	vld [tilespmem:s19+$0x0]  }
0x234: {  	v17 =	vld [tilespmem:s19+$0x80]  }
0x235: {  	v42 =	vld [tilespmem:s19+$0x100]  }
0x236: {  	v43 =	vld [tilespmem:s19+$0x180]  }
0x237: {  	v46 =	vld [tilespmem:s19+$0x200]  }
0x238: {  	v50 =	vld [tilespmem:s19+$0x280]  }
0x239: {  	v51 =	vld [tilespmem:s19+$0x300]  }
0x23a: {  	v52 =	vld [tilespmem:s19+$0x380];
	s19 =	sor.u32 s18, s28  }
0x23b: {  	v56 =	vld [tilespmem:s19+$0x0];
	s19 =	sor.u32 s18, s30  }
0x23c: {  	v57 =	vld [tilespmem:s19+$0x0];
	s19 =	sor.u32 s18, s31  }
0x23d: {  	v58 =	vld [tilespmem:s19+$0x0];
	s19 =	sor.u32 s18, s2  }
0x23e: {  	v59 =	vld [tilespmem:s19+$0x0];
	s19 =	sor.u32 s18, s3;
	v16 =	vmul.f32 v16, v0  }
0x23f: {  	v17 =	vmul.f32 v17, v1;
	v28 =	vld [tilespmem:s19+$0x0];
	s19 =	sor.u32 s18, s0;
	v18 =	vmul.f32 v42, v2  }
0x240: {  	v20 =	vmul.f32 v46, v4;
	v19 =	vmul.f32 v43, v3;
	v29 =	vld [tilespmem:s19+$0x0];
	s19 =	sor.u32 s18, s11  }
0x241: {  	v21 =	vmul.f32 v50, v5;
	v60 =	vmul.f32 v51, v6;
	v30 =	vld [tilespmem:s19+$0x0];
	s19 =	sor.u32 s18, s16  }
0x242: {  	v61 =	vmul.f32 v52, v7;
	v63 =	vmul.f32 v56, v8;
	v62 =	vld [tilespmem:s19+$0x0]  }
0x243: {  	v16 =	vadd.f32 v20, v16;
	v17 =	vadd.f32 v21, v17;
	v32 =	vmul.f32 v57, v9  }
0x244: {  	v18 =	vadd.f32 v60, v18;
	v19 =	vadd.f32 v61, v19;
	v33 =	vmul.f32 v58, v10  }
0x245: {  	s19 =	sand.u32 $0x380, s25;
	v16 =	vadd.f32 v63, v16;
	v17 =	vadd.f32 v32, v17;
	v34 =	vmul.f32 v59, v11  }
0x246: {  	s17 =	sor.u32 $0x8400, s19;
	v18 =	vadd.f32 v33, v18;
	v35 =	vmul.f32 v28, v12;
	v36 =	vmul.f32 v29, v13  }
0x247: {  	s18 =	sor.u32 s18, s17;
	v19 =	vadd.f32 v34, v19;
	v37 =	vmul.f32 v30, v14;
	v23 =	vmul.f32 v62, v15  }
0x248: {  	v38 =	vld [tilespmem:s18+$0x0];
	v16 =	vadd.f32 v35, v16;
	v17 =	vadd.f32 v36, v17  }
0x249: {  	v18 =	vadd.f32 v37, v18;
	v19 =	vadd.f32 v23, v19;
	_ =	sdelay $0x1  }
0x24a: {  	v16 =	vadd.f32 v17, v16;
	v17 =	vadd.f32 v19, v18;
	_ =	sdelay $0x1  }
0x24b: {  	v39 =	vmul.f32 v38, v31;
	v16 =	vadd.f32 v17, v16;
	_ =	sdelay $0x1  }
0x24c: {  	v16 =	vadd.f32 v16, v39  }
0x24d: {  	s19 =	sor.u32 $0x20, s29  }
0x24e: {  	[tilespmem:s18+$0x0] =	vst v16;
	s18 =	sor.u32 s19, s26  }
0x24f: {  	v16 =	vld [tilespmem:s18+$0x0]  }
0x250: {  	v17 =	vld [tilespmem:s18+$0x80]  }
0x251: {  	v40 =	vld [tilespmem:s18+$0x100]  }
0x252: {  	v41 =	vld [tilespmem:s18+$0x180]  }
0x253: {  	v42 =	vld [tilespmem:s18+$0x200]  }
0x254: {  	v43 =	vld [tilespmem:s18+$0x280]  }
0x255: {  	v46 =	vld [tilespmem:s18+$0x300]  }
0x256: {  	v50 =	vld [tilespmem:s18+$0x380];
	s18 =	sor.u32 s19, s28  }
0x257: {  	v51 =	vld [tilespmem:s18+$0x0];
	s18 =	sor.u32 s19, s30  }
0x258: {  	v52 =	vld [tilespmem:s18+$0x0];
	s18 =	sor.u32 s19, s31  }
0x259: {  	v56 =	vld [tilespmem:s18+$0x0];
	s18 =	sor.u32 s19, s2  }
0x25a: {  	v57 =	vld [tilespmem:s18+$0x0];
	s18 =	sor.u32 s19, s3;
	v16 =	vmul.f32 v16, v0  }
0x25b: {  	v17 =	vmul.f32 v17, v1;
	v28 =	vld [tilespmem:s18+$0x0];
	s18 =	sor.u32 s19, s0;
	v18 =	vmul.f32 v40, v2  }
0x25c: {  	v20 =	vmul.f32 v42, v4;
	v19 =	vmul.f32 v41, v3;
	v29 =	vld [tilespmem:s18+$0x0];
	s18 =	sor.u32 s19, s11  }
0x25d: {  	v21 =	vmul.f32 v43, v5;
	v58 =	vmul.f32 v46, v6;
	v30 =	vld [tilespmem:s18+$0x0];
	s18 =	sor.u32 s19, s16  }
0x25e: {  	v59 =	vmul.f32 v50, v7;
	v61 =	vmul.f32 v51, v8;
	v60 =	vld [tilespmem:s18+$0x0]  }
0x25f: {  	v16 =	vadd.f32 v20, v16;
	v17 =	vadd.f32 v21, v17;
	v62 =	vmul.f32 v52, v9  }
0x260: {  	v18 =	vadd.f32 v58, v18;
	v19 =	vadd.f32 v59, v19;
	v63 =	vmul.f32 v56, v10  }
0x261: {  	v16 =	vadd.f32 v61, v16;
	v17 =	vadd.f32 v62, v17;
	v24 =	vmul.f32 v57, v11  }
0x262: {  	v18 =	vadd.f32 v63, v18;
	v25 =	vmul.f32 v28, v12;
	v26 =	vmul.f32 v29, v13  }
0x263: {  	s18 =	sor.u32 s19, s17;
	v19 =	vadd.f32 v24, v19;
	v27 =	vmul.f32 v30, v14;
	v23 =	vmul.f32 v60, v15  }
0x264: {  	v32 =	vld [tilespmem:s18+$0x0];
	v16 =	vadd.f32 v25, v16;
	v17 =	vadd.f32 v26, v17  }
0x265: {  	v18 =	vadd.f32 v27, v18;
	v19 =	vadd.f32 v23, v19;
	_ =	sdelay $0x1  }
0x266: {  	v16 =	vadd.f32 v17, v16;
	v17 =	vadd.f32 v19, v18;
	_ =	sdelay $0x1  }
0x267: {  	v33 =	vmul.f32 v32, v31;
	v16 =	vadd.f32 v17, v16;
	_ =	sdelay $0x1  }
0x268: {  	v16 =	vadd.f32 v16, v33  }
0x269: {  	s19 =	sor.u32 $0x30, s29  }
0x26a: {  	s26 =	sor.u32 s19, s26;
	[tilespmem:s18+$0x0] =	vst v16  }
0x26b: {  	v16 =	vld [tilespmem:s26+$0x0]  }
0x26c: {  	v17 =	vld [tilespmem:s26+$0x80]  }
0x26d: {  	v34 =	vld [tilespmem:s26+$0x100]  }
0x26e: {  	v35 =	vld [tilespmem:s26+$0x180]  }
0x26f: {  	v36 =	vld [tilespmem:s26+$0x200]  }
0x270: {  	v37 =	vld [tilespmem:s26+$0x280]  }
0x271: {  	v38 =	vld [tilespmem:s26+$0x300]  }
0x272: {  	s29 =	sor.u32 s19, s28;
	v39 =	vld [tilespmem:s26+$0x380]  }
0x273: {  	s30 =	sor.u32 s19, s30;
	v40 =	vld [tilespmem:s29+$0x0]  }
0x274: {  	s2 =	sor.u32 s19, s2;
	v41 =	vld [tilespmem:s30+$0x0]  }
0x275: {  	s28 =	sor.u32 s19, s3;
	v43 =	vld [tilespmem:s2+$0x0]  }
0x276: {  	s0 =	sor.u32 s19, s0;
	v28 =	vld [tilespmem:s28+$0x0];
	v16 =	vmul.f32 v16, v0;
	v17 =	vmul.f32 v17, v1  }
0x277: {  	s26 =	sor.u32 s19, s31;
	v29 =	vld [tilespmem:s0+$0x0];
	v18 =	vmul.f32 v34, v2;
	v20 =	vmul.f32 v36, v4  }
0x278: {  	s29 =	sor.u32 s19, s11;
	v42 =	vld [tilespmem:s26+$0x0];
	v19 =	vmul.f32 v35, v3;
	v21 =	vmul.f32 v37, v5  }
0x279: {  	s30 =	sor.u32 s19, s16;
	v30 =	vld [tilespmem:s29+$0x0];
	v46 =	vmul.f32 v38, v6;
	v50 =	vmul.f32 v39, v7  }
0x27a: {  	v51 =	vld [tilespmem:s30+$0x0];
	v52 =	vmul.f32 v40, v8;
	v56 =	vmul.f32 v41, v9  }
0x27b: {  	v58 =	vmul.f32 v43, v11;
	v59 =	vmul.f32 v28, v12  }
0x27c: {  	v60 =	vmul.f32 v29, v13;
	v16 =	vadd.f32 v20, v16;
	v17 =	vadd.f32 v21, v17  }
0x27d: {  	v57 =	vmul.f32 v42, v10;
	v18 =	vadd.f32 v46, v18;
	v19 =	vadd.f32 v50, v19  }
0x27e: {  	v61 =	vmul.f32 v30, v14;
	v16 =	vadd.f32 v52, v16;
	v17 =	vadd.f32 v56, v17  }
0x27f: {  	s31 =	sor.u32 s19, s17;
	v23 =	vmul.f32 v51, v15;
	v18 =	vadd.f32 v57, v18;
	v19 =	vadd.f32 v58, v19  }
0x280: {  	v62 =	vld [tilespmem:s31+$0x0];
	v16 =	vadd.f32 v59, v16;
	v17 =	vadd.f32 v60, v17  }
0x281: {  	v18 =	vadd.f32 v61, v18;
	v19 =	vadd.f32 v23, v19;
	_ =	sdelay $0x1  }
0x282: {  	v16 =	vadd.f32 v17, v16;
	v17 =	vadd.f32 v19, v18  }
0x283: {  	p0 =	sne.s32 s25, $0x3C0  }
.Ltmp1:
0x284: {  	v63 =	vmul.f32 v62, v31;
	v16 =	vadd.f32 v17, v16;
	(pc) =	sbr.rel @p0 .LBB2_5-.Ltmp1, $3  }
0x285: {  	_ = 	snop  }
0x286: {  	v16 =	vadd.f32 v16, v63;
	_ =	sdelay $0x1  }
0x287: {  	s23 =	sadd.s32 $0x200, s23;
	s24 =	sadd.s32 $0x40, s24;
	s25 =	sadd.s32 $0x40, s25;
	[tilespmem:s31+$0x0] =	vst v16  }
0x288: {  	p0 =	seq.s32 s21, $0x3  }
0x289: {  	_ =	swait.ge [sflag:s15], $0x4000;
	s0 =	sadd.s32 @!p0 s22, s7  }
0x28a: {  	[sflag:s15] =	ssyncset.done $0x0;
	s0 =	sshrl.u32 @!p0 s0, $0x3  }
0x28b: {  	s2 =	simm.s32 @!p0 $0x0;
	[sflag:s15] =	ssyncadd.s32 $0xFFFFC000;
	s0 =	sadd.s32 @!p0 s1, s0  }
0x28c: {  	[tilespmem:s2], [sflag:$0x1] =	stream.linear.gather @!p0 [hbm4b:s0+s2], $0x4000, $0x38;
	[tilespmem:$0x8880] =	vst v63  }
0x28d: {  	v21 =	vld [tilespmem:$0x8240];
	_ =	sdelay $0x4  }
0x28e: {  	[tilespmem:$0x1F860] =	vst v21;
	v21 =	vld [tilespmem:$0x8250];
	_ =	sdelay $0x4  }
0x28f: {  	[tilespmem:$0x1F870] =	vst v21;
	v21 =	vld [tilespmem:$0x8280];
	_ =	sdelay $0x4  }
0x290: {  	[tilespmem:$0x1F8B0] =	vst v21;
	v21 =	vld [tilespmem:$0x8290];
	_ =	sdelay $0x4  }
0x291: {  	[tilespmem:$0x1F8D0] =	vst v21;
	v21 =	vld [tilespmem:$0x82C0];
	_ =	sdelay $0x4  }
0x292: {  	[tilespmem:$0x1F900] =	vst v21;
	v21 =	vld [tilespmem:$0x82D0];
	_ =	sdelay $0x4  }
0x293: {  	[tilespmem:$0x1F920] =	vst v21;
	v21 =	vld [tilespmem:$0x8300];
	_ =	sdelay $0x4  }
0x294: {  	[tilespmem:$0x1F950] =	vst v21;
	v21 =	vld [tilespmem:$0x8310];
	_ =	sdelay $0x4  }
0x295: {  	[tilespmem:$0x1F970] =	vst v21;
	v21 =	vld [tilespmem:$0x8320];
	_ =	sdelay $0x4  }
0x296: {  	[tilespmem:$0x1F990] =	vst v21;
	v21 =	vld [tilespmem:$0x8330];
	_ =	sdelay $0x4  }
0x297: {  	[tilespmem:$0x1F9A0] =	vst v21;
	v21 =	vld [tilespmem:$0x8350];
	_ =	sdelay $0x4  }
0x298: {  	[tilespmem:$0x1F9C0] =	vst v21;
	v21 =	vld [tilespmem:$0x8360];
	_ =	sdelay $0x4  }
0x299: {  	[tilespmem:$0x1F9E0] =	vst v21;
	v21 =	vld [tilespmem:$0x8370];
	_ =	sdelay $0x4  }
0x29a: {  	[tilespmem:$0x1FA00] =	vst v21;
	v21 =	vld [tilespmem:$0x8380]  }
0x29b: {  	v36 =	vld [tilespmem:$0x8000]  }
0x29c: {  	v39 =	vld [tilespmem:$0x8010]  }
0x29d: {  	v40 =	vld [tilespmem:$0x8020]  }
0x29e: {  	v0 =	vld [tilespmem:$0x8030]  }
0x29f: {  	[tilespmem:$0x1FA20] =	vst v21;
	v21 =	vld [tilespmem:$0x8390]  }
0x2a0: {  	v38 =	vld [tilespmem:$0x8040]  }
0x2a1: {  	v1 =	vld [tilespmem:$0x8050]  }
0x2a2: {  	v2 =	vld [tilespmem:$0x8060]  }
0x2a3: {  	v41 =	vld [tilespmem:$0x8070]  }
0x2a4: {  	[tilespmem:$0x1FA30] =	vst v21;
	v21 =	vld [tilespmem:$0x83A0]  }
0x2a5: {  	v3 =	vld [tilespmem:$0x8080]  }
0x2a6: {  	v4 =	vld [tilespmem:$0x8090]  }
0x2a7: {  	v6 =	vld [tilespmem:$0x80A0]  }
0x2a8: {  	v7 =	vld [tilespmem:$0x80B0]  }
0x2a9: {  	[tilespmem:$0x1FA40] =	vst v21;
	v21 =	vld [tilespmem:$0x83B0]  }
0x2aa: {  	v8 =	vld [tilespmem:$0x80C0]  }
0x2ab: {  	v9 =	vld [tilespmem:$0x80D0]  }
0x2ac: {  	v13 =	vld [tilespmem:$0x80E0]  }
0x2ad: {  	v63 =	vld [tilespmem:$0x80F0]  }
0x2ae: {  	[tilespmem:$0x1FA50] =	vst v21;
	v21 =	vld [tilespmem:$0x83C0]  }
0x2af: {  	v10 =	vld [tilespmem:$0x8100]  }
0x2b0: {  	v11 =	vld [tilespmem:$0x8110]  }
0x2b1: {  	v62 =	vld [tilespmem:$0x8120]  }
0x2b2: {  	v61 =	vld [tilespmem:$0x8130]  }
0x2b3: {  	[tilespmem:$0x1FA60] =	vst v21;
	v21 =	vld [tilespmem:$0x83D0]  }
0x2b4: {  	v12 =	vld [tilespmem:$0x8140]  }
0x2b5: {  	v14 =	vld [tilespmem:$0x8150]  }
0x2b6: {  	v60 =	vld [tilespmem:$0x8160]  }
0x2b7: {  	v15 =	vld [tilespmem:$0x8170]  }
0x2b8: {  	[tilespmem:$0x1FA70] =	vst v21;
	v21 =	vld [tilespmem:$0x83E0]  }
0x2b9: {  	v5 =	vld [tilespmem:$0x8180]  }
0x2ba: {  	v16 =	vld [tilespmem:$0x8190]  }
0x2bb: {  	v59 =	vld [tilespmem:$0x81A0]  }
0x2bc: {  	v17 =	vld [tilespmem:$0x81C0]  }
0x2bd: {  	s22 =	simm.s32 $0x0;
	[tilespmem:$0x1FA80] =	vst v21;
	v21 =	vld [tilespmem:$0x83F0]  }
0x2be: {  	s17 =	sand.u32 $0x2000, s22;
	s18 =	sand.u32 $0x380, s22;
	v18 =	vld [tilespmem:$0x8200]  }
0x2bf: {  	s0 =	sor.u32 s18, s17;
	v20 =	vld [tilespmem:$0x8230]  }
0x2c0: {  	v22 =	vld [tilespmem:s0+$0x4C40]  }
0x2c1: {  	v23 =	vld [tilespmem:s0+$0x4C00]  }
0x2c2: {  	[tilespmem:$0x1FA90] =	vst v21;
	v21 =	vld [tilespmem:s0+$0x5840]  }
0x2c3: {  	v24 =	vld [tilespmem:s0+$0x4C10]  }
0x2c4: {  	v25 =	vld [tilespmem:s0+$0x4840]  }
0x2c5: {  	v26 =	vld [tilespmem:s0+$0x4800]  }
0x2c6: {  	v27 =	vld [tilespmem:s0+$0x4440]  }
0x2c7: {  	[tilespmem:$0x1F9B0] =	vst v21;
	v21 =	vld [tilespmem:s0+$0x5850]  }
0x2c8: {  	v28 =	vld [tilespmem:s0+$0x4450]  }
0x2c9: {  	v29 =	vld [tilespmem:s0+$0x4400]  }
0x2ca: {  	v30 =	vld [tilespmem:s0+$0x4040]  }
0x2cb: {  	[tilespmem:$0x1FAA0] =	vst v31;
	v31 =	vld [tilespmem:s0+$0x4000]  }
0x2cc: {  	[tilespmem:$0x1F9D0] =	vst v21;
	v21 =	vld [tilespmem:s0+$0x5860]  }
0x2cd: {  	v32 =	vld [tilespmem:s0+$0x4050]  }
0x2ce: {  	v33 =	vld [tilespmem:s0+$0x4010]  }
0x2cf: {  	v34 =	vld [tilespmem:s0+$0x4020]  }
0x2d0: {  	v35 =	vld [tilespmem:s0+$0x4030]  }
0x2d1: {  	[tilespmem:$0x1F9F0] =	vst v21;
	v21 =	vld [tilespmem:s0+$0x5870]  }
0x2d2: {  	v37 =	vld [tilespmem:s0+$0x4070]  }
0x2d3: {  	[tilespmem:$0x1F7C0] =	vst v16;
	v16 =	vld [tilespmem:$0x81B0]  }
0x2d4: {  	[tilespmem:$0x1F7F0] =	vst v17;
	v17 =	vld [tilespmem:$0x81D0]  }
0x2d5: {  	[tilespmem:$0x1F830] =	vst v18;
	v18 =	vld [tilespmem:$0x8210]  }
0x2d6: {  	[tilespmem:$0x1FA10] =	vst v21;
	v21 =	vld [tilespmem:s0+$0x5800]  }
0x2d7: {  	[tilespmem:$0x1F640] =	vst v36;
	v31 =	vmul.f32 v36, v31;
	v36 =	vld [tilespmem:s0+$0x4060]  }
0x2d8: {  	[tilespmem:$0x1F650] =	vst v38;
	v30 =	vmul.f32 v38, v30;
	v38 =	vld [tilespmem:s0+$0x4410]  }
0x2d9: {  	[tilespmem:$0x1F660] =	vst v39;
	v33 =	vmul.f32 v39, v33;
	v39 =	vld [tilespmem:s0+$0x4420]  }
0x2da: {  	[tilespmem:$0x1F6B0] =	vst v41;
	v37 =	vmul.f32 v41, v37;
	v41 =	vld [tilespmem:s0+$0x4470];
	v31 =	vadd.f32 $0.0e+00, v31  }
0x2db: {  	v32 =	vmul.f32 v1, v32;
	v33 =	vadd.f32 $0.0e+00, v33;
	[tilespmem:$0x1F960] =	vst v21;
	v21 =	vld [tilespmem:s0+$0x5810]  }
0x2dc: {  	v30 =	vadd.f32 v30, v31;
	v31 =	vmul.f32 v40, v34;
	v34 =	vmul.f32 v0, v35;
	v35 =	vld [tilespmem:s0+$0x4430]  }
0x2dd: {  	[tilespmem:$0x1F670] =	vst v40;
	v40 =	vld [tilespmem:s0+$0x4460]  }
0x2de: {  	[tilespmem:$0x1F6D0] =	vst v4;
	v32 =	vadd.f32 v32, v33;
	v33 =	vmul.f32 v4, v38;
	v38 =	vld [tilespmem:s0+$0x4810]  }
0x2df: {  	[tilespmem:$0x1F730] =	vst v63;
	v63 =	vmul.f32 v63, v41;
	v41 =	vld [tilespmem:s0+$0x4C30]  }
0x2e0: {  	[tilespmem:$0x1F980] =	vst v21;
	v21 =	vld [tilespmem:s0+$0x5440]  }
0x2e1: {  	v29 =	vmul.f32 v3, v29;
	[tilespmem:$0x1F800] =	vst v17;
	v4 =	vld [tilespmem:$0x1F830]  }
0x2e2: {  	[tilespmem:$0x1F710] =	vst v9;
	v28 =	vmul.f32 v9, v28;
	v31 =	vadd.f32 $0.0e+00, v31;
	v34 =	vadd.f32 $0.0e+00, v34;
	v9 =	vld [tilespmem:$0x1F800]  }
0x2e3: {  	v36 =	vmul.f32 v2, v36;
	v29 =	vadd.f32 v29, v30;
	v30 =	vadd.f32 v33, v32;
	v33 =	vld [tilespmem:s0+$0x4830]  }
0x2e4: {  	v27 =	vmul.f32 v8, v27;
	v34 =	vadd.f32 v37, v34;
	v37 =	vld [tilespmem:s0+$0x4820]  }
0x2e5: {  	v31 =	vadd.f32 v36, v31;
	v36 =	vmul.f32 v6, v39;
	[tilespmem:$0x1F910] =	vst v21;
	v21 =	vld [tilespmem:s0+$0x5400]  }
0x2e6: {  	v26 =	vmul.f32 v10, v26;
	v27 =	vadd.f32 v27, v29;
	v29 =	vld [tilespmem:s0+$0x4870];
	v39 =	vmul.f32 v7, v35  }
0x2e7: {  	v25 =	vmul.f32 v12, v25;
	v35 =	vld [tilespmem:s0+$0x4850];
	v31 =	vadd.f32 v36, v31  }
0x2e8: {  	[tilespmem:$0x1F6F0] =	vst v7;
	v7 =	vld [tilespmem:$0x1F7F0];
	v26 =	vadd.f32 v26, v27;
	v32 =	vadd.f32 v39, v34;
	v34 =	vmul.f32 v13, v40  }
0x2e9: {  	v28 =	vadd.f32 v28, v30;
	v39 =	vld [tilespmem:s0+$0x4860]  }
0x2ea: {  	v23 =	vmul.f32 v5, v23;
	v25 =	vadd.f32 v25, v26;
	v30 =	vadd.f32 v34, v31;
	[tilespmem:$0x1F8C0] =	vst v21;
	v21 =	vld [tilespmem:s0+$0x5050]  }
0x2eb: {  	[tilespmem:$0x1F760] =	vst v62;
	v31 =	vadd.f32 v63, v32;
	v63 =	vmul.f32 v11, v38;
	v27 =	vmul.f32 v62, v37;
	v62 =	vld [tilespmem:$0x1F7C0]  }
0x2ec: {  	v40 =	vld [tilespmem:s0+$0x4C20];
	v33 =	vmul.f32 v61, v33  }
0x2ed: {  	v38 =	vld [tilespmem:s0+$0x4C50];
	v37 =	vmul.f32 v14, v35;
	v23 =	vadd.f32 v23, v25;
	v28 =	vadd.f32 v63, v28  }
0x2ee: {  	v25 =	vld [tilespmem:s0+$0x5030];
	v27 =	vadd.f32 v27, v30;
	v30 =	vadd.f32 v33, v31;
	v31 =	vmul.f32 v60, v39  }
0x2ef: {  	v26 =	vadd.f32 v37, v28;
	v28 =	vmul.f32 v15, v29;
	[tilespmem:$0x1F880] =	vst v21;
	v21 =	vld [tilespmem:s0+$0x5000]  }
0x2f0: {  	v27 =	vadd.f32 v31, v27;
	v24 =	vmul.f32 v62, v24;
	v31 =	vld [tilespmem:s0+$0x5010]  }
0x2f1: {  	[tilespmem:$0x1F7A0] =	vst v60;
	v60 =	vld [tilespmem:$0x1F870];
	v28 =	vadd.f32 v28, v30;
	v30 =	vmul.f32 v59, v40;
	v40 =	vmul.f32 v16, v41  }
0x2f2: {  	[tilespmem:$0x1F680] =	vst v0;
	v22 =	vmul.f32 v7, v22;
	v24 =	vadd.f32 v24, v26;
	v0 =	vld [tilespmem:$0x1F880]  }
0x2f3: {  	v58 =	vld [tilespmem:$0x81E0];
	v26 =	vadd.f32 v30, v27;
	v27 =	vadd.f32 v40, v28;
	v28 =	vmul.f32 v9, v38  }
0x2f4: {  	v19 =	vld [tilespmem:$0x8220];
	v22 =	vadd.f32 v22, v23;
	v21 =	vmul.f32 v4, v21  }
0x2f5: {  	v42 =	vld [tilespmem:$0x8260];
	v24 =	vadd.f32 v28, v24;
	v28 =	vmul.f32 v18, v31  }
0x2f6: {  	[tilespmem:$0x1F6E0] =	vst v6;
	v6 =	vld [tilespmem:$0x1F8B0];
	v21 =	vadd.f32 v21, v22  }
0x2f7: {  	[tilespmem:$0x1F850] =	vst v20;
	v22 =	vadd.f32 v28, v24;
	v24 =	vmul.f32 v20, v25;
	v20 =	vmul.f32 v60, v0;
	v0 =	vld [tilespmem:$0x1F8C0]  }
0x2f8: {  	v57 =	vld [tilespmem:$0x8270]  }
0x2f9: {  	v17 =	vld [tilespmem:$0x81F0]  }
0x2fa: {  	v29 =	vld [tilespmem:s0+$0x4C70]  }
0x2fb: {  	v38 =	vld [tilespmem:$0x1F900]  }
0x2fc: {  	[tilespmem:$0x1FAC0] =	vst v18;
	v18 =	vmul.f32 v6, v0;
	v0 =	vld [tilespmem:$0x1F910]  }
0x2fd: {  	v43 =	vld [tilespmem:$0x82A0]  }
0x2fe: {  	v46 =	vld [tilespmem:$0x82B0]  }
0x2ff: {  	v50 =	vld [tilespmem:$0x82E0]  }
0x300: {  	[tilespmem:$0x1F690] =	vst v1;
	v1 =	vld [tilespmem:$0x1F960]  }
0x301: {  	[tilespmem:$0x1F820] =	vst v17;
	v29 =	vmul.f32 v17, v29;
	v17 =	vmul.f32 v38, v0;
	v0 =	vld [tilespmem:$0x1F950]  }
0x302: {  	v51 =	vld [tilespmem:$0x8340]  }
0x303: {  	v56 =	vld [tilespmem:s0+$0x5040]  }
0x304: {  	v39 =	vld [tilespmem:s0+$0x4C60]  }
0x305: {  	[tilespmem:$0x1F700] =	vst v8;
	v8 =	vld [tilespmem:$0x1F970]  }
0x306: {  	[tilespmem:$0x1F7B0] =	vst v15;
	v15 =	vmul.f32 v0, v1;
	v1 =	vld [tilespmem:$0x1F980]  }
0x307: {  	v41 =	vld [tilespmem:s0+$0x5020]  }
0x308: {  	[tilespmem:$0x1F6C0] =	vst v3;
	v3 =	vld [tilespmem:$0x1F860]  }
0x309: {  	[tilespmem:$0x1F7D0] =	vst v59;
	v59 =	vld [tilespmem:s0+$0x5070]  }
0x30a: {  	v30 =	vld [tilespmem:s0+$0x5060];
	v23 =	vmul.f32 v58, v39  }
0x30b: {  	[tilespmem:$0x1F7E0] =	vst v16;
	v16 =	vmul.f32 v8, v1;
	v1 =	vld [tilespmem:$0x1F9B0]  }
0x30c: {  	v23 =	vadd.f32 v23, v26;
	v26 =	vadd.f32 v29, v27;
	v27 =	vmul.f32 v19, v41;
	v29 =	vld [tilespmem:s0+$0x5420]  }
0x30d: {  	[tilespmem:$0x1F6A0] =	vst v2;
	v25 =	vld [tilespmem:s0+$0x5430]  }
0x30e: {  	[tilespmem:$0x1F840] =	vst v19;
	v19 =	vmul.f32 v3, v56;
	v23 =	vadd.f32 v27, v23;
	v2 =	vld [tilespmem:$0x1F9C0]  }
0x30f: {  	v28 =	vmul.f32 v57, v59;
	v24 =	vadd.f32 v24, v26;
	v26 =	vmul.f32 v42, v30;
	v30 =	vld [tilespmem:s0+$0x5460]  }
0x310: {  	[tilespmem:$0x1F790] =	vst v14;
	v19 =	vadd.f32 v19, v21;
	v20 =	vadd.f32 v20, v22;
	v14 =	vmul.f32 v51, v1;
	v1 =	vld [tilespmem:$0x1F9D0]  }
0x311: {  	v52 =	vld [tilespmem:$0x82F0];
	v22 =	vadd.f32 v26, v23;
	v23 =	vadd.f32 v28, v24  }
0x312: {  	v39 =	vld [tilespmem:$0x1F8D0];
	v25 =	vmul.f32 v46, v25;
	v18 =	vadd.f32 v18, v19;
	v19 =	vmul.f32 v43, v29  }
0x313: {  	v31 =	vld [tilespmem:s0+$0x5410]  }
0x314: {  	v19 =	vadd.f32 v19, v22;
	v22 =	vadd.f32 v25, v23;
	v23 =	vmul.f32 v50, v30;
	v30 =	vld [tilespmem:$0x1F9E0]  }
0x315: {  	[tilespmem:$0x1F720] =	vst v13;
	v13 =	vmul.f32 v2, v1;
	v1 =	vld [tilespmem:$0x1F9F0]  }
0x316: {  	v27 =	vld [tilespmem:s0+$0x5450]  }
0x317: {  	[tilespmem:$0x1F8F0] =	vst v46;
	v46 =	vld [tilespmem:$0x1F920]  }
0x318: {  	[tilespmem:$0x1FAE0] =	vst v5;
	v5 =	vld [tilespmem:$0x1FA10]  }
0x319: {  	v21 =	vld [tilespmem:s0+$0x5470]  }
0x31a: {  	s19 =	sand.u32 $0x7, s22;
	[tilespmem:$0x1F740] =	vst v10;
	v24 =	vmul.f32 v39, v31;
	v10 =	vmul.f32 v30, v1;
	v1 =	vld [tilespmem:$0x1FA00]  }
0x31b: {  	s2 =	sshll.u32 s19, $0x7  }
0x31c: {  	s2 =	sadd.s32 $0x0, s2;
	v20 =	vadd.f32 v24, v20;
	v24 =	vmul.f32 v46, v27  }
0x31d: {  	s24 =	sor.u32 $0x1C00, s2  }
0x31e: {  	v17 =	vadd.f32 v17, v18;
	v18 =	vadd.f32 v24, v20;
	v20 =	vmul.f32 v52, v21;
	v21 =	vld [tilespmem:s24+$0x4000]  }
0x31f: {  	[tilespmem:$0x1F780] =	vst v12;
	v12 =	vmul.f32 v1, v5;
	v5 =	vld [tilespmem:$0x1FA20];
	_ =	sdelay $0x1  }
0x320: {  	[tilespmem:$0x1F750] =	vst v11;
	v11 =	vld [tilespmem:$0x1F990]  }
0x321: {  	s25 =	sor.u32 $0x1C10, s2;
	v26 =	vld [tilespmem:s0+$0x5820];
	v16 =	vadd.f32 v16, v18  }
0x322: {  	v19 =	vadd.f32 v23, v19;
	v23 =	vld [tilespmem:s25+$0x4000]  }
0x323: {  	v13 =	vadd.f32 v13, v16;
	v16 =	vmul.f32 v5, v21;
	v5 =	vld [tilespmem:$0x1FA30];
	_ =	sdelay $0x2  }
0x324: {  	s26 =	sor.u32 $0x1C20, s2  }
0x325: {  	v20 =	vadd.f32 v20, v22;
	v22 =	vmul.f32 v11, v26;
	v26 =	vld [tilespmem:s26+$0x4000]  }
0x326: {  	v21 =	vmul.f32 v5, v23;
	v5 =	vld [tilespmem:$0x1FA40];
	_ =	sdelay $0x2  }
0x327: {  	s29 =	sor.u32 $0x1C30, s2;
	v18 =	vadd.f32 v22, v19  }
0x328: {  	v15 =	vadd.f32 v15, v17;
	v17 =	vld [tilespmem:s29+$0x4000]  }
0x329: {  	v10 =	vadd.f32 v10, v18;
	v18 =	vmul.f32 v5, v26;
	v5 =	vld [tilespmem:$0x1FA50];
	_ =	sdelay $0x2  }
0x32a: {  	s3 =	sor.u32 $0x1C40, s2;
	v14 =	vadd.f32 v14, v15  }
0x32b: {  	v27 =	vld [tilespmem:s3+$0x4000]  }
0x32c: {  	v14 =	vadd.f32 v16, v14;
	v16 =	vmul.f32 v5, v17;
	v5 =	vld [tilespmem:$0x1FA60]  }
0x32d: {  	v63 =	vld [tilespmem:$0x1F9A0]  }
0x32e: {  	v28 =	vld [tilespmem:s0+$0x5830]  }
0x32f: {  	s23 =	sor.u32 $0x1C50, s2  }
0x330: {  	v25 =	vld [tilespmem:s23+$0x4000]  }
0x331: {  	v10 =	vadd.f32 v18, v10;
	v18 =	vmul.f32 v5, v27;
	v5 =	vld [tilespmem:$0x1FA70];
	_ =	sdelay $0x1  }
0x332: {  	v24 =	vmul.f32 v63, v28  }
0x333: {  	s30 =	sor.u32 $0x1C60, s2  }
0x334: {  	v19 =	vadd.f32 v24, v20;
	v20 =	vld [tilespmem:s30+$0x4000]  }
0x335: {  	v13 =	vadd.f32 v21, v13;
	v21 =	vmul.f32 v5, v25;
	v5 =	vld [tilespmem:$0x1FA80];
	_ =	sdelay $0x2  }
0x336: {  	s2 =	sor.u32 $0x1C70, s2;
	s23 =	simm.s32 $0x400;
	s26 =	simm.s32 $0x80;
	v12 =	vadd.f32 v12, v19  }
0x337: {  	s31 =	sand.u32 $0x2000, s23;
	s11 =	sand.u32 $0x380, s26;
	v15 =	vld [tilespmem:s2+$0x4000]  }
0x338: {  	s25 =	sor.u32 s11, s31;
	v12 =	vadd.f32 v16, v12;
	v16 =	vmul.f32 v5, v20;
	v5 =	vld [tilespmem:$0x1FA90]  }
0x339: {  	v28 =	vld [tilespmem:s25+$0x5410]  }
0x33a: {  	[tilespmem:$0x1F890] =	vst v42;
	v42 =	vld [tilespmem:s25+$0x5040]  }
0x33b: {  	v40 =	vld [tilespmem:s25+$0x5050]  }
0x33c: {  	v29 =	vld [tilespmem:s25+$0x5000]  }
0x33d: {  	v41 =	vld [tilespmem:s25+$0x5010];
	v15 =	vmul.f32 v5, v15  }
0x33e: {  	[tilespmem:$0x1F930] =	vst v50;
	v50 =	vld [tilespmem:s25+$0x4C40];
	v14 =	vadd.f32 v18, v14;
	v13 =	vadd.f32 v21, v13  }
0x33f: {  	[tilespmem:$0x1F8E0] =	vst v43;
	v43 =	vld [tilespmem:s25+$0x4C50];
	v10 =	vadd.f32 v16, v10;
	v12 =	vadd.f32 v15, v12  }
0x340: {  	[tilespmem:$0x1F940] =	vst v52;
	v52 =	vld [tilespmem:s25+$0x4C10]  }
0x341: {  	v32 =	vld [tilespmem:s25+$0x4840];
	v13 =	vadd.f32 v13, v14;
	v10 =	vadd.f32 v12, v10  }
0x342: {  	v33 =	vld [tilespmem:s25+$0x4850]  }
0x343: {  	v34 =	vld [tilespmem:s25+$0x4800];
	v10 =	vadd.f32 v10, v13  }
0x344: {  	v35 =	vld [tilespmem:s25+$0x4810]  }
0x345: {  	v36 =	vld [tilespmem:s25+$0x4440];
	v12 =	vperm.xlane v10, v47  }
0x346: {  	v19 =	vld [tilespmem:s25+$0x5850]  }
0x347: {  	v17 =	vld [tilespmem:s25+$0x5860];
	v10 =	vadd.f32 v10, v12  }
0x348: {  	v18 =	vld [tilespmem:s25+$0x5810]  }
0x349: {  	v20 =	vld [tilespmem:s25+$0x5800];
	v12 =	vperm.xlane v10, v48  }
0x34a: {  	v5 =	vld [tilespmem:$0x1FAA0]  }
0x34b: {  	v10 =	vadd.f32 v10, v12;
	v12 =	vld [tilespmem:$0x1FB60]  }
0x34c: {  	v37 =	vld [tilespmem:s25+$0x4450]  }
0x34d: {  	v22 =	vld [tilespmem:s25+$0x5840];
	v13 =	vperm.xlane v10, v49  }
0x34e: {  	v24 =	vld [tilespmem:s25+$0x5830];
	v14 =	vmul.f32 v2, v19  }
0x34f: {  	v10 =	vadd.f32 v10, v13;
	v13 =	vmul.f32 v30, v17;
	v17 =	vmul.f32 v8, v18;
	v18 =	vld [tilespmem:$0x1FB40]  }
0x350: {  	v16 =	vmul.f32 v0, v20;
	v31 =	vmul.f32 v5, v12;
	v5 =	vmovc v2;
	v2 =	vmovc v0;
	v0 =	vmov v8;
	v8 =	vld [tilespmem:$0x1FB30]  }
0x351: {  	v23 =	vld [tilespmem:s25+$0x5870]  }
0x352: {  	v26 =	vld [tilespmem:s25+$0x5450]  }
0x353: {  	v27 =	vld [tilespmem:s25+$0x5400]  }
0x354: {  	v25 =	vld [tilespmem:s25+$0x5440]  }
0x355: {  	[tilespmem:$0x1F8A0] =	vst v57;
	v57 =	vmovc v30;
	v21 =	vld [tilespmem:s25+$0x5820];
	v19 =	vmul.f32 v63, v24;
	v24 =	vmov s22;
	v30 =	vadd.f32 v8, v18  }
0x356: {  	vm1 =	veq.s32 v24, v45;
	v24 =	vmul.f32 v3, v42;
	v42 =	vld [tilespmem:s25+$0x4000]  }
0x357: {  	[tilespmem:$0x1F770] =	vst v61;
	v15 =	vmul.f32 v1, v23;
	v47 =	vld [tilespmem:s25+$0x4C00];
	v30 =	vadd.f32 v30, v31  }
0x358: {  	[tilespmem:$0x1F810] =	vst v58;
	v23 =	vmul.f32 v39, v28;
	v20 =	vperm.xlane v10, v44;
	v8 =	vld [tilespmem:$0x1FAC0]  }
0x359: {  	v12 =	vmul.f32 v51, v22;
	v22 =	vmul.f32 v6, v27;
	[tilespmem:$0x1FAD0] =	vst v30;
	v30 =	vld [tilespmem:$0x1FAE0]  }
0x35a: {  	v58 =	vmovc v39;
	v39 =	vld [tilespmem:s25+$0x4410];
	v10 =	vadd.f32 v10, v20;
	v20 =	vmul.f32 v38, v25;
	v25 =	vmul.f32 v60, v40  }
0x35b: {  	[tilespmem:$0x1FAB0] =	vst v51;
	v61 =	vmovc v38;
	v56 =	vmovc v11;
	v28 =	vimm.f32 $0.0e+00;
	v38 =	vld [tilespmem:s25+$0x4400];
	v18 =	vmul.f32 v11, v21;
	v21 =	vmul.f32 v46, v26  }
0x35c: {  	v59 =	vmovc v6;
	v40 =	vld [tilespmem:s25+$0x4040];
	v26 =	vmul.f32 v4, v29;
	v10 =	vsel vm1, v10, v28;
	v28 =	vmul.f32 v7, v50  }
0x35d: {  	v6 =	vmovc v3;
	v3 =	vmovc v4;
	v11 =	vmov v63;
	v29 =	vmul.f32 v9, v43;
	v43 =	vld [tilespmem:s25+$0x4010];
	v31 =	vmul.f32 v62, v52  }
0x35e: {  	s28 =	simm.s32 $0x2;
	s24 =	simm.s32 $0x1;
	v63 =	vmovc v46;
	v4 =	vmovc v8;
	v27 =	vmul.f32 v8, v41;
	v41 =	vld [tilespmem:s25+$0x4050];
	v8 =	vmov v30;
	v30 =	vmul.f32 v30, v47  }
.LBB2_7:
0x35f: {  	v52 =	vld [tilespmem:$0x1F6D0]  }
0x360: {  	v49 =	vld [tilespmem:$0x1F790]  }
0x361: {  	v44 =	vld [tilespmem:s25+$0x4020]  }
0x362: {  	v45 =	vld [tilespmem:$0x1F780]  }
0x363: {  	v46 =	vld [tilespmem:$0x1F740]  }
0x364: {  	v39 =	vmul.f32 v52, v39;
	v52 =	vld [tilespmem:$0x1F650]  }
0x365: {  	v33 =	vmul.f32 v49, v33;
	v49 =	vld [tilespmem:$0x1F640]  }
0x366: {  	v50 =	vld [tilespmem:$0x1F750]  }
0x367: {  	v47 =	vld [tilespmem:$0x1F700]  }
0x368: {  	v48 =	vld [tilespmem:$0x1F6C0]  }
0x369: {  	v51 =	vld [tilespmem:$0x1F710]  }
0x36a: {  	v40 =	vmul.f32 v52, v40;
	v52 =	vld [tilespmem:$0x1F690];
	v42 =	vmul.f32 v49, v42  }
0x36b: {  	v32 =	vmul.f32 v45, v32;
	v45 =	vld [tilespmem:s25+$0x4030]  }
0x36c: {  	v34 =	vmul.f32 v46, v34;
	v46 =	vld [tilespmem:s25+$0x4060];
	v42 =	vadd.f32 $0.0e+00, v42  }
0x36d: {  	v38 =	vmul.f32 v48, v38;
	v48 =	vld [tilespmem:s25+$0x4420]  }
0x36e: {  	v40 =	vadd.f32 v40, v42;
	v42 =	vld [tilespmem:$0x1F6E0]  }
0x36f: {  	v41 =	vmul.f32 v52, v41;
	v52 =	vld [tilespmem:$0x1F660]  }
0x370: {  	v35 =	vmul.f32 v50, v35;
	v50 =	vld [tilespmem:$0x1F670]  }
0x371: {  	v36 =	vmul.f32 v47, v36;
	v47 =	vld [tilespmem:s25+$0x4070]  }
0x372: {  	v37 =	vmul.f32 v51, v37;
	v51 =	vld [tilespmem:$0x1F6A0]  }
0x373: {  	v49 =	vld [tilespmem:s25+$0x4430];
	v38 =	vadd.f32 v38, v40  }
0x374: {  	v42 =	vmul.f32 v42, v48;
	v48 =	vld [tilespmem:$0x1F6F0];
	v43 =	vmul.f32 v52, v43  }
0x375: {  	v44 =	vmul.f32 v50, v44;
	v50 =	vld [tilespmem:s25+$0x4460];
	v36 =	vadd.f32 v36, v38  }
0x376: {  	v52 =	vld [tilespmem:$0x1F680];
	v43 =	vadd.f32 $0.0e+00, v43  }
0x377: {  	v46 =	vmul.f32 v51, v46;
	v51 =	vld [tilespmem:s25+$0x4470];
	v44 =	vadd.f32 $0.0e+00, v44;
	v34 =	vadd.f32 v34, v36  }
0x378: {  	v41 =	vadd.f32 v41, v43;
	v43 =	vld [tilespmem:s25+$0x4830]  }
0x379: {  	v44 =	vadd.f32 v46, v44;
	v32 =	vadd.f32 v32, v34;
	v46 =	vmul.f32 v48, v49;
	v49 =	vld [tilespmem:$0x1F720]  }
0x37a: {  	v48 =	vld [tilespmem:$0x1F730]  }
0x37b: {  	v30 =	vadd.f32 v30, v32;
	v45 =	vmul.f32 v52, v45;
	v52 =	vld [tilespmem:$0x1F6B0]  }
0x37c: {  	v39 =	vadd.f32 v39, v41;
	v41 =	vld [tilespmem:s25+$0x4870]  }
0x37d: {  	v28 =	vadd.f32 v28, v30;
	v30 =	vld [tilespmem:$0x1F840]  }
0x37e: {  	v37 =	vadd.f32 v37, v39;
	v39 =	vld [tilespmem:s25+$0x4C30]  }
0x37f: {  	v26 =	vadd.f32 v26, v28;
	v28 =	vld [tilespmem:$0x1F890]  }
0x380: {  	v40 =	vmul.f32 v49, v50;
	v49 =	vld [tilespmem:$0x1F760]  }
0x381: {  	v47 =	vmul.f32 v52, v47;
	v52 =	vld [tilespmem:s25+$0x4820]  }
0x382: {  	v42 =	vadd.f32 v42, v44;
	v35 =	vadd.f32 v35, v37;
	v37 =	vld [tilespmem:s25+$0x4C70]  }
0x383: {  	v45 =	vadd.f32 $0.0e+00, v45;
	v24 =	vadd.f32 v24, v26;
	v26 =	vld [tilespmem:$0x1F8E0]  }
0x384: {  	v40 =	vadd.f32 v40, v42;
	v42 =	vld [tilespmem:s25+$0x5020]  }
0x385: {  	s22 =	sadd.s32 $0x1, s22;
	v45 =	vadd.f32 v47, v45;
	v47 =	vld [tilespmem:s25+$0x4860]  }
0x386: {  	s0 =	sand.u32 $0x7, s22;
	v33 =	vadd.f32 v33, v35;
	v35 =	vld [tilespmem:s25+$0x5030]  }
0x387: {  	s0 =	sshll.u32 s0, $0x7;
	v22 =	vadd.f32 v22, v24;
	v24 =	vld [tilespmem:$0x1F930]  }
0x388: {  	s0 =	sadd.s32 s0, s23;
	v44 =	vadd.f32 v46, v45;
	v46 =	vld [tilespmem:s25+$0x4C20]  }
0x389: {  	s29 =	sor.u32 $0x1C30, s0;
	v45 =	vmul.f32 v48, v51;
	v48 =	vld [tilespmem:$0x1F7B0]  }
0x38a: {  	v20 =	vadd.f32 v20, v22;
	v22 =	vld [tilespmem:s29+$0x4000]  }
0x38b: {  	v38 =	vmul.f32 v49, v52;
	v52 =	vld [tilespmem:$0x1F770]  }
0x38c: {  	v49 =	vld [tilespmem:$0x1F7D0]  }
0x38d: {  	v31 =	vadd.f32 v31, v33;
	v51 =	vadd.f32 v45, v44;
	v44 =	vld [tilespmem:s25+$0x4C60]  }
0x38e: {  	v45 =	vld [tilespmem:$0x1F7A0]  }
0x38f: {  	v29 =	vadd.f32 v29, v31;
	v31 =	vld [tilespmem:s25+$0x5430]  }
0x390: {  	v30 =	vmul.f32 v30, v42;
	v42 =	vld [tilespmem:s25+$0x5460]  }
0x391: {  	v43 =	vmul.f32 v52, v43;
	v52 =	vld [tilespmem:$0x1F7E0]  }
0x392: {  	v34 =	vmul.f32 v49, v46;
	v46 =	vld [tilespmem:$0x1F810]  }
0x393: {  	v41 =	vmul.f32 v48, v41;
	v49 =	vld [tilespmem:$0x1F820];
	v36 =	vmul.f32 v45, v47;
	v47 =	vadd.f32 v43, v51  }
0x394: {  	v38 =	vadd.f32 v38, v40;
	v45 =	vld [tilespmem:s25+$0x5060]  }
0x395: {  	v51 =	vadd.f32 v41, v47;
	v41 =	vld [tilespmem:$0x1F850]  }
0x396: {  	v36 =	vadd.f32 v36, v38;
	v47 =	vld [tilespmem:s25+$0x5070];
	v39 =	vmul.f32 v52, v39  }
0x397: {  	v32 =	vmul.f32 v46, v44;
	v44 =	vld [tilespmem:$0x1F8A0]  }
0x398: {  	v34 =	vadd.f32 v34, v36;
	v37 =	vmul.f32 v49, v37;
	v46 =	vld [tilespmem:$0x1F8F0];
	v48 =	vadd.f32 v39, v51  }
0x399: {  	v16 =	vadd.f32 v16, v20;
	v51 =	vld [tilespmem:s25+$0x5420]  }
0x39a: {  	v20 =	vld [tilespmem:$0x1FA20];
	v32 =	vadd.f32 v32, v34;
	v52 =	vadd.f32 v37, v48;
	v35 =	vmul.f32 v41, v35  }
0x39b: {  	v27 =	vadd.f32 v27, v29;
	v29 =	vld [tilespmem:s25+$0x5470];
	v12 =	vadd.f32 v12, v16;
	v28 =	vmul.f32 v28, v45  }
0x39c: {  	s3 =	sor.u32 $0x1C00, s0;
	v16 =	vld [tilespmem:$0x1FA40];
	v30 =	vadd.f32 v30, v32;
	v33 =	vmul.f32 v44, v47;
	v43 =	vadd.f32 v35, v52  }
0x39d: {  	s18 =	sor.u32 $0x1C50, s0;
	v25 =	vadd.f32 v25, v27;
	v31 =	vmul.f32 v46, v31;
	v47 =	vld [tilespmem:s3+$0x4000]  }
0x39e: {  	s19 =	sor.u32 $0x1C10, s0;
	v27 =	vld [tilespmem:s18+$0x4000];
	v28 =	vadd.f32 v28, v30;
	v26 =	vmul.f32 v26, v51;
	v30 =	vadd.f32 v33, v43  }
0x39f: {  	v23 =	vadd.f32 v23, v25;
	v25 =	vld [tilespmem:s19+$0x4000]  }
0x3a0: {  	v26 =	vadd.f32 v26, v28;
	v28 =	vadd.f32 v31, v30;
	v30 =	vld [tilespmem:$0x1F940]  }
0x3a1: {  	s2 =	sor.u32 $0x1C40, s0;
	v24 =	vmul.f32 v24, v42;
	v21 =	vadd.f32 v21, v23;
	v23 =	vld [tilespmem:$0x1FA60]  }
0x3a2: {  	s30 =	sor.u32 $0x1C60, s0;
	v45 =	vld [tilespmem:s2+$0x4000];
	s25 =	sor.u32 $0x1C20, s0;
	s0 =	sor.u32 $0x1C70, s0;
	v20 =	vmul.f32 v20, v47  }
0x3a3: {  	v17 =	vadd.f32 v17, v21;
	v21 =	vld [tilespmem:s0+$0x4000];
	v24 =	vadd.f32 v24, v26  }
0x3a4: {  	v12 =	vadd.f32 v20, v12;
	v20 =	vld [tilespmem:$0x1FA80]  }
0x3a5: {  	v18 =	vadd.f32 v18, v24;
	v24 =	vld [tilespmem:$0x1FA30];
	v29 =	vmul.f32 v30, v29  }
0x3a6: {  	s26 =	sadd.s32 $0x80, s26;
	s23 =	sadd.s32 $0x400, s23;
	v30 =	vld [tilespmem:s25+$0x4000]  }
0x3a7: {  	s11 =	sand.u32 $0x380, s26;
	s31 =	sand.u32 $0x2000, s23;
	v26 =	vadd.f32 v29, v28;
	v28 =	vld [tilespmem:$0x1FA70]  }
0x3a8: {  	v23 =	vmul.f32 v23, v45;
	s25 =	sor.u32 s11, s31;
	v13 =	vadd.f32 v13, v18;
	v18 =	vld [tilespmem:$0x1FA50]  }
0x3a9: {  	v14 =	vadd.f32 v14, v17;
	v17 =	vld [tilespmem:s25+$0x5860]  }
0x3aa: {  	v12 =	vadd.f32 v23, v12;
	v23 =	vld [tilespmem:s25+$0x5440]  }
0x3ab: {  	v31 =	vld [tilespmem:s25+$0x5000];
	v16 =	vmul.f32 v16, v30  }
0x3ac: {  	v27 =	vmul.f32 v28, v27;
	v28 =	vld [tilespmem:s30+$0x4000]  }
0x3ad: {  	v13 =	vadd.f32 v16, v13;
	v16 =	vld [tilespmem:$0x1FA90]  }
0x3ae: {  	v42 =	vld [tilespmem:s25+$0x5010];
	v19 =	vadd.f32 v19, v26  }
0x3af: {  	v43 =	vld [tilespmem:s25+$0x4C40];
	v24 =	vmul.f32 v24, v25  }
0x3b0: {  	v48 =	vld [tilespmem:s25+$0x4C50];
	v18 =	vmul.f32 v18, v22;
	v15 =	vadd.f32 v15, v19  }
0x3b1: {  	v49 =	vld [tilespmem:s25+$0x4C00];
	v14 =	vadd.f32 v24, v14  }
0x3b2: {  	v51 =	vld [tilespmem:s25+$0x4C10];
	v15 =	vadd.f32 v18, v15;
	v20 =	vmul.f32 v20, v28;
	v16 =	vmul.f32 v16, v21  }
0x3b3: {  	v32 =	vld [tilespmem:s25+$0x4840];
	v14 =	vadd.f32 v27, v14  }
0x3b4: {  	v33 =	vld [tilespmem:s25+$0x4850];
	v13 =	vadd.f32 v20, v13;
	v15 =	vadd.f32 v16, v15  }
0x3b5: {  	v34 =	vld [tilespmem:s25+$0x4800]  }
0x3b6: {  	v35 =	vld [tilespmem:s25+$0x4810];
	v12 =	vadd.f32 v14, v12;
	v13 =	vadd.f32 v15, v13  }
0x3b7: {  	v36 =	vld [tilespmem:s25+$0x4440]  }
0x3b8: {  	v37 =	vld [tilespmem:s25+$0x4450];
	v12 =	vadd.f32 v13, v12  }
0x3b9: {  	v29 =	vld [tilespmem:s25+$0x5840]  }
0x3ba: {  	v25 =	vld [tilespmem:s25+$0x5850];
	v13 =	vperm.xlane v12, v53  }
0x3bb: {  	v22 =	vld [tilespmem:s25+$0x5800]  }
0x3bc: {  	v24 =	vld [tilespmem:s25+$0x5450];
	v12 =	vadd.f32 v12, v13  }
0x3bd: {  	v18 =	vld [tilespmem:s25+$0x5810]  }
0x3be: {  	v19 =	vld [tilespmem:s25+$0x5870];
	v13 =	vperm.xlane v12, v54  }
0x3bf: {  	v27 =	vld [tilespmem:s25+$0x5410]  }
0x3c0: {  	v20 =	vld [tilespmem:s25+$0x5830];
	v15 =	vadd.f32 v12, v13  }
0x3c1: {  	v12 =	vld [tilespmem:$0x1FAB0];
	v13 =	vmul.f32 v57, v17  }
0x3c2: {  	v17 =	vmul.f32 v0, v18;
	v18 =	vld [tilespmem:$0x1FFF0];
	v16 =	vperm.xlane v15, v55  }
0x3c3: {  	v14 =	vmul.f32 v5, v25;
	v21 =	vld [tilespmem:s25+$0x5820]  }
0x3c4: {  	v28 =	vld [tilespmem:s25+$0x5040];
	v25 =	vadd.f32 v15, v16;
	v16 =	vmul.f32 v2, v22;
	v15 =	vmul.f32 v1, v19  }
0x3c5: {  	v26 =	vld [tilespmem:s25+$0x5400];
	v19 =	vmul.f32 v11, v20;
	v20 =	vmul.f32 v61, v23  }
0x3c6: {  	v30 =	vld [tilespmem:s25+$0x5050];
	v23 =	vmul.f32 v58, v27;
	v27 =	vmul.f32 v4, v42  }
0x3c7: {  	p0 =	sne.s32 s28, $0xF;
	v50 =	vlaneseq.u32;
	v38 =	vld [tilespmem:s25+$0x4400];
	v12 =	vmul.f32 v12, v29;
	v22 =	vperm.xlane v25, v18  }
.Ltmp2:
0x3c8: {  	v39 =	vld [tilespmem:s25+$0x4410];
	v29 =	vmov s24;
	v18 =	vmul.f32 v56, v21;
	v21 =	vmul.f32 v63, v24;
	(pc) =	sbr.rel @p0 .LBB2_7-.Ltmp2, $4  }
0x3c9: {  	v40 =	vld [tilespmem:s25+$0x4040];
	vm1 =	veq.s32 v29, v50;
	v24 =	vmul.f32 v6, v28;
	v28 =	vmul.f32 v7, v43  }
0x3ca: {  	v41 =	vld [tilespmem:s25+$0x4050];
	v29 =	vmul.f32 v9, v48;
	v52 =	vadd.f32 v25, v22;
	v22 =	vmul.f32 v59, v26  }
0x3cb: {  	v42 =	vld [tilespmem:s25+$0x4000];
	v25 =	vmul.f32 v60, v30;
	v26 =	vmul.f32 v3, v31  }
0x3cc: {  	s24 =	smov.u32 s28;
	s28 =	sadd.s32 $0x1, s28;
	v43 =	vld [tilespmem:s25+$0x4010];
	v30 =	vmul.f32 v8, v49;
	v31 =	vmul.f32 v62, v51;
	v10 =	vsel vm1, v52, v10  }
0x3cd: {  	v0 =	vld [tilespmem:$0x1F780];
	_ =	sdelay $0x4  }
0x3ce: {  	v2 =	vmul.f32 v0, v32;
	v0 =	vld [tilespmem:$0x1F790]  }
0x3cf: {  	v44 =	vld [tilespmem:s25+$0x4020]  }
0x3d0: {  	v1 =	vld [tilespmem:$0x1F740]  }
0x3d1: {  	v63 =	vld [tilespmem:s25+$0x4030]  }
0x3d2: {  	v52 =	vld [tilespmem:s25+$0x4060]  }
0x3d3: {  	v3 =	vmul.f32 v0, v33;
	v0 =	vld [tilespmem:$0x1F750]  }
0x3d4: {  	v56 =	vld [tilespmem:$0x1F690]  }
0x3d5: {  	v57 =	vld [tilespmem:$0x1F640]  }
0x3d6: {  	v58 =	vld [tilespmem:$0x1F660]  }
0x3d7: {  	v59 =	vld [tilespmem:$0x1F670]  }
0x3d8: {  	v49 =	vmov v55;
	v55 =	vmul.f32 v0, v35;
	v0 =	vld [tilespmem:$0x1F700]  }
0x3d9: {  	v61 =	vld [tilespmem:$0x1F680]  }
0x3da: {  	v62 =	vld [tilespmem:$0x1F6A0]  }
0x3db: {  	v5 =	vld [tilespmem:$0x1F7D0]  }
0x3dc: {  	v8 =	vld [tilespmem:$0x1F8E0]  }
0x3dd: {  	v47 =	vmov v53;
	v53 =	vmul.f32 v0, v36;
	v0 =	vld [tilespmem:$0x1F710]  }
0x3de: {  	v7 =	vld [tilespmem:$0x1F930]  }
0x3df: {  	v32 =	vld [tilespmem:s25+$0x4070]  }
0x3e0: {  	v48 =	vmov v54;
	v54 =	vmul.f32 v1, v34;
	v34 =	vmul.f32 v56, v41;
	v41 =	vld [tilespmem:s25+$0x4820]  }
0x3e1: {  	v60 =	vmul.f32 v59, v44;
	v59 =	vld [tilespmem:$0x1F6E0]  }
0x3e2: {  	v45 =	vmul.f32 v0, v37;
	v0 =	vld [tilespmem:$0x1F6C0]  }
0x3e3: {  	v33 =	vmul.f32 v61, v63;
	v63 =	vmul.f32 v62, v52;
	v52 =	vld [tilespmem:$0x1F6B0]  }
0x3e4: {  	v1 =	vld [tilespmem:$0x1F810];
	v56 =	vadd.f32 $0.0e+00, v60  }
0x3e5: {  	v61 =	vld [tilespmem:$0x1F6F0]  }
0x3e6: {  	v44 =	vadd.f32 v63, v56;
	v56 =	vld [tilespmem:s25+$0x4870]  }
0x3e7: {  	v46 =	vmul.f32 v0, v38;
	v0 =	vld [tilespmem:$0x1F6D0]  }
0x3e8: {  	v32 =	vmul.f32 v52, v32;
	v38 =	vld [tilespmem:s25+$0x4430]  }
0x3e9: {  	v35 =	vld [tilespmem:s25+$0x4420];
	v36 =	vmul.f32 v57, v42;
	v57 =	vadd.f32 $0.0e+00, v33;
	v37 =	vmul.f32 v58, v43  }
0x3ea: {  	v52 =	vld [tilespmem:$0x1F720]  }
0x3eb: {  	v60 =	vadd.f32 v32, v57;
	v32 =	vld [tilespmem:s25+$0x4860];
	v37 =	vadd.f32 $0.0e+00, v37  }
0x3ec: {  	v51 =	vmul.f32 v0, v39;
	v39 =	vld [tilespmem:$0x1F650]  }
0x3ed: {  	v43 =	vld [tilespmem:s25+$0x4460];
	v34 =	vadd.f32 v34, v37;
	v62 =	vmul.f32 v61, v38  }
0x3ee: {  	v61 =	vld [tilespmem:$0x1F760]  }
0x3ef: {  	v51 =	vadd.f32 v51, v34;
	v57 =	vadd.f32 v62, v60;
	v60 =	vld [tilespmem:s25+$0x4C20]  }
0x3f0: {  	v62 =	vld [tilespmem:$0x1F770]  }
0x3f1: {  	v36 =	vadd.f32 $0.0e+00, v36;
	v38 =	vadd.f32 v45, v51;
	v51 =	vld [tilespmem:s25+$0x4C60];
	v39 =	vmul.f32 v39, v40  }
0x3f2: {  	v40 =	vld [tilespmem:s25+$0x4470]  }
0x3f3: {  	v35 =	vmul.f32 v59, v35;
	v38 =	vadd.f32 v55, v38;
	v55 =	vld [tilespmem:$0x1F7B0];
	v58 =	vadd.f32 v39, v36  }
0x3f4: {  	v36 =	vld [tilespmem:s25+$0x4830]  }
0x3f5: {  	v44 =	vadd.f32 v35, v44;
	v33 =	vmul.f32 v52, v43;
	v63 =	vadd.f32 v46, v58;
	v58 =	vld [tilespmem:$0x1F730]  }
0x3f6: {  	v39 =	vmul.f32 v61, v41;
	v61 =	vld [tilespmem:$0x1F7E0]  }
0x3f7: {  	v44 =	vadd.f32 v33, v44;
	v33 =	vmul.f32 v1, v51;
	v1 =	vld [tilespmem:$0x1F840];
	v37 =	vadd.f32 v53, v63  }
0x3f8: {  	v53 =	vld [tilespmem:$0x1F7A0]  }
0x3f9: {  	v52 =	vadd.f32 v54, v37;
	v54 =	vld [tilespmem:s25+$0x4C70]  }
0x3fa: {  	v37 =	vmul.f32 v55, v56;
	v56 =	vld [tilespmem:s25+$0x5020];
	v59 =	vmul.f32 v58, v40  }
0x3fb: {  	v40 =	vld [tilespmem:s25+$0x4C30]  }
0x3fc: {  	v43 =	vadd.f32 v59, v57;
	v59 =	vmul.f32 v5, v60;
	v5 =	vld [tilespmem:$0x1F820]  }
0x3fd: {  	v6 =	vld [tilespmem:$0x1FA60];
	v63 =	vmul.f32 v62, v36  }
0x3fe: {  	v0 =	vld [tilespmem:$0x1F890];
	v44 =	vadd.f32 v39, v44;
	v32 =	vmul.f32 v53, v32  }
0x3ff: {  	v62 =	vld [tilespmem:s25+$0x5060];
	v43 =	vadd.f32 v63, v43  }
0x400: {  	v60 =	vld [tilespmem:s25+$0x5030];
	v44 =	vadd.f32 v32, v44;
	v32 =	vmul.f32 v61, v40  }
0x401: {  	s0 =	sadd.s32 $0x1, s22;
	v43 =	vadd.f32 v37, v43;
	v5 =	vmul.f32 v5, v54;
	v54 =	vmul.f32 v1, v56;
	v1 =	vld [tilespmem:$0x1F850]  }
0x402: {  	s0 =	sand.u32 $0x7, s0;
	v46 =	vld [tilespmem:s25+$0x5070];
	v58 =	vadd.f32 v3, v38  }
0x403: {  	s0 =	sshll.u32 s0, $0x7;
	v51 =	vld [tilespmem:s25+$0x5420];
	v40 =	vadd.f32 v32, v43  }
0x404: {  	s0 =	sadd.s32 s0, s23;
	v45 =	vadd.f32 v31, v58;
	v58 =	vmul.f32 v0, v62;
	v0 =	vld [tilespmem:$0x1F8A0]  }
0x405: {  	s2 =	sor.u32 $0x1C40, s0;
	v3 =	vadd.f32 v5, v40;
	v5 =	vld [tilespmem:s25+$0x5460]  }
0x406: {  	v56 =	vmul.f32 v1, v60;
	v60 =	vld [tilespmem:s2+$0x4000]  }
0x407: {  	v57 =	vadd.f32 v2, v52;
	_ =	sdelay $0x1  }
0x408: {  	s3 =	sor.u32 $0x1C00, s0;
	v63 =	vadd.f32 v30, v57  }
0x409: {  	v61 =	vmul.f32 v8, v51;
	v8 =	vld [tilespmem:s3+$0x4000];
	v2 =	vadd.f32 v59, v44;
	v4 =	vmul.f32 v0, v46  }
0x40a: {  	v3 =	vadd.f32 v56, v3;
	v5 =	vmul.f32 v7, v5;
	v7 =	vmul.f32 v6, v60;
	v6 =	vld [tilespmem:$0x1FA20]  }
0x40b: {  	v55 =	vld [tilespmem:s25+$0x5430];
	v52 =	vadd.f32 v28, v63  }
0x40c: {  	v2 =	vadd.f32 v33, v2;
	v3 =	vadd.f32 v4, v3;
	v4 =	vld [tilespmem:$0x1F8F0]  }
0x40d: {  	s28 =	sor.u32 $0x1C10, s0;
	v57 =	vadd.f32 v26, v52  }
0x40e: {  	v9 =	vld [tilespmem:s28+$0x4000];
	v2 =	vadd.f32 v54, v2  }
0x40f: {  	v0 =	vadd.f32 v24, v57;
	v8 =	vmul.f32 v6, v8;
	v6 =	vld [tilespmem:$0x1FA30]  }
0x410: {  	v11 =	vld [tilespmem:$0x1FA50];
	v53 =	vadd.f32 v29, v45;
	v2 =	vadd.f32 v58, v2  }
0x411: {  	s29 =	sor.u32 $0x1C20, s0;
	v59 =	vld [tilespmem:s25+$0x5470];
	v0 =	vadd.f32 v22, v0;
	v4 =	vmul.f32 v4, v55  }
0x412: {  	v63 =	vld [tilespmem:s29+$0x4000];
	v1 =	vadd.f32 v27, v53;
	v2 =	vadd.f32 v61, v2  }
0x413: {  	v0 =	vadd.f32 v20, v0;
	v3 =	vadd.f32 v4, v3;
	v4 =	vld [tilespmem:$0x1F940]  }
0x414: {  	s26 =	sor.u32 $0x1C50, s0;
	v1 =	vadd.f32 v25, v1;
	v9 =	vmul.f32 v6, v9;
	v6 =	vld [tilespmem:$0x1FA40]  }
0x415: {  	s30 =	sor.u32 $0x1C30, s0;
	v62 =	vld [tilespmem:s26+$0x4000];
	v0 =	vadd.f32 v16, v0;
	v2 =	vadd.f32 v5, v2  }
0x416: {  	s31 =	sor.u32 $0x1C60, s0;
	s0 =	sor.u32 $0x1C70, s0;
	v20 =	vld [tilespmem:s30+$0x4000];
	v1 =	vadd.f32 v23, v1  }
0x417: {  	v16 =	vld [tilespmem:s0+$0x4000];
	v0 =	vadd.f32 v12, v0;
	v2 =	vadd.f32 v18, v2  }
0x418: {  	v5 =	vld [tilespmem:s31+$0x4000];
	v1 =	vadd.f32 v21, v1;
	v4 =	vmul.f32 v4, v59  }
0x419: {  	v2 =	vadd.f32 v13, v2;
	v0 =	vadd.f32 v8, v0;
	v8 =	vld [tilespmem:$0x1FA80];
	v6 =	vmul.f32 v6, v63  }
0x41a: {  	v3 =	vadd.f32 v4, v3;
	v4 =	vld [tilespmem:$0x1FA70]  }
0x41b: {  	v1 =	vadd.f32 v17, v1;
	v2 =	vadd.f32 v6, v2;
	v6 =	vld [tilespmem:$0x1FA90]  }
0x41c: {  	v3 =	vadd.f32 v19, v3  }
0x41d: {  	v1 =	vadd.f32 v14, v1  }
0x41e: {  	v11 =	vmul.f32 v11, v20;
	v3 =	vadd.f32 v15, v3  }
0x41f: {  	v1 =	vadd.f32 v9, v1;
	v5 =	vmul.f32 v8, v5  }
0x420: {  	v4 =	vmul.f32 v4, v62;
	v3 =	vadd.f32 v11, v3;
	v6 =	vmul.f32 v6, v16  }
0x421: {  	v0 =	vadd.f32 v7, v0;
	v2 =	vadd.f32 v5, v2  }
0x422: {  	v1 =	vadd.f32 v4, v1;
	v3 =	vadd.f32 v6, v3;
	_ =	sdelay $0x1  }
0x423: {  	v0 =	vadd.f32 v1, v0;
	v1 =	vadd.f32 v3, v2;
	_ =	sdelay $0x1  }
0x424: {  	v0 =	vadd.f32 v1, v0;
	_ =	sdelay $0x1  }
0x425: {  	v1 =	vperm.xlane v0, v47;
	_ =	sdelay $0x1  }
0x426: {  	v0 =	vadd.f32 v0, v1;
	_ =	sdelay $0x1  }
0x427: {  	v1 =	vperm.xlane v0, v48;
	_ =	sdelay $0x1  }
0x428: {  	v0 =	vadd.f32 v0, v1  }
0x429: {  	v44 =	vld [tilespmem:$0x1FFF0]  }
0x42a: {  	v1 =	vperm.xlane v0, v49;
	_ =	sdelay $0x1  }
0x42b: {  	v0 =	vadd.f32 v0, v1;
	_ =	sdelay $0x1  }
0x42c: {  	v1 =	vperm.xlane v0, v44;
	_ =	sdelay $0x1  }
0x42d: {  	v2 =	vmov s24;
	v0 =	vadd.f32 v0, v1  }
0x42e: {  	v3 =	vld [tilespmem:$0x1FB00];
	vm1 =	veq.s32 v2, v50  }
0x42f: {  	v0 =	vsel vm1, v0, v10  }
0x430: {  	v1 =	vperm.xlane v0, v47  }
0x431: {  	v4 =	vld [tilespmem:$0x1FB10]  }
0x432: {  	v1 =	vmax.f32 v0, v1  }
0x433: {  	v2 =	vperm.xlane v1, v3  }
0x434: {  	v5 =	vld [tilespmem:$0x1FB20]  }
0x435: {  	v1 =	vmax.f32 v1, v2  }
0x436: {  	v2 =	vperm.xlane v1, v4;
	_ =	sdelay $0x1  }
0x437: {  	v1 =	vmax.f32 v1, v2  }
0x438: {  	v2 =	vperm.xlane v1, v5;
	_ =	sdelay $0x1  }
0x439: {  	v1 =	vmax.f32 v1, v2;
	v2 =	vld [tilespmem:$0x1FAF0];
	_ =	sdelay $0x4  }
0x43a: {  	v34 =	vmax.f32 v2, v1  }
0x43b: {  	v1 =	vsub.f32 v2, v34  }
0x43c: {  	v0 =	vsub.f32 v0, v34  }
0x43d: {  	v1 =	vmul.f32 $1.442695020e+00, v1  }
0x43e: {  	v0 =	vmul.f32 $1.442695020e+00, v0  }
0x43f: {  	(erf) = vpow2.f32 v1  }
0x440: {  	(erf) = vpow2.f32 v0;
	_ =	sdelay $0x7  }
0x441: {  	v0 =	vpop (erf)  }
0x442: {  	v18 =	vpop (erf)  }
0x443: {  	v1 =	vperm.xlane v18, v47;
	_ =	sdelay $0x1  }
0x444: {  	v1 =	vadd.f32 v18, v1;
	_ =	sdelay $0x1  }
0x445: {  	v2 =	vperm.xlane v1, v3  }
0x446: {  	v6 =	vbroadcast v18, $0x3;
	v7 =	vbroadcast v18, $0x4  }
0x447: {  	v8 =	vbroadcast v18, $0x5;
	v9 =	vbroadcast v18, $0x6;
	v1 =	vadd.f32 v1, v2  }
0x448: {  	v10 =	vbroadcast v18, $0x7;
	v11 =	vbroadcast v18, $0x8  }
0x449: {  	v12 =	vbroadcast v18, $0x9;
	v2 =	vperm.xlane v1, v4  }
0x44a: {  	v13 =	vbroadcast v18, $0xA;
	v14 =	vbroadcast v18, $0xB  }
0x44b: {  	v15 =	vbroadcast v18, $0xC;
	v16 =	vbroadcast v18, $0xD;
	v1 =	vadd.f32 v1, v2  }
0x44c: {  	v17 =	vbroadcast v18, $0xE;
	v3 =	vbroadcast v18, $0x0  }
0x44d: {  	v4 =	vbroadcast v18, $0x1;
	v2 =	vperm.xlane v1, v5  }
0x44e: {  	s22 =	simm.s32 $0x0;
	s23 =	simm.s32 $0x8400;
	s24 =	simm.s32 $0x0;
	v5 =	vbroadcast v18, $0x2;
	v18 =	vbroadcast v18, $0xF  }
.LBB2_9:
0x44f: {  	s16 =	sand.u32 $0x1C00, s22  }
0x450: {  	s28 =	sand.u32 $0x40, s24;
	s25 =	sor.u32 $0x4000, s16  }
0x451: {  	s0 =	sor.u32 s28, s25  }
0x452: {  	v19 =	vld [tilespmem:s0+$0x0]  }
0x453: {  	v20 =	vld [tilespmem:s0+$0x80]  }
0x454: {  	v21 =	vld [tilespmem:s0+$0x100]  }
0x455: {  	v22 =	vld [tilespmem:s0+$0x180]  }
0x456: {  	v23 =	vld [tilespmem:s0+$0x200]  }
0x457: {  	v24 =	vld [tilespmem:s0+$0x280]  }
0x458: {  	s26 =	sor.u32 $0x6000, s16;
	v25 =	vld [tilespmem:s0+$0x300]  }
0x459: {  	s29 =	sor.u32 $0x6080, s16;
	s3 =	sor.u32 s28, s26;
	v26 =	vld [tilespmem:s0+$0x380]  }
0x45a: {  	s30 =	sor.u32 $0x6100, s16;
	s11 =	sor.u32 s28, s29;
	v27 =	vld [tilespmem:s3+$0x0]  }
0x45b: {  	s2 =	sor.u32 s28, s30;
	v28 =	vld [tilespmem:s11+$0x0];
	s0 =	sor.u32 $0x6180, s16  }
0x45c: {  	v29 =	vld [tilespmem:s2+$0x0];
	s3 =	sor.u32 $0x6200, s16;
	s17 =	sor.u32 s28, s0  }
0x45d: {  	s2 =	sor.u32 $0x6280, s16;
	s11 =	sor.u32 s28, s3;
	v30 =	vld [tilespmem:s17+$0x0];
	v19 =	vmul.f32 v19, v3  }
0x45e: {  	v31 =	vld [tilespmem:s11+$0x0];
	s17 =	sor.u32 s28, s2;
	s11 =	sor.u32 $0x6300, s16;
	v20 =	vmul.f32 v20, v4;
	v21 =	vmul.f32 v21, v5  }
0x45f: {  	s16 =	sor.u32 $0x6380, s16;
	v32 =	vld [tilespmem:s17+$0x0];
	s18 =	sor.u32 s28, s11;
	v23 =	vmul.f32 v23, v7;
	v22 =	vmul.f32 v22, v6  }
0x460: {  	s19 =	sor.u32 s28, s16;
	v33 =	vld [tilespmem:s18+$0x0];
	v24 =	vmul.f32 v24, v8;
	v41 =	vmul.f32 v25, v9  }
0x461: {  	v43 =	vld [tilespmem:s19+$0x0];
	v42 =	vmul.f32 v26, v10;
	v45 =	vmul.f32 v27, v11  }
0x462: {  	v46 =	vmul.f32 v28, v12;
	v19 =	vadd.f32 v23, v19;
	v20 =	vadd.f32 v24, v20  }
0x463: {  	v51 =	vmul.f32 v29, v13;
	v21 =	vadd.f32 v41, v21;
	v22 =	vadd.f32 v42, v22  }
0x464: {  	v52 =	vmul.f32 v30, v14;
	v53 =	vmul.f32 v31, v15;
	v19 =	vadd.f32 v45, v19  }
0x465: {  	v54 =	vmul.f32 v32, v16;
	v20 =	vadd.f32 v46, v20;
	v21 =	vadd.f32 v51, v21  }
0x466: {  	v22 =	vadd.f32 v52, v22;
	v55 =	vmul.f32 v33, v17;
	v26 =	vmul.f32 v43, v18  }
0x467: {  	v56 =	vld [tilespmem:s23+$0x0];
	v19 =	vadd.f32 v53, v19;
	v20 =	vadd.f32 v54, v20  }
0x468: {  	v21 =	vadd.f32 v55, v21;
	v22 =	vadd.f32 v26, v22;
	_ =	sdelay $0x1  }
0x469: {  	v19 =	vadd.f32 v20, v19;
	v20 =	vadd.f32 v22, v21;
	_ =	sdelay $0x1  }
0x46a: {  	v57 =	vmul.f32 v56, v0;
	v19 =	vadd.f32 v20, v19;
	_ =	sdelay $0x1  }
0x46b: {  	v19 =	vadd.f32 v19, v57  }
0x46c: {  	s18 =	sor.u32 $0x10, s28  }
0x46d: {  	s31 =	sor.u32 s18, s25;
	[tilespmem:s23+$0x0] =	vst v19  }
0x46e: {  	v19 =	vld [tilespmem:s31+$0x0]  }
0x46f: {  	v20 =	vld [tilespmem:s31+$0x80]  }
0x470: {  	v58 =	vld [tilespmem:s31+$0x100]  }
0x471: {  	v59 =	vld [tilespmem:s31+$0x180]  }
0x472: {  	v60 =	vld [tilespmem:s31+$0x200]  }
0x473: {  	v61 =	vld [tilespmem:s31+$0x280]  }
0x474: {  	v62 =	vld [tilespmem:s31+$0x300]  }
0x475: {  	s19 =	sor.u32 s18, s26;
	v63 =	vld [tilespmem:s31+$0x380]  }
0x476: {  	v36 =	vld [tilespmem:s19+$0x0];
	s31 =	sor.u32 s18, s29  }
0x477: {  	s19 =	sor.u32 s18, s30;
	v37 =	vld [tilespmem:s31+$0x0]  }
0x478: {  	v38 =	vld [tilespmem:s19+$0x0];
	s31 =	sor.u32 s18, s0  }
0x479: {  	s19 =	sor.u32 s18, s3;
	v39 =	vld [tilespmem:s31+$0x0];
	v19 =	vmul.f32 v19, v3  }
0x47a: {  	v40 =	vld [tilespmem:s19+$0x0];
	s31 =	sor.u32 s18, s2;
	v20 =	vmul.f32 v20, v4;
	v21 =	vmul.f32 v58, v5  }
0x47b: {  	s19 =	sor.u32 s18, s11;
	v41 =	vld [tilespmem:s31+$0x0];
	v23 =	vmul.f32 v60, v7;
	v22 =	vmul.f32 v59, v6  }
0x47c: {  	v42 =	vld [tilespmem:s19+$0x0];
	s31 =	sor.u32 s18, s16;
	v24 =	vmul.f32 v61, v8;
	v43 =	vmul.f32 v62, v9  }
0x47d: {  	v46 =	vld [tilespmem:s31+$0x0];
	v45 =	vmul.f32 v63, v10;
	v51 =	vmul.f32 v36, v11  }
0x47e: {  	v52 =	vmul.f32 v37, v12;
	v53 =	vmul.f32 v38, v13;
	v19 =	vadd.f32 v23, v19  }
0x47f: {  	v20 =	vadd.f32 v24, v20;
	v21 =	vadd.f32 v43, v21;
	v54 =	vmul.f32 v39, v14  }
0x480: {  	s19 =	sand.u32 $0x380, s24;
	v22 =	vadd.f32 v45, v22;
	v55 =	vmul.f32 v40, v15;
	v56 =	vmul.f32 v41, v16  }
0x481: {  	s17 =	sor.u32 $0x8400, s19;
	v57 =	vmul.f32 v42, v17;
	v19 =	vadd.f32 v51, v19;
	v20 =	vadd.f32 v52, v20  }
0x482: {  	s18 =	sor.u32 s18, s17;
	v21 =	vadd.f32 v53, v21;
	v22 =	vadd.f32 v54, v22;
	v26 =	vmul.f32 v46, v18  }
0x483: {  	v58 =	vld [tilespmem:s18+$0x0];
	v19 =	vadd.f32 v55, v19;
	v20 =	vadd.f32 v56, v20  }
0x484: {  	v21 =	vadd.f32 v57, v21;
	v22 =	vadd.f32 v26, v22;
	_ =	sdelay $0x1  }
0x485: {  	v19 =	vadd.f32 v20, v19;
	v20 =	vadd.f32 v22, v21;
	_ =	sdelay $0x1  }
0x486: {  	v59 =	vmul.f32 v58, v0;
	v19 =	vadd.f32 v20, v19;
	_ =	sdelay $0x1  }
0x487: {  	v19 =	vadd.f32 v19, v59  }
0x488: {  	s19 =	sor.u32 $0x20, s28  }
0x489: {  	s31 =	sor.u32 s19, s25;
	[tilespmem:s18+$0x0] =	vst v19  }
0x48a: {  	v19 =	vld [tilespmem:s31+$0x0]  }
0x48b: {  	v20 =	vld [tilespmem:s31+$0x80]  }
0x48c: {  	v60 =	vld [tilespmem:s31+$0x100]  }
0x48d: {  	v61 =	vld [tilespmem:s31+$0x180]  }
0x48e: {  	v62 =	vld [tilespmem:s31+$0x200]  }
0x48f: {  	v63 =	vld [tilespmem:s31+$0x280]  }
0x490: {  	v36 =	vld [tilespmem:s31+$0x300]  }
0x491: {  	v37 =	vld [tilespmem:s31+$0x380];
	s31 =	sor.u32 s19, s26  }
0x492: {  	v38 =	vld [tilespmem:s31+$0x0];
	s31 =	sor.u32 s19, s29  }
0x493: {  	v39 =	vld [tilespmem:s31+$0x0];
	s31 =	sor.u32 s19, s30  }
0x494: {  	v40 =	vld [tilespmem:s31+$0x0];
	s31 =	sor.u32 s19, s0  }
0x495: {  	v41 =	vld [tilespmem:s31+$0x0];
	s31 =	sor.u32 s19, s3;
	v19 =	vmul.f32 v19, v3  }
0x496: {  	v20 =	vmul.f32 v20, v4;
	v42 =	vld [tilespmem:s31+$0x0];
	s31 =	sor.u32 s19, s2;
	v21 =	vmul.f32 v60, v5  }
0x497: {  	v23 =	vmul.f32 v62, v7;
	v22 =	vmul.f32 v61, v6;
	v43 =	vld [tilespmem:s31+$0x0];
	s31 =	sor.u32 s19, s11  }
0x498: {  	v24 =	vmul.f32 v63, v8;
	v46 =	vmul.f32 v36, v9;
	v45 =	vld [tilespmem:s31+$0x0];
	s31 =	sor.u32 s19, s16  }
0x499: {  	v51 =	vmul.f32 v37, v10;
	v53 =	vmul.f32 v38, v11;
	v52 =	vld [tilespmem:s31+$0x0]  }
0x49a: {  	v19 =	vadd.f32 v23, v19;
	v20 =	vadd.f32 v24, v20;
	v54 =	vmul.f32 v39, v12  }
0x49b: {  	v21 =	vadd.f32 v46, v21;
	v22 =	vadd.f32 v51, v22;
	v55 =	vmul.f32 v40, v13  }
0x49c: {  	v19 =	vadd.f32 v53, v19;
	v20 =	vadd.f32 v54, v20;
	v56 =	vmul.f32 v41, v14  }
0x49d: {  	v21 =	vadd.f32 v55, v21;
	v57 =	vmul.f32 v42, v15;
	v58 =	vmul.f32 v43, v16  }
0x49e: {  	s31 =	sor.u32 s19, s17;
	v22 =	vadd.f32 v56, v22;
	v59 =	vmul.f32 v45, v17;
	v26 =	vmul.f32 v52, v18  }
0x49f: {  	v60 =	vld [tilespmem:s31+$0x0];
	v19 =	vadd.f32 v57, v19;
	v20 =	vadd.f32 v58, v20  }
0x4a0: {  	v21 =	vadd.f32 v59, v21;
	v22 =	vadd.f32 v26, v22;
	_ =	sdelay $0x1  }
0x4a1: {  	v19 =	vadd.f32 v20, v19;
	v20 =	vadd.f32 v22, v21;
	_ =	sdelay $0x1  }
0x4a2: {  	v61 =	vmul.f32 v60, v0;
	v19 =	vadd.f32 v20, v19;
	_ =	sdelay $0x1  }
0x4a3: {  	v19 =	vadd.f32 v19, v61  }
0x4a4: {  	s19 =	sor.u32 $0x30, s28  }
0x4a5: {  	s25 =	sor.u32 s19, s25;
	[tilespmem:s31+$0x0] =	vst v19  }
0x4a6: {  	v19 =	vld [tilespmem:s25+$0x0]  }
0x4a7: {  	v20 =	vld [tilespmem:s25+$0x80]  }
0x4a8: {  	v62 =	vld [tilespmem:s25+$0x100]  }
0x4a9: {  	v63 =	vld [tilespmem:s25+$0x180]  }
0x4aa: {  	v36 =	vld [tilespmem:s25+$0x200]  }
0x4ab: {  	v37 =	vld [tilespmem:s25+$0x280]  }
0x4ac: {  	v38 =	vld [tilespmem:s25+$0x300]  }
0x4ad: {  	s28 =	sor.u32 s19, s26;
	v39 =	vld [tilespmem:s25+$0x380]  }
0x4ae: {  	s31 =	sor.u32 s19, s29;
	v40 =	vld [tilespmem:s28+$0x0]  }
0x4af: {  	s0 =	sor.u32 s19, s0;
	v41 =	vld [tilespmem:s31+$0x0]  }
0x4b0: {  	s26 =	sor.u32 s19, s3;
	v43 =	vld [tilespmem:s0+$0x0]  }
0x4b1: {  	s29 =	sor.u32 s19, s11;
	v45 =	vld [tilespmem:s26+$0x0];
	v19 =	vmul.f32 v19, v3;
	v20 =	vmul.f32 v20, v4  }
0x4b2: {  	s25 =	sor.u32 s19, s30;
	v51 =	vld [tilespmem:s29+$0x0];
	v21 =	vmul.f32 v62, v5;
	v23 =	vmul.f32 v36, v7  }
0x4b3: {  	s28 =	sor.u32 s19, s2;
	v42 =	vld [tilespmem:s25+$0x0];
	v22 =	vmul.f32 v63, v6;
	v24 =	vmul.f32 v37, v8  }
0x4b4: {  	s30 =	sor.u32 s19, s16;
	v46 =	vld [tilespmem:s28+$0x0];
	v52 =	vmul.f32 v38, v9;
	v53 =	vmul.f32 v39, v10  }
0x4b5: {  	v54 =	vld [tilespmem:s30+$0x0];
	v55 =	vmul.f32 v40, v11;
	v56 =	vmul.f32 v41, v12  }
0x4b6: {  	v58 =	vmul.f32 v43, v14;
	v59 =	vmul.f32 v45, v15  }
0x4b7: {  	v61 =	vmul.f32 v51, v17;
	v19 =	vadd.f32 v23, v19;
	v20 =	vadd.f32 v24, v20  }
0x4b8: {  	v57 =	vmul.f32 v42, v13;
	v21 =	vadd.f32 v52, v21;
	v22 =	vadd.f32 v53, v22  }
0x4b9: {  	v60 =	vmul.f32 v46, v16;
	v19 =	vadd.f32 v55, v19;
	v20 =	vadd.f32 v56, v20  }
0x4ba: {  	s31 =	sor.u32 s19, s17;
	v26 =	vmul.f32 v54, v18;
	v21 =	vadd.f32 v57, v21;
	v22 =	vadd.f32 v58, v22  }
0x4bb: {  	v62 =	vld [tilespmem:s31+$0x0];
	v19 =	vadd.f32 v59, v19;
	v20 =	vadd.f32 v60, v20  }
0x4bc: {  	v21 =	vadd.f32 v61, v21;
	v22 =	vadd.f32 v26, v22;
	_ =	sdelay $0x1  }
0x4bd: {  	v19 =	vadd.f32 v20, v19;
	v20 =	vadd.f32 v22, v21  }
0x4be: {  	p0 =	sne.s32 s24, $0x3C0  }
.Ltmp3:
0x4bf: {  	v63 =	vmul.f32 v62, v0;
	v19 =	vadd.f32 v20, v19;
	(pc) =	sbr.rel @p0 .LBB2_9-.Ltmp3, $3  }
0x4c0: {  	_ = 	snop  }
0x4c1: {  	v19 =	vadd.f32 v19, v63;
	_ =	sdelay $0x1  }
0x4c2: {  	s22 =	sadd.s32 $0x200, s22;
	s23 =	sadd.s32 $0x40, s23;
	s24 =	sadd.s32 $0x40, s24;
	[tilespmem:s31+$0x0] =	vst v19  }
0x4c3: {  	v3 =	vld [tilespmem:$0x1FAD0]  }
0x4c4: {  	s21 =	sadd.s32 $0x1, s21  }
0x4c5: {  	p0 =	sne.s32 s21, $0x4  }
.Ltmp4:
0x4c6: {  	_ = 	snop;
	(pc) =	sbr.rel @p0 .LBB2_2-.Ltmp4, $3  }
0x4c7: {  	_ = 	snop  }
0x4c8: {  	v1 =	vadd.f32 v1, v2;
	v0 =	vmul.f32 v0, v3;
	_ =	sdelay $0x1  }
0x4c9: {  	v0 =	vadd.f32 v1, v0  }
0x4ca: {  	_ = 	snop  }
0x4cb: {  	vm1 =	vmmov $0x1;
	v0 =	vsel vm0, $0x0, v0  }
0x4cc: {  	v0 =	vsel vm1, v34, v0  }
0x4cd: {  	s0 =	simm.s32 $0x80;
	s2 =	simm.s32 $0x400;
	s3 =	simm.s32 $0x8400;
	[tilespmem:$0x8800] =	vst v0  }
0x4ce: {  	[hbm4b:s8+s0] =	stream.strided.scatter [tilespmem:s3], [sflag:$0x3], $0x400, s2, s0, $0x38;
	[tilespmem:$0x8880] =	vst v63  }
0x4cf: {  	s20 =	sadd.s32 $0x1, s20;
	_ =	swait.ge [sflag:s12], $0x400  }
0x4d0: {  	p0 =	sne.s32 s20, s10;
	[sflag:s12] =	ssyncset.done $0x0  }
.Ltmp5:
0x4d1: {  	s31 =	simm.s32 $0x8800;
	[sflag:s12] =	ssyncadd.s32 $0xFFFFFC00;
	(pc) =	sbr.rel @p0 .LBB2_1-.Ltmp5, $4  }
0x4d2: {  	[hbm4b:s9+s4] =	stream.linear.scatter [tilespmem:s31], [sflag:$0x3], $0x80, $0x38;
	[tilespmem:$0x8880] =	vst v63  }
0x4d3: {  	_ =	swait.ge [sflag:s12], $0x80  }
0x4d4: {  	[sflag:s12] =	ssyncset.done $0x0  }
0x4d5: {  	[sflag:s12] =	ssyncadd.s32 $0xFFFFFF80  }
0x4d6: {  	_ =	sfence.sel $0x180000  }
0x4d7: {  	[bflag:$0x0] =	sbarrier.arrive $0xFFFF  }
0x4d8: {  	_ =	strace $0x90000047  }
0x4d9: {  	s0 =	stileid.u32;
	[bflag:$0x2] =	sbarrier.arrive $0xFFFF  }
0x4da: {  	p0 =	sne.s32 s0, $0x0;
	s0 =	rddreg [dreg:$0x3]  }
0x4db: {  	s0 =	sadd.s32 @!p0 $0x100000, s0  }
0x4dc: {  	[sflag:s0] =	ssyncadd.tile.s32 @!p0 $0x1;
	_ =	shalt  }
.Lfunc_end2:
_tile_overlayer_lowered:
.L_overlay_start_2:
0x4dd: {  	(tag) =	ssettag $0x2  }
0x4de: {  	s0 =	rddreg [dreg:$0x0];
	s2 =	stileid.u32  }
0x4df: {  	s1 =	rddreg [dreg:$0x1];
	p0 =	sne.s32 s2, $0x0  }
0x4e0: {  	s3 =	rddreg [dreg:$0x2];
	[bflag:$0x3] =	sbarrier.arrive $0xFFFF;
	s2 =	simm.s32 @!p0 $0x1C03  }
0x4e1: {  	[timem:s3], [sflag:s2] =	dma.local @!p0 [hbm:s0], s1  }
0x4e2: {  	s0 =	simm.s32 @!p0 $0x3  }
0x4e3: {  	_ =	swait.ge @!p0 [sflag:s0], s1  }
0x4e4: {  	s1 =	ssub.s32 @!p0 $0x0, s1;
	[sflag:s0] =	ssyncset.done @!p0 $0x0  }
0x4e5: {  	[sflag:s0] =	ssyncadd.s32 @!p0 s1  }
0x4e6: {  	[bflag:$0x3] =	sbarrier.arrive $0xFFFF  }
0x4e7: {  	_ =	shalt  }

</sc_bundles>
